<compile_context>
chip_gen: v7x
topology: tpu7x:2x2x1
jax: 0.10.2.dev20260603
libtpu: 0.0.44.dev20260713+nightly
codegen_flags: <defaults>
</compile_context>

<pallas_src>
import functools

import jax
import jax.numpy as jnp
from jax import lax
from jax.experimental import pallas as pl
from jax.experimental.pallas import tpu as pltpu
from jax.experimental.pallas import tpu_sc as plsc

N = 10000
N_PAD = 10240
E = 160000
D = 256
DH = 128

NC = 2
NS = 16
LANES = 16

ROWS_PER_TILE = N_PAD // NS
DW = 128

DEG_PER_TILE = 5120
G_DEG = 128

G_MSG = 96
MSG_CHUNKS = 106
MSG_SLAB_CHUNKS = MSG_CHUNKS + 1
MSG_PER_TILE = MSG_SLAB_CHUNKS * G_MSG
E_MSG_PAD = NS * MSG_PER_TILE


def _mesh():
    return plsc.VectorSubcoreMesh(core_axis_name="c", subcore_axis_name="s",
                                  num_cores=NC, num_subcores=NS)


def _zeros16():
    return jnp.zeros((LANES,), jnp.float32)


def _splat(vec16, t):
    idx = lax.broadcast(t, (LANES,))
    dnums = lax.GatherDimensionNumbers(
        offset_dims=(), collapsed_slice_dims=(0,), start_index_map=(0,))
    return lax.gather(vec16, idx.reshape(LANES, 1), dimension_numbers=dnums,
                      slice_sizes=(1,),
                      mode=lax.GatherScatterMode.PROMISE_IN_BOUNDS)



@functools.lru_cache(maxsize=None)
def _sc_deg_call():
    return pl.kernel(
        _sc_deg_body,
        out_type=jax.ShapeDtypeStruct((NC * N_PAD, DW), jnp.float32),
        mesh=_mesh(),
        scratch_types=[
            pltpu.VMEM_SHARED((N_PAD, DW), jnp.float32),
            pltpu.VMEM((G_DEG, DW), jnp.float32),
            pltpu.VMEM((G_DEG, DW), jnp.float32),
            pltpu.VMEM((G_DEG,), jnp.int32),
        ],
    )


def _sc_deg_body(dst_hbm, deg_hbm, shared, zrows_v, ones_v, idx_v):
    c = lax.axis_index("c")
    s = lax.axis_index("s")
    w = s * NC + c

    iota = lax.broadcasted_iota(jnp.int32, (LANES,), 0)
    e0 = jnp.where(iota == 0, 1.0, 0.0).astype(jnp.float32)

    @pl.loop(0, G_DEG)
    def _(i):
        for k in range(DW // LANES):
            sl = pl.ds(k * LANES, LANES)
            zrows_v[i, sl] = _zeros16()
            ones_v[i, sl] = e0 if k == 0 else _zeros16()

    @pl.loop(0, ROWS_PER_TILE // G_DEG)
    def _(i):
        pltpu.sync_copy(
            zrows_v, shared.at[pl.ds(s * ROWS_PER_TILE + i * G_DEG, G_DEG)])
    plsc.subcore_barrier()

    @pl.loop(0, DEG_PER_TILE // G_DEG)
    def _(i):
        pltpu.sync_copy(
            dst_hbm.at[pl.ds(w * DEG_PER_TILE + i * G_DEG, G_DEG)], idx_v)
        pltpu.sync_copy(ones_v, shared.at[idx_v], add=True)

    plsc.subcore_barrier()

    off = s * ROWS_PER_TILE
    pltpu.sync_copy(shared.at[pl.ds(off, ROWS_PER_TILE)],
                    deg_hbm.at[pl.ds(c * N_PAD + off, ROWS_PER_TILE)])



@functools.lru_cache(maxsize=None)
def _sc_msg_call():
    return pl.kernel(
        _sc_msg_body,
        out_type=(jax.ShapeDtypeStruct((N_PAD, DH), jnp.float32),
                  jax.ShapeDtypeStruct((N_PAD, DH), jnp.float32)),
        mesh=_mesh(),
        scratch_types=[
            pltpu.VMEM_SHARED((N_PAD, DH), jnp.float32),
            pltpu.VMEM((G_MSG, DH), jnp.float32),
            pltpu.VMEM((MSG_PER_TILE,), jnp.int32),
            pltpu.VMEM((MSG_PER_TILE,), jnp.int32),
            pltpu.VMEM((MSG_PER_TILE,), jnp.float32),
            pltpu.VMEM((G_MSG,), jnp.int32),
            pltpu.VMEM((G_MSG,), jnp.int32),
        ],
    )


def _sc_msg_body(h0_hbm, h1_hbm, src_hbm, dst_hbm, en_hbm, agg0_hbm, agg1_hbm,
                 shared, rows_v, srcs_v, dsts_v, ens_v, src_v, dst_v):
    c = lax.axis_index("c")
    s = lax.axis_index("s")

    base = s * MSG_PER_TILE
    pltpu.sync_copy(src_hbm.at[pl.ds(base, MSG_PER_TILE)], srcs_v)
    pltpu.sync_copy(dst_hbm.at[pl.ds(base, MSG_PER_TILE)], dsts_v)
    pltpu.sync_copy(en_hbm.at[pl.ds(base, MSG_PER_TILE)], ens_v)

    @pl.loop(0, G_MSG)
    def _(i):
        for k in range(DH // LANES):
            rows_v[i, pl.ds(k * LANES, LANES)] = _zeros16()

    @pl.loop(0, ROWS_PER_TILE // G_MSG)
    def _(i):
        pltpu.sync_copy(
            rows_v, shared.at[pl.ds(s * ROWS_PER_TILE + i * G_MSG, G_MSG)])

    rem = ROWS_PER_TILE - (ROWS_PER_TILE // G_MSG) * G_MSG
    pltpu.sync_copy(
        rows_v.at[pl.ds(0, rem)],
        shared.at[pl.ds(s * ROWS_PER_TILE + ROWS_PER_TILE - rem, rem)])

    plsc.subcore_barrier()

    def run(h_hbm, agg_hbm):
        @pl.loop(0, MSG_CHUNKS)
        def _(ci):
            cbase = ci * G_MSG
            for j in range(G_MSG // LANES):
                sl = pl.ds(j * LANES, LANES)
                src_v[sl] = srcs_v[pl.ds(cbase + j * LANES, LANES)]
                dst_v[sl] = dsts_v[pl.ds(cbase + j * LANES, LANES)]
            pltpu.sync_copy(h_hbm.at[src_v], rows_v)

            @pl.loop(0, G_MSG // LANES)
            def _(j):
                w16 = ens_v[pl.ds(cbase + j * LANES, LANES)]
                for t in range(LANES):
                    spl = _splat(w16, t)
                    r = j * LANES + t
                    for k in range(DH // LANES):
                        sl = pl.ds(k * LANES, LANES)
                        rows_v[r, sl] = rows_v[r, sl] * spl

            pltpu.sync_copy(rows_v, shared.at[dst_v], add=True)

        plsc.subcore_barrier()

        @pl.loop(0, ROWS_PER_TILE // 128)
        def _(i):
            off = s * ROWS_PER_TILE + i * 128
            pltpu.sync_copy(shared.at[pl.ds(off, 128)],
                            agg_hbm.at[pl.ds(off, 128)])

    @pl.when(c == 0)
    def _():
        run(h0_hbm, agg0_hbm)

    @pl.when(c == 1)
    def _():
        run(h1_hbm, agg1_hbm)



_TC_R = 1024


def _norm_block(degp):
    d = degp[0, :, 0] + degp[1, :, 0]
    return lax.rsqrt(jnp.maximum(d, 1.0))


def _tc_linear_body(x_ref, wt_ref, b_ref, degp_ref, h0_ref, h1_ref):
    h = jnp.dot(x_ref[...], wt_ref[...], preferred_element_type=jnp.float32)
    h = h + b_ref[...]
    h = h * _norm_block(degp_ref[...])[:, None]
    h0_ref[...] = h[:, :DH]
    h1_ref[...] = h[:, DH:]


def _tc_linear(feat_p, wt, b2, degp):
    grid = (N_PAD // _TC_R,)
    return pl.pallas_call(
        _tc_linear_body,
        grid=grid,
        in_specs=[
            pl.BlockSpec((_TC_R, D), lambda i: (i, 0)),
            pl.BlockSpec((D, D), lambda i: (0, 0)),
            pl.BlockSpec((1, D), lambda i: (0, 0)),
            pl.BlockSpec((NC, _TC_R, DW), lambda i: (0, i, 0)),
        ],
        out_specs=(pl.BlockSpec((_TC_R, DH), lambda i: (i, 0)),
                   pl.BlockSpec((_TC_R, DH), lambda i: (i, 0))),
        out_shape=(jax.ShapeDtypeStruct((N_PAD, DH), jnp.float32),
                   jax.ShapeDtypeStruct((N_PAD, DH), jnp.float32)),
    )(feat_p, wt, b2, degp)


def _tc_post_body(a0_ref, a1_ref, degp_ref, out_ref):
    norm = _norm_block(degp_ref[...])[:, None]
    out_ref[...] = jnp.concatenate([a0_ref[...] * norm, a1_ref[...] * norm],
                                   axis=1)


def _tc_post(agg0, agg1, degp):
    grid = (N_PAD // _TC_R,)
    return pl.pallas_call(
        _tc_post_body,
        grid=grid,
        in_specs=[
            pl.BlockSpec((_TC_R, DH), lambda i: (i, 0)),
            pl.BlockSpec((_TC_R, DH), lambda i: (i, 0)),
            pl.BlockSpec((NC, _TC_R, DW), lambda i: (0, i, 0)),
        ],
        out_specs=pl.BlockSpec((_TC_R, D), lambda i: (i, 0)),
        out_shape=jax.ShapeDtypeStruct((N_PAD, D), jnp.float32),
    )(agg0, agg1, degp)




def _pad_slab(arr, per_real, per_pad, fill):
    nt = arr.shape[0] // per_real
    a = arr.reshape(nt, per_real)
    return jnp.pad(a, ((0, 0), (0, per_pad - per_real)),
                   constant_values=fill).reshape(-1)


@jax.jit
def kernel(feature, edge_index, edge_norm, W, b):
    src = edge_index[0].astype(jnp.int32)
    dst = edge_index[1].astype(jnp.int32)
    feat_p = jnp.pad(feature, ((0, N_PAD - N), (0, 0)))

    dst_deg = _pad_slab(dst, E // (NC * NS), DEG_PER_TILE, N_PAD - 1)
    src_m = _pad_slab(src, E // NS, MSG_PER_TILE, 0)
    dst_m = _pad_slab(dst, E // NS, MSG_PER_TILE, N_PAD - 1)
    en_m = _pad_slab(edge_norm, E // NS, MSG_PER_TILE, 0.0)

    degp = _sc_deg_call()(dst_deg).reshape(NC, N_PAD, DW)
    h0, h1 = _tc_linear(feat_p, W.T, b.reshape(1, D), degp)
    agg0, agg1 = _sc_msg_call()(h0, h1, src_m, dst_m, en_m)
    out = _tc_post(agg0, agg1, degp)
    return out[:N]

# --- scband reference (transcript-rebuilt; emitter-appended) ---
"""Pipeline reference for scband-gcnlayer-87196426043479 (READ-ONLY COPY).

The authoritative reference and input builder live on the scoring server;
editing this copy changes nothing except your own understanding.
"""

import jax, jax.numpy as jnp
import numpy as np

N = 10000
E = 160000
D_IN = 256
D_OUT = 256


def setup_inputs(seed: int = 0) -> dict:
    key = jax.random.key(seed)
    k1, k2, k3, k4, k5 = jax.random.split(key, 5)
    feature = jax.random.normal(k1, (N, D_IN), dtype=jnp.float32)
    edge_index = jax.random.randint(k2, (2, E), 0, N)
    edge_norm = jax.random.uniform(k3, (E,), dtype=jnp.float32)
    W = jax.random.normal(k4, (D_OUT, D_IN), dtype=jnp.float32) * 0.05
    b = jax.random.normal(k5, (D_OUT,), dtype=jnp.float32) * 0.05
    return {"feature": feature, "edge_index": edge_index, "edge_norm": edge_norm, "W": W, "b": b}


def reference(feature, edge_index, edge_norm, W, b):
    src = edge_index[0]
    dst = edge_index[1]
    n = feature.shape[0]
    # linear
    h = feature @ W.T + b
    # in-degrees (number of incoming edges per dst node), clamp min=1
    deg = jnp.zeros((n,), dtype=jnp.float32).at[dst].add(1.0)
    deg = jnp.clip(deg, 1.0)
    norm = jnp.power(deg, -0.5)[:, None]
    # pre-normalize
    h = h * norm
    # message: u_mul_e('h', 'norm', 'm') -> gather source h, multiply by edge norm
    m = h[src] * edge_norm[:, None]
    # reduce: sum messages into destination nodes
    agg = jax.ops.segment_sum(m, dst, num_segments=n)
    # post-normalize
    out = agg * norm
    return out

if __name__ == "__main__":
    import jax
    _d = setup_inputs()
    print(jax.jit(kernel)(*tuple(_d.values())))

</pallas_src>

<mosaic_0001>
#map = affine_map<(d0, d1) -> (0)>
#map1 = affine_map<(d0, d1) -> (0, 0)>
module attributes {stable_mosaic.version = 14 : i64} {
  func.func @_sc_deg_body(%arg0: i32, %arg1: i32, %arg2: memref<163840xi32, #tpu.memory_space<hbm>>, %arg3: memref<20480x128xf32, #tpu.memory_space<hbm>>, %arg4: memref<10240x128xf32, #tpu.memory_space<vmem_shared>>, %arg5: memref<128x128xf32, #tpu.memory_space<vmem>>, %arg6: memref<128x128xf32, #tpu.memory_space<vmem>>, %arg7: memref<128xi32, #tpu.memory_space<vmem>>) attributes {dimension_semantics = [#tpu.dimension_semantics<core_parallel>, #tpu.dimension_semantics<subcore_parallel>], iteration_bounds = array<i64: 2, 16>, scalar_prefetch = 0 : i64, scratch_operands = 4 : i64, tpu.core_type = #tpu.core_type<sc_vector_subcore>, window_params = [{transform_indices = #map}, {transform_indices = #map1}]} {
    %mul3A = arith.constant 2 : i32
    %mul3A_0 = arith.muli %arg1, %mul3A : i32
    %add3A = arith.addi %mul3A_0, %arg0 : i32
    %iota3A = tpu.iota {dimensions = array<i32: 0>} : vector<16xi32>
    %eq3A = arith.constant 0 : i32
    %eq3A_1 = vector.broadcast %eq3A : i32 to vector<16xi32>
    %eq3A_2 = arith.cmpi eq, %iota3A, %eq3A_1 : vector<16xi32>
    %jit3A = arith.constant 1.000000e+00 : f32
    %jit3A_3 = arith.constant 0.000000e+00 : f32
    %broadcast_in_dim3A = vector.broadcast %jit3A : f32 to vector<16xf32>
    %broadcast_in_dim3A_4 = vector.broadcast %jit3A_3 : f32 to vector<16xf32>
    %select_n3A = arith.select %eq3A_2, %broadcast_in_dim3A, %broadcast_in_dim3A_4 : vector<16xi1>, vector<16xf32>
    %scan3A = arith.constant 0 : i32
    %scan3A_5 = arith.constant 128 : i32
    %scan3A_6 = arith.addi %scan3A, %scan3A_5 : i32
    %scan3A_7 = arith.constant 1 : i32
    scf.for %scan3A_25 = %scan3A to %scan3A_6 step %scan3A_7  : i32 {
      %mul3A_26 = arith.constant 1 : i32
      %mul3A_27 = arith.muli %scan3A_25, %mul3A_26 : i32
      %add3A_28 = arith.constant 0 : i32
      %add3A_29 = arith.addi %add3A_28, %mul3A_27 : i32
      %broadcast_in_dim3A_30 = arith.constant 0.000000e+00 : f32
      %broadcast_in_dim3A_31 = vector.broadcast %broadcast_in_dim3A_30 : f32 to vector<16xf32>
      %swap3A = arith.index_cast %add3A_29 : i32 to index
      %swap3A_32 = arith.constant 0 : index
      %swap3A_33 = tpu.vector_load %arg5[%swap3A, %swap3A_32] {strides = array<i32>} : memref<128x128xf32, #tpu.memory_space<vmem>>, vector<1x16xf32>,
      %swap3A_34 = vector.shape_cast %swap3A_33 : vector<1x16xf32> to vector<16xf32>
      %swap3A_35 = vector.shape_cast %broadcast_in_dim3A_31 : vector<16xf32> to vector<1x16xf32>
      tpu.vector_store %arg5[%swap3A, %swap3A_32], %swap3A_35 {strides = array<i32>} : memref<128x128xf32, #tpu.memory_space<vmem>>, vector<1x16xf32>,
      %swap3A_36 = arith.index_cast %add3A_29 : i32 to index
      %swap3A_37 = arith.constant 0 : index
      %swap3A_38 = tpu.vector_load %arg6[%swap3A_36, %swap3A_37] {strides = array<i32>} : memref<128x128xf32, #tpu.memory_space<vmem>>, vector<1x16xf32>,
      %swap3A_39 = vector.shape_cast %swap3A_38 : vector<1x16xf32> to vector<16xf32>
      %swap3A_40 = vector.shape_cast %select_n3A : vector<16xf32> to vector<1x16xf32>
      tpu.vector_store %arg6[%swap3A_36, %swap3A_37], %swap3A_40 {strides = array<i32>} : memref<128x128xf32, #tpu.memory_space<vmem>>, vector<1x16xf32>,
      %broadcast_in_dim3A_41 = arith.constant 0.000000e+00 : f32
      %broadcast_in_dim3A_42 = vector.broadcast %broadcast_in_dim3A_41 : f32 to vector<16xf32>
      %swap3A_43 = arith.index_cast %add3A_29 : i32 to index
      %swap3A_44 = arith.constant 16 : index
      %swap3A_45 = tpu.vector_load %arg5[%swap3A_43, %swap3A_44] {strides = array<i32>} : memref<128x128xf32, #tpu.memory_space<vmem>>, vector<1x16xf32>,
      %swap3A_46 = vector.shape_cast %swap3A_45 : vector<1x16xf32> to vector<16xf32>
      %swap3A_47 = vector.shape_cast %broadcast_in_dim3A_42 : vector<16xf32> to vector<1x16xf32>
      tpu.vector_store %arg5[%swap3A_43, %swap3A_44], %swap3A_47 {strides = array<i32>} : memref<128x128xf32, #tpu.memory_space<vmem>>, vector<1x16xf32>,
      %broadcast_in_dim3A_48 = arith.constant 0.000000e+00 : f32
      %broadcast_in_dim3A_49 = vector.broadcast %broadcast_in_dim3A_48 : f32 to vector<16xf32>
      %swap3A_50 = arith.index_cast %add3A_29 : i32 to index
      %swap3A_51 = arith.constant 16 : index
      %swap3A_52 = tpu.vector_load %arg6[%swap3A_50, %swap3A_51] {strides = array<i32>} : memref<128x128xf32, #tpu.memory_space<vmem>>, vector<1x16xf32>,
      %swap3A_53 = vector.shape_cast %swap3A_52 : vector<1x16xf32> to vector<16xf32>
      %swap3A_54 = vector.shape_cast %broadcast_in_dim3A_49 : vector<16xf32> to vector<1x16xf32>
      tpu.vector_store %arg6[%swap3A_50, %swap3A_51], %swap3A_54 {strides = array<i32>} : memref<128x128xf32, #tpu.memory_space<vmem>>, vector<1x16xf32>,
      %broadcast_in_dim3A_55 = arith.constant 0.000000e+00 : f32
      %broadcast_in_dim3A_56 = vector.broadcast %broadcast_in_dim3A_55 : f32 to vector<16xf32>
      %swap3A_57 = arith.index_cast %add3A_29 : i32 to index
      %swap3A_58 = arith.constant 32 : index
      %swap3A_59 = tpu.vector_load %arg5[%swap3A_57, %swap3A_58] {strides = array<i32>} : memref<128x128xf32, #tpu.memory_space<vmem>>, vector<1x16xf32>,
      %swap3A_60 = vector.shape_cast %swap3A_59 : vector<1x16xf32> to vector<16xf32>
      %swap3A_61 = vector.shape_cast %broadcast_in_dim3A_56 : vector<16xf32> to vector<1x16xf32>
      tpu.vector_store %arg5[%swap3A_57, %swap3A_58], %swap3A_61 {strides = array<i32>} : memref<128x128xf32, #tpu.memory_space<vmem>>, vector<1x16xf32>,
      %broadcast_in_dim3A_62 = arith.constant 0.000000e+00 : f32
      %broadcast_in_dim3A_63 = vector.broadcast %broadcast_in_dim3A_62 : f32 to vector<16xf32>
      %swap3A_64 = arith.index_cast %add3A_29 : i32 to index
      %swap3A_65 = arith.constant 32 : index
      %swap3A_66 = tpu.vector_load %arg6[%swap3A_64, %swap3A_65] {strides = array<i32>} : memref<128x128xf32, #tpu.memory_space<vmem>>, vector<1x16xf32>,
      %swap3A_67 = vector.shape_cast %swap3A_66 : vector<1x16xf32> to vector<16xf32>
      %swap3A_68 = vector.shape_cast %broadcast_in_dim3A_63 : vector<16xf32> to vector<1x16xf32>
      tpu.vector_store %arg6[%swap3A_64, %swap3A_65], %swap3A_68 {strides = array<i32>} : memref<128x128xf32, #tpu.memory_space<vmem>>, vector<1x16xf32>,
      %broadcast_in_dim3A_69 = arith.constant 0.000000e+00 : f32
      %broadcast_in_dim3A_70 = vector.broadcast %broadcast_in_dim3A_69 : f32 to vector<16xf32>
      %swap3A_71 = arith.index_cast %add3A_29 : i32 to index
      %swap3A_72 = arith.constant 48 : index
      %swap3A_73 = tpu.vector_load %arg5[%swap3A_71, %swap3A_72] {strides = array<i32>} : memref<128x128xf32, #tpu.memory_space<vmem>>, vector<1x16xf32>,
      %swap3A_74 = vector.shape_cast %swap3A_73 : vector<1x16xf32> to vector<16xf32>
      %swap3A_75 = vector.shape_cast %broadcast_in_dim3A_70 : vector<16xf32> to vector<1x16xf32>
      tpu.vector_store %arg5[%swap3A_71, %swap3A_72], %swap3A_75 {strides = array<i32>} : memref<128x128xf32, #tpu.memory_space<vmem>>, vector<1x16xf32>,
      %broadcast_in_dim3A_76 = arith.constant 0.000000e+00 : f32
      %broadcast_in_dim3A_77 = vector.broadcast %broadcast_in_dim3A_76 : f32 to vector<16xf32>
      %swap3A_78 = arith.index_cast %add3A_29 : i32 to index
      %swap3A_79 = arith.constant 48 : index
      %swap3A_80 = tpu.vector_load %arg6[%swap3A_78, %swap3A_79] {strides = array<i32>} : memref<128x128xf32, #tpu.memory_space<vmem>>, vector<1x16xf32>,
      %swap3A_81 = vector.shape_cast %swap3A_80 : vector<1x16xf32> to vector<16xf32>
      %swap3A_82 = vector.shape_cast %broadcast_in_dim3A_77 : vector<16xf32> to vector<1x16xf32>
      tpu.vector_store %arg6[%swap3A_78, %swap3A_79], %swap3A_82 {strides = array<i32>} : memref<128x128xf32, #tpu.memory_space<vmem>>, vector<1x16xf32>,
      %broadcast_in_dim3A_83 = arith.constant 0.000000e+00 : f32
      %broadcast_in_dim3A_84 = vector.broadcast %broadcast_in_dim3A_83 : f32 to vector<16xf32>
      %swap3A_85 = arith.index_cast %add3A_29 : i32 to index
      %swap3A_86 = arith.constant 64 : index
      %swap3A_87 = tpu.vector_load %arg5[%swap3A_85, %swap3A_86] {strides = array<i32>} : memref<128x128xf32, #tpu.memory_space<vmem>>, vector<1x16xf32>,
      %swap3A_88 = vector.shape_cast %swap3A_87 : vector<1x16xf32> to vector<16xf32>
      %swap3A_89 = vector.shape_cast %broadcast_in_dim3A_84 : vector<16xf32> to vector<1x16xf32>
      tpu.vector_store %arg5[%swap3A_85, %swap3A_86], %swap3A_89 {strides = array<i32>} : memref<128x128xf32, #tpu.memory_space<vmem>>, vector<1x16xf32>,
      %broadcast_in_dim3A_90 = arith.constant 0.000000e+00 : f32
      %broadcast_in_dim3A_91 = vector.broadcast %broadcast_in_dim3A_90 : f32 to vector<16xf32>
      %swap3A_92 = arith.index_cast %add3A_29 : i32 to index
      %swap3A_93 = arith.constant 64 : index
      %swap3A_94 = tpu.vector_load %arg6[%swap3A_92, %swap3A_93] {strides = array<i32>} : memref<128x128xf32, #tpu.memory_space<vmem>>, vector<1x16xf32>,
      %swap3A_95 = vector.shape_cast %swap3A_94 : vector<1x16xf32> to vector<16xf32>
      %swap3A_96 = vector.shape_cast %broadcast_in_dim3A_91 : vector<16xf32> to vector<1x16xf32>
      tpu.vector_store %arg6[%swap3A_92, %swap3A_93], %swap3A_96 {strides = array<i32>} : memref<128x128xf32, #tpu.memory_space<vmem>>, vector<1x16xf32>,
      %broadcast_in_dim3A_97 = arith.constant 0.000000e+00 : f32
      %broadcast_in_dim3A_98 = vector.broadcast %broadcast_in_dim3A_97 : f32 to vector<16xf32>
      %swap3A_99 = arith.index_cast %add3A_29 : i32 to index
      %swap3A_100 = arith.constant 80 : index
      %swap3A_101 = tpu.vector_load %arg5[%swap3A_99, %swap3A_100] {strides = array<i32>} : memref<128x128xf32, #tpu.memory_space<vmem>>, vector<1x16xf32>,
      %swap3A_102 = vector.shape_cast %swap3A_101 : vector<1x16xf32> to vector<16xf32>
      %swap3A_103 = vector.shape_cast %broadcast_in_dim3A_98 : vector<16xf32> to vector<1x16xf32>
      tpu.vector_store %arg5[%swap3A_99, %swap3A_100], %swap3A_103 {strides = array<i32>} : memref<128x128xf32, #tpu.memory_space<vmem>>, vector<1x16xf32>,
      %broadcast_in_dim3A_104 = arith.constant 0.000000e+00 : f32
      %broadcast_in_dim3A_105 = vector.broadcast %broadcast_in_dim3A_104 : f32 to vector<16xf32>
      %swap3A_106 = arith.index_cast %add3A_29 : i32 to index
      %swap3A_107 = arith.constant 80 : index
      %swap3A_108 = tpu.vector_load %arg6[%swap3A_106, %swap3A_107] {strides = array<i32>} : memref<128x128xf32, #tpu.memory_space<vmem>>, vector<1x16xf32>,
      %swap3A_109 = vector.shape_cast %swap3A_108 : vector<1x16xf32> to vector<16xf32>
      %swap3A_110 = vector.shape_cast %broadcast_in_dim3A_105 : vector<16xf32> to vector<1x16xf32>
      tpu.vector_store %arg6[%swap3A_106, %swap3A_107], %swap3A_110 {strides = array<i32>} : memref<128x128xf32, #tpu.memory_space<vmem>>, vector<1x16xf32>,
      %broadcast_in_dim3A_111 = arith.constant 0.000000e+00 : f32
      %broadcast_in_dim3A_112 = vector.broadcast %broadcast_in_dim3A_111 : f32 to vector<16xf32>
      %swap3A_113 = arith.index_cast %add3A_29 : i32 to index
      %swap3A_114 = arith.constant 96 : index
      %swap3A_115 = tpu.vector_load %arg5[%swap3A_113, %swap3A_114] {strides = array<i32>} : memref<128x128xf32, #tpu.memory_space<vmem>>, vector<1x16xf32>,
      %swap3A_116 = vector.shape_cast %swap3A_115 : vector<1x16xf32> to vector<16xf32>
      %swap3A_117 = vector.shape_cast %broadcast_in_dim3A_112 : vector<16xf32> to vector<1x16xf32>
      tpu.vector_store %arg5[%swap3A_113, %swap3A_114], %swap3A_117 {strides = array<i32>} : memref<128x128xf32, #tpu.memory_space<vmem>>, vector<1x16xf32>,
      %broadcast_in_dim3A_118 = arith.constant 0.000000e+00 : f32
      %broadcast_in_dim3A_119 = vector.broadcast %broadcast_in_dim3A_118 : f32 to vector<16xf32>
      %swap3A_120 = arith.index_cast %add3A_29 : i32 to index
      %swap3A_121 = arith.constant 96 : index
      %swap3A_122 = tpu.vector_load %arg6[%swap3A_120, %swap3A_121] {strides = array<i32>} : memref<128x128xf32, #tpu.memory_space<vmem>>, vector<1x16xf32>,
      %swap3A_123 = vector.shape_cast %swap3A_122 : vector<1x16xf32> to vector<16xf32>
      %swap3A_124 = vector.shape_cast %broadcast_in_dim3A_119 : vector<16xf32> to vector<1x16xf32>
      tpu.vector_store %arg6[%swap3A_120, %swap3A_121], %swap3A_124 {strides = array<i32>} : memref<128x128xf32, #tpu.memory_space<vmem>>, vector<1x16xf32>,
      %broadcast_in_dim3A_125 = arith.constant 0.000000e+00 : f32
      %broadcast_in_dim3A_126 = vector.broadcast %broadcast_in_dim3A_125 : f32 to vector<16xf32>
      %swap3A_127 = arith.index_cast %add3A_29 : i32 to index
      %swap3A_128 = arith.constant 112 : index
      %swap3A_129 = tpu.vector_load %arg5[%swap3A_127, %swap3A_128] {strides = array<i32>} : memref<128x128xf32, #tpu.memory_space<vmem>>, vector<1x16xf32>,
      %swap3A_130 = vector.shape_cast %swap3A_129 : vector<1x16xf32> to vector<16xf32>
      %swap3A_131 = vector.shape_cast %broadcast_in_dim3A_126 : vector<16xf32> to vector<1x16xf32>
      tpu.vector_store %arg5[%swap3A_127, %swap3A_128], %swap3A_131 {strides = array<i32>} : memref<128x128xf32, #tpu.memory_space<vmem>>, vector<1x16xf32>,
      %broadcast_in_dim3A_132 = arith.constant 0.000000e+00 : f32
      %broadcast_in_dim3A_133 = vector.broadcast %broadcast_in_dim3A_132 : f32 to vector<16xf32>
      %swap3A_134 = arith.index_cast %add3A_29 : i32 to index
      %swap3A_135 = arith.constant 112 : index
      %swap3A_136 = tpu.vector_load %arg6[%swap3A_134, %swap3A_135] {strides = array<i32>} : memref<128x128xf32, #tpu.memory_space<vmem>>, vector<1x16xf32>,
      %swap3A_137 = vector.shape_cast %swap3A_136 : vector<1x16xf32> to vector<16xf32>
      %swap3A_138 = vector.shape_cast %broadcast_in_dim3A_133 : vector<16xf32> to vector<1x16xf32>
      tpu.vector_store %arg6[%swap3A_134, %swap3A_135], %swap3A_138 {strides = array<i32>} : memref<128x128xf32, #tpu.memory_space<vmem>>, vector<1x16xf32>,
    }
    %scan3A_8 = arith.constant 128 : i32
    %scan3A_9 = arith.constant 0 : i32
    %scan3A_10 = arith.constant 5 : i32
    %scan3A_11 = arith.addi %scan3A_9, %scan3A_10 : i32
    %scan3A_12 = arith.constant 1 : i32
    scf.for %scan3A_25 = %scan3A_9 to %scan3A_11 step %scan3A_12  : i32 {
      %mul3A_26 = arith.constant 1 : i32
      %mul3A_27 = arith.muli %scan3A_25, %mul3A_26 : i32
      %add3A_28 = arith.constant 0 : i32
      %add3A_29 = arith.addi %add3A_28, %mul3A_27 : i32
      %mul3A_30 = arith.constant 640 : i32
      %mul3A_31 = arith.muli %arg1, %mul3A_30 : i32
      %mul3A_32 = arith.constant 128 : i32
      %mul3A_33 = arith.muli %add3A_29, %mul3A_32 : i32
      %add3A_34 = arith.addi %mul3A_31, %mul3A_33 : i32
      "tpu.region"() ({
        %run_scoped3A = tpu.sem_alloc : memref<!tpu.dma_semaphore, #tpu.memory_space<semaphore_mem>>
        %dma_start3A = arith.constant 0 : i32
        %dma_start3A_35 = tpu.memref_slice %arg4[%add3A_34, %dma_start3A] : memref<10240x128xf32, #tpu.memory_space<vmem_shared>> -> memref<128x128xf32, #tpu.memory_space<vmem_shared>>
        %dma_start3A_36 = arith.constant 0 : i32
        %dma_start3A_37 = tpu.memref_slice %arg4[%add3A_34, %dma_start3A_36] : memref<10240x128xf32, #tpu.memory_space<vmem_shared>> -> memref<128x128xf32, #tpu.memory_space<vmem_shared>>
        tpu.enqueue_dma source(%arg5 : memref<128x128xf32, #tpu.memory_space<vmem>>) target(%dma_start3A_37 : memref<128x128xf32, #tpu.memory_space<vmem_shared>>) target_semaphore(%run_scoped3A : memref<!tpu.dma_semaphore, #tpu.memory_space<semaphore_mem>>)
        %dma_wait3A = arith.constant 0 : i32
        %dma_wait3A_38 = tpu.memref_slice %arg4[%add3A_34, %dma_wait3A] : memref<10240x128xf32, #tpu.memory_space<vmem_shared>> -> memref<128x128xf32, #tpu.memory_space<vmem_shared>>
        %dma_wait3A_39 = arith.constant 0 : i32
        %dma_wait3A_40 = tpu.memref_slice %arg4[%add3A_34, %dma_wait3A_39] : memref<10240x128xf32, #tpu.memory_space<vmem_shared>> -> memref<128x128xf32, #tpu.memory_space<vmem_shared>>
        tpu.wait_dma2 semaphore(%run_scoped3A : memref<!tpu.dma_semaphore, #tpu.memory_space<semaphore_mem>>) src(%arg5 : memref<128x128xf32, #tpu.memory_space<vmem>>) dst(%dma_wait3A_40 : memref<128x128xf32, #tpu.memory_space<vmem_shared>>)
        tpu.yield
      }) : () -> ()
    }
    %scan3A_13 = arith.constant 5 : i32
    %barrier3A = arith.constant 0 : index
    tpu.barrier barrier_id(%barrier3A)
    %scan3A_14 = arith.constant 0 : i32
    %scan3A_15 = arith.constant 40 : i32
    %scan3A_16 = arith.addi %scan3A_14, %scan3A_15 : i32
    %scan3A_17 = arith.constant 1 : i32
    scf.for %scan3A_25 = %scan3A_14 to %scan3A_16 step %scan3A_17  : i32 {
      %mul3A_26 = arith.constant 1 : i32
      %mul3A_27 = arith.muli %scan3A_25, %mul3A_26 : i32
      %add3A_28 = arith.constant 0 : i32
      %add3A_29 = arith.addi %add3A_28, %mul3A_27 : i32
      %mul3A_30 = arith.constant 5120 : i32
      %mul3A_31 = arith.muli %add3A, %mul3A_30 : i32
      %mul3A_32 = arith.constant 128 : i32
      %mul3A_33 = arith.muli %add3A_29, %mul3A_32 : i32
      %add3A_34 = arith.addi %mul3A_31, %mul3A_33 : i32
      "tpu.region"() ({
        %run_scoped3A = tpu.sem_alloc : memref<!tpu.dma_semaphore, #tpu.memory_space<semaphore_mem>>
        %dma_start3A = tpu.memref_slice %arg2[%add3A_34] : memref<163840xi32, #tpu.memory_space<hbm>> -> memref<128xi32, #tpu.memory_space<hbm>>
        %dma_start3A_35 = tpu.memref_slice %arg2[%add3A_34] : memref<163840xi32, #tpu.memory_space<hbm>> -> memref<128xi32, #tpu.memory_space<hbm>>
        tpu.enqueue_dma source(%dma_start3A_35 : memref<128xi32, #tpu.memory_space<hbm>>) target(%arg7 : memref<128xi32, #tpu.memory_space<vmem>>) target_semaphore(%run_scoped3A : memref<!tpu.dma_semaphore, #tpu.memory_space<semaphore_mem>>)
        %dma_wait3A = tpu.memref_slice %arg2[%add3A_34] : memref<163840xi32, #tpu.memory_space<hbm>> -> memref<128xi32, #tpu.memory_space<hbm>>
        %dma_wait3A_36 = tpu.memref_slice %arg2[%add3A_34] : memref<163840xi32, #tpu.memory_space<hbm>> -> memref<128xi32, #tpu.memory_space<hbm>>
        tpu.wait_dma2 semaphore(%run_scoped3A : memref<!tpu.dma_semaphore, #tpu.memory_space<semaphore_mem>>) src(%dma_wait3A_36 : memref<128xi32, #tpu.memory_space<hbm>>) dst(%arg7 : memref<128xi32, #tpu.memory_space<vmem>>)
        tpu.yield
      }) : () -> ()
      "tpu.region"() ({
        %run_scoped3A = tpu.sem_alloc : memref<!tpu.dma_semaphore, #tpu.memory_space<semaphore_mem>>
        %dma_start3A = arith.constant 0 : i32
        %dma_start3A_35 = arith.constant 0 : i32
        %dma_start3A_36 = tpu.memref_slice %arg4[%dma_start3A, %dma_start3A_35] : memref<10240x128xf32, #tpu.memory_space<vmem_shared>> -> memref<10240x128xf32, #tpu.memory_space<vmem_shared>>
        tpu.enqueue_indirect_dma source(%arg6 : memref<128x128xf32, #tpu.memory_space<vmem>>) target(%dma_start3A_36 : memref<10240x128xf32, #tpu.memory_space<vmem_shared>>) offsets(%arg7 : memref<128xi32, #tpu.memory_space<vmem>>) semaphore(%run_scoped3A : memref<!tpu.dma_semaphore, #tpu.memory_space<semaphore_mem>>) {add = true}
        %dma_wait3A = arith.constant 0 : i32
        %dma_wait3A_37 = arith.constant 0 : i32
        %dma_wait3A_38 = tpu.memref_slice %arg4[%dma_wait3A, %dma_wait3A_37] : memref<10240x128xf32, #tpu.memory_space<vmem_shared>> -> memref<10240x128xf32, #tpu.memory_space<vmem_shared>>
        tpu.wait_indirect_dma semaphore(%run_scoped3A : memref<!tpu.dma_semaphore, #tpu.memory_space<semaphore_mem>>) src(%arg6 : memref<128x128xf32, #tpu.memory_space<vmem>>) dst(%dma_wait3A_38 : memref<10240x128xf32, #tpu.memory_space<vmem_shared>>)
        tpu.yield
      }) : () -> ()
    }
    %scan3A_18 = arith.constant 40 : i32
    %barrier3A_19 = arith.constant 0 : index
    tpu.barrier barrier_id(%barrier3A_19)
    %mul3A_20 = arith.constant 640 : i32
    %mul3A_21 = arith.muli %arg1, %mul3A_20 : i32
    %mul3A_22 = arith.constant 10240 : i32
    %mul3A_23 = arith.muli %arg0, %mul3A_22 : i32
    %add3A_24 = arith.addi %mul3A_23, %mul3A_21 : i32
    "tpu.region"() ({
      %run_scoped3A = tpu.sem_alloc : memref<!tpu.dma_semaphore, #tpu.memory_space<semaphore_mem>>
      %dma_start3A = arith.constant 0 : i32
      %dma_start3A_25 = tpu.memref_slice %arg3[%add3A_24, %dma_start3A] : memref<20480x128xf32, #tpu.memory_space<hbm>> -> memref<640x128xf32, #tpu.memory_space<hbm>>
      %dma_start3A_26 = arith.constant 0 : i32
      %dma_start3A_27 = tpu.memref_slice %arg4[%mul3A_21, %dma_start3A_26] : memref<10240x128xf32, #tpu.memory_space<vmem_shared>> -> memref<640x128xf32, #tpu.memory_space<vmem_shared>>
      tpu.enqueue_dma source(%dma_start3A_27 : memref<640x128xf32, #tpu.memory_space<vmem_shared>>) target(%dma_start3A_25 : memref<640x128xf32, #tpu.memory_space<hbm>>) target_semaphore(%run_scoped3A : memref<!tpu.dma_semaphore, #tpu.memory_space<semaphore_mem>>)
      %dma_wait3A = arith.constant 0 : i32
      %dma_wait3A_28 = tpu.memref_slice %arg3[%add3A_24, %dma_wait3A] : memref<20480x128xf32, #tpu.memory_space<hbm>> -> memref<640x128xf32, #tpu.memory_space<hbm>>
      %dma_wait3A_29 = arith.constant 0 : i32
      %dma_wait3A_30 = tpu.memref_slice %arg4[%mul3A_21, %dma_wait3A_29] : memref<10240x128xf32, #tpu.memory_space<vmem_shared>> -> memref<640x128xf32, #tpu.memory_space<vmem_shared>>
      tpu.wait_dma2 semaphore(%run_scoped3A : memref<!tpu.dma_semaphore, #tpu.memory_space<semaphore_mem>>) src(%dma_wait3A_30 : memref<640x128xf32, #tpu.memory_space<vmem_shared>>) dst(%dma_wait3A_28 : memref<640x128xf32, #tpu.memory_space<hbm>>)
      tpu.yield
    }) : () -> ()
    return
  }
}

#map = affine_map<(d0, d1) -> (0, 0)>
#map1 = affine_map<(d0, d1) -> (0)>
module attributes {stable_mosaic.version = 14 : i64} {
  func.func @_sc_msg_body(%arg0: i32, %arg1: i32, %arg2: memref<10240x128xf32, #tpu.memory_space<hbm>>, %arg3: memref<10240x128xf32, #tpu.memory_space<hbm>>, %arg4: memref<164352xi32, #tpu.memory_space<hbm>>, %arg5: memref<164352xi32, #tpu.memory_space<hbm>>, %arg6: memref<164352xf32, #tpu.memory_space<hbm>>, %arg7: memref<10240x128xf32, #tpu.memory_space<hbm>>, %arg8: memref<10240x128xf32, #tpu.memory_space<hbm>>, %arg9: memref<10240x128xf32, #tpu.memory_space<vmem_shared>>, %arg10: memref<96x128xf32, #tpu.memory_space<vmem>>, %arg11: memref<10272xi32, #tpu.memory_space<vmem>>, %arg12: memref<10272xi32, #tpu.memory_space<vmem>>, %arg13: memref<10272xf32, #tpu.memory_space<vmem>>, %arg14: memref<96xi32, #tpu.memory_space<vmem>>, %arg15: memref<96xi32, #tpu.memory_space<vmem>>) attributes {dimension_semantics = [#tpu.dimension_semantics<core_parallel>, #tpu.dimension_semantics<subcore_parallel>], iteration_bounds = array<i64: 2, 16>, scalar_prefetch = 0 : i64, scratch_operands = 7 : i64, tpu.core_type = #tpu.core_type<sc_vector_subcore>, window_params = [{transform_indices = #map}, {transform_indices = #map}, {transform_indices = #map1}, {transform_indices = #map1}, {transform_indices = #map1}, {transform_indices = #map}, {transform_indices = #map}]} {
    %mul3A = arith.constant 10272 : i32
    %mul3A_0 = arith.muli %arg1, %mul3A : i32
    "tpu.region"() ({
      %run_scoped3A = tpu.sem_alloc : memref<!tpu.dma_semaphore, #tpu.memory_space<semaphore_mem>>
      %dma_start3A = tpu.memref_slice %arg4[%mul3A_0] : memref<164352xi32, #tpu.memory_space<hbm>> -> memref<10272xi32, #tpu.memory_space<hbm>>
      %dma_start3A_21 = tpu.memref_slice %arg4[%mul3A_0] : memref<164352xi32, #tpu.memory_space<hbm>> -> memref<10272xi32, #tpu.memory_space<hbm>>
      tpu.enqueue_dma source(%dma_start3A_21 : memref<10272xi32, #tpu.memory_space<hbm>>) target(%arg11 : memref<10272xi32, #tpu.memory_space<vmem>>) target_semaphore(%run_scoped3A : memref<!tpu.dma_semaphore, #tpu.memory_space<semaphore_mem>>)
      %dma_wait3A = tpu.memref_slice %arg4[%mul3A_0] : memref<164352xi32, #tpu.memory_space<hbm>> -> memref<10272xi32, #tpu.memory_space<hbm>>
      %dma_wait3A_22 = tpu.memref_slice %arg4[%mul3A_0] : memref<164352xi32, #tpu.memory_space<hbm>> -> memref<10272xi32, #tpu.memory_space<hbm>>
      tpu.wait_dma2 semaphore(%run_scoped3A : memref<!tpu.dma_semaphore, #tpu.memory_space<semaphore_mem>>) src(%dma_wait3A_22 : memref<10272xi32, #tpu.memory_space<hbm>>) dst(%arg11 : memref<10272xi32, #tpu.memory_space<vmem>>)
      tpu.yield
    }) : () -> ()
    "tpu.region"() ({
      %run_scoped3A = tpu.sem_alloc : memref<!tpu.dma_semaphore, #tpu.memory_space<semaphore_mem>>
      %dma_start3A = tpu.memref_slice %arg5[%mul3A_0] : memref<164352xi32, #tpu.memory_space<hbm>> -> memref<10272xi32, #tpu.memory_space<hbm>>
      %dma_start3A_21 = tpu.memref_slice %arg5[%mul3A_0] : memref<164352xi32, #tpu.memory_space<hbm>> -> memref<10272xi32, #tpu.memory_space<hbm>>
      tpu.enqueue_dma source(%dma_start3A_21 : memref<10272xi32, #tpu.memory_space<hbm>>) target(%arg12 : memref<10272xi32, #tpu.memory_space<vmem>>) target_semaphore(%run_scoped3A : memref<!tpu.dma_semaphore, #tpu.memory_space<semaphore_mem>>)
      %dma_wait3A = tpu.memref_slice %arg5[%mul3A_0] : memref<164352xi32, #tpu.memory_space<hbm>> -> memref<10272xi32, #tpu.memory_space<hbm>>
      %dma_wait3A_22 = tpu.memref_slice %arg5[%mul3A_0] : memref<164352xi32, #tpu.memory_space<hbm>> -> memref<10272xi32, #tpu.memory_space<hbm>>
      tpu.wait_dma2 semaphore(%run_scoped3A : memref<!tpu.dma_semaphore, #tpu.memory_space<semaphore_mem>>) src(%dma_wait3A_22 : memref<10272xi32, #tpu.memory_space<hbm>>) dst(%arg12 : memref<10272xi32, #tpu.memory_space<vmem>>)
      tpu.yield
    }) : () -> ()
    "tpu.region"() ({
      %run_scoped3A = tpu.sem_alloc : memref<!tpu.dma_semaphore, #tpu.memory_space<semaphore_mem>>
      %dma_start3A = tpu.memref_slice %arg6[%mul3A_0] : memref<164352xf32, #tpu.memory_space<hbm>> -> memref<10272xf32, #tpu.memory_space<hbm>>
      %dma_start3A_21 = tpu.memref_slice %arg6[%mul3A_0] : memref<164352xf32, #tpu.memory_space<hbm>> -> memref<10272xf32, #tpu.memory_space<hbm>>
      tpu.enqueue_dma source(%dma_start3A_21 : memref<10272xf32, #tpu.memory_space<hbm>>) target(%arg13 : memref<10272xf32, #tpu.memory_space<vmem>>) target_semaphore(%run_scoped3A : memref<!tpu.dma_semaphore, #tpu.memory_space<semaphore_mem>>)
      %dma_wait3A = tpu.memref_slice %arg6[%mul3A_0] : memref<164352xf32, #tpu.memory_space<hbm>> -> memref<10272xf32, #tpu.memory_space<hbm>>
      %dma_wait3A_22 = tpu.memref_slice %arg6[%mul3A_0] : memref<164352xf32, #tpu.memory_space<hbm>> -> memref<10272xf32, #tpu.memory_space<hbm>>
      tpu.wait_dma2 semaphore(%run_scoped3A : memref<!tpu.dma_semaphore, #tpu.memory_space<semaphore_mem>>) src(%dma_wait3A_22 : memref<10272xf32, #tpu.memory_space<hbm>>) dst(%arg13 : memref<10272xf32, #tpu.memory_space<vmem>>)
      tpu.yield
    }) : () -> ()
    %scan3A = arith.constant 0 : i32
    %scan3A_1 = arith.constant 96 : i32
    %scan3A_2 = arith.addi %scan3A, %scan3A_1 : i32
    %scan3A_3 = arith.constant 1 : i32
    scf.for %scan3A_21 = %scan3A to %scan3A_2 step %scan3A_3  : i32 {
      %mul3A_22 = arith.constant 1 : i32
      %mul3A_23 = arith.muli %scan3A_21, %mul3A_22 : i32
      %add3A_24 = arith.constant 0 : i32
      %add3A_25 = arith.addi %add3A_24, %mul3A_23 : i32
      %broadcast_in_dim3A = arith.constant 0.000000e+00 : f32
      %broadcast_in_dim3A_26 = vector.broadcast %broadcast_in_dim3A : f32 to vector<16xf32>
      %swap3A = arith.index_cast %add3A_25 : i32 to index
      %swap3A_27 = arith.constant 0 : index
      %swap3A_28 = tpu.vector_load %arg10[%swap3A, %swap3A_27] {strides = array<i32>} : memref<96x128xf32, #tpu.memory_space<vmem>>, vector<1x16xf32>,
      %swap3A_29 = vector.shape_cast %swap3A_28 : vector<1x16xf32> to vector<16xf32>
      %swap3A_30 = vector.shape_cast %broadcast_in_dim3A_26 : vector<16xf32> to vector<1x16xf32>
      tpu.vector_store %arg10[%swap3A, %swap3A_27], %swap3A_30 {strides = array<i32>} : memref<96x128xf32, #tpu.memory_space<vmem>>, vector<1x16xf32>,
      %broadcast_in_dim3A_31 = arith.constant 0.000000e+00 : f32
      %broadcast_in_dim3A_32 = vector.broadcast %broadcast_in_dim3A_31 : f32 to vector<16xf32>
      %swap3A_33 = arith.index_cast %add3A_25 : i32 to index
      %swap3A_34 = arith.constant 16 : index
      %swap3A_35 = tpu.vector_load %arg10[%swap3A_33, %swap3A_34] {strides = array<i32>} : memref<96x128xf32, #tpu.memory_space<vmem>>, vector<1x16xf32>,
      %swap3A_36 = vector.shape_cast %swap3A_35 : vector<1x16xf32> to vector<16xf32>
      %swap3A_37 = vector.shape_cast %broadcast_in_dim3A_32 : vector<16xf32> to vector<1x16xf32>
      tpu.vector_store %arg10[%swap3A_33, %swap3A_34], %swap3A_37 {strides = array<i32>} : memref<96x128xf32, #tpu.memory_space<vmem>>, vector<1x16xf32>,
      %broadcast_in_dim3A_38 = arith.constant 0.000000e+00 : f32
      %broadcast_in_dim3A_39 = vector.broadcast %broadcast_in_dim3A_38 : f32 to vector<16xf32>
      %swap3A_40 = arith.index_cast %add3A_25 : i32 to index
      %swap3A_41 = arith.constant 32 : index
      %swap3A_42 = tpu.vector_load %arg10[%swap3A_40, %swap3A_41] {strides = array<i32>} : memref<96x128xf32, #tpu.memory_space<vmem>>, vector<1x16xf32>,
      %swap3A_43 = vector.shape_cast %swap3A_42 : vector<1x16xf32> to vector<16xf32>
      %swap3A_44 = vector.shape_cast %broadcast_in_dim3A_39 : vector<16xf32> to vector<1x16xf32>
      tpu.vector_store %arg10[%swap3A_40, %swap3A_41], %swap3A_44 {strides = array<i32>} : memref<96x128xf32, #tpu.memory_space<vmem>>, vector<1x16xf32>,
      %broadcast_in_dim3A_45 = arith.constant 0.000000e+00 : f32
      %broadcast_in_dim3A_46 = vector.broadcast %broadcast_in_dim3A_45 : f32 to vector<16xf32>
      %swap3A_47 = arith.index_cast %add3A_25 : i32 to index
      %swap3A_48 = arith.constant 48 : index
      %swap3A_49 = tpu.vector_load %arg10[%swap3A_47, %swap3A_48] {strides = array<i32>} : memref<96x128xf32, #tpu.memory_space<vmem>>, vector<1x16xf32>,
      %swap3A_50 = vector.shape_cast %swap3A_49 : vector<1x16xf32> to vector<16xf32>
      %swap3A_51 = vector.shape_cast %broadcast_in_dim3A_46 : vector<16xf32> to vector<1x16xf32>
      tpu.vector_store %arg10[%swap3A_47, %swap3A_48], %swap3A_51 {strides = array<i32>} : memref<96x128xf32, #tpu.memory_space<vmem>>, vector<1x16xf32>,
      %broadcast_in_dim3A_52 = arith.constant 0.000000e+00 : f32
      %broadcast_in_dim3A_53 = vector.broadcast %broadcast_in_dim3A_52 : f32 to vector<16xf32>
      %swap3A_54 = arith.index_cast %add3A_25 : i32 to index
      %swap3A_55 = arith.constant 64 : index
      %swap3A_56 = tpu.vector_load %arg10[%swap3A_54, %swap3A_55] {strides = array<i32>} : memref<96x128xf32, #tpu.memory_space<vmem>>, vector<1x16xf32>,
      %swap3A_57 = vector.shape_cast %swap3A_56 : vector<1x16xf32> to vector<16xf32>
      %swap3A_58 = vector.shape_cast %broadcast_in_dim3A_53 : vector<16xf32> to vector<1x16xf32>
      tpu.vector_store %arg10[%swap3A_54, %swap3A_55], %swap3A_58 {strides = array<i32>} : memref<96x128xf32, #tpu.memory_space<vmem>>, vector<1x16xf32>,
      %broadcast_in_dim3A_59 = arith.constant 0.000000e+00 : f32
      %broadcast_in_dim3A_60 = vector.broadcast %broadcast_in_dim3A_59 : f32 to vector<16xf32>
      %swap3A_61 = arith.index_cast %add3A_25 : i32 to index
      %swap3A_62 = arith.constant 80 : index
      %swap3A_63 = tpu.vector_load %arg10[%swap3A_61, %swap3A_62] {strides = array<i32>} : memref<96x128xf32, #tpu.memory_space<vmem>>, vector<1x16xf32>,
      %swap3A_64 = vector.shape_cast %swap3A_63 : vector<1x16xf32> to vector<16xf32>
      %swap3A_65 = vector.shape_cast %broadcast_in_dim3A_60 : vector<16xf32> to vector<1x16xf32>
      tpu.vector_store %arg10[%swap3A_61, %swap3A_62], %swap3A_65 {strides = array<i32>} : memref<96x128xf32, #tpu.memory_space<vmem>>, vector<1x16xf32>,
      %broadcast_in_dim3A_66 = arith.constant 0.000000e+00 : f32
      %broadcast_in_dim3A_67 = vector.broadcast %broadcast_in_dim3A_66 : f32 to vector<16xf32>
      %swap3A_68 = arith.index_cast %add3A_25 : i32 to index
      %swap3A_69 = arith.constant 96 : index
      %swap3A_70 = tpu.vector_load %arg10[%swap3A_68, %swap3A_69] {strides = array<i32>} : memref<96x128xf32, #tpu.memory_space<vmem>>, vector<1x16xf32>,
      %swap3A_71 = vector.shape_cast %swap3A_70 : vector<1x16xf32> to vector<16xf32>
      %swap3A_72 = vector.shape_cast %broadcast_in_dim3A_67 : vector<16xf32> to vector<1x16xf32>
      tpu.vector_store %arg10[%swap3A_68, %swap3A_69], %swap3A_72 {strides = array<i32>} : memref<96x128xf32, #tpu.memory_space<vmem>>, vector<1x16xf32>,
      %broadcast_in_dim3A_73 = arith.constant 0.000000e+00 : f32
      %broadcast_in_dim3A_74 = vector.broadcast %broadcast_in_dim3A_73 : f32 to vector<16xf32>
      %swap3A_75 = arith.index_cast %add3A_25 : i32 to index
      %swap3A_76 = arith.constant 112 : index
      %swap3A_77 = tpu.vector_load %arg10[%swap3A_75, %swap3A_76] {strides = array<i32>} : memref<96x128xf32, #tpu.memory_space<vmem>>, vector<1x16xf32>,
      %swap3A_78 = vector.shape_cast %swap3A_77 : vector<1x16xf32> to vector<16xf32>
      %swap3A_79 = vector.shape_cast %broadcast_in_dim3A_74 : vector<16xf32> to vector<1x16xf32>
      tpu.vector_store %arg10[%swap3A_75, %swap3A_76], %swap3A_79 {strides = array<i32>} : memref<96x128xf32, #tpu.memory_space<vmem>>, vector<1x16xf32>,
    }
    %scan3A_4 = arith.constant 96 : i32
    %scan3A_5 = arith.constant 0 : i32
    %scan3A_6 = arith.constant 6 : i32
    %scan3A_7 = arith.addi %scan3A_5, %scan3A_6 : i32
    %scan3A_8 = arith.constant 1 : i32
    scf.for %scan3A_21 = %scan3A_5 to %scan3A_7 step %scan3A_8  : i32 {
      %mul3A_22 = arith.constant 1 : i32
      %mul3A_23 = arith.muli %scan3A_21, %mul3A_22 : i32
      %add3A_24 = arith.constant 0 : i32
      %add3A_25 = arith.addi %add3A_24, %mul3A_23 : i32
      %mul3A_26 = arith.constant 640 : i32
      %mul3A_27 = arith.muli %arg1, %mul3A_26 : i32
      %mul3A_28 = arith.constant 96 : i32
      %mul3A_29 = arith.muli %add3A_25, %mul3A_28 : i32
      %add3A_30 = arith.addi %mul3A_27, %mul3A_29 : i32
      "tpu.region"() ({
        %run_scoped3A = tpu.sem_alloc : memref<!tpu.dma_semaphore, #tpu.memory_space<semaphore_mem>>
        %dma_start3A = arith.constant 0 : i32
        %dma_start3A_31 = tpu.memref_slice %arg9[%add3A_30, %dma_start3A] : memref<10240x128xf32, #tpu.memory_space<vmem_shared>> -> memref<96x128xf32, #tpu.memory_space<vmem_shared>>
        %dma_start3A_32 = arith.constant 0 : i32
        %dma_start3A_33 = tpu.memref_slice %arg9[%add3A_30, %dma_start3A_32] : memref<10240x128xf32, #tpu.memory_space<vmem_shared>> -> memref<96x128xf32, #tpu.memory_space<vmem_shared>>
        tpu.enqueue_dma source(%arg10 : memref<96x128xf32, #tpu.memory_space<vmem>>) target(%dma_start3A_33 : memref<96x128xf32, #tpu.memory_space<vmem_shared>>) target_semaphore(%run_scoped3A : memref<!tpu.dma_semaphore, #tpu.memory_space<semaphore_mem>>)
        %dma_wait3A = arith.constant 0 : i32
        %dma_wait3A_34 = tpu.memref_slice %arg9[%add3A_30, %dma_wait3A] : memref<10240x128xf32, #tpu.memory_space<vmem_shared>> -> memref<96x128xf32, #tpu.memory_space<vmem_shared>>
        %dma_wait3A_35 = arith.constant 0 : i32
        %dma_wait3A_36 = tpu.memref_slice %arg9[%add3A_30, %dma_wait3A_35] : memref<10240x128xf32, #tpu.memory_space<vmem_shared>> -> memref<96x128xf32, #tpu.memory_space<vmem_shared>>
        tpu.wait_dma2 semaphore(%run_scoped3A : memref<!tpu.dma_semaphore, #tpu.memory_space<semaphore_mem>>) src(%arg10 : memref<96x128xf32, #tpu.memory_space<vmem>>) dst(%dma_wait3A_36 : memref<96x128xf32, #tpu.memory_space<vmem_shared>>)
        tpu.yield
      }) : () -> ()
    }
    %scan3A_9 = arith.constant 6 : i32
    %mul3A_10 = arith.constant 640 : i32
    %mul3A_11 = arith.muli %arg1, %mul3A_10 : i32
    %add3A = arith.constant 640 : i32
    %add3A_12 = arith.addi %mul3A_11, %add3A : i32
    %sub3A = arith.constant 64 : i32
    %sub3A_13 = arith.subi %add3A_12, %sub3A : i32
    "tpu.region"() ({
      %run_scoped3A = tpu.sem_alloc : memref<!tpu.dma_semaphore, #tpu.memory_space<semaphore_mem>>
      %dma_start3A = arith.constant 0 : i32
      %dma_start3A_21 = arith.constant 0 : i32
      %dma_start3A_22 = tpu.memref_slice %arg10[%dma_start3A, %dma_start3A_21] : memref<96x128xf32, #tpu.memory_space<vmem>> -> memref<64x128xf32, #tpu.memory_space<vmem>>
      %dma_start3A_23 = arith.constant 0 : i32
      %dma_start3A_24 = tpu.memref_slice %arg9[%sub3A_13, %dma_start3A_23] : memref<10240x128xf32, #tpu.memory_space<vmem_shared>> -> memref<64x128xf32, #tpu.memory_space<vmem_shared>>
      %dma_start3A_25 = arith.constant 0 : i32
      %dma_start3A_26 = tpu.memref_slice %arg9[%sub3A_13, %dma_start3A_25] : memref<10240x128xf32, #tpu.memory_space<vmem_shared>> -> memref<64x128xf32, #tpu.memory_space<vmem_shared>>
      %dma_start3A_27 = arith.constant 0 : i32
      %dma_start3A_28 = arith.constant 0 : i32
      %dma_start3A_29 = tpu.memref_slice %arg10[%dma_start3A_27, %dma_start3A_28] : memref<96x128xf32, #tpu.memory_space<vmem>> -> memref<64x128xf32, #tpu.memory_space<vmem>>
      tpu.enqueue_dma source(%dma_start3A_29 : memref<64x128xf32, #tpu.memory_space<vmem>>) target(%dma_start3A_26 : memref<64x128xf32, #tpu.memory_space<vmem_shared>>) target_semaphore(%run_scoped3A : memref<!tpu.dma_semaphore, #tpu.memory_space<semaphore_mem>>)
      %dma_wait3A = arith.constant 0 : i32
      %dma_wait3A_30 = arith.constant 0 : i32
      %dma_wait3A_31 = tpu.memref_slice %arg10[%dma_wait3A, %dma_wait3A_30] : memref<96x128xf32, #tpu.memory_space<vmem>> -> memref<64x128xf32, #tpu.memory_space<vmem>>
      %dma_wait3A_32 = arith.constant 0 : i32
      %dma_wait3A_33 = tpu.memref_slice %arg9[%sub3A_13, %dma_wait3A_32] : memref<10240x128xf32, #tpu.memory_space<vmem_shared>> -> memref<64x128xf32, #tpu.memory_space<vmem_shared>>
      %dma_wait3A_34 = arith.constant 0 : i32
      %dma_wait3A_35 = tpu.memref_slice %arg9[%sub3A_13, %dma_wait3A_34] : memref<10240x128xf32, #tpu.memory_space<vmem_shared>> -> memref<64x128xf32, #tpu.memory_space<vmem_shared>>
      %dma_wait3A_36 = arith.constant 0 : i32
      %dma_wait3A_37 = arith.constant 0 : i32
      %dma_wait3A_38 = tpu.memref_slice %arg10[%dma_wait3A_36, %dma_wait3A_37] : memref<96x128xf32, #tpu.memory_space<vmem>> -> memref<64x128xf32, #tpu.memory_space<vmem>>
      tpu.wait_dma2 semaphore(%run_scoped3A : memref<!tpu.dma_semaphore, #tpu.memory_space<semaphore_mem>>) src(%dma_wait3A_38 : memref<64x128xf32, #tpu.memory_space<vmem>>) dst(%dma_wait3A_35 : memref<64x128xf32, #tpu.memory_space<vmem_shared>>)
      tpu.yield
    }) : () -> ()
    %barrier3A = arith.constant 0 : index
    tpu.barrier barrier_id(%barrier3A)
    %eq3A = arith.constant 0 : i32
    %eq3A_14 = arith.cmpi eq, %arg0, %eq3A : i32
    %convert_element_type3A = arith.extui %eq3A_14 : i1 to i32
    %cond3A = arith.constant 0 : i32
    %cond3A_15 = arith.cmpi ne, %convert_element_type3A, %cond3A : i32
    scf.if %cond3A_15 {
      %scan3A_21 = arith.constant 0 : i32
      %scan3A_22 = arith.constant 106 : i32
      %scan3A_23 = arith.addi %scan3A_21, %scan3A_22 : i32
      %scan3A_24 = arith.constant 1 : i32
      scf.for %scan3A_32 = %scan3A_21 to %scan3A_23 step %scan3A_24  : i32 {
        %mul3A_33 = arith.constant 1 : i32
        %mul3A_34 = arith.muli %scan3A_32, %mul3A_33 : i32
        %add3A_35 = arith.constant 0 : i32
        %add3A_36 = arith.addi %add3A_35, %mul3A_34 : i32
        %mul3A_37 = arith.constant 96 : i32
        %mul3A_38 = arith.muli %add3A_36, %mul3A_37 : i32
        %add3A_39 = arith.constant 0 : i32
        %add3A_40 = arith.addi %mul3A_38, %add3A_39 : i32
        %get3A = arith.index_cast %add3A_40 : i32 to index
        %get3A_41 = tpu.vector_load %arg11[%get3A] {strides = array<i32>} : memref<10272xi32, #tpu.memory_space<vmem>>, vector<16xi32>,
        %get3A_42 = vector.shape_cast %get3A_41 : vector<16xi32> to vector<16xi32>
        %swap3A = arith.constant 0 : index
        %swap3A_43 = tpu.vector_load %arg14[%swap3A] {strides = array<i32>} : memref<96xi32, #tpu.memory_space<vmem>>, vector<16xi32>,
        %swap3A_44 = vector.shape_cast %swap3A_43 : vector<16xi32> to vector<16xi32>
        %swap3A_45 = vector.shape_cast %get3A_42 : vector<16xi32> to vector<16xi32>
        tpu.vector_store %arg14[%swap3A], %swap3A_45 {strides = array<i32>} : memref<96xi32, #tpu.memory_space<vmem>>, vector<16xi32>,
        %add3A_46 = arith.constant 0 : i32
        %add3A_47 = arith.addi %mul3A_38, %add3A_46 : i32
        %get3A_48 = arith.index_cast %add3A_47 : i32 to index
        %get3A_49 = tpu.vector_load %arg12[%get3A_48] {strides = array<i32>} : memref<10272xi32, #tpu.memory_space<vmem>>, vector<16xi32>,
        %get3A_50 = vector.shape_cast %get3A_49 : vector<16xi32> to vector<16xi32>
        %swap3A_51 = arith.constant 0 : index
        %swap3A_52 = tpu.vector_load %arg15[%swap3A_51] {strides = array<i32>} : memref<96xi32, #tpu.memory_space<vmem>>, vector<16xi32>,
        %swap3A_53 = vector.shape_cast %swap3A_52 : vector<16xi32> to vector<16xi32>
        %swap3A_54 = vector.shape_cast %get3A_50 : vector<16xi32> to vector<16xi32>
        tpu.vector_store %arg15[%swap3A_51], %swap3A_54 {strides = array<i32>} : memref<96xi32, #tpu.memory_space<vmem>>, vector<16xi32>,
        %add3A_55 = arith.constant 16 : i32
        %add3A_56 = arith.addi %mul3A_38, %add3A_55 : i32
        %get3A_57 = arith.index_cast %add3A_56 : i32 to index
        %get3A_58 = tpu.vector_load %arg11[%get3A_57] {strides = array<i32>} : memref<10272xi32, #tpu.memory_space<vmem>>, vector<16xi32>,
        %get3A_59 = vector.shape_cast %get3A_58 : vector<16xi32> to vector<16xi32>
        %swap3A_60 = arith.constant 16 : index
        %swap3A_61 = tpu.vector_load %arg14[%swap3A_60] {strides = array<i32>} : memref<96xi32, #tpu.memory_space<vmem>>, vector<16xi32>,
        %swap3A_62 = vector.shape_cast %swap3A_61 : vector<16xi32> to vector<16xi32>
        %swap3A_63 = vector.shape_cast %get3A_59 : vector<16xi32> to vector<16xi32>
        tpu.vector_store %arg14[%swap3A_60], %swap3A_63 {strides = array<i32>} : memref<96xi32, #tpu.memory_space<vmem>>, vector<16xi32>,
        %add3A_64 = arith.constant 16 : i32
        %add3A_65 = arith.addi %mul3A_38, %add3A_64 : i32
        %get3A_66 = arith.index_cast %add3A_65 : i32 to index
        %get3A_67 = tpu.vector_load %arg12[%get3A_66] {strides = array<i32>} : memref<10272xi32, #tpu.memory_space<vmem>>, vector<16xi32>,
        %get3A_68 = vector.shape_cast %get3A_67 : vector<16xi32> to vector<16xi32>
        %swap3A_69 = arith.constant 16 : index
        %swap3A_70 = tpu.vector_load %arg15[%swap3A_69] {strides = array<i32>} : memref<96xi32, #tpu.memory_space<vmem>>, vector<16xi32>,
        %swap3A_71 = vector.shape_cast %swap3A_70 : vector<16xi32> to vector<16xi32>
        %swap3A_72 = vector.shape_cast %get3A_68 : vector<16xi32> to vector<16xi32>
        tpu.vector_store %arg15[%swap3A_69], %swap3A_72 {strides = array<i32>} : memref<96xi32, #tpu.memory_space<vmem>>, vector<16xi32>,
        %add3A_73 = arith.constant 32 : i32
        %add3A_74 = arith.addi %mul3A_38, %add3A_73 : i32
        %get3A_75 = arith.index_cast %add3A_74 : i32 to index
        %get3A_76 = tpu.vector_load %arg11[%get3A_75] {strides = array<i32>} : memref<10272xi32, #tpu.memory_space<vmem>>, vector<16xi32>,
        %get3A_77 = vector.shape_cast %get3A_76 : vector<16xi32> to vector<16xi32>
        %swap3A_78 = arith.constant 32 : index
        %swap3A_79 = tpu.vector_load %arg14[%swap3A_78] {strides = array<i32>} : memref<96xi32, #tpu.memory_space<vmem>>, vector<16xi32>,
        %swap3A_80 = vector.shape_cast %swap3A_79 : vector<16xi32> to vector<16xi32>
        %swap3A_81 = vector.shape_cast %get3A_77 : vector<16xi32> to vector<16xi32>
        tpu.vector_store %arg14[%swap3A_78], %swap3A_81 {strides = array<i32>} : memref<96xi32, #tpu.memory_space<vmem>>, vector<16xi32>,
        %add3A_82 = arith.constant 32 : i32
        %add3A_83 = arith.addi %mul3A_38, %add3A_82 : i32
        %get3A_84 = arith.index_cast %add3A_83 : i32 to index
        %get3A_85 = tpu.vector_load %arg12[%get3A_84] {strides = array<i32>} : memref<10272xi32, #tpu.memory_space<vmem>>, vector<16xi32>,
        %get3A_86 = vector.shape_cast %get3A_85 : vector<16xi32> to vector<16xi32>
        %swap3A_87 = arith.constant 32 : index
        %swap3A_88 = tpu.vector_load %arg15[%swap3A_87] {strides = array<i32>} : memref<96xi32, #tpu.memory_space<vmem>>, vector<16xi32>,
        %swap3A_89 = vector.shape_cast %swap3A_88 : vector<16xi32> to vector<16xi32>
        %swap3A_90 = vector.shape_cast %get3A_86 : vector<16xi32> to vector<16xi32>
        tpu.vector_store %arg15[%swap3A_87], %swap3A_90 {strides = array<i32>} : memref<96xi32, #tpu.memory_space<vmem>>, vector<16xi32>,
        %add3A_91 = arith.constant 48 : i32
        %add3A_92 = arith.addi %mul3A_38, %add3A_91 : i32
        %get3A_93 = arith.index_cast %add3A_92 : i32 to index
        %get3A_94 = tpu.vector_load %arg11[%get3A_93] {strides = array<i32>} : memref<10272xi32, #tpu.memory_space<vmem>>, vector<16xi32>,
        %get3A_95 = vector.shape_cast %get3A_94 : vector<16xi32> to vector<16xi32>
        %swap3A_96 = arith.constant 48 : index
        %swap3A_97 = tpu.vector_load %arg14[%swap3A_96] {strides = array<i32>} : memref<96xi32, #tpu.memory_space<vmem>>, vector<16xi32>,
        %swap3A_98 = vector.shape_cast %swap3A_97 : vector<16xi32> to vector<16xi32>
        %swap3A_99 = vector.shape_cast %get3A_95 : vector<16xi32> to vector<16xi32>
        tpu.vector_store %arg14[%swap3A_96], %swap3A_99 {strides = array<i32>} : memref<96xi32, #tpu.memory_space<vmem>>, vector<16xi32>,
        %add3A_100 = arith.constant 48 : i32
        %add3A_101 = arith.addi %mul3A_38, %add3A_100 : i32
        %get3A_102 = arith.index_cast %add3A_101 : i32 to index
        %get3A_103 = tpu.vector_load %arg12[%get3A_102] {strides = array<i32>} : memref<10272xi32, #tpu.memory_space<vmem>>, vector<16xi32>,
        %get3A_104 = vector.shape_cast %get3A_103 : vector<16xi32> to vector<16xi32>
        %swap3A_105 = arith.constant 48 : index
        %swap3A_106 = tpu.vector_load %arg15[%swap3A_105] {strides = array<i32>} : memref<96xi32, #tpu.memory_space<vmem>>, vector<16xi32>,
        %swap3A_107 = vector.shape_cast %swap3A_106 : vector<16xi32> to vector<16xi32>
        %swap3A_108 = vector.shape_cast %get3A_104 : vector<16xi32> to vector<16xi32>
        tpu.vector_store %arg15[%swap3A_105], %swap3A_108 {strides = array<i32>} : memref<96xi32, #tpu.memory_space<vmem>>, vector<16xi32>,
        %add3A_109 = arith.constant 64 : i32
        %add3A_110 = arith.addi %mul3A_38, %add3A_109 : i32
        %get3A_111 = arith.index_cast %add3A_110 : i32 to index
        %get3A_112 = tpu.vector_load %arg11[%get3A_111] {strides = array<i32>} : memref<10272xi32, #tpu.memory_space<vmem>>, vector<16xi32>,
        %get3A_113 = vector.shape_cast %get3A_112 : vector<16xi32> to vector<16xi32>
        %swap3A_114 = arith.constant 64 : index
        %swap3A_115 = tpu.vector_load %arg14[%swap3A_114] {strides = array<i32>} : memref<96xi32, #tpu.memory_space<vmem>>, vector<16xi32>,
        %swap3A_116 = vector.shape_cast %swap3A_115 : vector<16xi32> to vector<16xi32>
        %swap3A_117 = vector.shape_cast %get3A_113 : vector<16xi32> to vector<16xi32>
        tpu.vector_store %arg14[%swap3A_114], %swap3A_117 {strides = array<i32>} : memref<96xi32, #tpu.memory_space<vmem>>, vector<16xi32>,
        %add3A_118 = arith.constant 64 : i32
        %add3A_119 = arith.addi %mul3A_38, %add3A_118 : i32
        %get3A_120 = arith.index_cast %add3A_119 : i32 to index
        %get3A_121 = tpu.vector_load %arg12[%get3A_120] {strides = array<i32>} : memref<10272xi32, #tpu.memory_space<vmem>>, vector<16xi32>,
        %get3A_122 = vector.shape_cast %get3A_121 : vector<16xi32> to vector<16xi32>
        %swap3A_123 = arith.constant 64 : index
        %swap3A_124 = tpu.vector_load %arg15[%swap3A_123] {strides = array<i32>} : memref<96xi32, #tpu.memory_space<vmem>>, vector<16xi32>,
        %swap3A_125 = vector.shape_cast %swap3A_124 : vector<16xi32> to vector<16xi32>
        %swap3A_126 = vector.shape_cast %get3A_122 : vector<16xi32> to vector<16xi32>
        tpu.vector_store %arg15[%swap3A_123], %swap3A_126 {strides = array<i32>} : memref<96xi32, #tpu.memory_space<vmem>>, vector<16xi32>,
        %add3A_127 = arith.constant 80 : i32
        %add3A_128 = arith.addi %mul3A_38, %add3A_127 : i32
        %get3A_129 = arith.index_cast %add3A_128 : i32 to index
        %get3A_130 = tpu.vector_load %arg11[%get3A_129] {strides = array<i32>} : memref<10272xi32, #tpu.memory_space<vmem>>, vector<16xi32>,
        %get3A_131 = vector.shape_cast %get3A_130 : vector<16xi32> to vector<16xi32>
        %swap3A_132 = arith.constant 80 : index
        %swap3A_133 = tpu.vector_load %arg14[%swap3A_132] {strides = array<i32>} : memref<96xi32, #tpu.memory_space<vmem>>, vector<16xi32>,
        %swap3A_134 = vector.shape_cast %swap3A_133 : vector<16xi32> to vector<16xi32>
        %swap3A_135 = vector.shape_cast %get3A_131 : vector<16xi32> to vector<16xi32>
        tpu.vector_store %arg14[%swap3A_132], %swap3A_135 {strides = array<i32>} : memref<96xi32, #tpu.memory_space<vmem>>, vector<16xi32>,
        %add3A_136 = arith.constant 80 : i32
        %add3A_137 = arith.addi %mul3A_38, %add3A_136 : i32
        %get3A_138 = arith.index_cast %add3A_137 : i32 to index
        %get3A_139 = tpu.vector_load %arg12[%get3A_138] {strides = array<i32>} : memref<10272xi32, #tpu.memory_space<vmem>>, vector<16xi32>,
        %get3A_140 = vector.shape_cast %get3A_139 : vector<16xi32> to vector<16xi32>
        %swap3A_141 = arith.constant 80 : index
        %swap3A_142 = tpu.vector_load %arg15[%swap3A_141] {strides = array<i32>} : memref<96xi32, #tpu.memory_space<vmem>>, vector<16xi32>,
        %swap3A_143 = vector.shape_cast %swap3A_142 : vector<16xi32> to vector<16xi32>
        %swap3A_144 = vector.shape_cast %get3A_140 : vector<16xi32> to vector<16xi32>
        tpu.vector_store %arg15[%swap3A_141], %swap3A_144 {strides = array<i32>} : memref<96xi32, #tpu.memory_space<vmem>>, vector<16xi32>,
        "tpu.region"() ({
          %run_scoped3A = tpu.sem_alloc : memref<!tpu.dma_semaphore, #tpu.memory_space<semaphore_mem>>
          %dma_start3A = arith.constant 0 : i32
          %dma_start3A_150 = arith.constant 0 : i32
          %dma_start3A_151 = tpu.memref_slice %arg2[%dma_start3A, %dma_start3A_150] : memref<10240x128xf32, #tpu.memory_space<hbm>> -> memref<10240x128xf32, #tpu.memory_space<hbm>>
          tpu.enqueue_indirect_dma source(%dma_start3A_151 : memref<10240x128xf32, #tpu.memory_space<hbm>>) target(%arg10 : memref<96x128xf32, #tpu.memory_space<vmem>>) offsets(%arg14 : memref<96xi32, #tpu.memory_space<vmem>>) semaphore(%run_scoped3A : memref<!tpu.dma_semaphore, #tpu.memory_space<semaphore_mem>>)
          %dma_wait3A = arith.constant 0 : i32
          %dma_wait3A_152 = arith.constant 0 : i32
          %dma_wait3A_153 = tpu.memref_slice %arg2[%dma_wait3A, %dma_wait3A_152] : memref<10240x128xf32, #tpu.memory_space<hbm>> -> memref<10240x128xf32, #tpu.memory_space<hbm>>
          tpu.wait_indirect_dma semaphore(%run_scoped3A : memref<!tpu.dma_semaphore, #tpu.memory_space<semaphore_mem>>) src(%dma_wait3A_153 : memref<10240x128xf32, #tpu.memory_space<hbm>>) dst(%arg10 : memref<96x128xf32, #tpu.memory_space<vmem>>)
          tpu.yield
        }) : () -> ()
        %scan3A_145 = arith.constant 0 : i32
        %scan3A_146 = arith.constant 6 : i32
        %scan3A_147 = arith.addi %scan3A_145, %scan3A_146 : i32
        %scan3A_148 = arith.constant 1 : i32
        scf.for %scan3A_150 = %scan3A_145 to %scan3A_147 step %scan3A_148  : i32 {
          %mul3A_151 = arith.constant 1 : i32
          %mul3A_152 = arith.muli %scan3A_150, %mul3A_151 : i32
          %add3A_153 = arith.constant 0 : i32
          %add3A_154 = arith.addi %add3A_153, %mul3A_152 : i32
          %mul3A_155 = arith.constant 16 : i32
          %mul3A_156 = arith.muli %add3A_154, %mul3A_155 : i32
          %add3A_157 = arith.addi %mul3A_38, %mul3A_156 : i32
          %get3A_158 = arith.index_cast %add3A_157 : i32 to index
          %get3A_159 = tpu.vector_load %arg13[%get3A_158] {strides = array<i32>} : memref<10272xf32, #tpu.memory_space<vmem>>, vector<16xf32>,
          %get3A_160 = vector.shape_cast %get3A_159 : vector<16xf32> to vector<16xf32>
          %broadcast_in_dim3A = arith.constant 0 : i32
          %broadcast_in_dim3A_161 = vector.broadcast %broadcast_in_dim3A : i32 to vector<16xi32>
          %reshape3A = vector.shape_cast %broadcast_in_dim3A_161 : vector<16xi32> to vector<16x1xi32>
          %gather3A = vector.shape_cast %reshape3A : vector<16x1xi32> to vector<16xi32>
          %gather3A_162 = tpu.dynamic_gather %get3A_160[%gather3A] in [0] : vector<16xf32>, vector<16xi32> -> vector<16xf32>
          %mul3A_163 = arith.constant 16 : i32
          %mul3A_164 = arith.muli %add3A_154, %mul3A_163 : i32
          %add3A_165 = arith.constant 0 : i32
          %add3A_166 = arith.addi %mul3A_164, %add3A_165 : i32
          %get3A_167 = arith.index_cast %add3A_166 : i32 to index
          %get3A_168 = arith.constant 0 : index
          %get3A_169 = tpu.vector_load %arg10[%get3A_167, %get3A_168] {strides = array<i32>} : memref<96x128xf32, #tpu.memory_space<vmem>>, vector<1x16xf32>,
          %get3A_170 = vector.shape_cast %get3A_169 : vector<1x16xf32> to vector<16xf32>
          %mul3A_171 = arith.mulf %get3A_170, %gather3A_162 : vector<16xf32>
          %swap3A_172 = arith.index_cast %add3A_166 : i32 to index
          %swap3A_173 = arith.constant 0 : index
          %swap3A_174 = tpu.vector_load %arg10[%swap3A_172, %swap3A_173] {strides = array<i32>} : memref<96x128xf32, #tpu.memory_space<vmem>>, vector<1x16xf32>,
          %swap3A_175 = vector.shape_cast %swap3A_174 : vector<1x16xf32> to vector<16xf32>
          %swap3A_176 = vector.shape_cast %mul3A_171 : vector<16xf32> to vector<1x16xf32>
          tpu.vector_store %arg10[%swap3A_172, %swap3A_173], %swap3A_176 {strides = array<i32>} : memref<96x128xf32, #tpu.memory_space<vmem>>, vector<1x16xf32>,
          %get3A_177 = arith.index_cast %add3A_166 : i32 to index
          %get3A_178 = arith.constant 16 : index
          %get3A_179 = tpu.vector_load %arg10[%get3A_177, %get3A_178] {strides = array<i32>} : memref<96x128xf32, #tpu.memory_space<vmem>>, vector<1x16xf32>,
          %get3A_180 = vector.shape_cast %get3A_179 : vector<1x16xf32> to vector<16xf32>
          %mul3A_181 = arith.mulf %get3A_180, %gather3A_162 : vector<16xf32>
          %swap3A_182 = arith.index_cast %add3A_166 : i32 to index
          %swap3A_183 = arith.constant 16 : index
          %swap3A_184 = tpu.vector_load %arg10[%swap3A_182, %swap3A_183] {strides = array<i32>} : memref<96x128xf32, #tpu.memory_space<vmem>>, vector<1x16xf32>,
          %swap3A_185 = vector.shape_cast %swap3A_184 : vector<1x16xf32> to vector<16xf32>
          %swap3A_186 = vector.shape_cast %mul3A_181 : vector<16xf32> to vector<1x16xf32>
          tpu.vector_store %arg10[%swap3A_182, %swap3A_183], %swap3A_186 {strides = array<i32>} : memref<96x128xf32, #tpu.memory_space<vmem>>, vector<1x16xf32>,
          %get3A_187 = arith.index_cast %add3A_166 : i32 to index
          %get3A_188 = arith.constant 32 : index
          %get3A_189 = tpu.vector_load %arg10[%get3A_187, %get3A_188] {strides = array<i32>} : memref<96x128xf32, #tpu.memory_space<vmem>>, vector<1x16xf32>,
          %get3A_190 = vector.shape_cast %get3A_189 : vector<1x16xf32> to vector<16xf32>
          %mul3A_191 = arith.mulf %get3A_190, %gather3A_162 : vector<16xf32>
          %swap3A_192 = arith.index_cast %add3A_166 : i32 to index
          %swap3A_193 = arith.constant 32 : index
          %swap3A_194 = tpu.vector_load %arg10[%swap3A_192, %swap3A_193] {strides = array<i32>} : memref<96x128xf32, #tpu.memory_space<vmem>>, vector<1x16xf32>,
          %swap3A_195 = vector.shape_cast %swap3A_194 : vector<1x16xf32> to vector<16xf32>
          %swap3A_196 = vector.shape_cast %mul3A_191 : vector<16xf32> to vector<1x16xf32>
          tpu.vector_store %arg10[%swap3A_192, %swap3A_193], %swap3A_196 {strides = array<i32>} : memref<96x128xf32, #tpu.memory_space<vmem>>, vector<1x16xf32>,
          %get3A_197 = arith.index_cast %add3A_166 : i32 to index
          %get3A_198 = arith.constant 48 : index
          %get3A_199 = tpu.vector_load %arg10[%get3A_197, %get3A_198] {strides = array<i32>} : memref<96x128xf32, #tpu.memory_space<vmem>>, vector<1x16xf32>,
          %get3A_200 = vector.shape_cast %get3A_199 : vector<1x16xf32> to vector<16xf32>
          %mul3A_201 = arith.mulf %get3A_200, %gather3A_162 : vector<16xf32>
          %swap3A_202 = arith.index_cast %add3A_166 : i32 to index
          %swap3A_203 = arith.constant 48 : index
          %swap3A_204 = tpu.vector_load %arg10[%swap3A_202, %swap3A_203] {strides = array<i32>} : memref<96x128xf32, #tpu.memory_space<vmem>>, vector<1x16xf32>,
          %swap3A_205 = vector.shape_cast %swap3A_204 : vector<1x16xf32> to vector<16xf32>
          %swap3A_206 = vector.shape_cast %mul3A_201 : vector<16xf32> to vector<1x16xf32>
          tpu.vector_store %arg10[%swap3A_202, %swap3A_203], %swap3A_206 {strides = array<i32>} : memref<96x128xf32, #tpu.memory_space<vmem>>, vector<1x16xf32>,
          %get3A_207 = arith.index_cast %add3A_166 : i32 to index
          %get3A_208 = arith.constant 64 : index
          %get3A_209 = tpu.vector_load %arg10[%get3A_207, %get3A_208] {strides = array<i32>} : memref<96x128xf32, #tpu.memory_space<vmem>>, vector<1x16xf32>,
          %get3A_210 = vector.shape_cast %get3A_209 : vector<1x16xf32> to vector<16xf32>
          %mul3A_211 = arith.mulf %get3A_210, %gather3A_162 : vector<16xf32>
          %swap3A_212 = arith.index_cast %add3A_166 : i32 to index
          %swap3A_213 = arith.constant 64 : index
          %swap3A_214 = tpu.vector_load %arg10[%swap3A_212, %swap3A_213] {strides = array<i32>} : memref<96x128xf32, #tpu.memory_space<vmem>>, vector<1x16xf32>,
          %swap3A_215 = vector.shape_cast %swap3A_214 : vector<1x16xf32> to vector<16xf32>
          %swap3A_216 = vector.shape_cast %mul3A_211 : vector<16xf32> to vector<1x16xf32>
          tpu.vector_store %arg10[%swap3A_212, %swap3A_213], %swap3A_216 {strides = array<i32>} : memref<96x128xf32, #tpu.memory_space<vmem>>, vector<1x16xf32>,
          %get3A_217 = arith.index_cast %add3A_166 : i32 to index
          %get3A_218 = arith.constant 80 : index
          %get3A_219 = tpu.vector_load %arg10[%get3A_217, %get3A_218] {strides = array<i32>} : memref<96x128xf32, #tpu.memory_space<vmem>>, vector<1x16xf32>,
          %get3A_220 = vector.shape_cast %get3A_219 : vector<1x16xf32> to vector<16xf32>
          %mul3A_221 = arith.mulf %get3A_220, %gather3A_162 : vector<16xf32>
          %swap3A_222 = arith.index_cast %add3A_166 : i32 to index
          %swap3A_223 = arith.constant 80 : index
          %swap3A_224 = tpu.vector_load %arg10[%swap3A_222, %swap3A_223] {strides = array<i32>} : memref<96x128xf32, #tpu.memory_space<vmem>>, vector<1x16xf32>,
          %swap3A_225 = vector.shape_cast %swap3A_224 : vector<1x16xf32> to vector<16xf32>
          %swap3A_226 = vector.shape_cast %mul3A_221 : vector<16xf32> to vector<1x16xf32>
          tpu.vector_store %arg10[%swap3A_222, %swap3A_223], %swap3A_226 {strides = array<i32>} : memref<96x128xf32, #tpu.memory_space<vmem>>, vector<1x16xf32>,
          %get3A_227 = arith.index_cast %add3A_166 : i32 to index
          %get3A_228 = arith.constant 96 : index
          %get3A_229 = tpu.vector_load %arg10[%get3A_227, %get3A_228] {strides = array<i32>} : memref<96x128xf32, #tpu.memory_space<vmem>>, vector<1x16xf32>,
          %get3A_230 = vector.shape_cast %get3A_229 : vector<1x16xf32> to vector<16xf32>
          %mul3A_231 = arith.mulf %get3A_230, %gather3A_162 : vector<16xf32>
          %swap3A_232 = arith.index_cast %add3A_166 : i32 to index
          %swap3A_233 = arith.constant 96 : index
          %swap3A_234 = tpu.vector_load %arg10[%swap3A_232, %swap3A_233] {strides = array<i32>} : memref<96x128xf32, #tpu.memory_space<vmem>>, vector<1x16xf32>,
          %swap3A_235 = vector.shape_cast %swap3A_234 : vector<1x16xf32> to vector<16xf32>
          %swap3A_236 = vector.shape_cast %mul3A_231 : vector<16xf32> to vector<1x16xf32>
          tpu.vector_store %arg10[%swap3A_232, %swap3A_233], %swap3A_236 {strides = array<i32>} : memref<96x128xf32, #tpu.memory_space<vmem>>, vector<1x16xf32>,
          %get3A_237 = arith.index_cast %add3A_166 : i32 to index
          %get3A_238 = arith.constant 112 : index
          %get3A_239 = tpu.vector_load %arg10[%get3A_237, %get3A_238] {strides = array<i32>} : memref<96x128xf32, #tpu.memory_space<vmem>>, vector<1x16xf32>,
          %get3A_240 = vector.shape_cast %get3A_239 : vector<1x16xf32> to vector<16xf32>
          %mul3A_241 = arith.mulf %get3A_240, %gather3A_162 : vector<16xf32>
          %swap3A_242 = arith.index_cast %add3A_166 : i32 to index
          %swap3A_243 = arith.constant 112 : index
          %swap3A_244 = tpu.vector_load %arg10[%swap3A_242, %swap3A_243] {strides = array<i32>} : memref<96x128xf32, #tpu.memory_space<vmem>>, vector<1x16xf32>,
          %swap3A_245 = vector.shape_cast %swap3A_244 : vector<1x16xf32> to vector<16xf32>
          %swap3A_246 = vector.shape_cast %mul3A_241 : vector<16xf32> to vector<1x16xf32>
          tpu.vector_store %arg10[%swap3A_242, %swap3A_243], %swap3A_246 {strides = array<i32>} : memref<96x128xf32, #tpu.memory_space<vmem>>, vector<1x16xf32>,
          %broadcast_in_dim3A_247 = arith.constant 1 : i32
          %broadcast_in_dim3A_248 = vector.broadcast %broadcast_in_dim3A_247 : i32 to vector<16xi32>
          %reshape3A_249 = vector.shape_cast %broadcast_in_dim3A_248 : vector<16xi32> to vector<16x1xi32>
          %gather3A_250 = vector.shape_cast %reshape3A_249 : vector<16x1xi32> to vector<16xi32>
          %gather3A_251 = tpu.dynamic_gather %get3A_160[%gather3A_250] in [0] : vector<16xf32>, vector<16xi32> -> vector<16xf32>
          %mul3A_252 = arith.constant 16 : i32
          %mul3A_253 = arith.muli %add3A_154, %mul3A_252 : i32
          %add3A_254 = arith.constant 1 : i32
          %add3A_255 = arith.addi %mul3A_253, %add3A_254 : i32
          %get3A_256 = arith.index_cast %add3A_255 : i32 to index
          %get3A_257 = arith.constant 0 : index
          %get3A_258 = tpu.vector_load %arg10[%get3A_256, %get3A_257] {strides = array<i32>} : memref<96x128xf32, #tpu.memory_space<vmem>>, vector<1x16xf32>,
          %get3A_259 = vector.shape_cast %get3A_258 : vector<1x16xf32> to vector<16xf32>
          %mul3A_260 = arith.mulf %get3A_259, %gather3A_251 : vector<16xf32>
          %swap3A_261 = arith.index_cast %add3A_255 : i32 to index
          %swap3A_262 = arith.constant 0 : index
          %swap3A_263 = tpu.vector_load %arg10[%swap3A_261, %swap3A_262] {strides = array<i32>} : memref<96x128xf32, #tpu.memory_space<vmem>>, vector<1x16xf32>,
          %swap3A_264 = vector.shape_cast %swap3A_263 : vector<1x16xf32> to vector<16xf32>
          %swap3A_265 = vector.shape_cast %mul3A_260 : vector<16xf32> to vector<1x16xf32>
          tpu.vector_store %arg10[%swap3A_261, %swap3A_262], %swap3A_265 {strides = array<i32>} : memref<96x128xf32, #tpu.memory_space<vmem>>, vector<1x16xf32>,
          %get3A_266 = arith.index_cast %add3A_255 : i32 to index
          %get3A_267 = arith.constant 16 : index
          %get3A_268 = tpu.vector_load %arg10[%get3A_266, %get3A_267] {strides = array<i32>} : memref<96x128xf32, #tpu.memory_space<vmem>>, vector<1x16xf32>,
          %get3A_269 = vector.shape_cast %get3A_268 : vector<1x16xf32> to vector<16xf32>
          %mul3A_270 = arith.mulf %get3A_269, %gather3A_251 : vector<16xf32>
          %swap3A_271 = arith.index_cast %add3A_255 : i32 to index
          %swap3A_272 = arith.constant 16 : index
          %swap3A_273 = tpu.vector_load %arg10[%swap3A_271, %swap3A_272] {strides = array<i32>} : memref<96x128xf32, #tpu.memory_space<vmem>>, vector<1x16xf32>,
          %swap3A_274 = vector.shape_cast %swap3A_273 : vector<1x16xf32> to vector<16xf32>
          %swap3A_275 = vector.shape_cast %mul3A_270 : vector<16xf32> to vector<1x16xf32>
          tpu.vector_store %arg10[%swap3A_271, %swap3A_272], %swap3A_275 {strides = array<i32>} : memref<96x128xf32, #tpu.memory_space<vmem>>, vector<1x16xf32>,
          %get3A_276 = arith.index_cast %add3A_255 : i32 to index
          %get3A_277 = arith.constant 32 : index
          %get3A_278 = tpu.vector_load %arg10[%get3A_276, %get3A_277] {strides = array<i32>} : memref<96x128xf32, #tpu.memory_space<vmem>>, vector<1x16xf32>,
          %get3A_279 = vector.shape_cast %get3A_278 : vector<1x16xf32> to vector<16xf32>
          %mul3A_280 = arith.mulf %get3A_279, %gather3A_251 : vector<16xf32>
          %swap3A_281 = arith.index_cast %add3A_255 : i32 to index
          %swap3A_282 = arith.constant 32 : index
          %swap3A_283 = tpu.vector_load %arg10[%swap3A_281, %swap3A_282] {strides = array<i32>} : memref<96x128xf32, #tpu.memory_space<vmem>>, vector<1x16xf32>,
          %swap3A_284 = vector.shape_cast %swap3A_283 : vector<1x16xf32> to vector<16xf32>
          %swap3A_285 = vector.shape_cast %mul3A_280 : vector<16xf32> to vector<1x16xf32>
          tpu.vector_store %arg10[%swap3A_281, %swap3A_282], %swap3A_285 {strides = array<i32>} : memref<96x128xf32, #tpu.memory_space<vmem>>, vector<1x16xf32>,
          %get3A_286 = arith.index_cast %add3A_255 : i32 to index
          %get3A_287 = arith.constant 48 : index
          %get3A_288 = tpu.vector_load %arg10[%get3A_286, %get3A_287] {strides = array<i32>} : memref<96x128xf32, #tpu.memory_space<vmem>>, vector<1x16xf32>,
          %get3A_289 = vector.shape_cast %get3A_288 : vector<1x16xf32> to vector<16xf32>
          %mul3A_290 = arith.mulf %get3A_289, %gather3A_251 : vector<16xf32>
          %swap3A_291 = arith.index_cast %add3A_255 : i32 to index
          %swap3A_292 = arith.constant 48 : index
          %swap3A_293 = tpu.vector_load %arg10[%swap3A_291, %swap3A_292] {strides = array<i32>} : memref<96x128xf32, #tpu.memory_space<vmem>>, vector<1x16xf32>,
          %swap3A_294 = vector.shape_cast %swap3A_293 : vector<1x16xf32> to vector<16xf32>
          %swap3A_295 = vector.shape_cast %mul3A_290 : vector<16xf32> to vector<1x16xf32>
          tpu.vector_store %arg10[%swap3A_291, %swap3A_292], %swap3A_295 {strides = array<i32>} : memref<96x128xf32, #tpu.memory_space<vmem>>, vector<1x16xf32>,
          %get3A_296 = arith.index_cast %add3A_255 : i32 to index
          %get3A_297 = arith.constant 64 : index
          %get3A_298 = tpu.vector_load %arg10[%get3A_296, %get3A_297] {strides = array<i32>} : memref<96x128xf32, #tpu.memory_space<vmem>>, vector<1x16xf32>,
          %get3A_299 = vector.shape_cast %get3A_298 : vector<1x16xf32> to vector<16xf32>
          %mul3A_300 = arith.mulf %get3A_299, %gather3A_251 : vector<16xf32>
          %swap3A_301 = arith.index_cast %add3A_255 : i32 to index
          %swap3A_302 = arith.constant 64 : index
          %swap3A_303 = tpu.vector_load %arg10[%swap3A_301, %swap3A_302] {strides = array<i32>} : memref<96x128xf32, #tpu.memory_space<vmem>>, vector<1x16xf32>,
          %swap3A_304 = vector.shape_cast %swap3A_303 : vector<1x16xf32> to vector<16xf32>
          %swap3A_305 = vector.shape_cast %mul3A_300 : vector<16xf32> to vector<1x16xf32>
          tpu.vector_store %arg10[%swap3A_301, %swap3A_302], %swap3A_305 {strides = array<i32>} : memref<96x128xf32, #tpu.memory_space<vmem>>, vector<1x16xf32>,
          %get3A_306 = arith.index_cast %add3A_255 : i32 to index
          %get3A_307 = arith.constant 80 : index
          %get3A_308 = tpu.vector_load %arg10[%get3A_306, %get3A_307] {strides = array<i32>} : memref<96x128xf32, #tpu.memory_space<vmem>>, vector<1x16xf32>,
          %get3A_309 = vector.shape_cast %get3A_308 : vector<1x16xf32> to vector<16xf32>
          %mul3A_310 = arith.mulf %get3A_309, %gather3A_251 : vector<16xf32>
          %swap3A_311 = arith.index_cast %add3A_255 : i32 to index
          %swap3A_312 = arith.constant 80 : index
          %swap3A_313 = tpu.vector_load %arg10[%swap3A_311, %swap3A_312] {strides = array<i32>} : memref<96x128xf32, #tpu.memory_space<vmem>>, vector<1x16xf32>,
          %swap3A_314 = vector.shape_cast %swap3A_313 : vector<1x16xf32> to vector<16xf32>
          %swap3A_315 = vector.shape_cast %mul3A_310 : vector<16xf32> to vector<1x16xf32>
          tpu.vector_store %arg10[%swap3A_311, %swap3A_312], %swap3A_315 {strides = array<i32>} : memref<96x128xf32, #tpu.memory_space<vmem>>, vector<1x16xf32>,
          %get3A_316 = arith.index_cast %add3A_255 : i32 to index
          %get3A_317 = arith.constant 96 : index
          %get3A_318 = tpu.vector_load %arg10[%get3A_316, %get3A_317] {strides = array<i32>} : memref<96x128xf32, #tpu.memory_space<vmem>>, vector<1x16xf32>,
          %get3A_319 = vector.shape_cast %get3A_318 : vector<1x16xf32> to vector<16xf32>
          %mul3A_320 = arith.mulf %get3A_319, %gather3A_251 : vector<16xf32>
          %swap3A_321 = arith.index_cast %add3A_255 : i32 to index
          %swap3A_322 = arith.constant 96 : index
          %swap3A_323 = tpu.vector_load %arg10[%swap3A_321, %swap3A_322] {strides = array<i32>} : memref<96x128xf32, #tpu.memory_space<vmem>>, vector<1x16xf32>,
          %swap3A_324 = vector.shape_cast %swap3A_323 : vector<1x16xf32> to vector<16xf32>
          %swap3A_325 = vector.shape_cast %mul3A_320 : vector<16xf32> to vector<1x16xf32>
          tpu.vector_store %arg10[%swap3A_321, %swap3A_322], %swap3A_325 {strides = array<i32>} : memref<96x128xf32, #tpu.memory_space<vmem>>, vector<1x16xf32>,
          %get3A_326 = arith.index_cast %add3A_255 : i32 to index
          %get3A_327 = arith.constant 112 : index
          %get3A_328 = tpu.vector_load %arg10[%get3A_326, %get3A_327] {strides = array<i32>} : memref<96x128xf32, #tpu.memory_space<vmem>>, vector<1x16xf32>,
          %get3A_329 = vector.shape_cast %get3A_328 : vector<1x16xf32> to vector<16xf32>
          %mul3A_330 = arith.mulf %get3A_329, %gather3A_251 : vector<16xf32>
          %swap3A_331 = arith.index_cast %add3A_255 : i32 to index
          %swap3A_332 = arith.constant 112 : index
          %swap3A_333 = tpu.vector_load %arg10[%swap3A_331, %swap3A_332] {strides = array<i32>} : memref<96x128xf32, #tpu.memory_space<vmem>>, vector<1x16xf32>,
          %swap3A_334 = vector.shape_cast %swap3A_333 : vector<1x16xf32> to vector<16xf32>
          %swap3A_335 = vector.shape_cast %mul3A_330 : vector<16xf32> to vector<1x16xf32>
          tpu.vector_store %arg10[%swap3A_331, %swap3A_332], %swap3A_335 {strides = array<i32>} : memref<96x128xf32, #tpu.memory_space<vmem>>, vector<1x16xf32>,
          %broadcast_in_dim3A_336 = arith.constant 2 : i32
          %broadcast_in_dim3A_337 = vector.broadcast %broadcast_in_dim3A_336 : i32 to vector<16xi32>
          %reshape3A_338 = vector.shape_cast %broadcast_in_dim3A_337 : vector<16xi32> to vector<16x1xi32>
          %gather3A_339 = vector.shape_cast %reshape3A_338 : vector<16x1xi32> to vector<16xi32>
          %gather3A_340 = tpu.dynamic_gather %get3A_160[%gather3A_339] in [0] : vector<16xf32>, vector<16xi32> -> vector<16xf32>
          %mul3A_341 = arith.constant 16 : i32
          %mul3A_342 = arith.muli %add3A_154, %mul3A_341 : i32
          %add3A_343 = arith.constant 2 : i32
          %add3A_344 = arith.addi %mul3A_342, %add3A_343 : i32
          %get3A_345 = arith.index_cast %add3A_344 : i32 to index
          %get3A_346 = arith.constant 0 : index
          %get3A_347 = tpu.vector_load %arg10[%get3A_345, %get3A_346] {strides = array<i32>} : memref<96x128xf32, #tpu.memory_space<vmem>>, vector<1x16xf32>,
          %get3A_348 = vector.shape_cast %get3A_347 : vector<1x16xf32> to vector<16xf32>
          %mul3A_349 = arith.mulf %get3A_348, %gather3A_340 : vector<16xf32>
          %swap3A_350 = arith.index_cast %add3A_344 : i32 to index
          %swap3A_351 = arith.constant 0 : index
          %swap3A_352 = tpu.vector_load %arg10[%swap3A_350, %swap3A_351] {strides = array<i32>} : memref<96x128xf32, #tpu.memory_space<vmem>>, vector<1x16xf32>,
          %swap3A_353 = vector.shape_cast %swap3A_352 : vector<1x16xf32> to vector<16xf32>
          %swap3A_354 = vector.shape_cast %mul3A_349 : vector<16xf32> to vector<1x16xf32>
          tpu.vector_store %arg10[%swap3A_350, %swap3A_351], %swap3A_354 {strides = array<i32>} : memref<96x128xf32, #tpu.memory_space<vmem>>, vector<1x16xf32>,
          %get3A_355 = arith.index_cast %add3A_344 : i32 to index
          %get3A_356 = arith.constant 16 : index
          %get3A_357 = tpu.vector_load %arg10[%get3A_355, %get3A_356] {strides = array<i32>} : memref<96x128xf32, #tpu.memory_space<vmem>>, vector<1x16xf32>,
          %get3A_358 = vector.shape_cast %get3A_357 : vector<1x16xf32> to vector<16xf32>
          %mul3A_359 = arith.mulf %get3A_358, %gather3A_340 : vector<16xf32>
          %swap3A_360 = arith.index_cast %add3A_344 : i32 to index
          %swap3A_361 = arith.constant 16 : index
          %swap3A_362 = tpu.vector_load %arg10[%swap3A_360, %swap3A_361] {strides = array<i32>} : memref<96x128xf32, #tpu.memory_space<vmem>>, vector<1x16xf32>,
          %swap3A_363 = vector.shape_cast %swap3A_362 : vector<1x16xf32> to vector<16xf32>
          %swap3A_364 = vector.shape_cast %mul3A_359 : vector<16xf32> to vector<1x16xf32>
          tpu.vector_store %arg10[%swap3A_360, %swap3A_361], %swap3A_364 {strides = array<i32>} : memref<96x128xf32, #tpu.memory_space<vmem>>, vector<1x16xf32>,
          %get3A_365 = arith.index_cast %add3A_344 : i32 to index
          %get3A_366 = arith.constant 32 : index
          %get3A_367 = tpu.vector_load %arg10[%get3A_365, %get3A_366] {strides = array<i32>} : memref<96x128xf32, #tpu.memory_space<vmem>>, vector<1x16xf32>,
          %get3A_368 = vector.shape_cast %get3A_367 : vector<1x16xf32> to vector<16xf32>
          %mul3A_369 = arith.mulf %get3A_368, %gather3A_340 : vector<16xf32>
          %swap3A_370 = arith.index_cast %add3A_344 : i32 to index
          %swap3A_371 = arith.constant 32 : index
          %swap3A_372 = tpu.vector_load %arg10[%swap3A_370, %swap3A_371] {strides = array<i32>} : memref<96x128xf32, #tpu.memory_space<vmem>>, vector<1x16xf32>,
          %swap3A_373 = vector.shape_cast %swap3A_372 : vector<1x16xf32> to vector<16xf32>
          %swap3A_374 = vector.shape_cast %mul3A_369 : vector<16xf32> to vector<1x16xf32>
          tpu.vector_store %arg10[%swap3A_370, %swap3A_371], %swap3A_374 {strides = array<i32>} : memref<96x128xf32, #tpu.memory_space<vmem>>, vector<1x16xf32>,
          %get3A_375 = arith.index_cast %add3A_344 : i32 to index
          %get3A_376 = arith.constant 48 : index
          %get3A_377 = tpu.vector_load %arg10[%get3A_375, %get3A_376] {strides = array<i32>} : memref<96x128xf32, #tpu.memory_space<vmem>>, vector<1x16xf32>,
          %get3A_378 = vector.shape_cast %get3A_377 : vector<1x16xf32> to vector<16xf32>
          %mul3A_379 = arith.mulf %get3A_378, %gather3A_340 : vector<16xf32>
          %swap3A_380 = arith.index_cast %add3A_344 : i32 to index
          %swap3A_381 = arith.constant 48 : index
          %swap3A_382 = tpu.vector_load %arg10[%swap3A_380, %swap3A_381] {strides = array<i32>} : memref<96x128xf32, #tpu.memory_space<vmem>>, vector<1x16xf32>,
          %swap3A_383 = vector.shape_cast %swap3A_382 : vector<1x16xf32> to vector<16xf32>
          %swap3A_384 = vector.shape_cast %mul3A_379 : vector<16xf32> to vector<1x16xf32>
          tpu.vector_store %arg10[%swap3A_380, %swap3A_381], %swap3A_384 {strides = array<i32>} : memref<96x128xf32, #tpu.memory_space<vmem>>, vector<1x16xf32>,
          %get3A_385 = arith.index_cast %add3A_344 : i32 to index
          %get3A_386 = arith.constant 64 : index
          %get3A_387 = tpu.vector_load %arg10[%get3A_385, %get3A_386] {strides = array<i32>} : memref<96x128xf32, #tpu.memory_space<vmem>>, vector<1x16xf32>,
          %get3A_388 = vector.shape_cast %get3A_387 : vector<1x16xf32> to vector<16xf32>
          %mul3A_389 = arith.mulf %get3A_388, %gather3A_340 : vector<16xf32>
          %swap3A_390 = arith.index_cast %add3A_344 : i32 to index
          %swap3A_391 = arith.constant 64 : index
          %swap3A_392 = tpu.vector_load %arg10[%swap3A_390, %swap3A_391] {strides = array<i32>} : memref<96x128xf32, #tpu.memory_space<vmem>>, vector<1x16xf32>,
          %swap3A_393 = vector.shape_cast %swap3A_392 : vector<1x16xf32> to vector<16xf32>
          %swap3A_394 = vector.shape_cast %mul3A_389 : vector<16xf32> to vector<1x16xf32>
          tpu.vector_store %arg10[%swap3A_390, %swap3A_391], %swap3A_394 {strides = array<i32>} : memref<96x128xf32, #tpu.memory_space<vmem>>, vector<1x16xf32>,
          %get3A_395 = arith.index_cast %add3A_344 : i32 to index
          %get3A_396 = arith.constant 80 : index
          %get3A_397 = tpu.vector_load %arg10[%get3A_395, %get3A_396] {strides = array<i32>} : memref<96x128xf32, #tpu.memory_space<vmem>>, vector<1x16xf32>,
          %get3A_398 = vector.shape_cast %get3A_397 : vector<1x16xf32> to vector<16xf32>
          %mul3A_399 = arith.mulf %get3A_398, %gather3A_340 : vector<16xf32>
          %swap3A_400 = arith.index_cast %add3A_344 : i32 to index
          %swap3A_401 = arith.constant 80 : index
          %swap3A_402 = tpu.vector_load %arg10[%swap3A_400, %swap3A_401] {strides = array<i32>} : memref<96x128xf32, #tpu.memory_space<vmem>>, vector<1x16xf32>,
          %swap3A_403 = vector.shape_cast %swap3A_402 : vector<1x16xf32> to vector<16xf32>
          %swap3A_404 = vector.shape_cast %mul3A_399 : vector<16xf32> to vector<1x16xf32>
          tpu.vector_store %arg10[%swap3A_400, %swap3A_401], %swap3A_404 {strides = array<i32>} : memref<96x128xf32, #tpu.memory_space<vmem>>, vector<1x16xf32>,
          %get3A_405 = arith.index_cast %add3A_344 : i32 to index
          %get3A_406 = arith.constant 96 : index
          %get3A_407 = tpu.vector_load %arg10[%get3A_405, %get3A_406] {strides = array<i32>} : memref<96x128xf32, #tpu.memory_space<vmem>>, vector<1x16xf32>,
          %get3A_408 = vector.shape_cast %get3A_407 : vector<1x16xf32> to vector<16xf32>
          %mul3A_409 = arith.mulf %get3A_408, %gather3A_340 : vector<16xf32>
          %swap3A_410 = arith.index_cast %add3A_344 : i32 to index
          %swap3A_411 = arith.constant 96 : index
          %swap3A_412 = tpu.vector_load %arg10[%swap3A_410, %swap3A_411] {strides = array<i32>} : memref<96x128xf32, #tpu.memory_space<vmem>>, vector<1x16xf32>,
          %swap3A_413 = vector.shape_cast %swap3A_412 : vector<1x16xf32> to vector<16xf32>
          %swap3A_414 = vector.shape_cast %mul3A_409 : vector<16xf32> to vector<1x16xf32>
          tpu.vector_store %arg10[%swap3A_410, %swap3A_411], %swap3A_414 {strides = array<i32>} : memref<96x128xf32, #tpu.memory_space<vmem>>, vector<1x16xf32>,
          %get3A_415 = arith.index_cast %add3A_344 : i32 to index
          %get3A_416 = arith.constant 112 : index
          %get3A_417 = tpu.vector_load %arg10[%get3A_415, %get3A_416] {strides = array<i32>} : memref<96x128xf32, #tpu.memory_space<vmem>>, vector<1x16xf32>,
          %get3A_418 = vector.shape_cast %get3A_417 : vector<1x16xf32> to vector<16xf32>
          %mul3A_419 = arith.mulf %get3A_418, %gather3A_340 : vector<16xf32>
          %swap3A_420 = arith.index_cast %add3A_344 : i32 to index
          %swap3A_421 = arith.constant 112 : index
          %swap3A_422 = tpu.vector_load %arg10[%swap3A_420, %swap3A_421] {strides = array<i32>} : memref<96x128xf32, #tpu.memory_space<vmem>>, vector<1x16xf32>,
          %swap3A_423 = vector.shape_cast %swap3A_422 : vector<1x16xf32> to vector<16xf32>
          %swap3A_424 = vector.shape_cast %mul3A_419 : vector<16xf32> to vector<1x16xf32>
          tpu.vector_store %arg10[%swap3A_420, %swap3A_421], %swap3A_424 {strides = array<i32>} : memref<96x128xf32, #tpu.memory_space<vmem>>, vector<1x16xf32>,
          %broadcast_in_dim3A_425 = arith.constant 3 : i32
          %broadcast_in_dim3A_426 = vector.broadcast %broadcast_in_dim3A_425 : i32 to vector<16xi32>
          %reshape3A_427 = vector.shape_cast %broadcast_in_dim3A_426 : vector<16xi32> to vector<16x1xi32>
          %gather3A_428 = vector.shape_cast %reshape3A_427 : vector<16x1xi32> to vector<16xi32>
          %gather3A_429 = tpu.dynamic_gather %get3A_160[%gather3A_428] in [0] : vector<16xf32>, vector<16xi32> -> vector<16xf32>
          %mul3A_430 = arith.constant 16 : i32
          %mul3A_431 = arith.muli %add3A_154, %mul3A_430 : i32
          %add3A_432 = arith.constant 3 : i32
          %add3A_433 = arith.addi %mul3A_431, %add3A_432 : i32
          %get3A_434 = arith.index_cast %add3A_433 : i32 to index
          %get3A_435 = arith.constant 0 : index
          %get3A_436 = tpu.vector_load %arg10[%get3A_434, %get3A_435] {strides = array<i32>} : memref<96x128xf32, #tpu.memory_space<vmem>>, vector<1x16xf32>,
          %get3A_437 = vector.shape_cast %get3A_436 : vector<1x16xf32> to vector<16xf32>
          %mul3A_438 = arith.mulf %get3A_437, %gather3A_429 : vector<16xf32>
          %swap3A_439 = arith.index_cast %add3A_433 : i32 to index
          %swap3A_440 = arith.constant 0 : index
          %swap3A_441 = tpu.vector_load %arg10[%swap3A_439, %swap3A_440] {strides = array<i32>} : memref<96x128xf32, #tpu.memory_space<vmem>>, vector<1x16xf32>,
          %swap3A_442 = vector.shape_cast %swap3A_441 : vector<1x16xf32> to vector<16xf32>
          %swap3A_443 = vector.shape_cast %mul3A_438 : vector<16xf32> to vector<1x16xf32>
          tpu.vector_store %arg10[%swap3A_439, %swap3A_440], %swap3A_443 {strides = array<i32>} : memref<96x128xf32, #tpu.memory_space<vmem>>, vector<1x16xf32>,
          %get3A_444 = arith.index_cast %add3A_433 : i32 to index
          %get3A_445 = arith.constant 16 : index
          %get3A_446 = tpu.vector_load %arg10[%get3A_444, %get3A_445] {strides = array<i32>} : memref<96x128xf32, #tpu.memory_space<vmem>>, vector<1x16xf32>,
          %get3A_447 = vector.shape_cast %get3A_446 : vector<1x16xf32> to vector<16xf32>
          %mul3A_448 = arith.mulf %get3A_447, %gather3A_429 : vector<16xf32>
          %swap3A_449 = arith.index_cast %add3A_433 : i32 to index
          %swap3A_450 = arith.constant 16 : index
          %swap3A_451 = tpu.vector_load %arg10[%swap3A_449, %swap3A_450] {strides = array<i32>} : memref<96x128xf32, #tpu.memory_space<vmem>>, vector<1x16xf32>,
          %swap3A_452 = vector.shape_cast %swap3A_451 : vector<1x16xf32> to vector<16xf32>
          %swap3A_453 = vector.shape_cast %mul3A_448 : vector<16xf32> to vector<1x16xf32>
          tpu.vector_store %arg10[%swap3A_449, %swap3A_450], %swap3A_453 {strides = array<i32>} : memref<96x128xf32, #tpu.memory_space<vmem>>, vector<1x16xf32>,
          %get3A_454 = arith.index_cast %add3A_433 : i32 to index
          %get3A_455 = arith.constant 32 : index
          %get3A_456 = tpu.vector_load %arg10[%get3A_454, %get3A_455] {strides = array<i32>} : memref<96x128xf32, #tpu.memory_space<vmem>>, vector<1x16xf32>,
          %get3A_457 = vector.shape_cast %get3A_456 : vector<1x16xf32> to vector<16xf32>
          %mul3A_458 = arith.mulf %get3A_457, %gather3A_429 : vector<16xf32>
          %swap3A_459 = arith.index_cast %add3A_433 : i32 to index
          %swap3A_460 = arith.constant 32 : index
          %swap3A_461 = tpu.vector_load %arg10[%swap3A_459, %swap3A_460] {strides = array<i32>} : memref<96x128xf32, #tpu.memory_space<vmem>>, vector<1x16xf32>,
          %swap3A_462 = vector.shape_cast %swap3A_461 : vector<1x16xf32> to vector<16xf32>
          %swap3A_463 = vector.shape_cast %mul3A_458 : vector<16xf32> to vector<1x16xf32>
          tpu.vector_store %arg10[%swap3A_459, %swap3A_460], %swap3A_463 {strides = array<i32>} : memref<96x128xf32, #tpu.memory_space<vmem>>, vector<1x16xf32>,
          %get3A_464 = arith.index_cast %add3A_433 : i32 to index
          %get3A_465 = arith.constant 48 : index
          %get3A_466 = tpu.vector_load %arg10[%get3A_464, %get3A_465] {strides = array<i32>} : memref<96x128xf32, #tpu.memory_space<vmem>>, vector<1x16xf32>,
          %get3A_467 = vector.shape_cast %get3A_466 : vector<1x16xf32> to vector<16xf32>
          %mul3A_468 = arith.mulf %get3A_467, %gather3A_429 : vector<16xf32>
          %swap3A_469 = arith.index_cast %add3A_433 : i32 to index
          %swap3A_470 = arith.constant 48 : index
          %swap3A_471 = tpu.vector_load %arg10[%swap3A_469, %swap3A_470] {strides = array<i32>} : memref<96x128xf32, #tpu.memory_space<vmem>>, vector<1x16xf32>,
          %swap3A_472 = vector.shape_cast %swap3A_471 : vector<1x16xf32> to vector<16xf32>
          %swap3A_473 = vector.shape_cast %mul3A_468 : vector<16xf32> to vector<1x16xf32>
          tpu.vector_store %arg10[%swap3A_469, %swap3A_470], %swap3A_473 {strides = array<i32>} : memref<96x128xf32, #tpu.memory_space<vmem>>, vector<1x16xf32>,
          %get3A_474 = arith.index_cast %add3A_433 : i32 to index
          %get3A_475 = arith.constant 64 : index
          %get3A_476 = tpu.vector_load %arg10[%get3A_474, %get3A_475] {strides = array<i32>} : memref<96x128xf32, #tpu.memory_space<vmem>>, vector<1x16xf32>,
          %get3A_477 = vector.shape_cast %get3A_476 : vector<1x16xf32> to vector<16xf32>
          %mul3A_478 = arith.mulf %get3A_477, %gather3A_429 : vector<16xf32>
          %swap3A_479 = arith.index_cast %add3A_433 : i32 to index
          %swap3A_480 = arith.constant 64 : index
          %swap3A_481 = tpu.vector_load %arg10[%swap3A_479, %swap3A_480] {strides = array<i32>} : memref<96x128xf32, #tpu.memory_space<vmem>>, vector<1x16xf32>,
          %swap3A_482 = vector.shape_cast %swap3A_481 : vector<1x16xf32> to vector<16xf32>
          %swap3A_483 = vector.shape_cast %mul3A_478 : vector<16xf32> to vector<1x16xf32>
          tpu.vector_store %arg10[%swap3A_479, %swap3A_480], %swap3A_483 {strides = array<i32>} : memref<96x128xf32, #tpu.memory_space<vmem>>, vector<1x16xf32>,
          %get3A_484 = arith.index_cast %add3A_433 : i32 to index
          %get3A_485 = arith.constant 80 : index
          %get3A_486 = tpu.vector_load %arg10[%get3A_484, %get3A_485] {strides = array<i32>} : memref<96x128xf32, #tpu.memory_space<vmem>>, vector<1x16xf32>,
          %get3A_487 = vector.shape_cast %get3A_486 : vector<1x16xf32> to vector<16xf32>
          %mul3A_488 = arith.mulf %get3A_487, %gather3A_429 : vector<16xf32>
          %swap3A_489 = arith.index_cast %add3A_433 : i32 to index
          %swap3A_490 = arith.constant 80 : index
          %swap3A_491 = tpu.vector_load %arg10[%swap3A_489, %swap3A_490] {strides = array<i32>} : memref<96x128xf32, #tpu.memory_space<vmem>>, vector<1x16xf32>,
          %swap3A_492 = vector.shape_cast %swap3A_491 : vector<1x16xf32> to vector<16xf32>
          %swap3A_493 = vector.shape_cast %mul3A_488 : vector<16xf32> to vector<1x16xf32>
          tpu.vector_store %arg10[%swap3A_489, %swap3A_490], %swap3A_493 {strides = array<i32>} : memref<96x128xf32, #tpu.memory_space<vmem>>, vector<1x16xf32>,
          %get3A_494 = arith.index_cast %add3A_433 : i32 to index
          %get3A_495 = arith.constant 96 : index
          %get3A_496 = tpu.vector_load %arg10[%get3A_494, %get3A_495] {strides = array<i32>} : memref<96x128xf32, #tpu.memory_space<vmem>>, vector<1x16xf32>,
          %get3A_497 = vector.shape_cast %get3A_496 : vector<1x16xf32> to vector<16xf32>
          %mul3A_498 = arith.mulf %get3A_497, %gather3A_429 : vector<16xf32>
          %swap3A_499 = arith.index_cast %add3A_433 : i32 to index
          %swap3A_500 = arith.constant 96 : index
          %swap3A_501 = tpu.vector_load %arg10[%swap3A_499, %swap3A_500] {strides = array<i32>} : memref<96x128xf32, #tpu.memory_space<vmem>>, vector<1x16xf32>,
          %swap3A_502 = vector.shape_cast %swap3A_501 : vector<1x16xf32> to vector<16xf32>
          %swap3A_503 = vector.shape_cast %mul3A_498 : vector<16xf32> to vector<1x16xf32>
          tpu.vector_store %arg10[%swap3A_499, %swap3A_500], %swap3A_503 {strides = array<i32>} : memref<96x128xf32, #tpu.memory_space<vmem>>, vector<1x16xf32>,
          %get3A_504 = arith.index_cast %add3A_433 : i32 to index
          %get3A_505 = arith.constant 112 : index
          %get3A_506 = tpu.vector_load %arg10[%get3A_504, %get3A_505] {strides = array<i32>} : memref<96x128xf32, #tpu.memory_space<vmem>>, vector<1x16xf32>,
          %get3A_507 = vector.shape_cast %get3A_506 : vector<1x16xf32> to vector<16xf32>
          %mul3A_508 = arith.mulf %get3A_507, %gather3A_429 : vector<16xf32>
          %swap3A_509 = arith.index_cast %add3A_433 : i32 to index
          %swap3A_510 = arith.constant 112 : index
          %swap3A_511 = tpu.vector_load %arg10[%swap3A_509, %swap3A_510] {strides = array<i32>} : memref<96x128xf32, #tpu.memory_space<vmem>>, vector<1x16xf32>,
          %swap3A_512 = vector.shape_cast %swap3A_511 : vector<1x16xf32> to vector<16xf32>
          %swap3A_513 = vector.shape_cast %mul3A_508 : vector<16xf32> to vector<1x16xf32>
          tpu.vector_store %arg10[%swap3A_509, %swap3A_510], %swap3A_513 {strides = array<i32>} : memref<96x128xf32, #tpu.memory_space<vmem>>, vector<1x16xf32>,
          %broadcast_in_dim3A_514 = arith.constant 4 : i32
          %broadcast_in_dim3A_515 = vector.broadcast %broadcast_in_dim3A_514 : i32 to vector<16xi32>
          %reshape3A_516 = vector.shape_cast %broadcast_in_dim3A_515 : vector<16xi32> to vector<16x1xi32>
          %gather3A_517 = vector.shape_cast %reshape3A_516 : vector<16x1xi32> to vector<16xi32>
          %gather3A_518 = tpu.dynamic_gather %get3A_160[%gather3A_517] in [0] : vector<16xf32>, vector<16xi32> -> vector<16xf32>
          %mul3A_519 = arith.constant 16 : i32
          %mul3A_520 = arith.muli %add3A_154, %mul3A_519 : i32
          %add3A_521 = arith.constant 4 : i32
          %add3A_522 = arith.addi %mul3A_520, %add3A_521 : i32
          %get3A_523 = arith.index_cast %add3A_522 : i32 to index
          %get3A_524 = arith.constant 0 : index
          %get3A_525 = tpu.vector_load %arg10[%get3A_523, %get3A_524] {strides = array<i32>} : memref<96x128xf32, #tpu.memory_space<vmem>>, vector<1x16xf32>,
          %get3A_526 = vector.shape_cast %get3A_525 : vector<1x16xf32> to vector<16xf32>
          %mul3A_527 = arith.mulf %get3A_526, %gather3A_518 : vector<16xf32>
          %swap3A_528 = arith.index_cast %add3A_522 : i32 to index
          %swap3A_529 = arith.constant 0 : index
          %swap3A_530 = tpu.vector_load %arg10[%swap3A_528, %swap3A_529] {strides = array<i32>} : memref<96x128xf32, #tpu.memory_space<vmem>>, vector<1x16xf32>,
          %swap3A_531 = vector.shape_cast %swap3A_530 : vector<1x16xf32> to vector<16xf32>
          %swap3A_532 = vector.shape_cast %mul3A_527 : vector<16xf32> to vector<1x16xf32>
          tpu.vector_store %arg10[%swap3A_528, %swap3A_529], %swap3A_532 {strides = array<i32>} : memref<96x128xf32, #tpu.memory_space<vmem>>, vector<1x16xf32>,
          %get3A_533 = arith.index_cast %add3A_522 : i32 to index
          %get3A_534 = arith.constant 16 : index
          %get3A_535 = tpu.vector_load %arg10[%get3A_533, %get3A_534] {strides = array<i32>} : memref<96x128xf32, #tpu.memory_space<vmem>>, vector<1x16xf32>,
          %get3A_536 = vector.shape_cast %get3A_535 : vector<1x16xf32> to vector<16xf32>
          %mul3A_537 = arith.mulf %get3A_536, %gather3A_518 : vector<16xf32>
          %swap3A_538 = arith.index_cast %add3A_522 : i32 to index
          %swap3A_539 = arith.constant 16 : index
          %swap3A_540 = tpu.vector_load %arg10[%swap3A_538, %swap3A_539] {strides = array<i32>} : memref<96x128xf32, #tpu.memory_space<vmem>>, vector<1x16xf32>,
          %swap3A_541 = vector.shape_cast %swap3A_540 : vector<1x16xf32> to vector<16xf32>
          %swap3A_542 = vector.shape_cast %mul3A_537 : vector<16xf32> to vector<1x16xf32>
          tpu.vector_store %arg10[%swap3A_538, %swap3A_539], %swap3A_542 {strides = array<i32>} : memref<96x128xf32, #tpu.memory_space<vmem>>, vector<1x16xf32>,
          %get3A_543 = arith.index_cast %add3A_522 : i32 to index
          %get3A_544 = arith.constant 32 : index
          %get3A_545 = tpu.vector_load %arg10[%get3A_543, %get3A_544] {strides = array<i32>} : memref<96x128xf32, #tpu.memory_space<vmem>>, vector<1x16xf32>,
          %get3A_546 = vector.shape_cast %get3A_545 : vector<1x16xf32> to vector<16xf32>
          %mul3A_547 = arith.mulf %get3A_546, %gather3A_518 : vector<16xf32>
          %swap3A_548 = arith.index_cast %add3A_522 : i32 to index
          %swap3A_549 = arith.constant 32 : index
          %swap3A_550 = tpu.vector_load %arg10[%swap3A_548, %swap3A_549] {strides = array<i32>} : memref<96x128xf32, #tpu.memory_space<vmem>>, vector<1x16xf32>,
          %swap3A_551 = vector.shape_cast %swap3A_550 : vector<1x16xf32> to vector<16xf32>
          %swap3A_552 = vector.shape_cast %mul3A_547 : vector<16xf32> to vector<1x16xf32>
          tpu.vector_store %arg10[%swap3A_548, %swap3A_549], %swap3A_552 {strides = array<i32>} : memref<96x128xf32, #tpu.memory_space<vmem>>, vector<1x16xf32>,
          %get3A_553 = arith.index_cast %add3A_522 : i32 to index
          %get3A_554 = arith.constant 48 : index
          %get3A_555 = tpu.vector_load %arg10[%get3A_553, %get3A_554] {strides = array<i32>} : memref<96x128xf32, #tpu.memory_space<vmem>>, vector<1x16xf32>,
          %get3A_556 = vector.shape_cast %get3A_555 : vector<1x16xf32> to vector<16xf32>
          %mul3A_557 = arith.mulf %get3A_556, %gather3A_518 : vector<16xf32>
          %swap3A_558 = arith.index_cast %add3A_522 : i32 to index
          %swap3A_559 = arith.constant 48 : index
          %swap3A_560 = tpu.vector_load %arg10[%swap3A_558, %swap3A_559] {strides = array<i32>} : memref<96x128xf32, #tpu.memory_space<vmem>>, vector<1x16xf32>,
          %swap3A_561 = vector.shape_cast %swap3A_560 : vector<1x16xf32> to vector<16xf32>
          %swap3A_562 = vector.shape_cast %mul3A_557 : vector<16xf32> to vector<1x16xf32>
          tpu.vector_store %arg10[%swap3A_558, %swap3A_559], %swap3A_562 {strides = array<i32>} : memref<96x128xf32, #tpu.memory_space<vmem>>, vector<1x16xf32>,
          %get3A_563 = arith.index_cast %add3A_522 : i32 to index
          %get3A_564 = arith.constant 64 : index
          %get3A_565 = tpu.vector_load %arg10[%get3A_563, %get3A_564] {strides = array<i32>} : memref<96x128xf32, #tpu.memory_space<vmem>>, vector<1x16xf32>,
          %get3A_566 = vector.shape_cast %get3A_565 : vector<1x16xf32> to vector<16xf32>
          %mul3A_567 = arith.mulf %get3A_566, %gather3A_518 : vector<16xf32>
          %swap3A_568 = arith.index_cast %add3A_522 : i32 to index
          %swap3A_569 = arith.constant 64 : index
          %swap3A_570 = tpu.vector_load %arg10[%swap3A_568, %swap3A_569] {strides = array<i32>} : memref<96x128xf32, #tpu.memory_space<vmem>>, vector<1x16xf32>,
          %swap3A_571 = vector.shape_cast %swap3A_570 : vector<1x16xf32> to vector<16xf32>
          %swap3A_572 = vector.shape_cast %mul3A_567 : vector<16xf32> to vector<1x16xf32>
          tpu.vector_store %arg10[%swap3A_568, %swap3A_569], %swap3A_572 {strides = array<i32>} : memref<96x128xf32, #tpu.memory_space<vmem>>, vector<1x16xf32>,
          %get3A_573 = arith.index_cast %add3A_522 : i32 to index
          %get3A_574 = arith.constant 80 : index
          %get3A_575 = tpu.vector_load %arg10[%get3A_573, %get3A_574] {strides = array<i32>} : memref<96x128xf32, #tpu.memory_space<vmem>>, vector<1x16xf32>,
          %get3A_576 = vector.shape_cast %get3A_575 : vector<1x16xf32> to vector<16xf32>
          %mul3A_577 = arith.mulf %get3A_576, %gather3A_518 : vector<16xf32>
          %swap3A_578 = arith.index_cast %add3A_522 : i32 to index
          %swap3A_579 = arith.constant 80 : index
          %swap3A_580 = tpu.vector_load %arg10[%swap3A_578, %swap3A_579] {strides = array<i32>} : memref<96x128xf32, #tpu.memory_space<vmem>>, vector<1x16xf32>,
          %swap3A_581 = vector.shape_cast %swap3A_580 : vector<1x16xf32> to vector<16xf32>
          %swap3A_582 = vector.shape_cast %mul3A_577 : vector<16xf32> to vector<1x16xf32>
          tpu.vector_store %arg10[%swap3A_578, %swap3A_579], %swap3A_582 {strides = array<i32>} : memref<96x128xf32, #tpu.memory_space<vmem>>, vector<1x16xf32>,
          %get3A_583 = arith.index_cast %add3A_522 : i32 to index
          %get3A_584 = arith.constant 96 : index
          %get3A_585 = tpu.vector_load %arg10[%get3A_583, %get3A_584] {strides = array<i32>} : memref<96x128xf32, #tpu.memory_space<vmem>>, vector<1x16xf32>,
          %get3A_586 = vector.shape_cast %get3A_585 : vector<1x16xf32> to vector<16xf32>
          %mul3A_587 = arith.mulf %get3A_586, %gather3A_518 : vector<16xf32>
          %swap3A_588 = arith.index_cast %add3A_522 : i32 to index
          %swap3A_589 = arith.constant 96 : index
          %swap3A_590 = tpu.vector_load %arg10[%swap3A_588, %swap3A_589] {strides = array<i32>} : memref<96x128xf32, #tpu.memory_space<vmem>>, vector<1x16xf32>,
          %swap3A_591 = vector.shape_cast %swap3A_590 : vector<1x16xf32> to vector<16xf32>
          %swap3A_592 = vector.shape_cast %mul3A_587 : vector<16xf32> to vector<1x16xf32>
          tpu.vector_store %arg10[%swap3A_588, %swap3A_589], %swap3A_592 {strides = array<i32>} : memref<96x128xf32, #tpu.memory_space<vmem>>, vector<1x16xf32>,
          %get3A_593 = arith.index_cast %add3A_522 : i32 to index
          %get3A_594 = arith.constant 112 : index
          %get3A_595 = tpu.vector_load %arg10[%get3A_593, %get3A_594] {strides = array<i32>} : memref<96x128xf32, #tpu.memory_space<vmem>>, vector<1x16xf32>,
          %get3A_596 = vector.shape_cast %get3A_595 : vector<1x16xf32> to vector<16xf32>
          %mul3A_597 = arith.mulf %get3A_596, %gather3A_518 : vector<16xf32>
          %swap3A_598 = arith.index_cast %add3A_522 : i32 to index
          %swap3A_599 = arith.constant 112 : index
          %swap3A_600 = tpu.vector_load %arg10[%swap3A_598, %swap3A_599] {strides = array<i32>} : memref<96x128xf32, #tpu.memory_space<vmem>>, vector<1x16xf32>,
          %swap3A_601 = vector.shape_cast %swap3A_600 : vector<1x16xf32> to vector<16xf32>
          %swap3A_602 = vector.shape_cast %mul3A_597 : vector<16xf32> to vector<1x16xf32>
          tpu.vector_store %arg10[%swap3A_598, %swap3A_599], %swap3A_602 {strides = array<i32>} : memref<96x128xf32, #tpu.memory_space<vmem>>, vector<1x16xf32>,
          %broadcast_in_dim3A_603 = arith.constant 5 : i32
          %broadcast_in_dim3A_604 = vector.broadcast %broadcast_in_dim3A_603 : i32 to vector<16xi32>
          %reshape3A_605 = vector.shape_cast %broadcast_in_dim3A_604 : vector<16xi32> to vector<16x1xi32>
          %gather3A_606 = vector.shape_cast %reshape3A_605 : vector<16x1xi32> to vector<16xi32>
          %gather3A_607 = tpu.dynamic_gather %get3A_160[%gather3A_606] in [0] : vector<16xf32>, vector<16xi32> -> vector<16xf32>
          %mul3A_608 = arith.constant 16 : i32
          %mul3A_609 = arith.muli %add3A_154, %mul3A_608 : i32
          %add3A_610 = arith.constant 5 : i32
          %add3A_611 = arith.addi %mul3A_609, %add3A_610 : i32
          %get3A_612 = arith.index_cast %add3A_611 : i32 to index
          %get3A_613 = arith.constant 0 : index
          %get3A_614 = tpu.vector_load %arg10[%get3A_612, %get3A_613] {strides = array<i32>} : memref<96x128xf32, #tpu.memory_space<vmem>>, vector<1x16xf32>,
          %get3A_615 = vector.shape_cast %get3A_614 : vector<1x16xf32> to vector<16xf32>
          %mul3A_616 = arith.mulf %get3A_615, %gather3A_607 : vector<16xf32>
          %swap3A_617 = arith.index_cast %add3A_611 : i32 to index
          %swap3A_618 = arith.constant 0 : index
          %swap3A_619 = tpu.vector_load %arg10[%swap3A_617, %swap3A_618] {strides = array<i32>} : memref<96x128xf32, #tpu.memory_space<vmem>>, vector<1x16xf32>,
          %swap3A_620 = vector.shape_cast %swap3A_619 : vector<1x16xf32> to vector<16xf32>
          %swap3A_621 = vector.shape_cast %mul3A_616 : vector<16xf32> to vector<1x16xf32>
          tpu.vector_store %arg10[%swap3A_617, %swap3A_618], %swap3A_621 {strides = array<i32>} : memref<96x128xf32, #tpu.memory_space<vmem>>, vector<1x16xf32>,
          %get3A_622 = arith.index_cast %add3A_611 : i32 to index
          %get3A_623 = arith.constant 16 : index
          %get3A_624 = tpu.vector_load %arg10[%get3A_622, %get3A_623] {strides = array<i32>} : memref<96x128xf32, #tpu.memory_space<vmem>>, vector<1x16xf32>,
          %get3A_625 = vector.shape_cast %get3A_624 : vector<1x16xf32> to vector<16xf32>
          %mul3A_626 = arith.mulf %get3A_625, %gather3A_607 : vector<16xf32>
          %swap3A_627 = arith.index_cast %add3A_611 : i32 to index
          %swap3A_628 = arith.constant 16 : index
          %swap3A_629 = tpu.vector_load %arg10[%swap3A_627, %swap3A_628] {strides = array<i32>} : memref<96x128xf32, #tpu.memory_space<vmem>>, vector<1x16xf32>,
          %swap3A_630 = vector.shape_cast %swap3A_629 : vector<1x16xf32> to vector<16xf32>
          %swap3A_631 = vector.shape_cast %mul3A_626 : vector<16xf32> to vector<1x16xf32>
          tpu.vector_store %arg10[%swap3A_627, %swap3A_628], %swap3A_631 {strides = array<i32>} : memref<96x128xf32, #tpu.memory_space<vmem>>, vector<1x16xf32>,
          %get3A_632 = arith.index_cast %add3A_611 : i32 to index
          %get3A_633 = arith.constant 32 : index
          %get3A_634 = tpu.vector_load %arg10[%get3A_632, %get3A_633] {strides = array<i32>} : memref<96x128xf32, #tpu.memory_space<vmem>>, vector<1x16xf32>,
          %get3A_635 = vector.shape_cast %get3A_634 : vector<1x16xf32> to vector<16xf32>
          %mul3A_636 = arith.mulf %get3A_635, %gather3A_607 : vector<16xf32>
          %swap3A_637 = arith.index_cast %add3A_611 : i32 to index
          %swap3A_638 = arith.constant 32 : index
          %swap3A_639 = tpu.vector_load %arg10[%swap3A_637, %swap3A_638] {strides = array<i32>} : memref<96x128xf32, #tpu.memory_space<vmem>>, vector<1x16xf32>,
          %swap3A_640 = vector.shape_cast %swap3A_639 : vector<1x16xf32> to vector<16xf32>
          %swap3A_641 = vector.shape_cast %mul3A_636 : vector<16xf32> to vector<1x16xf32>
          tpu.vector_store %arg10[%swap3A_637, %swap3A_638], %swap3A_641 {strides = array<i32>} : memref<96x128xf32, #tpu.memory_space<vmem>>, vector<1x16xf32>,
          %get3A_642 = arith.index_cast %add3A_611 : i32 to index
          %get3A_643 = arith.constant 48 : index
          %get3A_644 = tpu.vector_load %arg10[%get3A_642, %get3A_643] {strides = array<i32>} : memref<96x128xf32, #tpu.memory_space<vmem>>, vector<1x16xf32>,
          %get3A_645 = vector.shape_cast %get3A_644 : vector<1x16xf32> to vector<16xf32>
          %mul3A_646 = arith.mulf %get3A_645, %gather3A_607 : vector<16xf32>
          %swap3A_647 = arith.index_cast %add3A_611 : i32 to index
          %swap3A_648 = arith.constant 48 : index
          %swap3A_649 = tpu.vector_load %arg10[%swap3A_647, %swap3A_648] {strides = array<i32>} : memref<96x128xf32, #tpu.memory_space<vmem>>, vector<1x16xf32>,
          %swap3A_650 = vector.shape_cast %swap3A_649 : vector<1x16xf32> to vector<16xf32>
          %swap3A_651 = vector.shape_cast %mul3A_646 : vector<16xf32> to vector<1x16xf32>
          tpu.vector_store %arg10[%swap3A_647, %swap3A_648], %swap3A_651 {strides = array<i32>} : memref<96x128xf32, #tpu.memory_space<vmem>>, vector<1x16xf32>,
          %get3A_652 = arith.index_cast %add3A_611 : i32 to index
          %get3A_653 = arith.constant 64 : index
          %get3A_654 = tpu.vector_load %arg10[%get3A_652, %get3A_653] {strides = array<i32>} : memref<96x128xf32, #tpu.memory_space<vmem>>, vector<1x16xf32>,
          %get3A_655 = vector.shape_cast %get3A_654 : vector<1x16xf32> to vector<16xf32>
          %mul3A_656 = arith.mulf %get3A_655, %gather3A_607 : vector<16xf32>
          %swap3A_657 = arith.index_cast %add3A_611 : i32 to index
          %swap3A_658 = arith.constant 64 : index
          %swap3A_659 = tpu.vector_load %arg10[%swap3A_657, %swap3A_658] {strides = array<i32>} : memref<96x128xf32, #tpu.memory_space<vmem>>, vector<1x16xf32>,
          %swap3A_660 = vector.shape_cast %swap3A_659 : vector<1x16xf32> to vector<16xf32>
          %swap3A_661 = vector.shape_cast %mul3A_656 : vector<16xf32> to vector<1x16xf32>
          tpu.vector_store %arg10[%swap3A_657, %swap3A_658], %swap3A_661 {strides = array<i32>} : memref<96x128xf32, #tpu.memory_space<vmem>>, vector<1x16xf32>,
          %get3A_662 = arith.index_cast %add3A_611 : i32 to index
          %get3A_663 = arith.constant 80 : index
          %get3A_664 = tpu.vector_load %arg10[%get3A_662, %get3A_663] {strides = array<i32>} : memref<96x128xf32, #tpu.memory_space<vmem>>, vector<1x16xf32>,
          %get3A_665 = vector.shape_cast %get3A_664 : vector<1x16xf32> to vector<16xf32>
          %mul3A_666 = arith.mulf %get3A_665, %gather3A_607 : vector<16xf32>
          %swap3A_667 = arith.index_cast %add3A_611 : i32 to index
          %swap3A_668 = arith.constant 80 : index
          %swap3A_669 = tpu.vector_load %arg10[%swap3A_667, %swap3A_668] {strides = array<i32>} : memref<96x128xf32, #tpu.memory_space<vmem>>, vector<1x16xf32>,
          %swap3A_670 = vector.shape_cast %swap3A_669 : vector<1x16xf32> to vector<16xf32>
          %swap3A_671 = vector.shape_cast %mul3A_666 : vector<16xf32> to vector<1x16xf32>
          tpu.vector_store %arg10[%swap3A_667, %swap3A_668], %swap3A_671 {strides = array<i32>} : memref<96x128xf32, #tpu.memory_space<vmem>>, vector<1x16xf32>,
          %get3A_672 = arith.index_cast %add3A_611 : i32 to index
          %get3A_673 = arith.constant 96 : index
          %get3A_674 = tpu.vector_load %arg10[%get3A_672, %get3A_673] {strides = array<i32>} : memref<96x128xf32, #tpu.memory_space<vmem>>, vector<1x16xf32>,
          %get3A_675 = vector.shape_cast %get3A_674 : vector<1x16xf32> to vector<16xf32>
          %mul3A_676 = arith.mulf %get3A_675, %gather3A_607 : vector<16xf32>
          %swap3A_677 = arith.index_cast %add3A_611 : i32 to index
          %swap3A_678 = arith.constant 96 : index
          %swap3A_679 = tpu.vector_load %arg10[%swap3A_677, %swap3A_678] {strides = array<i32>} : memref<96x128xf32, #tpu.memory_space<vmem>>, vector<1x16xf32>,
          %swap3A_680 = vector.shape_cast %swap3A_679 : vector<1x16xf32> to vector<16xf32>
          %swap3A_681 = vector.shape_cast %mul3A_676 : vector<16xf32> to vector<1x16xf32>
          tpu.vector_store %arg10[%swap3A_677, %swap3A_678], %swap3A_681 {strides = array<i32>} : memref<96x128xf32, #tpu.memory_space<vmem>>, vector<1x16xf32>,
          %get3A_682 = arith.index_cast %add3A_611 : i32 to index
          %get3A_683 = arith.constant 112 : index
          %get3A_684 = tpu.vector_load %arg10[%get3A_682, %get3A_683] {strides = array<i32>} : memref<96x128xf32, #tpu.memory_space<vmem>>, vector<1x16xf32>,
          %get3A_685 = vector.shape_cast %get3A_684 : vector<1x16xf32> to vector<16xf32>
          %mul3A_686 = arith.mulf %get3A_685, %gather3A_607 : vector<16xf32>
          %swap3A_687 = arith.index_cast %add3A_611 : i32 to index
          %swap3A_688 = arith.constant 112 : index
          %swap3A_689 = tpu.vector_load %arg10[%swap3A_687, %swap3A_688] {strides = array<i32>} : memref<96x128xf32, #tpu.memory_space<vmem>>, vector<1x16xf32>,
          %swap3A_690 = vector.shape_cast %swap3A_689 : vector<1x16xf32> to vector<16xf32>
          %swap3A_691 = vector.shape_cast %mul3A_686 : vector<16xf32> to vector<1x16xf32>
          tpu.vector_store %arg10[%swap3A_687, %swap3A_688], %swap3A_691 {strides = array<i32>} : memref<96x128xf32, #tpu.memory_space<vmem>>, vector<1x16xf32>,
          %broadcast_in_dim3A_692 = arith.constant 6 : i32
          %broadcast_in_dim3A_693 = vector.broadcast %broadcast_in_dim3A_692 : i32 to vector<16xi32>
          %reshape3A_694 = vector.shape_cast %broadcast_in_dim3A_693 : vector<16xi32> to vector<16x1xi32>
          %gather3A_695 = vector.shape_cast %reshape3A_694 : vector<16x1xi32> to vector<16xi32>
          %gather3A_696 = tpu.dynamic_gather %get3A_160[%gather3A_695] in [0] : vector<16xf32>, vector<16xi32> -> vector<16xf32>
          %mul3A_697 = arith.constant 16 : i32
          %mul3A_698 = arith.muli %add3A_154, %mul3A_697 : i32
          %add3A_699 = arith.constant 6 : i32
          %add3A_700 = arith.addi %mul3A_698, %add3A_699 : i32
          %get3A_701 = arith.index_cast %add3A_700 : i32 to index
          %get3A_702 = arith.constant 0 : index
          %get3A_703 = tpu.vector_load %arg10[%get3A_701, %get3A_702] {strides = array<i32>} : memref<96x128xf32, #tpu.memory_space<vmem>>, vector<1x16xf32>,
          %get3A_704 = vector.shape_cast %get3A_703 : vector<1x16xf32> to vector<16xf32>
          %mul3A_705 = arith.mulf %get3A_704, %gather3A_696 : vector<16xf32>
          %swap3A_706 = arith.index_cast %add3A_700 : i32 to index
          %swap3A_707 = arith.constant 0 : index
          %swap3A_708 = tpu.vector_load %arg10[%swap3A_706, %swap3A_707] {strides = array<i32>} : memref<96x128xf32, #tpu.memory_space<vmem>>, vector<1x16xf32>,
          %swap3A_709 = vector.shape_cast %swap3A_708 : vector<1x16xf32> to vector<16xf32>
          %swap3A_710 = vector.shape_cast %mul3A_705 : vector<16xf32> to vector<1x16xf32>
          tpu.vector_store %arg10[%swap3A_706, %swap3A_707], %swap3A_710 {strides = array<i32>} : memref<96x128xf32, #tpu.memory_space<vmem>>, vector<1x16xf32>,
          %get3A_711 = arith.index_cast %add3A_700 : i32 to index
          %get3A_712 = arith.constant 16 : index
          %get3A_713 = tpu.vector_load %arg10[%get3A_711, %get3A_712] {strides = array<i32>} : memref<96x128xf32, #tpu.memory_space<vmem>>, vector<1x16xf32>,
          %get3A_714 = vector.shape_cast %get3A_713 : vector<1x16xf32> to vector<16xf32>
          %mul3A_715 = arith.mulf %get3A_714, %gather3A_696 : vector<16xf32>
          %swap3A_716 = arith.index_cast %add3A_700 : i32 to index
          %swap3A_717 = arith.constant 16 : index
          %swap3A_718 = tpu.vector_load %arg10[%swap3A_716, %swap3A_717] {strides = array<i32>} : memref<96x128xf32, #tpu.memory_space<vmem>>, vector<1x16xf32>,
          %swap3A_719 = vector.shape_cast %swap3A_718 : vector<1x16xf32> to vector<16xf32>
          %swap3A_720 = vector.shape_cast %mul3A_715 : vector<16xf32> to vector<1x16xf32>
          tpu.vector_store %arg10[%swap3A_716, %swap3A_717], %swap3A_720 {strides = array<i32>} : memref<96x128xf32, #tpu.memory_space<vmem>>, vector<1x16xf32>,
          %get3A_721 = arith.index_cast %add3A_700 : i32 to index
          %get3A_722 = arith.constant 32 : index
          %get3A_723 = tpu.vector_load %arg10[%get3A_721, %get3A_722] {strides = array<i32>} : memref<96x128xf32, #tpu.memory_space<vmem>>, vector<1x16xf32>,
          %get3A_724 = vector.shape_cast %get3A_723 : vector<1x16xf32> to vector<16xf32>
          %mul3A_725 = arith.mulf %get3A_724, %gather3A_696 : vector<16xf32>
          %swap3A_726 = arith.index_cast %add3A_700 : i32 to index
          %swap3A_727 = arith.constant 32 : index
          %swap3A_728 = tpu.vector_load %arg10[%swap3A_726, %swap3A_727] {strides = array<i32>} : memref<96x128xf32, #tpu.memory_space<vmem>>, vector<1x16xf32>,
          %swap3A_729 = vector.shape_cast %swap3A_728 : vector<1x16xf32> to vector<16xf32>
          %swap3A_730 = vector.shape_cast %mul3A_725 : vector<16xf32> to vector<1x16xf32>
          tpu.vector_store %arg10[%swap3A_726, %swap3A_727], %swap3A_730 {strides = array<i32>} : memref<96x128xf32, #tpu.memory_space<vmem>>, vector<1x16xf32>,
          %get3A_731 = arith.index_cast %add3A_700 : i32 to index
          %get3A_732 = arith.constant 48 : index
          %get3A_733 = tpu.vector_load %arg10[%get3A_731, %get3A_732] {strides = array<i32>} : memref<96x128xf32, #tpu.memory_space<vmem>>, vector<1x16xf32>,
          %get3A_734 = vector.shape_cast %get3A_733 : vector<1x16xf32> to vector<16xf32>
          %mul3A_735 = arith.mulf %get3A_734, %gather3A_696 : vector<16xf32>
          %swap3A_736 = arith.index_cast %add3A_700 : i32 to index
          %swap3A_737 = arith.constant 48 : index
          %swap3A_738 = tpu.vector_load %arg10[%swap3A_736, %swap3A_737] {strides = array<i32>} : memref<96x128xf32, #tpu.memory_space<vmem>>, vector<1x16xf32>,
          %swap3A_739 = vector.shape_cast %swap3A_738 : vector<1x16xf32> to vector<16xf32>
          %swap3A_740 = vector.shape_cast %mul3A_735 : vector<16xf32> to vector<1x16xf32>
          tpu.vector_store %arg10[%swap3A_736, %swap3A_737], %swap3A_740 {strides = array<i32>} : memref<96x128xf32, #tpu.memory_space<vmem>>, vector<1x16xf32>,
          %get3A_741 = arith.index_cast %add3A_700 : i32 to index
          %get3A_742 = arith.constant 64 : index
          %get3A_743 = tpu.vector_load %arg10[%get3A_741, %get3A_742] {strides = array<i32>} : memref<96x128xf32, #tpu.memory_space<vmem>>, vector<1x16xf32>,
          %get3A_744 = vector.shape_cast %get3A_743 : vector<1x16xf32> to vector<16xf32>
          %mul3A_745 = arith.mulf %get3A_744, %gather3A_696 : vector<16xf32>
          %swap3A_746 = arith.index_cast %add3A_700 : i32 to index
          %swap3A_747 = arith.constant 64 : index
          %swap3A_748 = tpu.vector_load %arg10[%swap3A_746, %swap3A_747] {strides = array<i32>} : memref<96x128xf32, #tpu.memory_space<vmem>>, vector<1x16xf32>,
          %swap3A_749 = vector.shape_cast %swap3A_748 : vector<1x16xf32> to vector<16xf32>
          %swap3A_750 = vector.shape_cast %mul3A_745 : vector<16xf32> to vector<1x16xf32>
          tpu.vector_store %arg10[%swap3A_746, %swap3A_747], %swap3A_750 {strides = array<i32>} : memref<96x128xf32, #tpu.memory_space<vmem>>, vector<1x16xf32>,
          %get3A_751 = arith.index_cast %add3A_700 : i32 to index
          %get3A_752 = arith.constant 80 : index
          %get3A_753 = tpu.vector_load %arg10[%get3A_751, %get3A_752] {strides = array<i32>} : memref<96x128xf32, #tpu.memory_space<vmem>>, vector<1x16xf32>,
          %get3A_754 = vector.shape_cast %get3A_753 : vector<1x16xf32> to vector<16xf32>
          %mul3A_755 = arith.mulf %get3A_754, %gather3A_696 : vector<16xf32>
          %swap3A_756 = arith.index_cast %add3A_700 : i32 to index
          %swap3A_757 = arith.constant 80 : index
          %swap3A_758 = tpu.vector_load %arg10[%swap3A_756, %swap3A_757] {strides = array<i32>} : memref<96x128xf32, #tpu.memory_space<vmem>>, vector<1x16xf32>,
          %swap3A_759 = vector.shape_cast %swap3A_758 : vector<1x16xf32> to vector<16xf32>
          %swap3A_760 = vector.shape_cast %mul3A_755 : vector<16xf32> to vector<1x16xf32>
          tpu.vector_store %arg10[%swap3A_756, %swap3A_757], %swap3A_760 {strides = array<i32>} : memref<96x128xf32, #tpu.memory_space<vmem>>, vector<1x16xf32>,
          %get3A_761 = arith.index_cast %add3A_700 : i32 to index
          %get3A_762 = arith.constant 96 : index
          %get3A_763 = tpu.vector_load %arg10[%get3A_761, %get3A_762] {strides = array<i32>} : memref<96x128xf32, #tpu.memory_space<vmem>>, vector<1x16xf32>,
          %get3A_764 = vector.shape_cast %get3A_763 : vector<1x16xf32> to vector<16xf32>
          %mul3A_765 = arith.mulf %get3A_764, %gather3A_696 : vector<16xf32>
          %swap3A_766 = arith.index_cast %add3A_700 : i32 to index
          %swap3A_767 = arith.constant 96 : index
          %swap3A_768 = tpu.vector_load %arg10[%swap3A_766, %swap3A_767] {strides = array<i32>} : memref<96x128xf32, #tpu.memory_space<vmem>>, vector<1x16xf32>,
          %swap3A_769 = vector.shape_cast %swap3A_768 : vector<1x16xf32> to vector<16xf32>
          %swap3A_770 = vector.shape_cast %mul3A_765 : vector<16xf32> to vector<1x16xf32>
          tpu.vector_store %arg10[%swap3A_766, %swap3A_767], %swap3A_770 {strides = array<i32>} : memref<96x128xf32, #tpu.memory_space<vmem>>, vector<1x16xf32>,
          %get3A_771 = arith.index_cast %add3A_700 : i32 to index
          %get3A_772 = arith.constant 112 : index
          %get3A_773 = tpu.vector_load %arg10[%get3A_771, %get3A_772] {strides = array<i32>} : memref<96x128xf32, #tpu.memory_space<vmem>>, vector<1x16xf32>,
          %get3A_774 = vector.shape_cast %get3A_773 : vector<1x16xf32> to vector<16xf32>
          %mul3A_775 = arith.mulf %get3A_774, %gather3A_696 : vector<16xf32>
          %swap3A_776 = arith.index_cast %add3A_700 : i32 to index
          %swap3A_777 = arith.constant 112 : index
          %swap3A_778 = tpu.vector_load %arg10[%swap3A_776, %swap3A_777] {strides = array<i32>} : memref<96x128xf32, #tpu.memory_space<vmem>>, vector<1x16xf32>,
          %swap3A_779 = vector.shape_cast %swap3A_778 : vector<1x16xf32> to vector<16xf32>
          %swap3A_780 = vector.shape_cast %mul3A_775 : vector<16xf32> to vector<1x16xf32>
          tpu.vector_store %arg10[%swap3A_776, %swap3A_777], %swap3A_780 {strides = array<i32>} : memref<96x128xf32, #tpu.memory_space<vmem>>, vector<1x16xf32>,
          %broadcast_in_dim3A_781 = arith.constant 7 : i32
          %broadcast_in_dim3A_782 = vector.broadcast %broadcast_in_dim3A_781 : i32 to vector<16xi32>
          %reshape3A_783 = vector.shape_cast %broadcast_in_dim3A_782 : vector<16xi32> to vector<16x1xi32>
          %gather3A_784 = vector.shape_cast %reshape3A_783 : vector<16x1xi32> to vector<16xi32>
          %gather3A_785 = tpu.dynamic_gather %get3A_160[%gather3A_784] in [0] : vector<16xf32>, vector<16xi32> -> vector<16xf32>
          %mul3A_786 = arith.constant 16 : i32
          %mul3A_787 = arith.muli %add3A_154, %mul3A_786 : i32
          %add3A_788 = arith.constant 7 : i32
          %add3A_789 = arith.addi %mul3A_787, %add3A_788 : i32
          %get3A_790 = arith.index_cast %add3A_789 : i32 to index
          %get3A_791 = arith.constant 0 : index
          %get3A_792 = tpu.vector_load %arg10[%get3A_790, %get3A_791] {strides = array<i32>} : memref<96x128xf32, #tpu.memory_space<vmem>>, vector<1x16xf32>,
          %get3A_793 = vector.shape_cast %get3A_792 : vector<1x16xf32> to vector<16xf32>
          %mul3A_794 = arith.mulf %get3A_793, %gather3A_785 : vector<16xf32>
          %swap3A_795 = arith.index_cast %add3A_789 : i32 to index
          %swap3A_796 = arith.constant 0 : index
          %swap3A_797 = tpu.vector_load %arg10[%swap3A_795, %swap3A_796] {strides = array<i32>} : memref<96x128xf32, #tpu.memory_space<vmem>>, vector<1x16xf32>,
          %swap3A_798 = vector.shape_cast %swap3A_797 : vector<1x16xf32> to vector<16xf32>
          %swap3A_799 = vector.shape_cast %mul3A_794 : vector<16xf32> to vector<1x16xf32>
          tpu.vector_store %arg10[%swap3A_795, %swap3A_796], %swap3A_799 {strides = array<i32>} : memref<96x128xf32, #tpu.memory_space<vmem>>, vector<1x16xf32>,
          %get3A_800 = arith.index_cast %add3A_789 : i32 to index
          %get3A_801 = arith.constant 16 : index
          %get3A_802 = tpu.vector_load %arg10[%get3A_800, %get3A_801] {strides = array<i32>} : memref<96x128xf32, #tpu.memory_space<vmem>>, vector<1x16xf32>,
          %get3A_803 = vector.shape_cast %get3A_802 : vector<1x16xf32> to vector<16xf32>
          %mul3A_804 = arith.mulf %get3A_803, %gather3A_785 : vector<16xf32>
          %swap3A_805 = arith.index_cast %add3A_789 : i32 to index
          %swap3A_806 = arith.constant 16 : index
          %swap3A_807 = tpu.vector_load %arg10[%swap3A_805, %swap3A_806] {strides = array<i32>} : memref<96x128xf32, #tpu.memory_space<vmem>>, vector<1x16xf32>,
          %swap3A_808 = vector.shape_cast %swap3A_807 : vector<1x16xf32> to vector<16xf32>
          %swap3A_809 = vector.shape_cast %mul3A_804 : vector<16xf32> to vector<1x16xf32>
          tpu.vector_store %arg10[%swap3A_805, %swap3A_806], %swap3A_809 {strides = array<i32>} : memref<96x128xf32, #tpu.memory_space<vmem>>, vector<1x16xf32>,
          %get3A_810 = arith.index_cast %add3A_789 : i32 to index
          %get3A_811 = arith.constant 32 : index
          %get3A_812 = tpu.vector_load %arg10[%get3A_810, %get3A_811] {strides = array<i32>} : memref<96x128xf32, #tpu.memory_space<vmem>>, vector<1x16xf32>,
          %get3A_813 = vector.shape_cast %get3A_812 : vector<1x16xf32> to vector<16xf32>
          %mul3A_814 = arith.mulf %get3A_813, %gather3A_785 : vector<16xf32>
          %swap3A_815 = arith.index_cast %add3A_789 : i32 to index
          %swap3A_816 = arith.constant 32 : index
          %swap3A_817 = tpu.vector_load %arg10[%swap3A_815, %swap3A_816] {strides = array<i32>} : memref<96x128xf32, #tpu.memory_space<vmem>>, vector<1x16xf32>,
          %swap3A_818 = vector.shape_cast %swap3A_817 : vector<1x16xf32> to vector<16xf32>
          %swap3A_819 = vector.shape_cast %mul3A_814 : vector<16xf32> to vector<1x16xf32>
          tpu.vector_store %arg10[%swap3A_815, %swap3A_816], %swap3A_819 {strides = array<i32>} : memref<96x128xf32, #tpu.memory_space<vmem>>, vector<1x16xf32>,
          %get3A_820 = arith.index_cast %add3A_789 : i32 to index
          %get3A_821 = arith.constant 48 : index
          %get3A_822 = tpu.vector_load %arg10[%get3A_820, %get3A_821] {strides = array<i32>} : memref<96x128xf32, #tpu.memory_space<vmem>>, vector<1x16xf32>,
          %get3A_823 = vector.shape_cast %get3A_822 : vector<1x16xf32> to vector<16xf32>
          %mul3A_824 = arith.mulf %get3A_823, %gather3A_785 : vector<16xf32>
          %swap3A_825 = arith.index_cast %add3A_789 : i32 to index
          %swap3A_826 = arith.constant 48 : index
          %swap3A_827 = tpu.vector_load %arg10[%swap3A_825, %swap3A_826] {strides = array<i32>} : memref<96x128xf32, #tpu.memory_space<vmem>>, vector<1x16xf32>,
          %swap3A_828 = vector.shape_cast %swap3A_827 : vector<1x16xf32> to vector<16xf32>
          %swap3A_829 = vector.shape_cast %mul3A_824 : vector<16xf32> to vector<1x16xf32>
          tpu.vector_store %arg10[%swap3A_825, %swap3A_826], %swap3A_829 {strides = array<i32>} : memref<96x128xf32, #tpu.memory_space<vmem>>, vector<1x16xf32>,
          %get3A_830 = arith.index_cast %add3A_789 : i32 to index
          %get3A_831 = arith.constant 64 : index
          %get3A_832 = tpu.vector_load %arg10[%get3A_830, %get3A_831] {strides = array<i32>} : memref<96x128xf32, #tpu.memory_space<vmem>>, vector<1x16xf32>,
          %get3A_833 = vector.shape_cast %get3A_832 : vector<1x16xf32> to vector<16xf32>
          %mul3A_834 = arith.mulf %get3A_833, %gather3A_785 : vector<16xf32>
          %swap3A_835 = arith.index_cast %add3A_789 : i32 to index
          %swap3A_836 = arith.constant 64 : index
          %swap3A_837 = tpu.vector_load %arg10[%swap3A_835, %swap3A_836] {strides = array<i32>} : memref<96x128xf32, #tpu.memory_space<vmem>>, vector<1x16xf32>,
          %swap3A_838 = vector.shape_cast %swap3A_837 : vector<1x16xf32> to vector<16xf32>
          %swap3A_839 = vector.shape_cast %mul3A_834 : vector<16xf32> to vector<1x16xf32>
          tpu.vector_store %arg10[%swap3A_835, %swap3A_836], %swap3A_839 {strides = array<i32>} : memref<96x128xf32, #tpu.memory_space<vmem>>, vector<1x16xf32>,
          %get3A_840 = arith.index_cast %add3A_789 : i32 to index
          %get3A_841 = arith.constant 80 : index
          %get3A_842 = tpu.vector_load %arg10[%get3A_840, %get3A_841] {strides = array<i32>} : memref<96x128xf32, #tpu.memory_space<vmem>>, vector<1x16xf32>,
          %get3A_843 = vector.shape_cast %get3A_842 : vector<1x16xf32> to vector<16xf32>
          %mul3A_844 = arith.mulf %get3A_843, %gather3A_785 : vector<16xf32>
          %swap3A_845 = arith.index_cast %add3A_789 : i32 to index
          %swap3A_846 = arith.constant 80 : index
          %swap3A_847 = tpu.vector_load %arg10[%swap3A_845, %swap3A_846] {strides = array<i32>} : memref<96x128xf32, #tpu.memory_space<vmem>>, vector<1x16xf32>,
          %swap3A_848 = vector.shape_cast %swap3A_847 : vector<1x16xf32> to vector<16xf32>
          %swap3A_849 = vector.shape_cast %mul3A_844 : vector<16xf32> to vector<1x16xf32>
          tpu.vector_store %arg10[%swap3A_845, %swap3A_846], %swap3A_849 {strides = array<i32>} : memref<96x128xf32, #tpu.memory_space<vmem>>, vector<1x16xf32>,
          %get3A_850 = arith.index_cast %add3A_789 : i32 to index
          %get3A_851 = arith.constant 96 : index
          %get3A_852 = tpu.vector_load %arg10[%get3A_850, %get3A_851] {strides = array<i32>} : memref<96x128xf32, #tpu.memory_space<vmem>>, vector<1x16xf32>,
          %get3A_853 = vector.shape_cast %get3A_852 : vector<1x16xf32> to vector<16xf32>
          %mul3A_854 = arith.mulf %get3A_853, %gather3A_785 : vector<16xf32>
          %swap3A_855 = arith.index_cast %add3A_789 : i32 to index
          %swap3A_856 = arith.constant 96 : index
          %swap3A_857 = tpu.vector_load %arg10[%swap3A_855, %swap3A_856] {strides = array<i32>} : memref<96x128xf32, #tpu.memory_space<vmem>>, vector<1x16xf32>,
          %swap3A_858 = vector.shape_cast %swap3A_857 : vector<1x16xf32> to vector<16xf32>
          %swap3A_859 = vector.shape_cast %mul3A_854 : vector<16xf32> to vector<1x16xf32>
          tpu.vector_store %arg10[%swap3A_855, %swap3A_856], %swap3A_859 {strides = array<i32>} : memref<96x128xf32, #tpu.memory_space<vmem>>, vector<1x16xf32>,
          %get3A_860 = arith.index_cast %add3A_789 : i32 to index
          %get3A_861 = arith.constant 112 : index
          %get3A_862 = tpu.vector_load %arg10[%get3A_860, %get3A_861] {strides = array<i32>} : memref<96x128xf32, #tpu.memory_space<vmem>>, vector<1x16xf32>,
          %get3A_863 = vector.shape_cast %get3A_862 : vector<1x16xf32> to vector<16xf32>
          %mul3A_864 = arith.mulf %get3A_863, %gather3A_785 : vector<16xf32>
          %swap3A_865 = arith.index_cast %add3A_789 : i32 to index
          %swap3A_866 = arith.constant 112 : index
          %swap3A_867 = tpu.vector_load %arg10[%swap3A_865, %swap3A_866] {strides = array<i32>} : memref<96x128xf32, #tpu.memory_space<vmem>>, vector<1x16xf32>,
          %swap3A_868 = vector.shape_cast %swap3A_867 : vector<1x16xf32> to vector<16xf32>
          %swap3A_869 = vector.shape_cast %mul3A_864 : vector<16xf32> to vector<1x16xf32>
          tpu.vector_store %arg10[%swap3A_865, %swap3A_866], %swap3A_869 {strides = array<i32>} : memref<96x128xf32, #tpu.memory_space<vmem>>, vector<1x16xf32>,
          %broadcast_in_dim3A_870 = arith.constant 8 : i32
          %broadcast_in_dim3A_871 = vector.broadcast %broadcast_in_dim3A_870 : i32 to vector<16xi32>
          %reshape3A_872 = vector.shape_cast %broadcast_in_dim3A_871 : vector<16xi32> to vector<16x1xi32>
          %gather3A_873 = vector.shape_cast %reshape3A_872 : vector<16x1xi32> to vector<16xi32>
          %gather3A_874 = tpu.dynamic_gather %get3A_160[%gather3A_873] in [0] : vector<16xf32>, vector<16xi32> -> vector<16xf32>
          %mul3A_875 = arith.constant 16 : i32
          %mul3A_876 = arith.muli %add3A_154, %mul3A_875 : i32
          %add3A_877 = arith.constant 8 : i32
          %add3A_878 = arith.addi %mul3A_876, %add3A_877 : i32
          %get3A_879 = arith.index_cast %add3A_878 : i32 to index
          %get3A_880 = arith.constant 0 : index
          %get3A_881 = tpu.vector_load %arg10[%get3A_879, %get3A_880] {strides = array<i32>} : memref<96x128xf32, #tpu.memory_space<vmem>>, vector<1x16xf32>,
          %get3A_882 = vector.shape_cast %get3A_881 : vector<1x16xf32> to vector<16xf32>
          %mul3A_883 = arith.mulf %get3A_882, %gather3A_874 : vector<16xf32>
          %swap3A_884 = arith.index_cast %add3A_878 : i32 to index
          %swap3A_885 = arith.constant 0 : index
          %swap3A_886 = tpu.vector_load %arg10[%swap3A_884, %swap3A_885] {strides = array<i32>} : memref<96x128xf32, #tpu.memory_space<vmem>>, vector<1x16xf32>,
          %swap3A_887 = vector.shape_cast %swap3A_886 : vector<1x16xf32> to vector<16xf32>
          %swap3A_888 = vector.shape_cast %mul3A_883 : vector<16xf32> to vector<1x16xf32>
          tpu.vector_store %arg10[%swap3A_884, %swap3A_885], %swap3A_888 {strides = array<i32>} : memref<96x128xf32, #tpu.memory_space<vmem>>, vector<1x16xf32>,
          %get3A_889 = arith.index_cast %add3A_878 : i32 to index
          %get3A_890 = arith.constant 16 : index
          %get3A_891 = tpu.vector_load %arg10[%get3A_889, %get3A_890] {strides = array<i32>} : memref<96x128xf32, #tpu.memory_space<vmem>>, vector<1x16xf32>,
          %get3A_892 = vector.shape_cast %get3A_891 : vector<1x16xf32> to vector<16xf32>
          %mul3A_893 = arith.mulf %get3A_892, %gather3A_874 : vector<16xf32>
          %swap3A_894 = arith.index_cast %add3A_878 : i32 to index
          %swap3A_895 = arith.constant 16 : index
          %swap3A_896 = tpu.vector_load %arg10[%swap3A_894, %swap3A_895] {strides = array<i32>} : memref<96x128xf32, #tpu.memory_space<vmem>>, vector<1x16xf32>,
          %swap3A_897 = vector.shape_cast %swap3A_896 : vector<1x16xf32> to vector<16xf32>
          %swap3A_898 = vector.shape_cast %mul3A_893 : vector<16xf32> to vector<1x16xf32>
          tpu.vector_store %arg10[%swap3A_894, %swap3A_895], %swap3A_898 {strides = array<i32>} : memref<96x128xf32, #tpu.memory_space<vmem>>, vector<1x16xf32>,
          %get3A_899 = arith.index_cast %add3A_878 : i32 to index
          %get3A_900 = arith.constant 32 : index
          %get3A_901 = tpu.vector_load %arg10[%get3A_899, %get3A_900] {strides = array<i32>} : memref<96x128xf32, #tpu.memory_space<vmem>>, vector<1x16xf32>,
          %get3A_902 = vector.shape_cast %get3A_901 : vector<1x16xf32> to vector<16xf32>
          %mul3A_903 = arith.mulf %get3A_902, %gather3A_874 : vector<16xf32>
          %swap3A_904 = arith.index_cast %add3A_878 : i32 to index
          %swap3A_905 = arith.constant 32 : index
          %swap3A_906 = tpu.vector_load %arg10[%swap3A_904, %swap3A_905] {strides = array<i32>} : memref<96x128xf32, #tpu.memory_space<vmem>>, vector<1x16xf32>,
          %swap3A_907 = vector.shape_cast %swap3A_906 : vector<1x16xf32> to vector<16xf32>
          %swap3A_908 = vector.shape_cast %mul3A_903 : vector<16xf32> to vector<1x16xf32>
          tpu.vector_store %arg10[%swap3A_904, %swap3A_905], %swap3A_908 {strides = array<i32>} : memref<96x128xf32, #tpu.memory_space<vmem>>, vector<1x16xf32>,
          %get3A_909 = arith.index_cast %add3A_878 : i32 to index
          %get3A_910 = arith.constant 48 : index
          %get3A_911 = tpu.vector_load %arg10[%get3A_909, %get3A_910] {strides = array<i32>} : memref<96x128xf32, #tpu.memory_space<vmem>>, vector<1x16xf32>,
          %get3A_912 = vector.shape_cast %get3A_911 : vector<1x16xf32> to vector<16xf32>
          %mul3A_913 = arith.mulf %get3A_912, %gather3A_874 : vector<16xf32>
          %swap3A_914 = arith.index_cast %add3A_878 : i32 to index
          %swap3A_915 = arith.constant 48 : index
          %swap3A_916 = tpu.vector_load %arg10[%swap3A_914, %swap3A_915] {strides = array<i32>} : memref<96x128xf32, #tpu.memory_space<vmem>>, vector<1x16xf32>,
          %swap3A_917 = vector.shape_cast %swap3A_916 : vector<1x16xf32> to vector<16xf32>
          %swap3A_918 = vector.shape_cast %mul3A_913 : vector<16xf32> to vector<1x16xf32>
          tpu.vector_store %arg10[%swap3A_914, %swap3A_915], %swap3A_918 {strides = array<i32>} : memref<96x128xf32, #tpu.memory_space<vmem>>, vector<1x16xf32>,
          %get3A_919 = arith.index_cast %add3A_878 : i32 to index
          %get3A_920 = arith.constant 64 : index
          %get3A_921 = tpu.vector_load %arg10[%get3A_919, %get3A_920] {strides = array<i32>} : memref<96x128xf32, #tpu.memory_space<vmem>>, vector<1x16xf32>,
          %get3A_922 = vector.shape_cast %get3A_921 : vector<1x16xf32> to vector<16xf32>
          %mul3A_923 = arith.mulf %get3A_922, %gather3A_874 : vector<16xf32>
          %swap3A_924 = arith.index_cast %add3A_878 : i32 to index
          %swap3A_925 = arith.constant 64 : index
          %swap3A_926 = tpu.vector_load %arg10[%swap3A_924, %swap3A_925] {strides = array<i32>} : memref<96x128xf32, #tpu.memory_space<vmem>>, vector<1x16xf32>,
          %swap3A_927 = vector.shape_cast %swap3A_926 : vector<1x16xf32> to vector<16xf32>
          %swap3A_928 = vector.shape_cast %mul3A_923 : vector<16xf32> to vector<1x16xf32>
          tpu.vector_store %arg10[%swap3A_924, %swap3A_925], %swap3A_928 {strides = array<i32>} : memref<96x128xf32, #tpu.memory_space<vmem>>, vector<1x16xf32>,
          %get3A_929 = arith.index_cast %add3A_878 : i32 to index
          %get3A_930 = arith.constant 80 : index
          %get3A_931 = tpu.vector_load %arg10[%get3A_929, %get3A_930] {strides = array<i32>} : memref<96x128xf32, #tpu.memory_space<vmem>>, vector<1x16xf32>,
          %get3A_932 = vector.shape_cast %get3A_931 : vector<1x16xf32> to vector<16xf32>
          %mul3A_933 = arith.mulf %get3A_932, %gather3A_874 : vector<16xf32>
          %swap3A_934 = arith.index_cast %add3A_878 : i32 to index
          %swap3A_935 = arith.constant 80 : index
          %swap3A_936 = tpu.vector_load %arg10[%swap3A_934, %swap3A_935] {strides = array<i32>} : memref<96x128xf32, #tpu.memory_space<vmem>>, vector<1x16xf32>,
          %swap3A_937 = vector.shape_cast %swap3A_936 : vector<1x16xf32> to vector<16xf32>
          %swap3A_938 = vector.shape_cast %mul3A_933 : vector<16xf32> to vector<1x16xf32>
          tpu.vector_store %arg10[%swap3A_934, %swap3A_935], %swap3A_938 {strides = array<i32>} : memref<96x128xf32, #tpu.memory_space<vmem>>, vector<1x16xf32>,
          %get3A_939 = arith.index_cast %add3A_878 : i32 to index
          %get3A_940 = arith.constant 96 : index
          %get3A_941 = tpu.vector_load %arg10[%get3A_939, %get3A_940] {strides = array<i32>} : memref<96x128xf32, #tpu.memory_space<vmem>>, vector<1x16xf32>,
          %get3A_942 = vector.shape_cast %get3A_941 : vector<1x16xf32> to vector<16xf32>
          %mul3A_943 = arith.mulf %get3A_942, %gather3A_874 : vector<16xf32>
          %swap3A_944 = arith.index_cast %add3A_878 : i32 to index
          %swap3A_945 = arith.constant 96 : index
          %swap3A_946 = tpu.vector_load %arg10[%swap3A_944, %swap3A_945] {strides = array<i32>} : memref<96x128xf32, #tpu.memory_space<vmem>>, vector<1x16xf32>,
          %swap3A_947 = vector.shape_cast %swap3A_946 : vector<1x16xf32> to vector<16xf32>
          %swap3A_948 = vector.shape_cast %mul3A_943 : vector<16xf32> to vector<1x16xf32>
          tpu.vector_store %arg10[%swap3A_944, %swap3A_945], %swap3A_948 {strides = array<i32>} : memref<96x128xf32, #tpu.memory_space<vmem>>, vector<1x16xf32>,
          %get3A_949 = arith.index_cast %add3A_878 : i32 to index
          %get3A_950 = arith.constant 112 : index
          %get3A_951 = tpu.vector_load %arg10[%get3A_949, %get3A_950] {strides = array<i32>} : memref<96x128xf32, #tpu.memory_space<vmem>>, vector<1x16xf32>,
          %get3A_952 = vector.shape_cast %get3A_951 : vector<1x16xf32> to vector<16xf32>
          %mul3A_953 = arith.mulf %get3A_952, %gather3A_874 : vector<16xf32>
          %swap3A_954 = arith.index_cast %add3A_878 : i32 to index
          %swap3A_955 = arith.constant 112 : index
          %swap3A_956 = tpu.vector_load %arg10[%swap3A_954, %swap3A_955] {strides = array<i32>} : memref<96x128xf32, #tpu.memory_space<vmem>>, vector<1x16xf32>,
          %swap3A_957 = vector.shape_cast %swap3A_956 : vector<1x16xf32> to vector<16xf32>
          %swap3A_958 = vector.shape_cast %mul3A_953 : vector<16xf32> to vector<1x16xf32>
          tpu.vector_store %arg10[%swap3A_954, %swap3A_955], %swap3A_958 {strides = array<i32>} : memref<96x128xf32, #tpu.memory_space<vmem>>, vector<1x16xf32>,
          %broadcast_in_dim3A_959 = arith.constant 9 : i32
          %broadcast_in_dim3A_960 = vector.broadcast %broadcast_in_dim3A_959 : i32 to vector<16xi32>
          %reshape3A_961 = vector.shape_cast %broadcast_in_dim3A_960 : vector<16xi32> to vector<16x1xi32>
          %gather3A_962 = vector.shape_cast %reshape3A_961 : vector<16x1xi32> to vector<16xi32>
          %gather3A_963 = tpu.dynamic_gather %get3A_160[%gather3A_962] in [0] : vector<16xf32>, vector<16xi32> -> vector<16xf32>
          %mul3A_964 = arith.constant 16 : i32
          %mul3A_965 = arith.muli %add3A_154, %mul3A_964 : i32
          %add3A_966 = arith.constant 9 : i32
          %add3A_967 = arith.addi %mul3A_965, %add3A_966 : i32
          %get3A_968 = arith.index_cast %add3A_967 : i32 to index
          %get3A_969 = arith.constant 0 : index
          %get3A_970 = tpu.vector_load %arg10[%get3A_968, %get3A_969] {strides = array<i32>} : memref<96x128xf32, #tpu.memory_space<vmem>>, vector<1x16xf32>,
          %get3A_971 = vector.shape_cast %get3A_970 : vector<1x16xf32> to vector<16xf32>
          %mul3A_972 = arith.mulf %get3A_971, %gather3A_963 : vector<16xf32>
          %swap3A_973 = arith.index_cast %add3A_967 : i32 to index
          %swap3A_974 = arith.constant 0 : index
          %swap3A_975 = tpu.vector_load %arg10[%swap3A_973, %swap3A_974] {strides = array<i32>} : memref<96x128xf32, #tpu.memory_space<vmem>>, vector<1x16xf32>,
          %swap3A_976 = vector.shape_cast %swap3A_975 : vector<1x16xf32> to vector<16xf32>
          %swap3A_977 = vector.shape_cast %mul3A_972 : vector<16xf32> to vector<1x16xf32>
          tpu.vector_store %arg10[%swap3A_973, %swap3A_974], %swap3A_977 {strides = array<i32>} : memref<96x128xf32, #tpu.memory_space<vmem>>, vector<1x16xf32>,
          %get3A_978 = arith.index_cast %add3A_967 : i32 to index
          %get3A_979 = arith.constant 16 : index
          %get3A_980 = tpu.vector_load %arg10[%get3A_978, %get3A_979] {strides = array<i32>} : memref<96x128xf32, #tpu.memory_space<vmem>>, vector<1x16xf32>,
          %get3A_981 = vector.shape_cast %get3A_980 : vector<1x16xf32> to vector<16xf32>
          %mul3A_982 = arith.mulf %get3A_981, %gather3A_963 : vector<16xf32>
          %swap3A_983 = arith.index_cast %add3A_967 : i32 to index
          %swap3A_984 = arith.constant 16 : index
          %swap3A_985 = tpu.vector_load %arg10[%swap3A_983, %swap3A_984] {strides = array<i32>} : memref<96x128xf32, #tpu.memory_space<vmem>>, vector<1x16xf32>,
          %swap3A_986 = vector.shape_cast %swap3A_985 : vector<1x16xf32> to vector<16xf32>
          %swap3A_987 = vector.shape_cast %mul3A_982 : vector<16xf32> to vector<1x16xf32>
          tpu.vector_store %arg10[%swap3A_983, %swap3A_984], %swap3A_987 {strides = array<i32>} : memref<96x128xf32, #tpu.memory_space<vmem>>, vector<1x16xf32>,
          %get3A_988 = arith.index_cast %add3A_967 : i32 to index
          %get3A_989 = arith.constant 32 : index
          %get3A_990 = tpu.vector_load %arg10[%get3A_988, %get3A_989] {strides = array<i32>} : memref<96x128xf32, #tpu.memory_space<vmem>>, vector<1x16xf32>,
          %get3A_991 = vector.shape_cast %get3A_990 : vector<1x16xf32> to vector<16xf32>
          %mul3A_992 = arith.mulf %get3A_991, %gather3A_963 : vector<16xf32>
          %swap3A_993 = arith.index_cast %add3A_967 : i32 to index
          %swap3A_994 = arith.constant 32 : index
          %swap3A_995 = tpu.vector_load %arg10[%swap3A_993, %swap3A_994] {strides = array<i32>} : memref<96x128xf32, #tpu.memory_space<vmem>>, vector<1x16xf32>,
          %swap3A_996 = vector.shape_cast %swap3A_995 : vector<1x16xf32> to vector<16xf32>
          %swap3A_997 = vector.shape_cast %mul3A_992 : vector<16xf32> to vector<1x16xf32>
          tpu.vector_store %arg10[%swap3A_993, %swap3A_994], %swap3A_997 {strides = array<i32>} : memref<96x128xf32, #tpu.memory_space<vmem>>, vector<1x16xf32>,
          %get3A_998 = arith.index_cast %add3A_967 : i32 to index
          %get3A_999 = arith.constant 48 : index
          %get3A_1000 = tpu.vector_load %arg10[%get3A_998, %get3A_999] {strides = array<i32>} : memref<96x128xf32, #tpu.memory_space<vmem>>, vector<1x16xf32>,
          %get3A_1001 = vector.shape_cast %get3A_1000 : vector<1x16xf32> to vector<16xf32>
          %mul3A_1002 = arith.mulf %get3A_1001, %gather3A_963 : vector<16xf32>
          %swap3A_1003 = arith.index_cast %add3A_967 : i32 to index
          %swap3A_1004 = arith.constant 48 : index
          %swap3A_1005 = tpu.vector_load %arg10[%swap3A_1003, %swap3A_1004] {strides = array<i32>} : memref<96x128xf32, #tpu.memory_space<vmem>>, vector<1x16xf32>,
          %swap3A_1006 = vector.shape_cast %swap3A_1005 : vector<1x16xf32> to vector<16xf32>
          %swap3A_1007 = vector.shape_cast %mul3A_1002 : vector<16xf32> to vector<1x16xf32>
          tpu.vector_store %arg10[%swap3A_1003, %swap3A_1004], %swap3A_1007 {strides = array<i32>} : memref<96x128xf32, #tpu.memory_space<vmem>>, vector<1x16xf32>,
          %get3A_1008 = arith.index_cast %add3A_967 : i32 to index
          %get3A_1009 = arith.constant 64 : index
          %get3A_1010 = tpu.vector_load %arg10[%get3A_1008, %get3A_1009] {strides = array<i32>} : memref<96x128xf32, #tpu.memory_space<vmem>>, vector<1x16xf32>,
          %get3A_1011 = vector.shape_cast %get3A_1010 : vector<1x16xf32> to vector<16xf32>
          %mul3A_1012 = arith.mulf %get3A_1011, %gather3A_963 : vector<16xf32>
          %swap3A_1013 = arith.index_cast %add3A_967 : i32 to index
          %swap3A_1014 = arith.constant 64 : index
          %swap3A_1015 = tpu.vector_load %arg10[%swap3A_1013, %swap3A_1014] {strides = array<i32>} : memref<96x128xf32, #tpu.memory_space<vmem>>, vector<1x16xf32>,
          %swap3A_1016 = vector.shape_cast %swap3A_1015 : vector<1x16xf32> to vector<16xf32>
          %swap3A_1017 = vector.shape_cast %mul3A_1012 : vector<16xf32> to vector<1x16xf32>
          tpu.vector_store %arg10[%swap3A_1013, %swap3A_1014], %swap3A_1017 {strides = array<i32>} : memref<96x128xf32, #tpu.memory_space<vmem>>, vector<1x16xf32>,
          %get3A_1018 = arith.index_cast %add3A_967 : i32 to index
          %get3A_1019 = arith.constant 80 : index
          %get3A_1020 = tpu.vector_load %arg10[%get3A_1018, %get3A_1019] {strides = array<i32>} : memref<96x128xf32, #tpu.memory_space<vmem>>, vector<1x16xf32>,
          %get3A_1021 = vector.shape_cast %get3A_1020 : vector<1x16xf32> to vector<16xf32>
          %mul3A_1022 = arith.mulf %get3A_1021, %gather3A_963 : vector<16xf32>
          %swap3A_1023 = arith.index_cast %add3A_967 : i32 to index
          %swap3A_1024 = arith.constant 80 : index
          %swap3A_1025 = tpu.vector_load %arg10[%swap3A_1023, %swap3A_1024] {strides = array<i32>} : memref<96x128xf32, #tpu.memory_space<vmem>>, vector<1x16xf32>,
          %swap3A_1026 = vector.shape_cast %swap3A_1025 : vector<1x16xf32> to vector<16xf32>
          %swap3A_1027 = vector.shape_cast %mul3A_1022 : vector<16xf32> to vector<1x16xf32>
          tpu.vector_store %arg10[%swap3A_1023, %swap3A_1024], %swap3A_1027 {strides = array<i32>} : memref<96x128xf32, #tpu.memory_space<vmem>>, vector<1x16xf32>,
          %get3A_1028 = arith.index_cast %add3A_967 : i32 to index
          %get3A_1029 = arith.constant 96 : index
          %get3A_1030 = tpu.vector_load %arg10[%get3A_1028, %get3A_1029] {strides = array<i32>} : memref<96x128xf32, #tpu.memory_space<vmem>>, vector<1x16xf32>,
          %get3A_1031 = vector.shape_cast %get3A_1030 : vector<1x16xf32> to vector<16xf32>
          %mul3A_1032 = arith.mulf %get3A_1031, %gather3A_963 : vector<16xf32>
          %swap3A_1033 = arith.index_cast %add3A_967 : i32 to index
          %swap3A_1034 = arith.constant 96 : index
          %swap3A_1035 = tpu.vector_load %arg10[%swap3A_1033, %swap3A_1034] {strides = array<i32>} : memref<96x128xf32, #tpu.memory_space<vmem>>, vector<1x16xf32>,
          %swap3A_1036 = vector.shape_cast %swap3A_1035 : vector<1x16xf32> to vector<16xf32>
          %swap3A_1037 = vector.shape_cast %mul3A_1032 : vector<16xf32> to vector<1x16xf32>
          tpu.vector_store %arg10[%swap3A_1033, %swap3A_1034], %swap3A_1037 {strides = array<i32>} : memref<96x128xf32, #tpu.memory_space<vmem>>, vector<1x16xf32>,
          %get3A_1038 = arith.index_cast %add3A_967 : i32 to index
          %get3A_1039 = arith.constant 112 : index
          %get3A_1040 = tpu.vector_load %arg10[%get3A_1038, %get3A_1039] {strides = array<i32>} : memref<96x128xf32, #tpu.memory_space<vmem>>, vector<1x16xf32>,
          %get3A_1041 = vector.shape_cast %get3A_1040 : vector<1x16xf32> to vector<16xf32>
          %mul3A_1042 = arith.mulf %get3A_1041, %gather3A_963 : vector<16xf32>
          %swap3A_1043 = arith.index_cast %add3A_967 : i32 to index
          %swap3A_1044 = arith.constant 112 : index
          %swap3A_1045 = tpu.vector_load %arg10[%swap3A_1043, %swap3A_1044] {strides = array<i32>} : memref<96x128xf32, #tpu.memory_space<vmem>>, vector<1x16xf32>,
          %swap3A_1046 = vector.shape_cast %swap3A_1045 : vector<1x16xf32> to vector<16xf32>
          %swap3A_1047 = vector.shape_cast %mul3A_1042 : vector<16xf32> to vector<1x16xf32>
          tpu.vector_store %arg10[%swap3A_1043, %swap3A_1044], %swap3A_1047 {strides = array<i32>} : memref<96x128xf32, #tpu.memory_space<vmem>>, vector<1x16xf32>,
          %broadcast_in_dim3A_1048 = arith.constant 10 : i32
          %broadcast_in_dim3A_1049 = vector.broadcast %broadcast_in_dim3A_1048 : i32 to vector<16xi32>
          %reshape3A_1050 = vector.shape_cast %broadcast_in_dim3A_1049 : vector<16xi32> to vector<16x1xi32>
          %gather3A_1051 = vector.shape_cast %reshape3A_1050 : vector<16x1xi32> to vector<16xi32>
          %gather3A_1052 = tpu.dynamic_gather %get3A_160[%gather3A_1051] in [0] : vector<16xf32>, vector<16xi32> -> vector<16xf32>
          %mul3A_1053 = arith.constant 16 : i32
          %mul3A_1054 = arith.muli %add3A_154, %mul3A_1053 : i32
          %add3A_1055 = arith.constant 10 : i32
          %add3A_1056 = arith.addi %mul3A_1054, %add3A_1055 : i32
          %get3A_1057 = arith.index_cast %add3A_1056 : i32 to index
          %get3A_1058 = arith.constant 0 : index
          %get3A_1059 = tpu.vector_load %arg10[%get3A_1057, %get3A_1058] {strides = array<i32>} : memref<96x128xf32, #tpu.memory_space<vmem>>, vector<1x16xf32>,
          %get3A_1060 = vector.shape_cast %get3A_1059 : vector<1x16xf32> to vector<16xf32>
          %mul3A_1061 = arith.mulf %get3A_1060, %gather3A_1052 : vector<16xf32>
          %swap3A_1062 = arith.index_cast %add3A_1056 : i32 to index
          %swap3A_1063 = arith.constant 0 : index
          %swap3A_1064 = tpu.vector_load %arg10[%swap3A_1062, %swap3A_1063] {strides = array<i32>} : memref<96x128xf32, #tpu.memory_space<vmem>>, vector<1x16xf32>,
          %swap3A_1065 = vector.shape_cast %swap3A_1064 : vector<1x16xf32> to vector<16xf32>
          %swap3A_1066 = vector.shape_cast %mul3A_1061 : vector<16xf32> to vector<1x16xf32>
          tpu.vector_store %arg10[%swap3A_1062, %swap3A_1063], %swap3A_1066 {strides = array<i32>} : memref<96x128xf32, #tpu.memory_space<vmem>>, vector<1x16xf32>,
          %get3A_1067 = arith.index_cast %add3A_1056 : i32 to index
          %get3A_1068 = arith.constant 16 : index
          %get3A_1069 = tpu.vector_load %arg10[%get3A_1067, %get3A_1068] {strides = array<i32>} : memref<96x128xf32, #tpu.memory_space<vmem>>, vector<1x16xf32>,
          %get3A_1070 = vector.shape_cast %get3A_1069 : vector<1x16xf32> to vector<16xf32>
          %mul3A_1071 = arith.mulf %get3A_1070, %gather3A_1052 : vector<16xf32>
          %swap3A_1072 = arith.index_cast %add3A_1056 : i32 to index
          %swap3A_1073 = arith.constant 16 : index
          %swap3A_1074 = tpu.vector_load %arg10[%swap3A_1072, %swap3A_1073] {strides = array<i32>} : memref<96x128xf32, #tpu.memory_space<vmem>>, vector<1x16xf32>,
          %swap3A_1075 = vector.shape_cast %swap3A_1074 : vector<1x16xf32> to vector<16xf32>
          %swap3A_1076 = vector.shape_cast %mul3A_1071 : vector<16xf32> to vector<1x16xf32>
          tpu.vector_store %arg10[%swap3A_1072, %swap3A_1073], %swap3A_1076 {strides = array<i32>} : memref<96x128xf32, #tpu.memory_space<vmem>>, vector<1x16xf32>,
          %get3A_1077 = arith.index_cast %add3A_1056 : i32 to index
          %get3A_1078 = arith.constant 32 : index
          %get3A_1079 = tpu.vector_load %arg10[%get3A_1077, %get3A_1078] {strides = array<i32>} : memref<96x128xf32, #tpu.memory_space<vmem>>, vector<1x16xf32>,
          %get3A_1080 = vector.shape_cast %get3A_1079 : vector<1x16xf32> to vector<16xf32>
          %mul3A_1081 = arith.mulf %get3A_1080, %gather3A_1052 : vector<16xf32>
          %swap3A_1082 = arith.index_cast %add3A_1056 : i32 to index
          %swap3A_1083 = arith.constant 32 : index
          %swap3A_1084 = tpu.vector_load %arg10[%swap3A_1082, %swap3A_1083] {strides = array<i32>} : memref<96x128xf32, #tpu.memory_space<vmem>>, vector<1x16xf32>,
          %swap3A_1085 = vector.shape_cast %swap3A_1084 : vector<1x16xf32> to vector<16xf32>
          %swap3A_1086 = vector.shape_cast %mul3A_1081 : vector<16xf32> to vector<1x16xf32>
          tpu.vector_store %arg10[%swap3A_1082, %swap3A_1083], %swap3A_1086 {strides = array<i32>} : memref<96x128xf32, #tpu.memory_space<vmem>>, vector<1x16xf32>,
          %get3A_1087 = arith.index_cast %add3A_1056 : i32 to index
          %get3A_1088 = arith.constant 48 : index
          %get3A_1089 = tpu.vector_load %arg10[%get3A_1087, %get3A_1088] {strides = array<i32>} : memref<96x128xf32, #tpu.memory_space<vmem>>, vector<1x16xf32>,
          %get3A_1090 = vector.shape_cast %get3A_1089 : vector<1x16xf32> to vector<16xf32>
          %mul3A_1091 = arith.mulf %get3A_1090, %gather3A_1052 : vector<16xf32>
          %swap3A_1092 = arith.index_cast %add3A_1056 : i32 to index
          %swap3A_1093 = arith.constant 48 : index
          %swap3A_1094 = tpu.vector_load %arg10[%swap3A_1092, %swap3A_1093] {strides = array<i32>} : memref<96x128xf32, #tpu.memory_space<vmem>>, vector<1x16xf32>,
          %swap3A_1095 = vector.shape_cast %swap3A_1094 : vector<1x16xf32> to vector<16xf32>
          %swap3A_1096 = vector.shape_cast %mul3A_1091 : vector<16xf32> to vector<1x16xf32>
          tpu.vector_store %arg10[%swap3A_1092, %swap3A_1093], %swap3A_1096 {strides = array<i32>} : memref<96x128xf32, #tpu.memory_space<vmem>>, vector<1x16xf32>,
          %get3A_1097 = arith.index_cast %add3A_1056 : i32 to index
          %get3A_1098 = arith.constant 64 : index
          %get3A_1099 = tpu.vector_load %arg10[%get3A_1097, %get3A_1098] {strides = array<i32>} : memref<96x128xf32, #tpu.memory_space<vmem>>, vector<1x16xf32>,
          %get3A_1100 = vector.shape_cast %get3A_1099 : vector<1x16xf32> to vector<16xf32>
          %mul3A_1101 = arith.mulf %get3A_1100, %gather3A_1052 : vector<16xf32>
          %swap3A_1102 = arith.index_cast %add3A_1056 : i32 to index
          %swap3A_1103 = arith.constant 64 : index
          %swap3A_1104 = tpu.vector_load %arg10[%swap3A_1102, %swap3A_1103] {strides = array<i32>} : memref<96x128xf32, #tpu.memory_space<vmem>>, vector<1x16xf32>,
          %swap3A_1105 = vector.shape_cast %swap3A_1104 : vector<1x16xf32> to vector<16xf32>
          %swap3A_1106 = vector.shape_cast %mul3A_1101 : vector<16xf32> to vector<1x16xf32>
          tpu.vector_store %arg10[%swap3A_1102, %swap3A_1103], %swap3A_1106 {strides = array<i32>} : memref<96x128xf32, #tpu.memory_space<vmem>>, vector<1x16xf32>,
          %get3A_1107 = arith.index_cast %add3A_1056 : i32 to index
          %get3A_1108 = arith.constant 80 : index
          %get3A_1109 = tpu.vector_load %arg10[%get3A_1107, %get3A_1108] {strides = array<i32>} : memref<96x128xf32, #tpu.memory_space<vmem>>, vector<1x16xf32>,
          %get3A_1110 = vector.shape_cast %get3A_1109 : vector<1x16xf32> to vector<16xf32>
          %mul3A_1111 = arith.mulf %get3A_1110, %gather3A_1052 : vector<16xf32>
          %swap3A_1112 = arith.index_cast %add3A_1056 : i32 to index
          %swap3A_1113 = arith.constant 80 : index
          %swap3A_1114 = tpu.vector_load %arg10[%swap3A_1112, %swap3A_1113] {strides = array<i32>} : memref<96x128xf32, #tpu.memory_space<vmem>>, vector<1x16xf32>,
          %swap3A_1115 = vector.shape_cast %swap3A_1114 : vector<1x16xf32> to vector<16xf32>
          %swap3A_1116 = vector.shape_cast %mul3A_1111 : vector<16xf32> to vector<1x16xf32>
          tpu.vector_store %arg10[%swap3A_1112, %swap3A_1113], %swap3A_1116 {strides = array<i32>} : memref<96x128xf32, #tpu.memory_space<vmem>>, vector<1x16xf32>,
          %get3A_1117 = arith.index_cast %add3A_1056 : i32 to index
          %get3A_1118 = arith.constant 96 : index
          %get3A_1119 = tpu.vector_load %arg10[%get3A_1117, %get3A_1118] {strides = array<i32>} : memref<96x128xf32, #tpu.memory_space<vmem>>, vector<1x16xf32>,
          %get3A_1120 = vector.shape_cast %get3A_1119 : vector<1x16xf32> to vector<16xf32>
          %mul3A_1121 = arith.mulf %get3A_1120, %gather3A_1052 : vector<16xf32>
          %swap3A_1122 = arith.index_cast %add3A_1056 : i32 to index
          %swap3A_1123 = arith.constant 96 : index
          %swap3A_1124 = tpu.vector_load %arg10[%swap3A_1122, %swap3A_1123] {strides = array<i32>} : memref<96x128xf32, #tpu.memory_space<vmem>>, vector<1x16xf32>,
          %swap3A_1125 = vector.shape_cast %swap3A_1124 : vector<1x16xf32> to vector<16xf32>
          %swap3A_1126 = vector.shape_cast %mul3A_1121 : vector<16xf32> to vector<1x16xf32>
          tpu.vector_store %arg10[%swap3A_1122, %swap3A_1123], %swap3A_1126 {strides = array<i32>} : memref<96x128xf32, #tpu.memory_space<vmem>>, vector<1x16xf32>,
          %get3A_1127 = arith.index_cast %add3A_1056 : i32 to index
          %get3A_1128 = arith.constant 112 : index
          %get3A_1129 = tpu.vector_load %arg10[%get3A_1127, %get3A_1128] {strides = array<i32>} : memref<96x128xf32, #tpu.memory_space<vmem>>, vector<1x16xf32>,
          %get3A_1130 = vector.shape_cast %get3A_1129 : vector<1x16xf32> to vector<16xf32>
          %mul3A_1131 = arith.mulf %get3A_1130, %gather3A_1052 : vector<16xf32>
          %swap3A_1132 = arith.index_cast %add3A_1056 : i32 to index
          %swap3A_1133 = arith.constant 112 : index
          %swap3A_1134 = tpu.vector_load %arg10[%swap3A_1132, %swap3A_1133] {strides = array<i32>} : memref<96x128xf32, #tpu.memory_space<vmem>>, vector<1x16xf32>,
          %swap3A_1135 = vector.shape_cast %swap3A_1134 : vector<1x16xf32> to vector<16xf32>
          %swap3A_1136 = vector.shape_cast %mul3A_1131 : vector<16xf32> to vector<1x16xf32>
          tpu.vector_store %arg10[%swap3A_1132, %swap3A_1133], %swap3A_1136 {strides = array<i32>} : memref<96x128xf32, #tpu.memory_space<vmem>>, vector<1x16xf32>,
          %broadcast_in_dim3A_1137 = arith.constant 11 : i32
          %broadcast_in_dim3A_1138 = vector.broadcast %broadcast_in_dim3A_1137 : i32 to vector<16xi32>
          %reshape3A_1139 = vector.shape_cast %broadcast_in_dim3A_1138 : vector<16xi32> to vector<16x1xi32>
          %gather3A_1140 = vector.shape_cast %reshape3A_1139 : vector<16x1xi32> to vector<16xi32>
          %gather3A_1141 = tpu.dynamic_gather %get3A_160[%gather3A_1140] in [0] : vector<16xf32>, vector<16xi32> -> vector<16xf32>
          %mul3A_1142 = arith.constant 16 : i32
          %mul3A_1143 = arith.muli %add3A_154, %mul3A_1142 : i32
          %add3A_1144 = arith.constant 11 : i32
          %add3A_1145 = arith.addi %mul3A_1143, %add3A_1144 : i32
          %get3A_1146 = arith.index_cast %add3A_1145 : i32 to index
          %get3A_1147 = arith.constant 0 : index
          %get3A_1148 = tpu.vector_load %arg10[%get3A_1146, %get3A_1147] {strides = array<i32>} : memref<96x128xf32, #tpu.memory_space<vmem>>, vector<1x16xf32>,
          %get3A_1149 = vector.shape_cast %get3A_1148 : vector<1x16xf32> to vector<16xf32>
          %mul3A_1150 = arith.mulf %get3A_1149, %gather3A_1141 : vector<16xf32>
          %swap3A_1151 = arith.index_cast %add3A_1145 : i32 to index
          %swap3A_1152 = arith.constant 0 : index
          %swap3A_1153 = tpu.vector_load %arg10[%swap3A_1151, %swap3A_1152] {strides = array<i32>} : memref<96x128xf32, #tpu.memory_space<vmem>>, vector<1x16xf32>,
          %swap3A_1154 = vector.shape_cast %swap3A_1153 : vector<1x16xf32> to vector<16xf32>
          %swap3A_1155 = vector.shape_cast %mul3A_1150 : vector<16xf32> to vector<1x16xf32>
          tpu.vector_store %arg10[%swap3A_1151, %swap3A_1152], %swap3A_1155 {strides = array<i32>} : memref<96x128xf32, #tpu.memory_space<vmem>>, vector<1x16xf32>,
          %get3A_1156 = arith.index_cast %add3A_1145 : i32 to index
          %get3A_1157 = arith.constant 16 : index
          %get3A_1158 = tpu.vector_load %arg10[%get3A_1156, %get3A_1157] {strides = array<i32>} : memref<96x128xf32, #tpu.memory_space<vmem>>, vector<1x16xf32>,
          %get3A_1159 = vector.shape_cast %get3A_1158 : vector<1x16xf32> to vector<16xf32>
          %mul3A_1160 = arith.mulf %get3A_1159, %gather3A_1141 : vector<16xf32>
          %swap3A_1161 = arith.index_cast %add3A_1145 : i32 to index
          %swap3A_1162 = arith.constant 16 : index
          %swap3A_1163 = tpu.vector_load %arg10[%swap3A_1161, %swap3A_1162] {strides = array<i32>} : memref<96x128xf32, #tpu.memory_space<vmem>>, vector<1x16xf32>,
          %swap3A_1164 = vector.shape_cast %swap3A_1163 : vector<1x16xf32> to vector<16xf32>
          %swap3A_1165 = vector.shape_cast %mul3A_1160 : vector<16xf32> to vector<1x16xf32>
          tpu.vector_store %arg10[%swap3A_1161, %swap3A_1162], %swap3A_1165 {strides = array<i32>} : memref<96x128xf32, #tpu.memory_space<vmem>>, vector<1x16xf32>,
          %get3A_1166 = arith.index_cast %add3A_1145 : i32 to index
          %get3A_1167 = arith.constant 32 : index
          %get3A_1168 = tpu.vector_load %arg10[%get3A_1166, %get3A_1167] {strides = array<i32>} : memref<96x128xf32, #tpu.memory_space<vmem>>, vector<1x16xf32>,
          %get3A_1169 = vector.shape_cast %get3A_1168 : vector<1x16xf32> to vector<16xf32>
          %mul3A_1170 = arith.mulf %get3A_1169, %gather3A_1141 : vector<16xf32>
          %swap3A_1171 = arith.index_cast %add3A_1145 : i32 to index
          %swap3A_1172 = arith.constant 32 : index
          %swap3A_1173 = tpu.vector_load %arg10[%swap3A_1171, %swap3A_1172] {strides = array<i32>} : memref<96x128xf32, #tpu.memory_space<vmem>>, vector<1x16xf32>,
          %swap3A_1174 = vector.shape_cast %swap3A_1173 : vector<1x16xf32> to vector<16xf32>
          %swap3A_1175 = vector.shape_cast %mul3A_1170 : vector<16xf32> to vector<1x16xf32>
          tpu.vector_store %arg10[%swap3A_1171, %swap3A_1172], %swap3A_1175 {strides = array<i32>} : memref<96x128xf32, #tpu.memory_space<vmem>>, vector<1x16xf32>,
          %get3A_1176 = arith.index_cast %add3A_1145 : i32 to index
          %get3A_1177 = arith.constant 48 : index
          %get3A_1178 = tpu.vector_load %arg10[%get3A_1176, %get3A_1177] {strides = array<i32>} : memref<96x128xf32, #tpu.memory_space<vmem>>, vector<1x16xf32>,
          %get3A_1179 = vector.shape_cast %get3A_1178 : vector<1x16xf32> to vector<16xf32>
          %mul3A_1180 = arith.mulf %get3A_1179, %gather3A_1141 : vector<16xf32>
          %swap3A_1181 = arith.index_cast %add3A_1145 : i32 to index
          %swap3A_1182 = arith.constant 48 : index
          %swap3A_1183 = tpu.vector_load %arg10[%swap3A_1181, %swap3A_1182] {strides = array<i32>} : memref<96x128xf32, #tpu.memory_space<vmem>>, vector<1x16xf32>,
          %swap3A_1184 = vector.shape_cast %swap3A_1183 : vector<1x16xf32> to vector<16xf32>
          %swap3A_1185 = vector.shape_cast %mul3A_1180 : vector<16xf32> to vector<1x16xf32>
          tpu.vector_store %arg10[%swap3A_1181, %swap3A_1182], %swap3A_1185 {strides = array<i32>} : memref<96x128xf32, #tpu.memory_space<vmem>>, vector<1x16xf32>,
          %get3A_1186 = arith.index_cast %add3A_1145 : i32 to index
          %get3A_1187 = arith.constant 64 : index
          %get3A_1188 = tpu.vector_load %arg10[%get3A_1186, %get3A_1187] {strides = array<i32>} : memref<96x128xf32, #tpu.memory_space<vmem>>, vector<1x16xf32>,
          %get3A_1189 = vector.shape_cast %get3A_1188 : vector<1x16xf32> to vector<16xf32>
          %mul3A_1190 = arith.mulf %get3A_1189, %gather3A_1141 : vector<16xf32>
          %swap3A_1191 = arith.index_cast %add3A_1145 : i32 to index
          %swap3A_1192 = arith.constant 64 : index
          %swap3A_1193 = tpu.vector_load %arg10[%swap3A_1191, %swap3A_1192] {strides = array<i32>} : memref<96x128xf32, #tpu.memory_space<vmem>>, vector<1x16xf32>,
          %swap3A_1194 = vector.shape_cast %swap3A_1193 : vector<1x16xf32> to vector<16xf32>
          %swap3A_1195 = vector.shape_cast %mul3A_1190 : vector<16xf32> to vector<1x16xf32>
          tpu.vector_store %arg10[%swap3A_1191, %swap3A_1192], %swap3A_1195 {strides = array<i32>} : memref<96x128xf32, #tpu.memory_space<vmem>>, vector<1x16xf32>,
          %get3A_1196 = arith.index_cast %add3A_1145 : i32 to index
          %get3A_1197 = arith.constant 80 : index
          %get3A_1198 = tpu.vector_load %arg10[%get3A_1196, %get3A_1197] {strides = array<i32>} : memref<96x128xf32, #tpu.memory_space<vmem>>, vector<1x16xf32>,
          %get3A_1199 = vector.shape_cast %get3A_1198 : vector<1x16xf32> to vector<16xf32>
          %mul3A_1200 = arith.mulf %get3A_1199, %gather3A_1141 : vector<16xf32>
          %swap3A_1201 = arith.index_cast %add3A_1145 : i32 to index
          %swap3A_1202 = arith.constant 80 : index
          %swap3A_1203 = tpu.vector_load %arg10[%swap3A_1201, %swap3A_1202] {strides = array<i32>} : memref<96x128xf32, #tpu.memory_space<vmem>>, vector<1x16xf32>,
          %swap3A_1204 = vector.shape_cast %swap3A_1203 : vector<1x16xf32> to vector<16xf32>
          %swap3A_1205 = vector.shape_cast %mul3A_1200 : vector<16xf32> to vector<1x16xf32>
          tpu.vector_store %arg10[%swap3A_1201, %swap3A_1202], %swap3A_1205 {strides = array<i32>} : memref<96x128xf32, #tpu.memory_space<vmem>>, vector<1x16xf32>,
          %get3A_1206 = arith.index_cast %add3A_1145 : i32 to index
          %get3A_1207 = arith.constant 96 : index
          %get3A_1208 = tpu.vector_load %arg10[%get3A_1206, %get3A_1207] {strides = array<i32>} : memref<96x128xf32, #tpu.memory_space<vmem>>, vector<1x16xf32>,
          %get3A_1209 = vector.shape_cast %get3A_1208 : vector<1x16xf32> to vector<16xf32>
          %mul3A_1210 = arith.mulf %get3A_1209, %gather3A_1141 : vector<16xf32>
          %swap3A_1211 = arith.index_cast %add3A_1145 : i32 to index
          %swap3A_1212 = arith.constant 96 : index
          %swap3A_1213 = tpu.vector_load %arg10[%swap3A_1211, %swap3A_1212] {strides = array<i32>} : memref<96x128xf32, #tpu.memory_space<vmem>>, vector<1x16xf32>,
          %swap3A_1214 = vector.shape_cast %swap3A_1213 : vector<1x16xf32> to vector<16xf32>
          %swap3A_1215 = vector.shape_cast %mul3A_1210 : vector<16xf32> to vector<1x16xf32>
          tpu.vector_store %arg10[%swap3A_1211, %swap3A_1212], %swap3A_1215 {strides = array<i32>} : memref<96x128xf32, #tpu.memory_space<vmem>>, vector<1x16xf32>,
          %get3A_1216 = arith.index_cast %add3A_1145 : i32 to index
          %get3A_1217 = arith.constant 112 : index
          %get3A_1218 = tpu.vector_load %arg10[%get3A_1216, %get3A_1217] {strides = array<i32>} : memref<96x128xf32, #tpu.memory_space<vmem>>, vector<1x16xf32>,
          %get3A_1219 = vector.shape_cast %get3A_1218 : vector<1x16xf32> to vector<16xf32>
          %mul3A_1220 = arith.mulf %get3A_1219, %gather3A_1141 : vector<16xf32>
          %swap3A_1221 = arith.index_cast %add3A_1145 : i32 to index
          %swap3A_1222 = arith.constant 112 : index
          %swap3A_1223 = tpu.vector_load %arg10[%swap3A_1221, %swap3A_1222] {strides = array<i32>} : memref<96x128xf32, #tpu.memory_space<vmem>>, vector<1x16xf32>,
          %swap3A_1224 = vector.shape_cast %swap3A_1223 : vector<1x16xf32> to vector<16xf32>
          %swap3A_1225 = vector.shape_cast %mul3A_1220 : vector<16xf32> to vector<1x16xf32>
          tpu.vector_store %arg10[%swap3A_1221, %swap3A_1222], %swap3A_1225 {strides = array<i32>} : memref<96x128xf32, #tpu.memory_space<vmem>>, vector<1x16xf32>,
          %broadcast_in_dim3A_1226 = arith.constant 12 : i32
          %broadcast_in_dim3A_1227 = vector.broadcast %broadcast_in_dim3A_1226 : i32 to vector<16xi32>
          %reshape3A_1228 = vector.shape_cast %broadcast_in_dim3A_1227 : vector<16xi32> to vector<16x1xi32>
          %gather3A_1229 = vector.shape_cast %reshape3A_1228 : vector<16x1xi32> to vector<16xi32>
          %gather3A_1230 = tpu.dynamic_gather %get3A_160[%gather3A_1229] in [0] : vector<16xf32>, vector<16xi32> -> vector<16xf32>
          %mul3A_1231 = arith.constant 16 : i32
          %mul3A_1232 = arith.muli %add3A_154, %mul3A_1231 : i32
          %add3A_1233 = arith.constant 12 : i32
          %add3A_1234 = arith.addi %mul3A_1232, %add3A_1233 : i32
          %get3A_1235 = arith.index_cast %add3A_1234 : i32 to index
          %get3A_1236 = arith.constant 0 : index
          %get3A_1237 = tpu.vector_load %arg10[%get3A_1235, %get3A_1236] {strides = array<i32>} : memref<96x128xf32, #tpu.memory_space<vmem>>, vector<1x16xf32>,
          %get3A_1238 = vector.shape_cast %get3A_1237 : vector<1x16xf32> to vector<16xf32>
          %mul3A_1239 = arith.mulf %get3A_1238, %gather3A_1230 : vector<16xf32>
          %swap3A_1240 = arith.index_cast %add3A_1234 : i32 to index
          %swap3A_1241 = arith.constant 0 : index
          %swap3A_1242 = tpu.vector_load %arg10[%swap3A_1240, %swap3A_1241] {strides = array<i32>} : memref<96x128xf32, #tpu.memory_space<vmem>>, vector<1x16xf32>,
          %swap3A_1243 = vector.shape_cast %swap3A_1242 : vector<1x16xf32> to vector<16xf32>
          %swap3A_1244 = vector.shape_cast %mul3A_1239 : vector<16xf32> to vector<1x16xf32>
          tpu.vector_store %arg10[%swap3A_1240, %swap3A_1241], %swap3A_1244 {strides = array<i32>} : memref<96x128xf32, #tpu.memory_space<vmem>>, vector<1x16xf32>,
          %get3A_1245 = arith.index_cast %add3A_1234 : i32 to index
          %get3A_1246 = arith.constant 16 : index
          %get3A_1247 = tpu.vector_load %arg10[%get3A_1245, %get3A_1246] {strides = array<i32>} : memref<96x128xf32, #tpu.memory_space<vmem>>, vector<1x16xf32>,
          %get3A_1248 = vector.shape_cast %get3A_1247 : vector<1x16xf32> to vector<16xf32>
          %mul3A_1249 = arith.mulf %get3A_1248, %gather3A_1230 : vector<16xf32>
          %swap3A_1250 = arith.index_cast %add3A_1234 : i32 to index
          %swap3A_1251 = arith.constant 16 : index
          %swap3A_1252 = tpu.vector_load %arg10[%swap3A_1250, %swap3A_1251] {strides = array<i32>} : memref<96x128xf32, #tpu.memory_space<vmem>>, vector<1x16xf32>,
          %swap3A_1253 = vector.shape_cast %swap3A_1252 : vector<1x16xf32> to vector<16xf32>
          %swap3A_1254 = vector.shape_cast %mul3A_1249 : vector<16xf32> to vector<1x16xf32>
          tpu.vector_store %arg10[%swap3A_1250, %swap3A_1251], %swap3A_1254 {strides = array<i32>} : memref<96x128xf32, #tpu.memory_space<vmem>>, vector<1x16xf32>,
          %get3A_1255 = arith.index_cast %add3A_1234 : i32 to index
          %get3A_1256 = arith.constant 32 : index
          %get3A_1257 = tpu.vector_load %arg10[%get3A_1255, %get3A_1256] {strides = array<i32>} : memref<96x128xf32, #tpu.memory_space<vmem>>, vector<1x16xf32>,
          %get3A_1258 = vector.shape_cast %get3A_1257 : vector<1x16xf32> to vector<16xf32>
          %mul3A_1259 = arith.mulf %get3A_1258, %gather3A_1230 : vector<16xf32>
          %swap3A_1260 = arith.index_cast %add3A_1234 : i32 to index
          %swap3A_1261 = arith.constant 32 : index
          %swap3A_1262 = tpu.vector_load %arg10[%swap3A_1260, %swap3A_1261] {strides = array<i32>} : memref<96x128xf32, #tpu.memory_space<vmem>>, vector<1x16xf32>,
          %swap3A_1263 = vector.shape_cast %swap3A_1262 : vector<1x16xf32> to vector<16xf32>
          %swap3A_1264 = vector.shape_cast %mul3A_1259 : vector<16xf32> to vector<1x16xf32>
          tpu.vector_store %arg10[%swap3A_1260, %swap3A_1261], %swap3A_1264 {strides = array<i32>} : memref<96x128xf32, #tpu.memory_space<vmem>>, vector<1x16xf32>,
          %get3A_1265 = arith.index_cast %add3A_1234 : i32 to index
          %get3A_1266 = arith.constant 48 : index
          %get3A_1267 = tpu.vector_load %arg10[%get3A_1265, %get3A_1266] {strides = array<i32>} : memref<96x128xf32, #tpu.memory_space<vmem>>, vector<1x16xf32>,
          %get3A_1268 = vector.shape_cast %get3A_1267 : vector<1x16xf32> to vector<16xf32>
          %mul3A_1269 = arith.mulf %get3A_1268, %gather3A_1230 : vector<16xf32>
          %swap3A_1270 = arith.index_cast %add3A_1234 : i32 to index
          %swap3A_1271 = arith.constant 48 : index
          %swap3A_1272 = tpu.vector_load %arg10[%swap3A_1270, %swap3A_1271] {strides = array<i32>} : memref<96x128xf32, #tpu.memory_space<vmem>>, vector<1x16xf32>,
          %swap3A_1273 = vector.shape_cast %swap3A_1272 : vector<1x16xf32> to vector<16xf32>
          %swap3A_1274 = vector.shape_cast %mul3A_1269 : vector<16xf32> to vector<1x16xf32>
          tpu.vector_store %arg10[%swap3A_1270, %swap3A_1271], %swap3A_1274 {strides = array<i32>} : memref<96x128xf32, #tpu.memory_space<vmem>>, vector<1x16xf32>,
          %get3A_1275 = arith.index_cast %add3A_1234 : i32 to index
          %get3A_1276 = arith.constant 64 : index
          %get3A_1277 = tpu.vector_load %arg10[%get3A_1275, %get3A_1276] {strides = array<i32>} : memref<96x128xf32, #tpu.memory_space<vmem>>, vector<1x16xf32>,
          %get3A_1278 = vector.shape_cast %get3A_1277 : vector<1x16xf32> to vector<16xf32>
          %mul3A_1279 = arith.mulf %get3A_1278, %gather3A_1230 : vector<16xf32>
          %swap3A_1280 = arith.index_cast %add3A_1234 : i32 to index
          %swap3A_1281 = arith.constant 64 : index
          %swap3A_1282 = tpu.vector_load %arg10[%swap3A_1280, %swap3A_1281] {strides = array<i32>} : memref<96x128xf32, #tpu.memory_space<vmem>>, vector<1x16xf32>,
          %swap3A_1283 = vector.shape_cast %swap3A_1282 : vector<1x16xf32> to vector<16xf32>
          %swap3A_1284 = vector.shape_cast %mul3A_1279 : vector<16xf32> to vector<1x16xf32>
          tpu.vector_store %arg10[%swap3A_1280, %swap3A_1281], %swap3A_1284 {strides = array<i32>} : memref<96x128xf32, #tpu.memory_space<vmem>>, vector<1x16xf32>,
          %get3A_1285 = arith.index_cast %add3A_1234 : i32 to index
          %get3A_1286 = arith.constant 80 : index
          %get3A_1287 = tpu.vector_load %arg10[%get3A_1285, %get3A_1286] {strides = array<i32>} : memref<96x128xf32, #tpu.memory_space<vmem>>, vector<1x16xf32>,
          %get3A_1288 = vector.shape_cast %get3A_1287 : vector<1x16xf32> to vector<16xf32>
          %mul3A_1289 = arith.mulf %get3A_1288, %gather3A_1230 : vector<16xf32>
          %swap3A_1290 = arith.index_cast %add3A_1234 : i32 to index
          %swap3A_1291 = arith.constant 80 : index
          %swap3A_1292 = tpu.vector_load %arg10[%swap3A_1290, %swap3A_1291] {strides = array<i32>} : memref<96x128xf32, #tpu.memory_space<vmem>>, vector<1x16xf32>,
          %swap3A_1293 = vector.shape_cast %swap3A_1292 : vector<1x16xf32> to vector<16xf32>
          %swap3A_1294 = vector.shape_cast %mul3A_1289 : vector<16xf32> to vector<1x16xf32>
          tpu.vector_store %arg10[%swap3A_1290, %swap3A_1291], %swap3A_1294 {strides = array<i32>} : memref<96x128xf32, #tpu.memory_space<vmem>>, vector<1x16xf32>,
          %get3A_1295 = arith.index_cast %add3A_1234 : i32 to index
          %get3A_1296 = arith.constant 96 : index
          %get3A_1297 = tpu.vector_load %arg10[%get3A_1295, %get3A_1296] {strides = array<i32>} : memref<96x128xf32, #tpu.memory_space<vmem>>, vector<1x16xf32>,
          %get3A_1298 = vector.shape_cast %get3A_1297 : vector<1x16xf32> to vector<16xf32>
          %mul3A_1299 = arith.mulf %get3A_1298, %gather3A_1230 : vector<16xf32>
          %swap3A_1300 = arith.index_cast %add3A_1234 : i32 to index
          %swap3A_1301 = arith.constant 96 : index
          %swap3A_1302 = tpu.vector_load %arg10[%swap3A_1300, %swap3A_1301] {strides = array<i32>} : memref<96x128xf32, #tpu.memory_space<vmem>>, vector<1x16xf32>,
          %swap3A_1303 = vector.shape_cast %swap3A_1302 : vector<1x16xf32> to vector<16xf32>
          %swap3A_1304 = vector.shape_cast %mul3A_1299 : vector<16xf32> to vector<1x16xf32>
          tpu.vector_store %arg10[%swap3A_1300, %swap3A_1301], %swap3A_1304 {strides = array<i32>} : memref<96x128xf32, #tpu.memory_space<vmem>>, vector<1x16xf32>,
          %get3A_1305 = arith.index_cast %add3A_1234 : i32 to index
          %get3A_1306 = arith.constant 112 : index
          %get3A_1307 = tpu.vector_load %arg10[%get3A_1305, %get3A_1306] {strides = array<i32>} : memref<96x128xf32, #tpu.memory_space<vmem>>, vector<1x16xf32>,
          %get3A_1308 = vector.shape_cast %get3A_1307 : vector<1x16xf32> to vector<16xf32>
          %mul3A_1309 = arith.mulf %get3A_1308, %gather3A_1230 : vector<16xf32>
          %swap3A_1310 = arith.index_cast %add3A_1234 : i32 to index
          %swap3A_1311 = arith.constant 112 : index
          %swap3A_1312 = tpu.vector_load %arg10[%swap3A_1310, %swap3A_1311] {strides = array<i32>} : memref<96x128xf32, #tpu.memory_space<vmem>>, vector<1x16xf32>,
          %swap3A_1313 = vector.shape_cast %swap3A_1312 : vector<1x16xf32> to vector<16xf32>
          %swap3A_1314 = vector.shape_cast %mul3A_1309 : vector<16xf32> to vector<1x16xf32>
          tpu.vector_store %arg10[%swap3A_1310, %swap3A_1311], %swap3A_1314 {strides = array<i32>} : memref<96x128xf32, #tpu.memory_space<vmem>>, vector<1x16xf32>,
          %broadcast_in_dim3A_1315 = arith.constant 13 : i32
          %broadcast_in_dim3A_1316 = vector.broadcast %broadcast_in_dim3A_1315 : i32 to vector<16xi32>
          %reshape3A_1317 = vector.shape_cast %broadcast_in_dim3A_1316 : vector<16xi32> to vector<16x1xi32>
          %gather3A_1318 = vector.shape_cast %reshape3A_1317 : vector<16x1xi32> to vector<16xi32>
          %gather3A_1319 = tpu.dynamic_gather %get3A_160[%gather3A_1318] in [0] : vector<16xf32>, vector<16xi32> -> vector<16xf32>
          %mul3A_1320 = arith.constant 16 : i32
          %mul3A_1321 = arith.muli %add3A_154, %mul3A_1320 : i32
          %add3A_1322 = arith.constant 13 : i32
          %add3A_1323 = arith.addi %mul3A_1321, %add3A_1322 : i32
          %get3A_1324 = arith.index_cast %add3A_1323 : i32 to index
          %get3A_1325 = arith.constant 0 : index
          %get3A_1326 = tpu.vector_load %arg10[%get3A_1324, %get3A_1325] {strides = array<i32>} : memref<96x128xf32, #tpu.memory_space<vmem>>, vector<1x16xf32>,
          %get3A_1327 = vector.shape_cast %get3A_1326 : vector<1x16xf32> to vector<16xf32>
          %mul3A_1328 = arith.mulf %get3A_1327, %gather3A_1319 : vector<16xf32>
          %swap3A_1329 = arith.index_cast %add3A_1323 : i32 to index
          %swap3A_1330 = arith.constant 0 : index
          %swap3A_1331 = tpu.vector_load %arg10[%swap3A_1329, %swap3A_1330] {strides = array<i32>} : memref<96x128xf32, #tpu.memory_space<vmem>>, vector<1x16xf32>,
          %swap3A_1332 = vector.shape_cast %swap3A_1331 : vector<1x16xf32> to vector<16xf32>
          %swap3A_1333 = vector.shape_cast %mul3A_1328 : vector<16xf32> to vector<1x16xf32>
          tpu.vector_store %arg10[%swap3A_1329, %swap3A_1330], %swap3A_1333 {strides = array<i32>} : memref<96x128xf32, #tpu.memory_space<vmem>>, vector<1x16xf32>,
          %get3A_1334 = arith.index_cast %add3A_1323 : i32 to index
          %get3A_1335 = arith.constant 16 : index
          %get3A_1336 = tpu.vector_load %arg10[%get3A_1334, %get3A_1335] {strides = array<i32>} : memref<96x128xf32, #tpu.memory_space<vmem>>, vector<1x16xf32>,
          %get3A_1337 = vector.shape_cast %get3A_1336 : vector<1x16xf32> to vector<16xf32>
          %mul3A_1338 = arith.mulf %get3A_1337, %gather3A_1319 : vector<16xf32>
          %swap3A_1339 = arith.index_cast %add3A_1323 : i32 to index
          %swap3A_1340 = arith.constant 16 : index
          %swap3A_1341 = tpu.vector_load %arg10[%swap3A_1339, %swap3A_1340] {strides = array<i32>} : memref<96x128xf32, #tpu.memory_space<vmem>>, vector<1x16xf32>,
          %swap3A_1342 = vector.shape_cast %swap3A_1341 : vector<1x16xf32> to vector<16xf32>
          %swap3A_1343 = vector.shape_cast %mul3A_1338 : vector<16xf32> to vector<1x16xf32>
          tpu.vector_store %arg10[%swap3A_1339, %swap3A_1340], %swap3A_1343 {strides = array<i32>} : memref<96x128xf32, #tpu.memory_space<vmem>>, vector<1x16xf32>,
          %get3A_1344 = arith.index_cast %add3A_1323 : i32 to index
          %get3A_1345 = arith.constant 32 : index
          %get3A_1346 = tpu.vector_load %arg10[%get3A_1344, %get3A_1345] {strides = array<i32>} : memref<96x128xf32, #tpu.memory_space<vmem>>, vector<1x16xf32>,
          %get3A_1347 = vector.shape_cast %get3A_1346 : vector<1x16xf32> to vector<16xf32>
          %mul3A_1348 = arith.mulf %get3A_1347, %gather3A_1319 : vector<16xf32>
          %swap3A_1349 = arith.index_cast %add3A_1323 : i32 to index
          %swap3A_1350 = arith.constant 32 : index
          %swap3A_1351 = tpu.vector_load %arg10[%swap3A_1349, %swap3A_1350] {strides = array<i32>} : memref<96x128xf32, #tpu.memory_space<vmem>>, vector<1x16xf32>,
          %swap3A_1352 = vector.shape_cast %swap3A_1351 : vector<1x16xf32> to vector<16xf32>
          %swap3A_1353 = vector.shape_cast %mul3A_1348 : vector<16xf32> to vector<1x16xf32>
          tpu.vector_store %arg10[%swap3A_1349, %swap3A_1350], %swap3A_1353 {strides = array<i32>} : memref<96x128xf32, #tpu.memory_space<vmem>>, vector<1x16xf32>,
          %get3A_1354 = arith.index_cast %add3A_1323 : i32 to index
          %get3A_1355 = arith.constant 48 : index
          %get3A_1356 = tpu.vector_load %arg10[%get3A_1354, %get3A_1355] {strides = array<i32>} : memref<96x128xf32, #tpu.memory_space<vmem>>, vector<1x16xf32>,
          %get3A_1357 = vector.shape_cast %get3A_1356 : vector<1x16xf32> to vector<16xf32>
          %mul3A_1358 = arith.mulf %get3A_1357, %gather3A_1319 : vector<16xf32>
          %swap3A_1359 = arith.index_cast %add3A_1323 : i32 to index
          %swap3A_1360 = arith.constant 48 : index
          %swap3A_1361 = tpu.vector_load %arg10[%swap3A_1359, %swap3A_1360] {strides = array<i32>} : memref<96x128xf32, #tpu.memory_space<vmem>>, vector<1x16xf32>,
          %swap3A_1362 = vector.shape_cast %swap3A_1361 : vector<1x16xf32> to vector<16xf32>
          %swap3A_1363 = vector.shape_cast %mul3A_1358 : vector<16xf32> to vector<1x16xf32>
          tpu.vector_store %arg10[%swap3A_1359, %swap3A_1360], %swap3A_1363 {strides = array<i32>} : memref<96x128xf32, #tpu.memory_space<vmem>>, vector<1x16xf32>,
          %get3A_1364 = arith.index_cast %add3A_1323 : i32 to index
          %get3A_1365 = arith.constant 64 : index
          %get3A_1366 = tpu.vector_load %arg10[%get3A_1364, %get3A_1365] {strides = array<i32>} : memref<96x128xf32, #tpu.memory_space<vmem>>, vector<1x16xf32>,
          %get3A_1367 = vector.shape_cast %get3A_1366 : vector<1x16xf32> to vector<16xf32>
          %mul3A_1368 = arith.mulf %get3A_1367, %gather3A_1319 : vector<16xf32>
          %swap3A_1369 = arith.index_cast %add3A_1323 : i32 to index
          %swap3A_1370 = arith.constant 64 : index
          %swap3A_1371 = tpu.vector_load %arg10[%swap3A_1369, %swap3A_1370] {strides = array<i32>} : memref<96x128xf32, #tpu.memory_space<vmem>>, vector<1x16xf32>,
          %swap3A_1372 = vector.shape_cast %swap3A_1371 : vector<1x16xf32> to vector<16xf32>
          %swap3A_1373 = vector.shape_cast %mul3A_1368 : vector<16xf32> to vector<1x16xf32>
          tpu.vector_store %arg10[%swap3A_1369, %swap3A_1370], %swap3A_1373 {strides = array<i32>} : memref<96x128xf32, #tpu.memory_space<vmem>>, vector<1x16xf32>,
          %get3A_1374 = arith.index_cast %add3A_1323 : i32 to index
          %get3A_1375 = arith.constant 80 : index
          %get3A_1376 = tpu.vector_load %arg10[%get3A_1374, %get3A_1375] {strides = array<i32>} : memref<96x128xf32, #tpu.memory_space<vmem>>, vector<1x16xf32>,
          %get3A_1377 = vector.shape_cast %get3A_1376 : vector<1x16xf32> to vector<16xf32>
          %mul3A_1378 = arith.mulf %get3A_1377, %gather3A_1319 : vector<16xf32>
          %swap3A_1379 = arith.index_cast %add3A_1323 : i32 to index
          %swap3A_1380 = arith.constant 80 : index
          %swap3A_1381 = tpu.vector_load %arg10[%swap3A_1379, %swap3A_1380] {strides = array<i32>} : memref<96x128xf32, #tpu.memory_space<vmem>>, vector<1x16xf32>,
          %swap3A_1382 = vector.shape_cast %swap3A_1381 : vector<1x16xf32> to vector<16xf32>
          %swap3A_1383 = vector.shape_cast %mul3A_1378 : vector<16xf32> to vector<1x16xf32>
          tpu.vector_store %arg10[%swap3A_1379, %swap3A_1380], %swap3A_1383 {strides = array<i32>} : memref<96x128xf32, #tpu.memory_space<vmem>>, vector<1x16xf32>,
          %get3A_1384 = arith.index_cast %add3A_1323 : i32 to index
          %get3A_1385 = arith.constant 96 : index
          %get3A_1386 = tpu.vector_load %arg10[%get3A_1384, %get3A_1385] {strides = array<i32>} : memref<96x128xf32, #tpu.memory_space<vmem>>, vector<1x16xf32>,
          %get3A_1387 = vector.shape_cast %get3A_1386 : vector<1x16xf32> to vector<16xf32>
          %mul3A_1388 = arith.mulf %get3A_1387, %gather3A_1319 : vector<16xf32>
          %swap3A_1389 = arith.index_cast %add3A_1323 : i32 to index
          %swap3A_1390 = arith.constant 96 : index
          %swap3A_1391 = tpu.vector_load %arg10[%swap3A_1389, %swap3A_1390] {strides = array<i32>} : memref<96x128xf32, #tpu.memory_space<vmem>>, vector<1x16xf32>,
          %swap3A_1392 = vector.shape_cast %swap3A_1391 : vector<1x16xf32> to vector<16xf32>
          %swap3A_1393 = vector.shape_cast %mul3A_1388 : vector<16xf32> to vector<1x16xf32>
          tpu.vector_store %arg10[%swap3A_1389, %swap3A_1390], %swap3A_1393 {strides = array<i32>} : memref<96x128xf32, #tpu.memory_space<vmem>>, vector<1x16xf32>,
          %get3A_1394 = arith.index_cast %add3A_1323 : i32 to index
          %get3A_1395 = arith.constant 112 : index
          %get3A_1396 = tpu.vector_load %arg10[%get3A_1394, %get3A_1395] {strides = array<i32>} : memref<96x128xf32, #tpu.memory_space<vmem>>, vector<1x16xf32>,
          %get3A_1397 = vector.shape_cast %get3A_1396 : vector<1x16xf32> to vector<16xf32>
          %mul3A_1398 = arith.mulf %get3A_1397, %gather3A_1319 : vector<16xf32>
          %swap3A_1399 = arith.index_cast %add3A_1323 : i32 to index
          %swap3A_1400 = arith.constant 112 : index
          %swap3A_1401 = tpu.vector_load %arg10[%swap3A_1399, %swap3A_1400] {strides = array<i32>} : memref<96x128xf32, #tpu.memory_space<vmem>>, vector<1x16xf32>,
          %swap3A_1402 = vector.shape_cast %swap3A_1401 : vector<1x16xf32> to vector<16xf32>
          %swap3A_1403 = vector.shape_cast %mul3A_1398 : vector<16xf32> to vector<1x16xf32>
          tpu.vector_store %arg10[%swap3A_1399, %swap3A_1400], %swap3A_1403 {strides = array<i32>} : memref<96x128xf32, #tpu.memory_space<vmem>>, vector<1x16xf32>,
          %broadcast_in_dim3A_1404 = arith.constant 14 : i32
          %broadcast_in_dim3A_1405 = vector.broadcast %broadcast_in_dim3A_1404 : i32 to vector<16xi32>
          %reshape3A_1406 = vector.shape_cast %broadcast_in_dim3A_1405 : vector<16xi32> to vector<16x1xi32>
          %gather3A_1407 = vector.shape_cast %reshape3A_1406 : vector<16x1xi32> to vector<16xi32>
          %gather3A_1408 = tpu.dynamic_gather %get3A_160[%gather3A_1407] in [0] : vector<16xf32>, vector<16xi32> -> vector<16xf32>
          %mul3A_1409 = arith.constant 16 : i32
          %mul3A_1410 = arith.muli %add3A_154, %mul3A_1409 : i32
          %add3A_1411 = arith.constant 14 : i32
          %add3A_1412 = arith.addi %mul3A_1410, %add3A_1411 : i32
          %get3A_1413 = arith.index_cast %add3A_1412 : i32 to index
          %get3A_1414 = arith.constant 0 : index
          %get3A_1415 = tpu.vector_load %arg10[%get3A_1413, %get3A_1414] {strides = array<i32>} : memref<96x128xf32, #tpu.memory_space<vmem>>, vector<1x16xf32>,
          %get3A_1416 = vector.shape_cast %get3A_1415 : vector<1x16xf32> to vector<16xf32>
          %mul3A_1417 = arith.mulf %get3A_1416, %gather3A_1408 : vector<16xf32>
          %swap3A_1418 = arith.index_cast %add3A_1412 : i32 to index
          %swap3A_1419 = arith.constant 0 : index
          %swap3A_1420 = tpu.vector_load %arg10[%swap3A_1418, %swap3A_1419] {strides = array<i32>} : memref<96x128xf32, #tpu.memory_space<vmem>>, vector<1x16xf32>,
          %swap3A_1421 = vector.shape_cast %swap3A_1420 : vector<1x16xf32> to vector<16xf32>
          %swap3A_1422 = vector.shape_cast %mul3A_1417 : vector<16xf32> to vector<1x16xf32>
          tpu.vector_store %arg10[%swap3A_1418, %swap3A_1419], %swap3A_1422 {strides = array<i32>} : memref<96x128xf32, #tpu.memory_space<vmem>>, vector<1x16xf32>,
          %get3A_1423 = arith.index_cast %add3A_1412 : i32 to index
          %get3A_1424 = arith.constant 16 : index
          %get3A_1425 = tpu.vector_load %arg10[%get3A_1423, %get3A_1424] {strides = array<i32>} : memref<96x128xf32, #tpu.memory_space<vmem>>, vector<1x16xf32>,
          %get3A_1426 = vector.shape_cast %get3A_1425 : vector<1x16xf32> to vector<16xf32>
          %mul3A_1427 = arith.mulf %get3A_1426, %gather3A_1408 : vector<16xf32>
          %swap3A_1428 = arith.index_cast %add3A_1412 : i32 to index
          %swap3A_1429 = arith.constant 16 : index
          %swap3A_1430 = tpu.vector_load %arg10[%swap3A_1428, %swap3A_1429] {strides = array<i32>} : memref<96x128xf32, #tpu.memory_space<vmem>>, vector<1x16xf32>,
          %swap3A_1431 = vector.shape_cast %swap3A_1430 : vector<1x16xf32> to vector<16xf32>
          %swap3A_1432 = vector.shape_cast %mul3A_1427 : vector<16xf32> to vector<1x16xf32>
          tpu.vector_store %arg10[%swap3A_1428, %swap3A_1429], %swap3A_1432 {strides = array<i32>} : memref<96x128xf32, #tpu.memory_space<vmem>>, vector<1x16xf32>,
          %get3A_1433 = arith.index_cast %add3A_1412 : i32 to index
          %get3A_1434 = arith.constant 32 : index
          %get3A_1435 = tpu.vector_load %arg10[%get3A_1433, %get3A_1434] {strides = array<i32>} : memref<96x128xf32, #tpu.memory_space<vmem>>, vector<1x16xf32>,
          %get3A_1436 = vector.shape_cast %get3A_1435 : vector<1x16xf32> to vector<16xf32>
          %mul3A_1437 = arith.mulf %get3A_1436, %gather3A_1408 : vector<16xf32>
          %swap3A_1438 = arith.index_cast %add3A_1412 : i32 to index
          %swap3A_1439 = arith.constant 32 : index
          %swap3A_1440 = tpu.vector_load %arg10[%swap3A_1438, %swap3A_1439] {strides = array<i32>} : memref<96x128xf32, #tpu.memory_space<vmem>>, vector<1x16xf32>,
          %swap3A_1441 = vector.shape_cast %swap3A_1440 : vector<1x16xf32> to vector<16xf32>
          %swap3A_1442 = vector.shape_cast %mul3A_1437 : vector<16xf32> to vector<1x16xf32>
          tpu.vector_store %arg10[%swap3A_1438, %swap3A_1439], %swap3A_1442 {strides = array<i32>} : memref<96x128xf32, #tpu.memory_space<vmem>>, vector<1x16xf32>,
          %get3A_1443 = arith.index_cast %add3A_1412 : i32 to index
          %get3A_1444 = arith.constant 48 : index
          %get3A_1445 = tpu.vector_load %arg10[%get3A_1443, %get3A_1444] {strides = array<i32>} : memref<96x128xf32, #tpu.memory_space<vmem>>, vector<1x16xf32>,
          %get3A_1446 = vector.shape_cast %get3A_1445 : vector<1x16xf32> to vector<16xf32>
          %mul3A_1447 = arith.mulf %get3A_1446, %gather3A_1408 : vector<16xf32>
          %swap3A_1448 = arith.index_cast %add3A_1412 : i32 to index
          %swap3A_1449 = arith.constant 48 : index
          %swap3A_1450 = tpu.vector_load %arg10[%swap3A_1448, %swap3A_1449] {strides = array<i32>} : memref<96x128xf32, #tpu.memory_space<vmem>>, vector<1x16xf32>,
          %swap3A_1451 = vector.shape_cast %swap3A_1450 : vector<1x16xf32> to vector<16xf32>
          %swap3A_1452 = vector.shape_cast %mul3A_1447 : vector<16xf32> to vector<1x16xf32>
          tpu.vector_store %arg10[%swap3A_1448, %swap3A_1449], %swap3A_1452 {strides = array<i32>} : memref<96x128xf32, #tpu.memory_space<vmem>>, vector<1x16xf32>,
          %get3A_1453 = arith.index_cast %add3A_1412 : i32 to index
          %get3A_1454 = arith.constant 64 : index
          %get3A_1455 = tpu.vector_load %arg10[%get3A_1453, %get3A_1454] {strides = array<i32>} : memref<96x128xf32, #tpu.memory_space<vmem>>, vector<1x16xf32>,
          %get3A_1456 = vector.shape_cast %get3A_1455 : vector<1x16xf32> to vector<16xf32>
          %mul3A_1457 = arith.mulf %get3A_1456, %gather3A_1408 : vector<16xf32>
          %swap3A_1458 = arith.index_cast %add3A_1412 : i32 to index
          %swap3A_1459 = arith.constant 64 : index
          %swap3A_1460 = tpu.vector_load %arg10[%swap3A_1458, %swap3A_1459] {strides = array<i32>} : memref<96x128xf32, #tpu.memory_space<vmem>>, vector<1x16xf32>,
          %swap3A_1461 = vector.shape_cast %swap3A_1460 : vector<1x16xf32> to vector<16xf32>
          %swap3A_1462 = vector.shape_cast %mul3A_1457 : vector<16xf32> to vector<1x16xf32>
          tpu.vector_store %arg10[%swap3A_1458, %swap3A_1459], %swap3A_1462 {strides = array<i32>} : memref<96x128xf32, #tpu.memory_space<vmem>>, vector<1x16xf32>,
          %get3A_1463 = arith.index_cast %add3A_1412 : i32 to index
          %get3A_1464 = arith.constant 80 : index
          %get3A_1465 = tpu.vector_load %arg10[%get3A_1463, %get3A_1464] {strides = array<i32>} : memref<96x128xf32, #tpu.memory_space<vmem>>, vector<1x16xf32>,
          %get3A_1466 = vector.shape_cast %get3A_1465 : vector<1x16xf32> to vector<16xf32>
          %mul3A_1467 = arith.mulf %get3A_1466, %gather3A_1408 : vector<16xf32>
          %swap3A_1468 = arith.index_cast %add3A_1412 : i32 to index
          %swap3A_1469 = arith.constant 80 : index
          %swap3A_1470 = tpu.vector_load %arg10[%swap3A_1468, %swap3A_1469] {strides = array<i32>} : memref<96x128xf32, #tpu.memory_space<vmem>>, vector<1x16xf32>,
          %swap3A_1471 = vector.shape_cast %swap3A_1470 : vector<1x16xf32> to vector<16xf32>
          %swap3A_1472 = vector.shape_cast %mul3A_1467 : vector<16xf32> to vector<1x16xf32>
          tpu.vector_store %arg10[%swap3A_1468, %swap3A_1469], %swap3A_1472 {strides = array<i32>} : memref<96x128xf32, #tpu.memory_space<vmem>>, vector<1x16xf32>,
          %get3A_1473 = arith.index_cast %add3A_1412 : i32 to index
          %get3A_1474 = arith.constant 96 : index
          %get3A_1475 = tpu.vector_load %arg10[%get3A_1473, %get3A_1474] {strides = array<i32>} : memref<96x128xf32, #tpu.memory_space<vmem>>, vector<1x16xf32>,
          %get3A_1476 = vector.shape_cast %get3A_1475 : vector<1x16xf32> to vector<16xf32>
          %mul3A_1477 = arith.mulf %get3A_1476, %gather3A_1408 : vector<16xf32>
          %swap3A_1478 = arith.index_cast %add3A_1412 : i32 to index
          %swap3A_1479 = arith.constant 96 : index
          %swap3A_1480 = tpu.vector_load %arg10[%swap3A_1478, %swap3A_1479] {strides = array<i32>} : memref<96x128xf32, #tpu.memory_space<vmem>>, vector<1x16xf32>,
          %swap3A_1481 = vector.shape_cast %swap3A_1480 : vector<1x16xf32> to vector<16xf32>
          %swap3A_1482 = vector.shape_cast %mul3A_1477 : vector<16xf32> to vector<1x16xf32>
          tpu.vector_store %arg10[%swap3A_1478, %swap3A_1479], %swap3A_1482 {strides = array<i32>} : memref<96x128xf32, #tpu.memory_space<vmem>>, vector<1x16xf32>,
          %get3A_1483 = arith.index_cast %add3A_1412 : i32 to index
          %get3A_1484 = arith.constant 112 : index
          %get3A_1485 = tpu.vector_load %arg10[%get3A_1483, %get3A_1484] {strides = array<i32>} : memref<96x128xf32, #tpu.memory_space<vmem>>, vector<1x16xf32>,
          %get3A_1486 = vector.shape_cast %get3A_1485 : vector<1x16xf32> to vector<16xf32>
          %mul3A_1487 = arith.mulf %get3A_1486, %gather3A_1408 : vector<16xf32>
          %swap3A_1488 = arith.index_cast %add3A_1412 : i32 to index
          %swap3A_1489 = arith.constant 112 : index
          %swap3A_1490 = tpu.vector_load %arg10[%swap3A_1488, %swap3A_1489] {strides = array<i32>} : memref<96x128xf32, #tpu.memory_space<vmem>>, vector<1x16xf32>,
          %swap3A_1491 = vector.shape_cast %swap3A_1490 : vector<1x16xf32> to vector<16xf32>
          %swap3A_1492 = vector.shape_cast %mul3A_1487 : vector<16xf32> to vector<1x16xf32>
          tpu.vector_store %arg10[%swap3A_1488, %swap3A_1489], %swap3A_1492 {strides = array<i32>} : memref<96x128xf32, #tpu.memory_space<vmem>>, vector<1x16xf32>,
          %broadcast_in_dim3A_1493 = arith.constant 15 : i32
          %broadcast_in_dim3A_1494 = vector.broadcast %broadcast_in_dim3A_1493 : i32 to vector<16xi32>
          %reshape3A_1495 = vector.shape_cast %broadcast_in_dim3A_1494 : vector<16xi32> to vector<16x1xi32>
          %gather3A_1496 = vector.shape_cast %reshape3A_1495 : vector<16x1xi32> to vector<16xi32>
          %gather3A_1497 = tpu.dynamic_gather %get3A_160[%gather3A_1496] in [0] : vector<16xf32>, vector<16xi32> -> vector<16xf32>
          %mul3A_1498 = arith.constant 16 : i32
          %mul3A_1499 = arith.muli %add3A_154, %mul3A_1498 : i32
          %add3A_1500 = arith.constant 15 : i32
          %add3A_1501 = arith.addi %mul3A_1499, %add3A_1500 : i32
          %get3A_1502 = arith.index_cast %add3A_1501 : i32 to index
          %get3A_1503 = arith.constant 0 : index
          %get3A_1504 = tpu.vector_load %arg10[%get3A_1502, %get3A_1503] {strides = array<i32>} : memref<96x128xf32, #tpu.memory_space<vmem>>, vector<1x16xf32>,
          %get3A_1505 = vector.shape_cast %get3A_1504 : vector<1x16xf32> to vector<16xf32>
          %mul3A_1506 = arith.mulf %get3A_1505, %gather3A_1497 : vector<16xf32>
          %swap3A_1507 = arith.index_cast %add3A_1501 : i32 to index
          %swap3A_1508 = arith.constant 0 : index
          %swap3A_1509 = tpu.vector_load %arg10[%swap3A_1507, %swap3A_1508] {strides = array<i32>} : memref<96x128xf32, #tpu.memory_space<vmem>>, vector<1x16xf32>,
          %swap3A_1510 = vector.shape_cast %swap3A_1509 : vector<1x16xf32> to vector<16xf32>
          %swap3A_1511 = vector.shape_cast %mul3A_1506 : vector<16xf32> to vector<1x16xf32>
          tpu.vector_store %arg10[%swap3A_1507, %swap3A_1508], %swap3A_1511 {strides = array<i32>} : memref<96x128xf32, #tpu.memory_space<vmem>>, vector<1x16xf32>,
          %get3A_1512 = arith.index_cast %add3A_1501 : i32 to index
          %get3A_1513 = arith.constant 16 : index
          %get3A_1514 = tpu.vector_load %arg10[%get3A_1512, %get3A_1513] {strides = array<i32>} : memref<96x128xf32, #tpu.memory_space<vmem>>, vector<1x16xf32>,
          %get3A_1515 = vector.shape_cast %get3A_1514 : vector<1x16xf32> to vector<16xf32>
          %mul3A_1516 = arith.mulf %get3A_1515, %gather3A_1497 : vector<16xf32>
          %swap3A_1517 = arith.index_cast %add3A_1501 : i32 to index
          %swap3A_1518 = arith.constant 16 : index
          %swap3A_1519 = tpu.vector_load %arg10[%swap3A_1517, %swap3A_1518] {strides = array<i32>} : memref<96x128xf32, #tpu.memory_space<vmem>>, vector<1x16xf32>,
          %swap3A_1520 = vector.shape_cast %swap3A_1519 : vector<1x16xf32> to vector<16xf32>
          %swap3A_1521 = vector.shape_cast %mul3A_1516 : vector<16xf32> to vector<1x16xf32>
          tpu.vector_store %arg10[%swap3A_1517, %swap3A_1518], %swap3A_1521 {strides = array<i32>} : memref<96x128xf32, #tpu.memory_space<vmem>>, vector<1x16xf32>,
          %get3A_1522 = arith.index_cast %add3A_1501 : i32 to index
          %get3A_1523 = arith.constant 32 : index
          %get3A_1524 = tpu.vector_load %arg10[%get3A_1522, %get3A_1523] {strides = array<i32>} : memref<96x128xf32, #tpu.memory_space<vmem>>, vector<1x16xf32>,
          %get3A_1525 = vector.shape_cast %get3A_1524 : vector<1x16xf32> to vector<16xf32>
          %mul3A_1526 = arith.mulf %get3A_1525, %gather3A_1497 : vector<16xf32>
          %swap3A_1527 = arith.index_cast %add3A_1501 : i32 to index
          %swap3A_1528 = arith.constant 32 : index
          %swap3A_1529 = tpu.vector_load %arg10[%swap3A_1527, %swap3A_1528] {strides = array<i32>} : memref<96x128xf32, #tpu.memory_space<vmem>>, vector<1x16xf32>,
          %swap3A_1530 = vector.shape_cast %swap3A_1529 : vector<1x16xf32> to vector<16xf32>
          %swap3A_1531 = vector.shape_cast %mul3A_1526 : vector<16xf32> to vector<1x16xf32>
          tpu.vector_store %arg10[%swap3A_1527, %swap3A_1528], %swap3A_1531 {strides = array<i32>} : memref<96x128xf32, #tpu.memory_space<vmem>>, vector<1x16xf32>,
          %get3A_1532 = arith.index_cast %add3A_1501 : i32 to index
          %get3A_1533 = arith.constant 48 : index
          %get3A_1534 = tpu.vector_load %arg10[%get3A_1532, %get3A_1533] {strides = array<i32>} : memref<96x128xf32, #tpu.memory_space<vmem>>, vector<1x16xf32>,
          %get3A_1535 = vector.shape_cast %get3A_1534 : vector<1x16xf32> to vector<16xf32>
          %mul3A_1536 = arith.mulf %get3A_1535, %gather3A_1497 : vector<16xf32>
          %swap3A_1537 = arith.index_cast %add3A_1501 : i32 to index
          %swap3A_1538 = arith.constant 48 : index
          %swap3A_1539 = tpu.vector_load %arg10[%swap3A_1537, %swap3A_1538] {strides = array<i32>} : memref<96x128xf32, #tpu.memory_space<vmem>>, vector<1x16xf32>,
          %swap3A_1540 = vector.shape_cast %swap3A_1539 : vector<1x16xf32> to vector<16xf32>
          %swap3A_1541 = vector.shape_cast %mul3A_1536 : vector<16xf32> to vector<1x16xf32>
          tpu.vector_store %arg10[%swap3A_1537, %swap3A_1538], %swap3A_1541 {strides = array<i32>} : memref<96x128xf32, #tpu.memory_space<vmem>>, vector<1x16xf32>,
          %get3A_1542 = arith.index_cast %add3A_1501 : i32 to index
          %get3A_1543 = arith.constant 64 : index
          %get3A_1544 = tpu.vector_load %arg10[%get3A_1542, %get3A_1543] {strides = array<i32>} : memref<96x128xf32, #tpu.memory_space<vmem>>, vector<1x16xf32>,
          %get3A_1545 = vector.shape_cast %get3A_1544 : vector<1x16xf32> to vector<16xf32>
          %mul3A_1546 = arith.mulf %get3A_1545, %gather3A_1497 : vector<16xf32>
          %swap3A_1547 = arith.index_cast %add3A_1501 : i32 to index
          %swap3A_1548 = arith.constant 64 : index
          %swap3A_1549 = tpu.vector_load %arg10[%swap3A_1547, %swap3A_1548] {strides = array<i32>} : memref<96x128xf32, #tpu.memory_space<vmem>>, vector<1x16xf32>,
          %swap3A_1550 = vector.shape_cast %swap3A_1549 : vector<1x16xf32> to vector<16xf32>
          %swap3A_1551 = vector.shape_cast %mul3A_1546 : vector<16xf32> to vector<1x16xf32>
          tpu.vector_store %arg10[%swap3A_1547, %swap3A_1548], %swap3A_1551 {strides = array<i32>} : memref<96x128xf32, #tpu.memory_space<vmem>>, vector<1x16xf32>,
          %get3A_1552 = arith.index_cast %add3A_1501 : i32 to index
          %get3A_1553 = arith.constant 80 : index
          %get3A_1554 = tpu.vector_load %arg10[%get3A_1552, %get3A_1553] {strides = array<i32>} : memref<96x128xf32, #tpu.memory_space<vmem>>, vector<1x16xf32>,
          %get3A_1555 = vector.shape_cast %get3A_1554 : vector<1x16xf32> to vector<16xf32>
          %mul3A_1556 = arith.mulf %get3A_1555, %gather3A_1497 : vector<16xf32>
          %swap3A_1557 = arith.index_cast %add3A_1501 : i32 to index
          %swap3A_1558 = arith.constant 80 : index
          %swap3A_1559 = tpu.vector_load %arg10[%swap3A_1557, %swap3A_1558] {strides = array<i32>} : memref<96x128xf32, #tpu.memory_space<vmem>>, vector<1x16xf32>,
          %swap3A_1560 = vector.shape_cast %swap3A_1559 : vector<1x16xf32> to vector<16xf32>
          %swap3A_1561 = vector.shape_cast %mul3A_1556 : vector<16xf32> to vector<1x16xf32>
          tpu.vector_store %arg10[%swap3A_1557, %swap3A_1558], %swap3A_1561 {strides = array<i32>} : memref<96x128xf32, #tpu.memory_space<vmem>>, vector<1x16xf32>,
          %get3A_1562 = arith.index_cast %add3A_1501 : i32 to index
          %get3A_1563 = arith.constant 96 : index
          %get3A_1564 = tpu.vector_load %arg10[%get3A_1562, %get3A_1563] {strides = array<i32>} : memref<96x128xf32, #tpu.memory_space<vmem>>, vector<1x16xf32>,
          %get3A_1565 = vector.shape_cast %get3A_1564 : vector<1x16xf32> to vector<16xf32>
          %mul3A_1566 = arith.mulf %get3A_1565, %gather3A_1497 : vector<16xf32>
          %swap3A_1567 = arith.index_cast %add3A_1501 : i32 to index
          %swap3A_1568 = arith.constant 96 : index
          %swap3A_1569 = tpu.vector_load %arg10[%swap3A_1567, %swap3A_1568] {strides = array<i32>} : memref<96x128xf32, #tpu.memory_space<vmem>>, vector<1x16xf32>,
          %swap3A_1570 = vector.shape_cast %swap3A_1569 : vector<1x16xf32> to vector<16xf32>
          %swap3A_1571 = vector.shape_cast %mul3A_1566 : vector<16xf32> to vector<1x16xf32>
          tpu.vector_store %arg10[%swap3A_1567, %swap3A_1568], %swap3A_1571 {strides = array<i32>} : memref<96x128xf32, #tpu.memory_space<vmem>>, vector<1x16xf32>,
          %get3A_1572 = arith.index_cast %add3A_1501 : i32 to index
          %get3A_1573 = arith.constant 112 : index
          %get3A_1574 = tpu.vector_load %arg10[%get3A_1572, %get3A_1573] {strides = array<i32>} : memref<96x128xf32, #tpu.memory_space<vmem>>, vector<1x16xf32>,
          %get3A_1575 = vector.shape_cast %get3A_1574 : vector<1x16xf32> to vector<16xf32>
          %mul3A_1576 = arith.mulf %get3A_1575, %gather3A_1497 : vector<16xf32>
          %swap3A_1577 = arith.index_cast %add3A_1501 : i32 to index
          %swap3A_1578 = arith.constant 112 : index
          %swap3A_1579 = tpu.vector_load %arg10[%swap3A_1577, %swap3A_1578] {strides = array<i32>} : memref<96x128xf32, #tpu.memory_space<vmem>>, vector<1x16xf32>,
          %swap3A_1580 = vector.shape_cast %swap3A_1579 : vector<1x16xf32> to vector<16xf32>
          %swap3A_1581 = vector.shape_cast %mul3A_1576 : vector<16xf32> to vector<1x16xf32>
          tpu.vector_store %arg10[%swap3A_1577, %swap3A_1578], %swap3A_1581 {strides = array<i32>} : memref<96x128xf32, #tpu.memory_space<vmem>>, vector<1x16xf32>,
        }
        %scan3A_149 = arith.constant 6 : i32
        "tpu.region"() ({
          %run_scoped3A = tpu.sem_alloc : memref<!tpu.dma_semaphore, #tpu.memory_space<semaphore_mem>>
          %dma_start3A = arith.constant 0 : i32
          %dma_start3A_150 = arith.constant 0 : i32
          %dma_start3A_151 = tpu.memref_slice %arg9[%dma_start3A, %dma_start3A_150] : memref<10240x128xf32, #tpu.memory_space<vmem_shared>> -> memref<10240x128xf32, #tpu.memory_space<vmem_shared>>
          tpu.enqueue_indirect_dma source(%arg10 : memref<96x128xf32, #tpu.memory_space<vmem>>) target(%dma_start3A_151 : memref<10240x128xf32, #tpu.memory_space<vmem_shared>>) offsets(%arg15 : memref<96xi32, #tpu.memory_space<vmem>>) semaphore(%run_scoped3A : memref<!tpu.dma_semaphore, #tpu.memory_space<semaphore_mem>>) {add = true}
          %dma_wait3A = arith.constant 0 : i32
          %dma_wait3A_152 = arith.constant 0 : i32
          %dma_wait3A_153 = tpu.memref_slice %arg9[%dma_wait3A, %dma_wait3A_152] : memref<10240x128xf32, #tpu.memory_space<vmem_shared>> -> memref<10240x128xf32, #tpu.memory_space<vmem_shared>>
          tpu.wait_indirect_dma semaphore(%run_scoped3A : memref<!tpu.dma_semaphore, #tpu.memory_space<semaphore_mem>>) src(%arg10 : memref<96x128xf32, #tpu.memory_space<vmem>>) dst(%dma_wait3A_153 : memref<10240x128xf32, #tpu.memory_space<vmem_shared>>)
          tpu.yield
        }) : () -> ()
      }
      %scan3A_25 = arith.constant 106 : i32
      %barrier3A_26 = arith.constant 0 : index
      tpu.barrier barrier_id(%barrier3A_26)
      %scan3A_27 = arith.constant 0 : i32
      %scan3A_28 = arith.constant 5 : i32
      %scan3A_29 = arith.addi %scan3A_27, %scan3A_28 : i32
      %scan3A_30 = arith.constant 1 : i32
      scf.for %scan3A_32 = %scan3A_27 to %scan3A_29 step %scan3A_30  : i32 {
        %mul3A_33 = arith.constant 1 : i32
        %mul3A_34 = arith.muli %scan3A_32, %mul3A_33 : i32
        %add3A_35 = arith.constant 0 : i32
        %add3A_36 = arith.addi %add3A_35, %mul3A_34 : i32
        %mul3A_37 = arith.constant 640 : i32
        %mul3A_38 = arith.muli %arg1, %mul3A_37 : i32
        %mul3A_39 = arith.constant 128 : i32
        %mul3A_40 = arith.muli %add3A_36, %mul3A_39 : i32
        %add3A_41 = arith.addi %mul3A_38, %mul3A_40 : i32
        "tpu.region"() ({
          %run_scoped3A = tpu.sem_alloc : memref<!tpu.dma_semaphore, #tpu.memory_space<semaphore_mem>>
          %dma_start3A = arith.constant 0 : i32
          %dma_start3A_42 = tpu.memref_slice %arg7[%add3A_41, %dma_start3A] : memref<10240x128xf32, #tpu.memory_space<hbm>> -> memref<128x128xf32, #tpu.memory_space<hbm>>
          %dma_start3A_43 = arith.constant 0 : i32
          %dma_start3A_44 = tpu.memref_slice %arg9[%add3A_41, %dma_start3A_43] : memref<10240x128xf32, #tpu.memory_space<vmem_shared>> -> memref<128x128xf32, #tpu.memory_space<vmem_shared>>
          tpu.enqueue_dma source(%dma_start3A_44 : memref<128x128xf32, #tpu.memory_space<vmem_shared>>) target(%dma_start3A_42 : memref<128x128xf32, #tpu.memory_space<hbm>>) target_semaphore(%run_scoped3A : memref<!tpu.dma_semaphore, #tpu.memory_space<semaphore_mem>>)
          %dma_wait3A = arith.constant 0 : i32
          %dma_wait3A_45 = tpu.memref_slice %arg7[%add3A_41, %dma_wait3A] : memref<10240x128xf32, #tpu.memory_space<hbm>> -> memref<128x128xf32, #tpu.memory_space<hbm>>
          %dma_wait3A_46 = arith.constant 0 : i32
          %dma_wait3A_47 = tpu.memref_slice %arg9[%add3A_41, %dma_wait3A_46] : memref<10240x128xf32, #tpu.memory_space<vmem_shared>> -> memref<128x128xf32, #tpu.memory_space<vmem_shared>>
          tpu.wait_dma2 semaphore(%run_scoped3A : memref<!tpu.dma_semaphore, #tpu.memory_space<semaphore_mem>>) src(%dma_wait3A_47 : memref<128x128xf32, #tpu.memory_space<vmem_shared>>) dst(%dma_wait3A_45 : memref<128x128xf32, #tpu.memory_space<hbm>>)
          tpu.yield
        }) : () -> ()
      }
      %scan3A_31 = arith.constant 5 : i32
    } else {
    }
    %eq3A_16 = arith.constant 1 : i32
    %eq3A_17 = arith.cmpi eq, %arg0, %eq3A_16 : i32
    %convert_element_type3A_18 = arith.extui %eq3A_17 : i1 to i32
    %cond3A_19 = arith.constant 0 : i32
    %cond3A_20 = arith.cmpi ne, %convert_element_type3A_18, %cond3A_19 : i32
    scf.if %cond3A_20 {
      %scan3A_21 = arith.constant 0 : i32
      %scan3A_22 = arith.constant 106 : i32
      %scan3A_23 = arith.addi %scan3A_21, %scan3A_22 : i32
      %scan3A_24 = arith.constant 1 : i32
      scf.for %scan3A_32 = %scan3A_21 to %scan3A_23 step %scan3A_24  : i32 {
        %mul3A_33 = arith.constant 1 : i32
        %mul3A_34 = arith.muli %scan3A_32, %mul3A_33 : i32
        %add3A_35 = arith.constant 0 : i32
        %add3A_36 = arith.addi %add3A_35, %mul3A_34 : i32
        %mul3A_37 = arith.constant 96 : i32
        %mul3A_38 = arith.muli %add3A_36, %mul3A_37 : i32
        %add3A_39 = arith.constant 0 : i32
        %add3A_40 = arith.addi %mul3A_38, %add3A_39 : i32
        %get3A = arith.index_cast %add3A_40 : i32 to index
        %get3A_41 = tpu.vector_load %arg11[%get3A] {strides = array<i32>} : memref<10272xi32, #tpu.memory_space<vmem>>, vector<16xi32>,
        %get3A_42 = vector.shape_cast %get3A_41 : vector<16xi32> to vector<16xi32>
        %swap3A = arith.constant 0 : index
        %swap3A_43 = tpu.vector_load %arg14[%swap3A] {strides = array<i32>} : memref<96xi32, #tpu.memory_space<vmem>>, vector<16xi32>,
        %swap3A_44 = vector.shape_cast %swap3A_43 : vector<16xi32> to vector<16xi32>
        %swap3A_45 = vector.shape_cast %get3A_42 : vector<16xi32> to vector<16xi32>
        tpu.vector_store %arg14[%swap3A], %swap3A_45 {strides = array<i32>} : memref<96xi32, #tpu.memory_space<vmem>>, vector<16xi32>,
        %add3A_46 = arith.constant 0 : i32
        %add3A_47 = arith.addi %mul3A_38, %add3A_46 : i32
        %get3A_48 = arith.index_cast %add3A_47 : i32 to index
        %get3A_49 = tpu.vector_load %arg12[%get3A_48] {strides = array<i32>} : memref<10272xi32, #tpu.memory_space<vmem>>, vector<16xi32>,
        %get3A_50 = vector.shape_cast %get3A_49 : vector<16xi32> to vector<16xi32>
        %swap3A_51 = arith.constant 0 : index
        %swap3A_52 = tpu.vector_load %arg15[%swap3A_51] {strides = array<i32>} : memref<96xi32, #tpu.memory_space<vmem>>, vector<16xi32>,
        %swap3A_53 = vector.shape_cast %swap3A_52 : vector<16xi32> to vector<16xi32>
        %swap3A_54 = vector.shape_cast %get3A_50 : vector<16xi32> to vector<16xi32>
        tpu.vector_store %arg15[%swap3A_51], %swap3A_54 {strides = array<i32>} : memref<96xi32, #tpu.memory_space<vmem>>, vector<16xi32>,
        %add3A_55 = arith.constant 16 : i32
        %add3A_56 = arith.addi %mul3A_38, %add3A_55 : i32
        %get3A_57 = arith.index_cast %add3A_56 : i32 to index
        %get3A_58 = tpu.vector_load %arg11[%get3A_57] {strides = array<i32>} : memref<10272xi32, #tpu.memory_space<vmem>>, vector<16xi32>,
        %get3A_59 = vector.shape_cast %get3A_58 : vector<16xi32> to vector<16xi32>
        %swap3A_60 = arith.constant 16 : index
        %swap3A_61 = tpu.vector_load %arg14[%swap3A_60] {strides = array<i32>} : memref<96xi32, #tpu.memory_space<vmem>>, vector<16xi32>,
        %swap3A_62 = vector.shape_cast %swap3A_61 : vector<16xi32> to vector<16xi32>
        %swap3A_63 = vector.shape_cast %get3A_59 : vector<16xi32> to vector<16xi32>
        tpu.vector_store %arg14[%swap3A_60], %swap3A_63 {strides = array<i32>} : memref<96xi32, #tpu.memory_space<vmem>>, vector<16xi32>,
        %add3A_64 = arith.constant 16 : i32
        %add3A_65 = arith.addi %mul3A_38, %add3A_64 : i32
        %get3A_66 = arith.index_cast %add3A_65 : i32 to index
        %get3A_67 = tpu.vector_load %arg12[%get3A_66] {strides = array<i32>} : memref<10272xi32, #tpu.memory_space<vmem>>, vector<16xi32>,
        %get3A_68 = vector.shape_cast %get3A_67 : vector<16xi32> to vector<16xi32>
        %swap3A_69 = arith.constant 16 : index
        %swap3A_70 = tpu.vector_load %arg15[%swap3A_69] {strides = array<i32>} : memref<96xi32, #tpu.memory_space<vmem>>, vector<16xi32>,
        %swap3A_71 = vector.shape_cast %swap3A_70 : vector<16xi32> to vector<16xi32>
        %swap3A_72 = vector.shape_cast %get3A_68 : vector<16xi32> to vector<16xi32>
        tpu.vector_store %arg15[%swap3A_69], %swap3A_72 {strides = array<i32>} : memref<96xi32, #tpu.memory_space<vmem>>, vector<16xi32>,
        %add3A_73 = arith.constant 32 : i32
        %add3A_74 = arith.addi %mul3A_38, %add3A_73 : i32
        %get3A_75 = arith.index_cast %add3A_74 : i32 to index
        %get3A_76 = tpu.vector_load %arg11[%get3A_75] {strides = array<i32>} : memref<10272xi32, #tpu.memory_space<vmem>>, vector<16xi32>,
        %get3A_77 = vector.shape_cast %get3A_76 : vector<16xi32> to vector<16xi32>
        %swap3A_78 = arith.constant 32 : index
        %swap3A_79 = tpu.vector_load %arg14[%swap3A_78] {strides = array<i32>} : memref<96xi32, #tpu.memory_space<vmem>>, vector<16xi32>,
        %swap3A_80 = vector.shape_cast %swap3A_79 : vector<16xi32> to vector<16xi32>
        %swap3A_81 = vector.shape_cast %get3A_77 : vector<16xi32> to vector<16xi32>
        tpu.vector_store %arg14[%swap3A_78], %swap3A_81 {strides = array<i32>} : memref<96xi32, #tpu.memory_space<vmem>>, vector<16xi32>,
        %add3A_82 = arith.constant 32 : i32
        %add3A_83 = arith.addi %mul3A_38, %add3A_82 : i32
        %get3A_84 = arith.index_cast %add3A_83 : i32 to index
        %get3A_85 = tpu.vector_load %arg12[%get3A_84] {strides = array<i32>} : memref<10272xi32, #tpu.memory_space<vmem>>, vector<16xi32>,
        %get3A_86 = vector.shape_cast %get3A_85 : vector<16xi32> to vector<16xi32>
        %swap3A_87 = arith.constant 32 : index
        %swap3A_88 = tpu.vector_load %arg15[%swap3A_87] {strides = array<i32>} : memref<96xi32, #tpu.memory_space<vmem>>, vector<16xi32>,
        %swap3A_89 = vector.shape_cast %swap3A_88 : vector<16xi32> to vector<16xi32>
        %swap3A_90 = vector.shape_cast %get3A_86 : vector<16xi32> to vector<16xi32>
        tpu.vector_store %arg15[%swap3A_87], %swap3A_90 {strides = array<i32>} : memref<96xi32, #tpu.memory_space<vmem>>, vector<16xi32>,
        %add3A_91 = arith.constant 48 : i32
        %add3A_92 = arith.addi %mul3A_38, %add3A_91 : i32
        %get3A_93 = arith.index_cast %add3A_92 : i32 to index
        %get3A_94 = tpu.vector_load %arg11[%get3A_93] {strides = array<i32>} : memref<10272xi32, #tpu.memory_space<vmem>>, vector<16xi32>,
        %get3A_95 = vector.shape_cast %get3A_94 : vector<16xi32> to vector<16xi32>
        %swap3A_96 = arith.constant 48 : index
        %swap3A_97 = tpu.vector_load %arg14[%swap3A_96] {strides = array<i32>} : memref<96xi32, #tpu.memory_space<vmem>>, vector<16xi32>,
        %swap3A_98 = vector.shape_cast %swap3A_97 : vector<16xi32> to vector<16xi32>
        %swap3A_99 = vector.shape_cast %get3A_95 : vector<16xi32> to vector<16xi32>
        tpu.vector_store %arg14[%swap3A_96], %swap3A_99 {strides = array<i32>} : memref<96xi32, #tpu.memory_space<vmem>>, vector<16xi32>,
        %add3A_100 = arith.constant 48 : i32
        %add3A_101 = arith.addi %mul3A_38, %add3A_100 : i32
        %get3A_102 = arith.index_cast %add3A_101 : i32 to index
        %get3A_103 = tpu.vector_load %arg12[%get3A_102] {strides = array<i32>} : memref<10272xi32, #tpu.memory_space<vmem>>, vector<16xi32>,
        %get3A_104 = vector.shape_cast %get3A_103 : vector<16xi32> to vector<16xi32>
        %swap3A_105 = arith.constant 48 : index
        %swap3A_106 = tpu.vector_load %arg15[%swap3A_105] {strides = array<i32>} : memref<96xi32, #tpu.memory_space<vmem>>, vector<16xi32>,
        %swap3A_107 = vector.shape_cast %swap3A_106 : vector<16xi32> to vector<16xi32>
        %swap3A_108 = vector.shape_cast %get3A_104 : vector<16xi32> to vector<16xi32>
        tpu.vector_store %arg15[%swap3A_105], %swap3A_108 {strides = array<i32>} : memref<96xi32, #tpu.memory_space<vmem>>, vector<16xi32>,
        %add3A_109 = arith.constant 64 : i32
        %add3A_110 = arith.addi %mul3A_38, %add3A_109 : i32
        %get3A_111 = arith.index_cast %add3A_110 : i32 to index
        %get3A_112 = tpu.vector_load %arg11[%get3A_111] {strides = array<i32>} : memref<10272xi32, #tpu.memory_space<vmem>>, vector<16xi32>,
        %get3A_113 = vector.shape_cast %get3A_112 : vector<16xi32> to vector<16xi32>
        %swap3A_114 = arith.constant 64 : index
        %swap3A_115 = tpu.vector_load %arg14[%swap3A_114] {strides = array<i32>} : memref<96xi32, #tpu.memory_space<vmem>>, vector<16xi32>,
        %swap3A_116 = vector.shape_cast %swap3A_115 : vector<16xi32> to vector<16xi32>
        %swap3A_117 = vector.shape_cast %get3A_113 : vector<16xi32> to vector<16xi32>
        tpu.vector_store %arg14[%swap3A_114], %swap3A_117 {strides = array<i32>} : memref<96xi32, #tpu.memory_space<vmem>>, vector<16xi32>,
        %add3A_118 = arith.constant 64 : i32
        %add3A_119 = arith.addi %mul3A_38, %add3A_118 : i32
        %get3A_120 = arith.index_cast %add3A_119 : i32 to index
        %get3A_121 = tpu.vector_load %arg12[%get3A_120] {strides = array<i32>} : memref<10272xi32, #tpu.memory_space<vmem>>, vector<16xi32>,
        %get3A_122 = vector.shape_cast %get3A_121 : vector<16xi32> to vector<16xi32>
        %swap3A_123 = arith.constant 64 : index
        %swap3A_124 = tpu.vector_load %arg15[%swap3A_123] {strides = array<i32>} : memref<96xi32, #tpu.memory_space<vmem>>, vector<16xi32>,
        %swap3A_125 = vector.shape_cast %swap3A_124 : vector<16xi32> to vector<16xi32>
        %swap3A_126 = vector.shape_cast %get3A_122 : vector<16xi32> to vector<16xi32>
        tpu.vector_store %arg15[%swap3A_123], %swap3A_126 {strides = array<i32>} : memref<96xi32, #tpu.memory_space<vmem>>, vector<16xi32>,
        %add3A_127 = arith.constant 80 : i32
        %add3A_128 = arith.addi %mul3A_38, %add3A_127 : i32
        %get3A_129 = arith.index_cast %add3A_128 : i32 to index
        %get3A_130 = tpu.vector_load %arg11[%get3A_129] {strides = array<i32>} : memref<10272xi32, #tpu.memory_space<vmem>>, vector<16xi32>,
        %get3A_131 = vector.shape_cast %get3A_130 : vector<16xi32> to vector<16xi32>
        %swap3A_132 = arith.constant 80 : index
        %swap3A_133 = tpu.vector_load %arg14[%swap3A_132] {strides = array<i32>} : memref<96xi32, #tpu.memory_space<vmem>>, vector<16xi32>,
        %swap3A_134 = vector.shape_cast %swap3A_133 : vector<16xi32> to vector<16xi32>
        %swap3A_135 = vector.shape_cast %get3A_131 : vector<16xi32> to vector<16xi32>
        tpu.vector_store %arg14[%swap3A_132], %swap3A_135 {strides = array<i32>} : memref<96xi32, #tpu.memory_space<vmem>>, vector<16xi32>,
        %add3A_136 = arith.constant 80 : i32
        %add3A_137 = arith.addi %mul3A_38, %add3A_136 : i32
        %get3A_138 = arith.index_cast %add3A_137 : i32 to index
        %get3A_139 = tpu.vector_load %arg12[%get3A_138] {strides = array<i32>} : memref<10272xi32, #tpu.memory_space<vmem>>, vector<16xi32>,
        %get3A_140 = vector.shape_cast %get3A_139 : vector<16xi32> to vector<16xi32>
        %swap3A_141 = arith.constant 80 : index
        %swap3A_142 = tpu.vector_load %arg15[%swap3A_141] {strides = array<i32>} : memref<96xi32, #tpu.memory_space<vmem>>, vector<16xi32>,
        %swap3A_143 = vector.shape_cast %swap3A_142 : vector<16xi32> to vector<16xi32>
        %swap3A_144 = vector.shape_cast %get3A_140 : vector<16xi32> to vector<16xi32>
        tpu.vector_store %arg15[%swap3A_141], %swap3A_144 {strides = array<i32>} : memref<96xi32, #tpu.memory_space<vmem>>, vector<16xi32>,
        "tpu.region"() ({
          %run_scoped3A = tpu.sem_alloc : memref<!tpu.dma_semaphore, #tpu.memory_space<semaphore_mem>>
          %dma_start3A = arith.constant 0 : i32
          %dma_start3A_150 = arith.constant 0 : i32
          %dma_start3A_151 = tpu.memref_slice %arg3[%dma_start3A, %dma_start3A_150] : memref<10240x128xf32, #tpu.memory_space<hbm>> -> memref<10240x128xf32, #tpu.memory_space<hbm>>
          tpu.enqueue_indirect_dma source(%dma_start3A_151 : memref<10240x128xf32, #tpu.memory_space<hbm>>) target(%arg10 : memref<96x128xf32, #tpu.memory_space<vmem>>) offsets(%arg14 : memref<96xi32, #tpu.memory_space<vmem>>) semaphore(%run_scoped3A : memref<!tpu.dma_semaphore, #tpu.memory_space<semaphore_mem>>)
          %dma_wait3A = arith.constant 0 : i32
          %dma_wait3A_152 = arith.constant 0 : i32
          %dma_wait3A_153 = tpu.memref_slice %arg3[%dma_wait3A, %dma_wait3A_152] : memref<10240x128xf32, #tpu.memory_space<hbm>> -> memref<10240x128xf32, #tpu.memory_space<hbm>>
          tpu.wait_indirect_dma semaphore(%run_scoped3A : memref<!tpu.dma_semaphore, #tpu.memory_space<semaphore_mem>>) src(%dma_wait3A_153 : memref<10240x128xf32, #tpu.memory_space<hbm>>) dst(%arg10 : memref<96x128xf32, #tpu.memory_space<vmem>>)
          tpu.yield
        }) : () -> ()
        %scan3A_145 = arith.constant 0 : i32
        %scan3A_146 = arith.constant 6 : i32
        %scan3A_147 = arith.addi %scan3A_145, %scan3A_146 : i32
        %scan3A_148 = arith.constant 1 : i32
        scf.for %scan3A_150 = %scan3A_145 to %scan3A_147 step %scan3A_148  : i32 {
          %mul3A_151 = arith.constant 1 : i32
          %mul3A_152 = arith.muli %scan3A_150, %mul3A_151 : i32
          %add3A_153 = arith.constant 0 : i32
          %add3A_154 = arith.addi %add3A_153, %mul3A_152 : i32
          %mul3A_155 = arith.constant 16 : i32
          %mul3A_156 = arith.muli %add3A_154, %mul3A_155 : i32
          %add3A_157 = arith.addi %mul3A_38, %mul3A_156 : i32
          %get3A_158 = arith.index_cast %add3A_157 : i32 to index
          %get3A_159 = tpu.vector_load %arg13[%get3A_158] {strides = array<i32>} : memref<10272xf32, #tpu.memory_space<vmem>>, vector<16xf32>,
          %get3A_160 = vector.shape_cast %get3A_159 : vector<16xf32> to vector<16xf32>
          %broadcast_in_dim3A = arith.constant 0 : i32
          %broadcast_in_dim3A_161 = vector.broadcast %broadcast_in_dim3A : i32 to vector<16xi32>
          %reshape3A = vector.shape_cast %broadcast_in_dim3A_161 : vector<16xi32> to vector<16x1xi32>
          %gather3A = vector.shape_cast %reshape3A : vector<16x1xi32> to vector<16xi32>
          %gather3A_162 = tpu.dynamic_gather %get3A_160[%gather3A] in [0] : vector<16xf32>, vector<16xi32> -> vector<16xf32>
          %mul3A_163 = arith.constant 16 : i32
          %mul3A_164 = arith.muli %add3A_154, %mul3A_163 : i32
          %add3A_165 = arith.constant 0 : i32
          %add3A_166 = arith.addi %mul3A_164, %add3A_165 : i32
          %get3A_167 = arith.index_cast %add3A_166 : i32 to index
          %get3A_168 = arith.constant 0 : index
          %get3A_169 = tpu.vector_load %arg10[%get3A_167, %get3A_168] {strides = array<i32>} : memref<96x128xf32, #tpu.memory_space<vmem>>, vector<1x16xf32>,
          %get3A_170 = vector.shape_cast %get3A_169 : vector<1x16xf32> to vector<16xf32>
          %mul3A_171 = arith.mulf %get3A_170, %gather3A_162 : vector<16xf32>
          %swap3A_172 = arith.index_cast %add3A_166 : i32 to index
          %swap3A_173 = arith.constant 0 : index
          %swap3A_174 = tpu.vector_load %arg10[%swap3A_172, %swap3A_173] {strides = array<i32>} : memref<96x128xf32, #tpu.memory_space<vmem>>, vector<1x16xf32>,
          %swap3A_175 = vector.shape_cast %swap3A_174 : vector<1x16xf32> to vector<16xf32>
          %swap3A_176 = vector.shape_cast %mul3A_171 : vector<16xf32> to vector<1x16xf32>
          tpu.vector_store %arg10[%swap3A_172, %swap3A_173], %swap3A_176 {strides = array<i32>} : memref<96x128xf32, #tpu.memory_space<vmem>>, vector<1x16xf32>,
          %get3A_177 = arith.index_cast %add3A_166 : i32 to index
          %get3A_178 = arith.constant 16 : index
          %get3A_179 = tpu.vector_load %arg10[%get3A_177, %get3A_178] {strides = array<i32>} : memref<96x128xf32, #tpu.memory_space<vmem>>, vector<1x16xf32>,
          %get3A_180 = vector.shape_cast %get3A_179 : vector<1x16xf32> to vector<16xf32>
          %mul3A_181 = arith.mulf %get3A_180, %gather3A_162 : vector<16xf32>
          %swap3A_182 = arith.index_cast %add3A_166 : i32 to index
          %swap3A_183 = arith.constant 16 : index
          %swap3A_184 = tpu.vector_load %arg10[%swap3A_182, %swap3A_183] {strides = array<i32>} : memref<96x128xf32, #tpu.memory_space<vmem>>, vector<1x16xf32>,
          %swap3A_185 = vector.shape_cast %swap3A_184 : vector<1x16xf32> to vector<16xf32>
          %swap3A_186 = vector.shape_cast %mul3A_181 : vector<16xf32> to vector<1x16xf32>
          tpu.vector_store %arg10[%swap3A_182, %swap3A_183], %swap3A_186 {strides = array<i32>} : memref<96x128xf32, #tpu.memory_space<vmem>>, vector<1x16xf32>,
          %get3A_187 = arith.index_cast %add3A_166 : i32 to index
          %get3A_188 = arith.constant 32 : index
          %get3A_189 = tpu.vector_load %arg10[%get3A_187, %get3A_188] {strides = array<i32>} : memref<96x128xf32, #tpu.memory_space<vmem>>, vector<1x16xf32>,
          %get3A_190 = vector.shape_cast %get3A_189 : vector<1x16xf32> to vector<16xf32>
          %mul3A_191 = arith.mulf %get3A_190, %gather3A_162 : vector<16xf32>
          %swap3A_192 = arith.index_cast %add3A_166 : i32 to index
          %swap3A_193 = arith.constant 32 : index
          %swap3A_194 = tpu.vector_load %arg10[%swap3A_192, %swap3A_193] {strides = array<i32>} : memref<96x128xf32, #tpu.memory_space<vmem>>, vector<1x16xf32>,
          %swap3A_195 = vector.shape_cast %swap3A_194 : vector<1x16xf32> to vector<16xf32>
          %swap3A_196 = vector.shape_cast %mul3A_191 : vector<16xf32> to vector<1x16xf32>
          tpu.vector_store %arg10[%swap3A_192, %swap3A_193], %swap3A_196 {strides = array<i32>} : memref<96x128xf32, #tpu.memory_space<vmem>>, vector<1x16xf32>,
          %get3A_197 = arith.index_cast %add3A_166 : i32 to index
          %get3A_198 = arith.constant 48 : index
          %get3A_199 = tpu.vector_load %arg10[%get3A_197, %get3A_198] {strides = array<i32>} : memref<96x128xf32, #tpu.memory_space<vmem>>, vector<1x16xf32>,
          %get3A_200 = vector.shape_cast %get3A_199 : vector<1x16xf32> to vector<16xf32>
          %mul3A_201 = arith.mulf %get3A_200, %gather3A_162 : vector<16xf32>
          %swap3A_202 = arith.index_cast %add3A_166 : i32 to index
          %swap3A_203 = arith.constant 48 : index
          %swap3A_204 = tpu.vector_load %arg10[%swap3A_202, %swap3A_203] {strides = array<i32>} : memref<96x128xf32, #tpu.memory_space<vmem>>, vector<1x16xf32>,
          %swap3A_205 = vector.shape_cast %swap3A_204 : vector<1x16xf32> to vector<16xf32>
          %swap3A_206 = vector.shape_cast %mul3A_201 : vector<16xf32> to vector<1x16xf32>
          tpu.vector_store %arg10[%swap3A_202, %swap3A_203], %swap3A_206 {strides = array<i32>} : memref<96x128xf32, #tpu.memory_space<vmem>>, vector<1x16xf32>,
          %get3A_207 = arith.index_cast %add3A_166 : i32 to index
          %get3A_208 = arith.constant 64 : index
          %get3A_209 = tpu.vector_load %arg10[%get3A_207, %get3A_208] {strides = array<i32>} : memref<96x128xf32, #tpu.memory_space<vmem>>, vector<1x16xf32>,
          %get3A_210 = vector.shape_cast %get3A_209 : vector<1x16xf32> to vector<16xf32>
          %mul3A_211 = arith.mulf %get3A_210, %gather3A_162 : vector<16xf32>
          %swap3A_212 = arith.index_cast %add3A_166 : i32 to index
          %swap3A_213 = arith.constant 64 : index
          %swap3A_214 = tpu.vector_load %arg10[%swap3A_212, %swap3A_213] {strides = array<i32>} : memref<96x128xf32, #tpu.memory_space<vmem>>, vector<1x16xf32>,
          %swap3A_215 = vector.shape_cast %swap3A_214 : vector<1x16xf32> to vector<16xf32>
          %swap3A_216 = vector.shape_cast %mul3A_211 : vector<16xf32> to vector<1x16xf32>
          tpu.vector_store %arg10[%swap3A_212, %swap3A_213], %swap3A_216 {strides = array<i32>} : memref<96x128xf32, #tpu.memory_space<vmem>>, vector<1x16xf32>,
          %get3A_217 = arith.index_cast %add3A_166 : i32 to index
          %get3A_218 = arith.constant 80 : index
          %get3A_219 = tpu.vector_load %arg10[%get3A_217, %get3A_218] {strides = array<i32>} : memref<96x128xf32, #tpu.memory_space<vmem>>, vector<1x16xf32>,
          %get3A_220 = vector.shape_cast %get3A_219 : vector<1x16xf32> to vector<16xf32>
          %mul3A_221 = arith.mulf %get3A_220, %gather3A_162 : vector<16xf32>
          %swap3A_222 = arith.index_cast %add3A_166 : i32 to index
          %swap3A_223 = arith.constant 80 : index
          %swap3A_224 = tpu.vector_load %arg10[%swap3A_222, %swap3A_223] {strides = array<i32>} : memref<96x128xf32, #tpu.memory_space<vmem>>, vector<1x16xf32>,
          %swap3A_225 = vector.shape_cast %swap3A_224 : vector<1x16xf32> to vector<16xf32>
          %swap3A_226 = vector.shape_cast %mul3A_221 : vector<16xf32> to vector<1x16xf32>
          tpu.vector_store %arg10[%swap3A_222, %swap3A_223], %swap3A_226 {strides = array<i32>} : memref<96x128xf32, #tpu.memory_space<vmem>>, vector<1x16xf32>,
          %get3A_227 = arith.index_cast %add3A_166 : i32 to index
          %get3A_228 = arith.constant 96 : index
          %get3A_229 = tpu.vector_load %arg10[%get3A_227, %get3A_228] {strides = array<i32>} : memref<96x128xf32, #tpu.memory_space<vmem>>, vector<1x16xf32>,
          %get3A_230 = vector.shape_cast %get3A_229 : vector<1x16xf32> to vector<16xf32>
          %mul3A_231 = arith.mulf %get3A_230, %gather3A_162 : vector<16xf32>
          %swap3A_232 = arith.index_cast %add3A_166 : i32 to index
          %swap3A_233 = arith.constant 96 : index
          %swap3A_234 = tpu.vector_load %arg10[%swap3A_232, %swap3A_233] {strides = array<i32>} : memref<96x128xf32, #tpu.memory_space<vmem>>, vector<1x16xf32>,
          %swap3A_235 = vector.shape_cast %swap3A_234 : vector<1x16xf32> to vector<16xf32>
          %swap3A_236 = vector.shape_cast %mul3A_231 : vector<16xf32> to vector<1x16xf32>
          tpu.vector_store %arg10[%swap3A_232, %swap3A_233], %swap3A_236 {strides = array<i32>} : memref<96x128xf32, #tpu.memory_space<vmem>>, vector<1x16xf32>,
          %get3A_237 = arith.index_cast %add3A_166 : i32 to index
          %get3A_238 = arith.constant 112 : index
          %get3A_239 = tpu.vector_load %arg10[%get3A_237, %get3A_238] {strides = array<i32>} : memref<96x128xf32, #tpu.memory_space<vmem>>, vector<1x16xf32>,
          %get3A_240 = vector.shape_cast %get3A_239 : vector<1x16xf32> to vector<16xf32>
          %mul3A_241 = arith.mulf %get3A_240, %gather3A_162 : vector<16xf32>
          %swap3A_242 = arith.index_cast %add3A_166 : i32 to index
          %swap3A_243 = arith.constant 112 : index
          %swap3A_244 = tpu.vector_load %arg10[%swap3A_242, %swap3A_243] {strides = array<i32>} : memref<96x128xf32, #tpu.memory_space<vmem>>, vector<1x16xf32>,
          %swap3A_245 = vector.shape_cast %swap3A_244 : vector<1x16xf32> to vector<16xf32>
          %swap3A_246 = vector.shape_cast %mul3A_241 : vector<16xf32> to vector<1x16xf32>
          tpu.vector_store %arg10[%swap3A_242, %swap3A_243], %swap3A_246 {strides = array<i32>} : memref<96x128xf32, #tpu.memory_space<vmem>>, vector<1x16xf32>,
          %broadcast_in_dim3A_247 = arith.constant 1 : i32
          %broadcast_in_dim3A_248 = vector.broadcast %broadcast_in_dim3A_247 : i32 to vector<16xi32>
          %reshape3A_249 = vector.shape_cast %broadcast_in_dim3A_248 : vector<16xi32> to vector<16x1xi32>
          %gather3A_250 = vector.shape_cast %reshape3A_249 : vector<16x1xi32> to vector<16xi32>
          %gather3A_251 = tpu.dynamic_gather %get3A_160[%gather3A_250] in [0] : vector<16xf32>, vector<16xi32> -> vector<16xf32>
          %mul3A_252 = arith.constant 16 : i32
          %mul3A_253 = arith.muli %add3A_154, %mul3A_252 : i32
          %add3A_254 = arith.constant 1 : i32
          %add3A_255 = arith.addi %mul3A_253, %add3A_254 : i32
          %get3A_256 = arith.index_cast %add3A_255 : i32 to index
          %get3A_257 = arith.constant 0 : index
          %get3A_258 = tpu.vector_load %arg10[%get3A_256, %get3A_257] {strides = array<i32>} : memref<96x128xf32, #tpu.memory_space<vmem>>, vector<1x16xf32>,
          %get3A_259 = vector.shape_cast %get3A_258 : vector<1x16xf32> to vector<16xf32>
          %mul3A_260 = arith.mulf %get3A_259, %gather3A_251 : vector<16xf32>
          %swap3A_261 = arith.index_cast %add3A_255 : i32 to index
          %swap3A_262 = arith.constant 0 : index
          %swap3A_263 = tpu.vector_load %arg10[%swap3A_261, %swap3A_262] {strides = array<i32>} : memref<96x128xf32, #tpu.memory_space<vmem>>, vector<1x16xf32>,
          %swap3A_264 = vector.shape_cast %swap3A_263 : vector<1x16xf32> to vector<16xf32>
          %swap3A_265 = vector.shape_cast %mul3A_260 : vector<16xf32> to vector<1x16xf32>
          tpu.vector_store %arg10[%swap3A_261, %swap3A_262], %swap3A_265 {strides = array<i32>} : memref<96x128xf32, #tpu.memory_space<vmem>>, vector<1x16xf32>,
          %get3A_266 = arith.index_cast %add3A_255 : i32 to index
          %get3A_267 = arith.constant 16 : index
          %get3A_268 = tpu.vector_load %arg10[%get3A_266, %get3A_267] {strides = array<i32>} : memref<96x128xf32, #tpu.memory_space<vmem>>, vector<1x16xf32>,
          %get3A_269 = vector.shape_cast %get3A_268 : vector<1x16xf32> to vector<16xf32>
          %mul3A_270 = arith.mulf %get3A_269, %gather3A_251 : vector<16xf32>
          %swap3A_271 = arith.index_cast %add3A_255 : i32 to index
          %swap3A_272 = arith.constant 16 : index
          %swap3A_273 = tpu.vector_load %arg10[%swap3A_271, %swap3A_272] {strides = array<i32>} : memref<96x128xf32, #tpu.memory_space<vmem>>, vector<1x16xf32>,
          %swap3A_274 = vector.shape_cast %swap3A_273 : vector<1x16xf32> to vector<16xf32>
          %swap3A_275 = vector.shape_cast %mul3A_270 : vector<16xf32> to vector<1x16xf32>
          tpu.vector_store %arg10[%swap3A_271, %swap3A_272], %swap3A_275 {strides = array<i32>} : memref<96x128xf32, #tpu.memory_space<vmem>>, vector<1x16xf32>,
          %get3A_276 = arith.index_cast %add3A_255 : i32 to index
          %get3A_277 = arith.constant 32 : index
          %get3A_278 = tpu.vector_load %arg10[%get3A_276, %get3A_277] {strides = array<i32>} : memref<96x128xf32, #tpu.memory_space<vmem>>, vector<1x16xf32>,
          %get3A_279 = vector.shape_cast %get3A_278 : vector<1x16xf32> to vector<16xf32>
          %mul3A_280 = arith.mulf %get3A_279, %gather3A_251 : vector<16xf32>
          %swap3A_281 = arith.index_cast %add3A_255 : i32 to index
          %swap3A_282 = arith.constant 32 : index
          %swap3A_283 = tpu.vector_load %arg10[%swap3A_281, %swap3A_282] {strides = array<i32>} : memref<96x128xf32, #tpu.memory_space<vmem>>, vector<1x16xf32>,
          %swap3A_284 = vector.shape_cast %swap3A_283 : vector<1x16xf32> to vector<16xf32>
          %swap3A_285 = vector.shape_cast %mul3A_280 : vector<16xf32> to vector<1x16xf32>
          tpu.vector_store %arg10[%swap3A_281, %swap3A_282], %swap3A_285 {strides = array<i32>} : memref<96x128xf32, #tpu.memory_space<vmem>>, vector<1x16xf32>,
          %get3A_286 = arith.index_cast %add3A_255 : i32 to index
          %get3A_287 = arith.constant 48 : index
          %get3A_288 = tpu.vector_load %arg10[%get3A_286, %get3A_287] {strides = array<i32>} : memref<96x128xf32, #tpu.memory_space<vmem>>, vector<1x16xf32>,
          %get3A_289 = vector.shape_cast %get3A_288 : vector<1x16xf32> to vector<16xf32>
          %mul3A_290 = arith.mulf %get3A_289, %gather3A_251 : vector<16xf32>
          %swap3A_291 = arith.index_cast %add3A_255 : i32 to index
          %swap3A_292 = arith.constant 48 : index
          %swap3A_293 = tpu.vector_load %arg10[%swap3A_291, %swap3A_292] {strides = array<i32>} : memref<96x128xf32, #tpu.memory_space<vmem>>, vector<1x16xf32>,
          %swap3A_294 = vector.shape_cast %swap3A_293 : vector<1x16xf32> to vector<16xf32>
          %swap3A_295 = vector.shape_cast %mul3A_290 : vector<16xf32> to vector<1x16xf32>
          tpu.vector_store %arg10[%swap3A_291, %swap3A_292], %swap3A_295 {strides = array<i32>} : memref<96x128xf32, #tpu.memory_space<vmem>>, vector<1x16xf32>,
          %get3A_296 = arith.index_cast %add3A_255 : i32 to index
          %get3A_297 = arith.constant 64 : index
          %get3A_298 = tpu.vector_load %arg10[%get3A_296, %get3A_297] {strides = array<i32>} : memref<96x128xf32, #tpu.memory_space<vmem>>, vector<1x16xf32>,
          %get3A_299 = vector.shape_cast %get3A_298 : vector<1x16xf32> to vector<16xf32>
          %mul3A_300 = arith.mulf %get3A_299, %gather3A_251 : vector<16xf32>
          %swap3A_301 = arith.index_cast %add3A_255 : i32 to index
          %swap3A_302 = arith.constant 64 : index
          %swap3A_303 = tpu.vector_load %arg10[%swap3A_301, %swap3A_302] {strides = array<i32>} : memref<96x128xf32, #tpu.memory_space<vmem>>, vector<1x16xf32>,
          %swap3A_304 = vector.shape_cast %swap3A_303 : vector<1x16xf32> to vector<16xf32>
          %swap3A_305 = vector.shape_cast %mul3A_300 : vector<16xf32> to vector<1x16xf32>
          tpu.vector_store %arg10[%swap3A_301, %swap3A_302], %swap3A_305 {strides = array<i32>} : memref<96x128xf32, #tpu.memory_space<vmem>>, vector<1x16xf32>,
          %get3A_306 = arith.index_cast %add3A_255 : i32 to index
          %get3A_307 = arith.constant 80 : index
          %get3A_308 = tpu.vector_load %arg10[%get3A_306, %get3A_307] {strides = array<i32>} : memref<96x128xf32, #tpu.memory_space<vmem>>, vector<1x16xf32>,
          %get3A_309 = vector.shape_cast %get3A_308 : vector<1x16xf32> to vector<16xf32>
          %mul3A_310 = arith.mulf %get3A_309, %gather3A_251 : vector<16xf32>
          %swap3A_311 = arith.index_cast %add3A_255 : i32 to index
          %swap3A_312 = arith.constant 80 : index
          %swap3A_313 = tpu.vector_load %arg10[%swap3A_311, %swap3A_312] {strides = array<i32>} : memref<96x128xf32, #tpu.memory_space<vmem>>, vector<1x16xf32>,
          %swap3A_314 = vector.shape_cast %swap3A_313 : vector<1x16xf32> to vector<16xf32>
          %swap3A_315 = vector.shape_cast %mul3A_310 : vector<16xf32> to vector<1x16xf32>
          tpu.vector_store %arg10[%swap3A_311, %swap3A_312], %swap3A_315 {strides = array<i32>} : memref<96x128xf32, #tpu.memory_space<vmem>>, vector<1x16xf32>,
          %get3A_316 = arith.index_cast %add3A_255 : i32 to index
          %get3A_317 = arith.constant 96 : index
          %get3A_318 = tpu.vector_load %arg10[%get3A_316, %get3A_317] {strides = array<i32>} : memref<96x128xf32, #tpu.memory_space<vmem>>, vector<1x16xf32>,
          %get3A_319 = vector.shape_cast %get3A_318 : vector<1x16xf32> to vector<16xf32>
          %mul3A_320 = arith.mulf %get3A_319, %gather3A_251 : vector<16xf32>
          %swap3A_321 = arith.index_cast %add3A_255 : i32 to index
          %swap3A_322 = arith.constant 96 : index
          %swap3A_323 = tpu.vector_load %arg10[%swap3A_321, %swap3A_322] {strides = array<i32>} : memref<96x128xf32, #tpu.memory_space<vmem>>, vector<1x16xf32>,
          %swap3A_324 = vector.shape_cast %swap3A_323 : vector<1x16xf32> to vector<16xf32>
          %swap3A_325 = vector.shape_cast %mul3A_320 : vector<16xf32> to vector<1x16xf32>
          tpu.vector_store %arg10[%swap3A_321, %swap3A_322], %swap3A_325 {strides = array<i32>} : memref<96x128xf32, #tpu.memory_space<vmem>>, vector<1x16xf32>,
          %get3A_326 = arith.index_cast %add3A_255 : i32 to index
          %get3A_327 = arith.constant 112 : index
          %get3A_328 = tpu.vector_load %arg10[%get3A_326, %get3A_327] {strides = array<i32>} : memref<96x128xf32, #tpu.memory_space<vmem>>, vector<1x16xf32>,
          %get3A_329 = vector.shape_cast %get3A_328 : vector<1x16xf32> to vector<16xf32>
          %mul3A_330 = arith.mulf %get3A_329, %gather3A_251 : vector<16xf32>
          %swap3A_331 = arith.index_cast %add3A_255 : i32 to index
          %swap3A_332 = arith.constant 112 : index
          %swap3A_333 = tpu.vector_load %arg10[%swap3A_331, %swap3A_332] {strides = array<i32>} : memref<96x128xf32, #tpu.memory_space<vmem>>, vector<1x16xf32>,
          %swap3A_334 = vector.shape_cast %swap3A_333 : vector<1x16xf32> to vector<16xf32>
          %swap3A_335 = vector.shape_cast %mul3A_330 : vector<16xf32> to vector<1x16xf32>
          tpu.vector_store %arg10[%swap3A_331, %swap3A_332], %swap3A_335 {strides = array<i32>} : memref<96x128xf32, #tpu.memory_space<vmem>>, vector<1x16xf32>,
          %broadcast_in_dim3A_336 = arith.constant 2 : i32
          %broadcast_in_dim3A_337 = vector.broadcast %broadcast_in_dim3A_336 : i32 to vector<16xi32>
          %reshape3A_338 = vector.shape_cast %broadcast_in_dim3A_337 : vector<16xi32> to vector<16x1xi32>
          %gather3A_339 = vector.shape_cast %reshape3A_338 : vector<16x1xi32> to vector<16xi32>
          %gather3A_340 = tpu.dynamic_gather %get3A_160[%gather3A_339] in [0] : vector<16xf32>, vector<16xi32> -> vector<16xf32>
          %mul3A_341 = arith.constant 16 : i32
          %mul3A_342 = arith.muli %add3A_154, %mul3A_341 : i32
          %add3A_343 = arith.constant 2 : i32
          %add3A_344 = arith.addi %mul3A_342, %add3A_343 : i32
          %get3A_345 = arith.index_cast %add3A_344 : i32 to index
          %get3A_346 = arith.constant 0 : index
          %get3A_347 = tpu.vector_load %arg10[%get3A_345, %get3A_346] {strides = array<i32>} : memref<96x128xf32, #tpu.memory_space<vmem>>, vector<1x16xf32>,
          %get3A_348 = vector.shape_cast %get3A_347 : vector<1x16xf32> to vector<16xf32>
          %mul3A_349 = arith.mulf %get3A_348, %gather3A_340 : vector<16xf32>
          %swap3A_350 = arith.index_cast %add3A_344 : i32 to index
          %swap3A_351 = arith.constant 0 : index
          %swap3A_352 = tpu.vector_load %arg10[%swap3A_350, %swap3A_351] {strides = array<i32>} : memref<96x128xf32, #tpu.memory_space<vmem>>, vector<1x16xf32>,
          %swap3A_353 = vector.shape_cast %swap3A_352 : vector<1x16xf32> to vector<16xf32>
          %swap3A_354 = vector.shape_cast %mul3A_349 : vector<16xf32> to vector<1x16xf32>
          tpu.vector_store %arg10[%swap3A_350, %swap3A_351], %swap3A_354 {strides = array<i32>} : memref<96x128xf32, #tpu.memory_space<vmem>>, vector<1x16xf32>,
          %get3A_355 = arith.index_cast %add3A_344 : i32 to index
          %get3A_356 = arith.constant 16 : index
          %get3A_357 = tpu.vector_load %arg10[%get3A_355, %get3A_356] {strides = array<i32>} : memref<96x128xf32, #tpu.memory_space<vmem>>, vector<1x16xf32>,
          %get3A_358 = vector.shape_cast %get3A_357 : vector<1x16xf32> to vector<16xf32>
          %mul3A_359 = arith.mulf %get3A_358, %gather3A_340 : vector<16xf32>
          %swap3A_360 = arith.index_cast %add3A_344 : i32 to index
          %swap3A_361 = arith.constant 16 : index
          %swap3A_362 = tpu.vector_load %arg10[%swap3A_360, %swap3A_361] {strides = array<i32>} : memref<96x128xf32, #tpu.memory_space<vmem>>, vector<1x16xf32>,
          %swap3A_363 = vector.shape_cast %swap3A_362 : vector<1x16xf32> to vector<16xf32>
          %swap3A_364 = vector.shape_cast %mul3A_359 : vector<16xf32> to vector<1x16xf32>
          tpu.vector_store %arg10[%swap3A_360, %swap3A_361], %swap3A_364 {strides = array<i32>} : memref<96x128xf32, #tpu.memory_space<vmem>>, vector<1x16xf32>,
          %get3A_365 = arith.index_cast %add3A_344 : i32 to index
          %get3A_366 = arith.constant 32 : index
          %get3A_367 = tpu.vector_load %arg10[%get3A_365, %get3A_366] {strides = array<i32>} : memref<96x128xf32, #tpu.memory_space<vmem>>, vector<1x16xf32>,
          %get3A_368 = vector.shape_cast %get3A_367 : vector<1x16xf32> to vector<16xf32>
          %mul3A_369 = arith.mulf %get3A_368, %gather3A_340 : vector<16xf32>
          %swap3A_370 = arith.index_cast %add3A_344 : i32 to index
          %swap3A_371 = arith.constant 32 : index
          %swap3A_372 = tpu.vector_load %arg10[%swap3A_370, %swap3A_371] {strides = array<i32>} : memref<96x128xf32, #tpu.memory_space<vmem>>, vector<1x16xf32>,
          %swap3A_373 = vector.shape_cast %swap3A_372 : vector<1x16xf32> to vector<16xf32>
          %swap3A_374 = vector.shape_cast %mul3A_369 : vector<16xf32> to vector<1x16xf32>
          tpu.vector_store %arg10[%swap3A_370, %swap3A_371], %swap3A_374 {strides = array<i32>} : memref<96x128xf32, #tpu.memory_space<vmem>>, vector<1x16xf32>,
          %get3A_375 = arith.index_cast %add3A_344 : i32 to index
          %get3A_376 = arith.constant 48 : index
          %get3A_377 = tpu.vector_load %arg10[%get3A_375, %get3A_376] {strides = array<i32>} : memref<96x128xf32, #tpu.memory_space<vmem>>, vector<1x16xf32>,
          %get3A_378 = vector.shape_cast %get3A_377 : vector<1x16xf32> to vector<16xf32>
          %mul3A_379 = arith.mulf %get3A_378, %gather3A_340 : vector<16xf32>
          %swap3A_380 = arith.index_cast %add3A_344 : i32 to index
          %swap3A_381 = arith.constant 48 : index
          %swap3A_382 = tpu.vector_load %arg10[%swap3A_380, %swap3A_381] {strides = array<i32>} : memref<96x128xf32, #tpu.memory_space<vmem>>, vector<1x16xf32>,
          %swap3A_383 = vector.shape_cast %swap3A_382 : vector<1x16xf32> to vector<16xf32>
          %swap3A_384 = vector.shape_cast %mul3A_379 : vector<16xf32> to vector<1x16xf32>
          tpu.vector_store %arg10[%swap3A_380, %swap3A_381], %swap3A_384 {strides = array<i32>} : memref<96x128xf32, #tpu.memory_space<vmem>>, vector<1x16xf32>,
          %get3A_385 = arith.index_cast %add3A_344 : i32 to index
          %get3A_386 = arith.constant 64 : index
          %get3A_387 = tpu.vector_load %arg10[%get3A_385, %get3A_386] {strides = array<i32>} : memref<96x128xf32, #tpu.memory_space<vmem>>, vector<1x16xf32>,
          %get3A_388 = vector.shape_cast %get3A_387 : vector<1x16xf32> to vector<16xf32>
          %mul3A_389 = arith.mulf %get3A_388, %gather3A_340 : vector<16xf32>
          %swap3A_390 = arith.index_cast %add3A_344 : i32 to index
          %swap3A_391 = arith.constant 64 : index
          %swap3A_392 = tpu.vector_load %arg10[%swap3A_390, %swap3A_391] {strides = array<i32>} : memref<96x128xf32, #tpu.memory_space<vmem>>, vector<1x16xf32>,
          %swap3A_393 = vector.shape_cast %swap3A_392 : vector<1x16xf32> to vector<16xf32>
          %swap3A_394 = vector.shape_cast %mul3A_389 : vector<16xf32> to vector<1x16xf32>
          tpu.vector_store %arg10[%swap3A_390, %swap3A_391], %swap3A_394 {strides = array<i32>} : memref<96x128xf32, #tpu.memory_space<vmem>>, vector<1x16xf32>,
          %get3A_395 = arith.index_cast %add3A_344 : i32 to index
          %get3A_396 = arith.constant 80 : index
          %get3A_397 = tpu.vector_load %arg10[%get3A_395, %get3A_396] {strides = array<i32>} : memref<96x128xf32, #tpu.memory_space<vmem>>, vector<1x16xf32>,
          %get3A_398 = vector.shape_cast %get3A_397 : vector<1x16xf32> to vector<16xf32>
          %mul3A_399 = arith.mulf %get3A_398, %gather3A_340 : vector<16xf32>
          %swap3A_400 = arith.index_cast %add3A_344 : i32 to index
          %swap3A_401 = arith.constant 80 : index
          %swap3A_402 = tpu.vector_load %arg10[%swap3A_400, %swap3A_401] {strides = array<i32>} : memref<96x128xf32, #tpu.memory_space<vmem>>, vector<1x16xf32>,
          %swap3A_403 = vector.shape_cast %swap3A_402 : vector<1x16xf32> to vector<16xf32>
          %swap3A_404 = vector.shape_cast %mul3A_399 : vector<16xf32> to vector<1x16xf32>
          tpu.vector_store %arg10[%swap3A_400, %swap3A_401], %swap3A_404 {strides = array<i32>} : memref<96x128xf32, #tpu.memory_space<vmem>>, vector<1x16xf32>,
          %get3A_405 = arith.index_cast %add3A_344 : i32 to index
          %get3A_406 = arith.constant 96 : index
          %get3A_407 = tpu.vector_load %arg10[%get3A_405, %get3A_406] {strides = array<i32>} : memref<96x128xf32, #tpu.memory_space<vmem>>, vector<1x16xf32>,
          %get3A_408 = vector.shape_cast %get3A_407 : vector<1x16xf32> to vector<16xf32>
          %mul3A_409 = arith.mulf %get3A_408, %gather3A_340 : vector<16xf32>
          %swap3A_410 = arith.index_cast %add3A_344 : i32 to index
          %swap3A_411 = arith.constant 96 : index
          %swap3A_412 = tpu.vector_load %arg10[%swap3A_410, %swap3A_411] {strides = array<i32>} : memref<96x128xf32, #tpu.memory_space<vmem>>, vector<1x16xf32>,
          %swap3A_413 = vector.shape_cast %swap3A_412 : vector<1x16xf32> to vector<16xf32>
          %swap3A_414 = vector.shape_cast %mul3A_409 : vector<16xf32> to vector<1x16xf32>
          tpu.vector_store %arg10[%swap3A_410, %swap3A_411], %swap3A_414 {strides = array<i32>} : memref<96x128xf32, #tpu.memory_space<vmem>>, vector<1x16xf32>,
          %get3A_415 = arith.index_cast %add3A_344 : i32 to index
          %get3A_416 = arith.constant 112 : index
          %get3A_417 = tpu.vector_load %arg10[%get3A_415, %get3A_416] {strides = array<i32>} : memref<96x128xf32, #tpu.memory_space<vmem>>, vector<1x16xf32>,
          %get3A_418 = vector.shape_cast %get3A_417 : vector<1x16xf32> to vector<16xf32>
          %mul3A_419 = arith.mulf %get3A_418, %gather3A_340 : vector<16xf32>
          %swap3A_420 = arith.index_cast %add3A_344 : i32 to index
          %swap3A_421 = arith.constant 112 : index
          %swap3A_422 = tpu.vector_load %arg10[%swap3A_420, %swap3A_421] {strides = array<i32>} : memref<96x128xf32, #tpu.memory_space<vmem>>, vector<1x16xf32>,
          %swap3A_423 = vector.shape_cast %swap3A_422 : vector<1x16xf32> to vector<16xf32>
          %swap3A_424 = vector.shape_cast %mul3A_419 : vector<16xf32> to vector<1x16xf32>
          tpu.vector_store %arg10[%swap3A_420, %swap3A_421], %swap3A_424 {strides = array<i32>} : memref<96x128xf32, #tpu.memory_space<vmem>>, vector<1x16xf32>,
          %broadcast_in_dim3A_425 = arith.constant 3 : i32
          %broadcast_in_dim3A_426 = vector.broadcast %broadcast_in_dim3A_425 : i32 to vector<16xi32>
          %reshape3A_427 = vector.shape_cast %broadcast_in_dim3A_426 : vector<16xi32> to vector<16x1xi32>
          %gather3A_428 = vector.shape_cast %reshape3A_427 : vector<16x1xi32> to vector<16xi32>
          %gather3A_429 = tpu.dynamic_gather %get3A_160[%gather3A_428] in [0] : vector<16xf32>, vector<16xi32> -> vector<16xf32>
          %mul3A_430 = arith.constant 16 : i32
          %mul3A_431 = arith.muli %add3A_154, %mul3A_430 : i32
          %add3A_432 = arith.constant 3 : i32
          %add3A_433 = arith.addi %mul3A_431, %add3A_432 : i32
          %get3A_434 = arith.index_cast %add3A_433 : i32 to index
          %get3A_435 = arith.constant 0 : index
          %get3A_436 = tpu.vector_load %arg10[%get3A_434, %get3A_435] {strides = array<i32>} : memref<96x128xf32, #tpu.memory_space<vmem>>, vector<1x16xf32>,
          %get3A_437 = vector.shape_cast %get3A_436 : vector<1x16xf32> to vector<16xf32>
          %mul3A_438 = arith.mulf %get3A_437, %gather3A_429 : vector<16xf32>
          %swap3A_439 = arith.index_cast %add3A_433 : i32 to index
          %swap3A_440 = arith.constant 0 : index
          %swap3A_441 = tpu.vector_load %arg10[%swap3A_439, %swap3A_440] {strides = array<i32>} : memref<96x128xf32, #tpu.memory_space<vmem>>, vector<1x16xf32>,
          %swap3A_442 = vector.shape_cast %swap3A_441 : vector<1x16xf32> to vector<16xf32>
          %swap3A_443 = vector.shape_cast %mul3A_438 : vector<16xf32> to vector<1x16xf32>
          tpu.vector_store %arg10[%swap3A_439, %swap3A_440], %swap3A_443 {strides = array<i32>} : memref<96x128xf32, #tpu.memory_space<vmem>>, vector<1x16xf32>,
          %get3A_444 = arith.index_cast %add3A_433 : i32 to index
          %get3A_445 = arith.constant 16 : index
          %get3A_446 = tpu.vector_load %arg10[%get3A_444, %get3A_445] {strides = array<i32>} : memref<96x128xf32, #tpu.memory_space<vmem>>, vector<1x16xf32>,
          %get3A_447 = vector.shape_cast %get3A_446 : vector<1x16xf32> to vector<16xf32>
          %mul3A_448 = arith.mulf %get3A_447, %gather3A_429 : vector<16xf32>
          %swap3A_449 = arith.index_cast %add3A_433 : i32 to index
          %swap3A_450 = arith.constant 16 : index
          %swap3A_451 = tpu.vector_load %arg10[%swap3A_449, %swap3A_450] {strides = array<i32>} : memref<96x128xf32, #tpu.memory_space<vmem>>, vector<1x16xf32>,
          %swap3A_452 = vector.shape_cast %swap3A_451 : vector<1x16xf32> to vector<16xf32>
          %swap3A_453 = vector.shape_cast %mul3A_448 : vector<16xf32> to vector<1x16xf32>
          tpu.vector_store %arg10[%swap3A_449, %swap3A_450], %swap3A_453 {strides = array<i32>} : memref<96x128xf32, #tpu.memory_space<vmem>>, vector<1x16xf32>,
          %get3A_454 = arith.index_cast %add3A_433 : i32 to index
          %get3A_455 = arith.constant 32 : index
          %get3A_456 = tpu.vector_load %arg10[%get3A_454, %get3A_455] {strides = array<i32>} : memref<96x128xf32, #tpu.memory_space<vmem>>, vector<1x16xf32>,
          %get3A_457 = vector.shape_cast %get3A_456 : vector<1x16xf32> to vector<16xf32>
          %mul3A_458 = arith.mulf %get3A_457, %gather3A_429 : vector<16xf32>
          %swap3A_459 = arith.index_cast %add3A_433 : i32 to index
          %swap3A_460 = arith.constant 32 : index
          %swap3A_461 = tpu.vector_load %arg10[%swap3A_459, %swap3A_460] {strides = array<i32>} : memref<96x128xf32, #tpu.memory_space<vmem>>, vector<1x16xf32>,
          %swap3A_462 = vector.shape_cast %swap3A_461 : vector<1x16xf32> to vector<16xf32>
          %swap3A_463 = vector.shape_cast %mul3A_458 : vector<16xf32> to vector<1x16xf32>
          tpu.vector_store %arg10[%swap3A_459, %swap3A_460], %swap3A_463 {strides = array<i32>} : memref<96x128xf32, #tpu.memory_space<vmem>>, vector<1x16xf32>,
          %get3A_464 = arith.index_cast %add3A_433 : i32 to index
          %get3A_465 = arith.constant 48 : index
          %get3A_466 = tpu.vector_load %arg10[%get3A_464, %get3A_465] {strides = array<i32>} : memref<96x128xf32, #tpu.memory_space<vmem>>, vector<1x16xf32>,
          %get3A_467 = vector.shape_cast %get3A_466 : vector<1x16xf32> to vector<16xf32>
          %mul3A_468 = arith.mulf %get3A_467, %gather3A_429 : vector<16xf32>
          %swap3A_469 = arith.index_cast %add3A_433 : i32 to index
          %swap3A_470 = arith.constant 48 : index
          %swap3A_471 = tpu.vector_load %arg10[%swap3A_469, %swap3A_470] {strides = array<i32>} : memref<96x128xf32, #tpu.memory_space<vmem>>, vector<1x16xf32>,
          %swap3A_472 = vector.shape_cast %swap3A_471 : vector<1x16xf32> to vector<16xf32>
          %swap3A_473 = vector.shape_cast %mul3A_468 : vector<16xf32> to vector<1x16xf32>
          tpu.vector_store %arg10[%swap3A_469, %swap3A_470], %swap3A_473 {strides = array<i32>} : memref<96x128xf32, #tpu.memory_space<vmem>>, vector<1x16xf32>,
          %get3A_474 = arith.index_cast %add3A_433 : i32 to index
          %get3A_475 = arith.constant 64 : index
          %get3A_476 = tpu.vector_load %arg10[%get3A_474, %get3A_475] {strides = array<i32>} : memref<96x128xf32, #tpu.memory_space<vmem>>, vector<1x16xf32>,
          %get3A_477 = vector.shape_cast %get3A_476 : vector<1x16xf32> to vector<16xf32>
          %mul3A_478 = arith.mulf %get3A_477, %gather3A_429 : vector<16xf32>
          %swap3A_479 = arith.index_cast %add3A_433 : i32 to index
          %swap3A_480 = arith.constant 64 : index
          %swap3A_481 = tpu.vector_load %arg10[%swap3A_479, %swap3A_480] {strides = array<i32>} : memref<96x128xf32, #tpu.memory_space<vmem>>, vector<1x16xf32>,
          %swap3A_482 = vector.shape_cast %swap3A_481 : vector<1x16xf32> to vector<16xf32>
          %swap3A_483 = vector.shape_cast %mul3A_478 : vector<16xf32> to vector<1x16xf32>
          tpu.vector_store %arg10[%swap3A_479, %swap3A_480], %swap3A_483 {strides = array<i32>} : memref<96x128xf32, #tpu.memory_space<vmem>>, vector<1x16xf32>,
          %get3A_484 = arith.index_cast %add3A_433 : i32 to index
          %get3A_485 = arith.constant 80 : index
          %get3A_486 = tpu.vector_load %arg10[%get3A_484, %get3A_485] {strides = array<i32>} : memref<96x128xf32, #tpu.memory_space<vmem>>, vector<1x16xf32>,
          %get3A_487 = vector.shape_cast %get3A_486 : vector<1x16xf32> to vector<16xf32>
          %mul3A_488 = arith.mulf %get3A_487, %gather3A_429 : vector<16xf32>
          %swap3A_489 = arith.index_cast %add3A_433 : i32 to index
          %swap3A_490 = arith.constant 80 : index
          %swap3A_491 = tpu.vector_load %arg10[%swap3A_489, %swap3A_490] {strides = array<i32>} : memref<96x128xf32, #tpu.memory_space<vmem>>, vector<1x16xf32>,
          %swap3A_492 = vector.shape_cast %swap3A_491 : vector<1x16xf32> to vector<16xf32>
          %swap3A_493 = vector.shape_cast %mul3A_488 : vector<16xf32> to vector<1x16xf32>
          tpu.vector_store %arg10[%swap3A_489, %swap3A_490], %swap3A_493 {strides = array<i32>} : memref<96x128xf32, #tpu.memory_space<vmem>>, vector<1x16xf32>,
          %get3A_494 = arith.index_cast %add3A_433 : i32 to index
          %get3A_495 = arith.constant 96 : index
          %get3A_496 = tpu.vector_load %arg10[%get3A_494, %get3A_495] {strides = array<i32>} : memref<96x128xf32, #tpu.memory_space<vmem>>, vector<1x16xf32>,
          %get3A_497 = vector.shape_cast %get3A_496 : vector<1x16xf32> to vector<16xf32>
          %mul3A_498 = arith.mulf %get3A_497, %gather3A_429 : vector<16xf32>
          %swap3A_499 = arith.index_cast %add3A_433 : i32 to index
          %swap3A_500 = arith.constant 96 : index
          %swap3A_501 = tpu.vector_load %arg10[%swap3A_499, %swap3A_500] {strides = array<i32>} : memref<96x128xf32, #tpu.memory_space<vmem>>, vector<1x16xf32>,
          %swap3A_502 = vector.shape_cast %swap3A_501 : vector<1x16xf32> to vector<16xf32>
          %swap3A_503 = vector.shape_cast %mul3A_498 : vector<16xf32> to vector<1x16xf32>
          tpu.vector_store %arg10[%swap3A_499, %swap3A_500], %swap3A_503 {strides = array<i32>} : memref<96x128xf32, #tpu.memory_space<vmem>>, vector<1x16xf32>,
          %get3A_504 = arith.index_cast %add3A_433 : i32 to index
          %get3A_505 = arith.constant 112 : index
          %get3A_506 = tpu.vector_load %arg10[%get3A_504, %get3A_505] {strides = array<i32>} : memref<96x128xf32, #tpu.memory_space<vmem>>, vector<1x16xf32>,
          %get3A_507 = vector.shape_cast %get3A_506 : vector<1x16xf32> to vector<16xf32>
          %mul3A_508 = arith.mulf %get3A_507, %gather3A_429 : vector<16xf32>
          %swap3A_509 = arith.index_cast %add3A_433 : i32 to index
          %swap3A_510 = arith.constant 112 : index
          %swap3A_511 = tpu.vector_load %arg10[%swap3A_509, %swap3A_510] {strides = array<i32>} : memref<96x128xf32, #tpu.memory_space<vmem>>, vector<1x16xf32>,
          %swap3A_512 = vector.shape_cast %swap3A_511 : vector<1x16xf32> to vector<16xf32>
          %swap3A_513 = vector.shape_cast %mul3A_508 : vector<16xf32> to vector<1x16xf32>
          tpu.vector_store %arg10[%swap3A_509, %swap3A_510], %swap3A_513 {strides = array<i32>} : memref<96x128xf32, #tpu.memory_space<vmem>>, vector<1x16xf32>,
          %broadcast_in_dim3A_514 = arith.constant 4 : i32
          %broadcast_in_dim3A_515 = vector.broadcast %broadcast_in_dim3A_514 : i32 to vector<16xi32>
          %reshape3A_516 = vector.shape_cast %broadcast_in_dim3A_515 : vector<16xi32> to vector<16x1xi32>
          %gather3A_517 = vector.shape_cast %reshape3A_516 : vector<16x1xi32> to vector<16xi32>
          %gather3A_518 = tpu.dynamic_gather %get3A_160[%gather3A_517] in [0] : vector<16xf32>, vector<16xi32> -> vector<16xf32>
          %mul3A_519 = arith.constant 16 : i32
          %mul3A_520 = arith.muli %add3A_154, %mul3A_519 : i32
          %add3A_521 = arith.constant 4 : i32
          %add3A_522 = arith.addi %mul3A_520, %add3A_521 : i32
          %get3A_523 = arith.index_cast %add3A_522 : i32 to index
          %get3A_524 = arith.constant 0 : index
          %get3A_525 = tpu.vector_load %arg10[%get3A_523, %get3A_524] {strides = array<i32>} : memref<96x128xf32, #tpu.memory_space<vmem>>, vector<1x16xf32>,
          %get3A_526 = vector.shape_cast %get3A_525 : vector<1x16xf32> to vector<16xf32>
          %mul3A_527 = arith.mulf %get3A_526, %gather3A_518 : vector<16xf32>
          %swap3A_528 = arith.index_cast %add3A_522 : i32 to index
          %swap3A_529 = arith.constant 0 : index
          %swap3A_530 = tpu.vector_load %arg10[%swap3A_528, %swap3A_529] {strides = array<i32>} : memref<96x128xf32, #tpu.memory_space<vmem>>, vector<1x16xf32>,
          %swap3A_531 = vector.shape_cast %swap3A_530 : vector<1x16xf32> to vector<16xf32>
          %swap3A_532 = vector.shape_cast %mul3A_527 : vector<16xf32> to vector<1x16xf32>
          tpu.vector_store %arg10[%swap3A_528, %swap3A_529], %swap3A_532 {strides = array<i32>} : memref<96x128xf32, #tpu.memory_space<vmem>>, vector<1x16xf32>,
          %get3A_533 = arith.index_cast %add3A_522 : i32 to index
          %get3A_534 = arith.constant 16 : index
          %get3A_535 = tpu.vector_load %arg10[%get3A_533, %get3A_534] {strides = array<i32>} : memref<96x128xf32, #tpu.memory_space<vmem>>, vector<1x16xf32>,
          %get3A_536 = vector.shape_cast %get3A_535 : vector<1x16xf32> to vector<16xf32>
          %mul3A_537 = arith.mulf %get3A_536, %gather3A_518 : vector<16xf32>
          %swap3A_538 = arith.index_cast %add3A_522 : i32 to index
          %swap3A_539 = arith.constant 16 : index
          %swap3A_540 = tpu.vector_load %arg10[%swap3A_538, %swap3A_539] {strides = array<i32>} : memref<96x128xf32, #tpu.memory_space<vmem>>, vector<1x16xf32>,
          %swap3A_541 = vector.shape_cast %swap3A_540 : vector<1x16xf32> to vector<16xf32>
          %swap3A_542 = vector.shape_cast %mul3A_537 : vector<16xf32> to vector<1x16xf32>
          tpu.vector_store %arg10[%swap3A_538, %swap3A_539], %swap3A_542 {strides = array<i32>} : memref<96x128xf32, #tpu.memory_space<vmem>>, vector<1x16xf32>,
          %get3A_543 = arith.index_cast %add3A_522 : i32 to index
          %get3A_544 = arith.constant 32 : index
          %get3A_545 = tpu.vector_load %arg10[%get3A_543, %get3A_544] {strides = array<i32>} : memref<96x128xf32, #tpu.memory_space<vmem>>, vector<1x16xf32>,
          %get3A_546 = vector.shape_cast %get3A_545 : vector<1x16xf32> to vector<16xf32>
          %mul3A_547 = arith.mulf %get3A_546, %gather3A_518 : vector<16xf32>
          %swap3A_548 = arith.index_cast %add3A_522 : i32 to index
          %swap3A_549 = arith.constant 32 : index
          %swap3A_550 = tpu.vector_load %arg10[%swap3A_548, %swap3A_549] {strides = array<i32>} : memref<96x128xf32, #tpu.memory_space<vmem>>, vector<1x16xf32>,
          %swap3A_551 = vector.shape_cast %swap3A_550 : vector<1x16xf32> to vector<16xf32>
          %swap3A_552 = vector.shape_cast %mul3A_547 : vector<16xf32> to vector<1x16xf32>
          tpu.vector_store %arg10[%swap3A_548, %swap3A_549], %swap3A_552 {strides = array<i32>} : memref<96x128xf32, #tpu.memory_space<vmem>>, vector<1x16xf32>,
          %get3A_553 = arith.index_cast %add3A_522 : i32 to index
          %get3A_554 = arith.constant 48 : index
          %get3A_555 = tpu.vector_load %arg10[%get3A_553, %get3A_554] {strides = array<i32>} : memref<96x128xf32, #tpu.memory_space<vmem>>, vector<1x16xf32>,
          %get3A_556 = vector.shape_cast %get3A_555 : vector<1x16xf32> to vector<16xf32>
          %mul3A_557 = arith.mulf %get3A_556, %gather3A_518 : vector<16xf32>
          %swap3A_558 = arith.index_cast %add3A_522 : i32 to index
          %swap3A_559 = arith.constant 48 : index
          %swap3A_560 = tpu.vector_load %arg10[%swap3A_558, %swap3A_559] {strides = array<i32>} : memref<96x128xf32, #tpu.memory_space<vmem>>, vector<1x16xf32>,
          %swap3A_561 = vector.shape_cast %swap3A_560 : vector<1x16xf32> to vector<16xf32>
          %swap3A_562 = vector.shape_cast %mul3A_557 : vector<16xf32> to vector<1x16xf32>
          tpu.vector_store %arg10[%swap3A_558, %swap3A_559], %swap3A_562 {strides = array<i32>} : memref<96x128xf32, #tpu.memory_space<vmem>>, vector<1x16xf32>,
          %get3A_563 = arith.index_cast %add3A_522 : i32 to index
          %get3A_564 = arith.constant 64 : index
          %get3A_565 = tpu.vector_load %arg10[%get3A_563, %get3A_564] {strides = array<i32>} : memref<96x128xf32, #tpu.memory_space<vmem>>, vector<1x16xf32>,
          %get3A_566 = vector.shape_cast %get3A_565 : vector<1x16xf32> to vector<16xf32>
          %mul3A_567 = arith.mulf %get3A_566, %gather3A_518 : vector<16xf32>
          %swap3A_568 = arith.index_cast %add3A_522 : i32 to index
          %swap3A_569 = arith.constant 64 : index
          %swap3A_570 = tpu.vector_load %arg10[%swap3A_568, %swap3A_569] {strides = array<i32>} : memref<96x128xf32, #tpu.memory_space<vmem>>, vector<1x16xf32>,
          %swap3A_571 = vector.shape_cast %swap3A_570 : vector<1x16xf32> to vector<16xf32>
          %swap3A_572 = vector.shape_cast %mul3A_567 : vector<16xf32> to vector<1x16xf32>
          tpu.vector_store %arg10[%swap3A_568, %swap3A_569], %swap3A_572 {strides = array<i32>} : memref<96x128xf32, #tpu.memory_space<vmem>>, vector<1x16xf32>,
          %get3A_573 = arith.index_cast %add3A_522 : i32 to index
          %get3A_574 = arith.constant 80 : index
          %get3A_575 = tpu.vector_load %arg10[%get3A_573, %get3A_574] {strides = array<i32>} : memref<96x128xf32, #tpu.memory_space<vmem>>, vector<1x16xf32>,
          %get3A_576 = vector.shape_cast %get3A_575 : vector<1x16xf32> to vector<16xf32>
          %mul3A_577 = arith.mulf %get3A_576, %gather3A_518 : vector<16xf32>
          %swap3A_578 = arith.index_cast %add3A_522 : i32 to index
          %swap3A_579 = arith.constant 80 : index
          %swap3A_580 = tpu.vector_load %arg10[%swap3A_578, %swap3A_579] {strides = array<i32>} : memref<96x128xf32, #tpu.memory_space<vmem>>, vector<1x16xf32>,
          %swap3A_581 = vector.shape_cast %swap3A_580 : vector<1x16xf32> to vector<16xf32>
          %swap3A_582 = vector.shape_cast %mul3A_577 : vector<16xf32> to vector<1x16xf32>
          tpu.vector_store %arg10[%swap3A_578, %swap3A_579], %swap3A_582 {strides = array<i32>} : memref<96x128xf32, #tpu.memory_space<vmem>>, vector<1x16xf32>,
          %get3A_583 = arith.index_cast %add3A_522 : i32 to index
          %get3A_584 = arith.constant 96 : index
          %get3A_585 = tpu.vector_load %arg10[%get3A_583, %get3A_584] {strides = array<i32>} : memref<96x128xf32, #tpu.memory_space<vmem>>, vector<1x16xf32>,
          %get3A_586 = vector.shape_cast %get3A_585 : vector<1x16xf32> to vector<16xf32>
          %mul3A_587 = arith.mulf %get3A_586, %gather3A_518 : vector<16xf32>
          %swap3A_588 = arith.index_cast %add3A_522 : i32 to index
          %swap3A_589 = arith.constant 96 : index
          %swap3A_590 = tpu.vector_load %arg10[%swap3A_588, %swap3A_589] {strides = array<i32>} : memref<96x128xf32, #tpu.memory_space<vmem>>, vector<1x16xf32>,
          %swap3A_591 = vector.shape_cast %swap3A_590 : vector<1x16xf32> to vector<16xf32>
          %swap3A_592 = vector.shape_cast %mul3A_587 : vector<16xf32> to vector<1x16xf32>
          tpu.vector_store %arg10[%swap3A_588, %swap3A_589], %swap3A_592 {strides = array<i32>} : memref<96x128xf32, #tpu.memory_space<vmem>>, vector<1x16xf32>,
          %get3A_593 = arith.index_cast %add3A_522 : i32 to index
          %get3A_594 = arith.constant 112 : index
          %get3A_595 = tpu.vector_load %arg10[%get3A_593, %get3A_594] {strides = array<i32>} : memref<96x128xf32, #tpu.memory_space<vmem>>, vector<1x16xf32>,
          %get3A_596 = vector.shape_cast %get3A_595 : vector<1x16xf32> to vector<16xf32>
          %mul3A_597 = arith.mulf %get3A_596, %gather3A_518 : vector<16xf32>
          %swap3A_598 = arith.index_cast %add3A_522 : i32 to index
          %swap3A_599 = arith.constant 112 : index
          %swap3A_600 = tpu.vector_load %arg10[%swap3A_598, %swap3A_599] {strides = array<i32>} : memref<96x128xf32, #tpu.memory_space<vmem>>, vector<1x16xf32>,
          %swap3A_601 = vector.shape_cast %swap3A_600 : vector<1x16xf32> to vector<16xf32>
          %swap3A_602 = vector.shape_cast %mul3A_597 : vector<16xf32> to vector<1x16xf32>
          tpu.vector_store %arg10[%swap3A_598, %swap3A_599], %swap3A_602 {strides = array<i32>} : memref<96x128xf32, #tpu.memory_space<vmem>>, vector<1x16xf32>,
          %broadcast_in_dim3A_603 = arith.constant 5 : i32
          %broadcast_in_dim3A_604 = vector.broadcast %broadcast_in_dim3A_603 : i32 to vector<16xi32>
          %reshape3A_605 = vector.shape_cast %broadcast_in_dim3A_604 : vector<16xi32> to vector<16x1xi32>
          %gather3A_606 = vector.shape_cast %reshape3A_605 : vector<16x1xi32> to vector<16xi32>
          %gather3A_607 = tpu.dynamic_gather %get3A_160[%gather3A_606] in [0] : vector<16xf32>, vector<16xi32> -> vector<16xf32>
          %mul3A_608 = arith.constant 16 : i32
          %mul3A_609 = arith.muli %add3A_154, %mul3A_608 : i32
          %add3A_610 = arith.constant 5 : i32
          %add3A_611 = arith.addi %mul3A_609, %add3A_610 : i32
          %get3A_612 = arith.index_cast %add3A_611 : i32 to index
          %get3A_613 = arith.constant 0 : index
          %get3A_614 = tpu.vector_load %arg10[%get3A_612, %get3A_613] {strides = array<i32>} : memref<96x128xf32, #tpu.memory_space<vmem>>, vector<1x16xf32>,
          %get3A_615 = vector.shape_cast %get3A_614 : vector<1x16xf32> to vector<16xf32>
          %mul3A_616 = arith.mulf %get3A_615, %gather3A_607 : vector<16xf32>
          %swap3A_617 = arith.index_cast %add3A_611 : i32 to index
          %swap3A_618 = arith.constant 0 : index
          %swap3A_619 = tpu.vector_load %arg10[%swap3A_617, %swap3A_618] {strides = array<i32>} : memref<96x128xf32, #tpu.memory_space<vmem>>, vector<1x16xf32>,
          %swap3A_620 = vector.shape_cast %swap3A_619 : vector<1x16xf32> to vector<16xf32>
          %swap3A_621 = vector.shape_cast %mul3A_616 : vector<16xf32> to vector<1x16xf32>
          tpu.vector_store %arg10[%swap3A_617, %swap3A_618], %swap3A_621 {strides = array<i32>} : memref<96x128xf32, #tpu.memory_space<vmem>>, vector<1x16xf32>,
          %get3A_622 = arith.index_cast %add3A_611 : i32 to index
          %get3A_623 = arith.constant 16 : index
          %get3A_624 = tpu.vector_load %arg10[%get3A_622, %get3A_623] {strides = array<i32>} : memref<96x128xf32, #tpu.memory_space<vmem>>, vector<1x16xf32>,
          %get3A_625 = vector.shape_cast %get3A_624 : vector<1x16xf32> to vector<16xf32>
          %mul3A_626 = arith.mulf %get3A_625, %gather3A_607 : vector<16xf32>
          %swap3A_627 = arith.index_cast %add3A_611 : i32 to index
          %swap3A_628 = arith.constant 16 : index
          %swap3A_629 = tpu.vector_load %arg10[%swap3A_627, %swap3A_628] {strides = array<i32>} : memref<96x128xf32, #tpu.memory_space<vmem>>, vector<1x16xf32>,
          %swap3A_630 = vector.shape_cast %swap3A_629 : vector<1x16xf32> to vector<16xf32>
          %swap3A_631 = vector.shape_cast %mul3A_626 : vector<16xf32> to vector<1x16xf32>
          tpu.vector_store %arg10[%swap3A_627, %swap3A_628], %swap3A_631 {strides = array<i32>} : memref<96x128xf32, #tpu.memory_space<vmem>>, vector<1x16xf32>,
          %get3A_632 = arith.index_cast %add3A_611 : i32 to index
          %get3A_633 = arith.constant 32 : index
          %get3A_634 = tpu.vector_load %arg10[%get3A_632, %get3A_633] {strides = array<i32>} : memref<96x128xf32, #tpu.memory_space<vmem>>, vector<1x16xf32>,
          %get3A_635 = vector.shape_cast %get3A_634 : vector<1x16xf32> to vector<16xf32>
          %mul3A_636 = arith.mulf %get3A_635, %gather3A_607 : vector<16xf32>
          %swap3A_637 = arith.index_cast %add3A_611 : i32 to index
          %swap3A_638 = arith.constant 32 : index
          %swap3A_639 = tpu.vector_load %arg10[%swap3A_637, %swap3A_638] {strides = array<i32>} : memref<96x128xf32, #tpu.memory_space<vmem>>, vector<1x16xf32>,
          %swap3A_640 = vector.shape_cast %swap3A_639 : vector<1x16xf32> to vector<16xf32>
          %swap3A_641 = vector.shape_cast %mul3A_636 : vector<16xf32> to vector<1x16xf32>
          tpu.vector_store %arg10[%swap3A_637, %swap3A_638], %swap3A_641 {strides = array<i32>} : memref<96x128xf32, #tpu.memory_space<vmem>>, vector<1x16xf32>,
          %get3A_642 = arith.index_cast %add3A_611 : i32 to index
          %get3A_643 = arith.constant 48 : index
          %get3A_644 = tpu.vector_load %arg10[%get3A_642, %get3A_643] {strides = array<i32>} : memref<96x128xf32, #tpu.memory_space<vmem>>, vector<1x16xf32>,
          %get3A_645 = vector.shape_cast %get3A_644 : vector<1x16xf32> to vector<16xf32>
          %mul3A_646 = arith.mulf %get3A_645, %gather3A_607 : vector<16xf32>
          %swap3A_647 = arith.index_cast %add3A_611 : i32 to index
          %swap3A_648 = arith.constant 48 : index
          %swap3A_649 = tpu.vector_load %arg10[%swap3A_647, %swap3A_648] {strides = array<i32>} : memref<96x128xf32, #tpu.memory_space<vmem>>, vector<1x16xf32>,
          %swap3A_650 = vector.shape_cast %swap3A_649 : vector<1x16xf32> to vector<16xf32>
          %swap3A_651 = vector.shape_cast %mul3A_646 : vector<16xf32> to vector<1x16xf32>
          tpu.vector_store %arg10[%swap3A_647, %swap3A_648], %swap3A_651 {strides = array<i32>} : memref<96x128xf32, #tpu.memory_space<vmem>>, vector<1x16xf32>,
          %get3A_652 = arith.index_cast %add3A_611 : i32 to index
          %get3A_653 = arith.constant 64 : index
          %get3A_654 = tpu.vector_load %arg10[%get3A_652, %get3A_653] {strides = array<i32>} : memref<96x128xf32, #tpu.memory_space<vmem>>, vector<1x16xf32>,
          %get3A_655 = vector.shape_cast %get3A_654 : vector<1x16xf32> to vector<16xf32>
          %mul3A_656 = arith.mulf %get3A_655, %gather3A_607 : vector<16xf32>
          %swap3A_657 = arith.index_cast %add3A_611 : i32 to index
          %swap3A_658 = arith.constant 64 : index
          %swap3A_659 = tpu.vector_load %arg10[%swap3A_657, %swap3A_658] {strides = array<i32>} : memref<96x128xf32, #tpu.memory_space<vmem>>, vector<1x16xf32>,
          %swap3A_660 = vector.shape_cast %swap3A_659 : vector<1x16xf32> to vector<16xf32>
          %swap3A_661 = vector.shape_cast %mul3A_656 : vector<16xf32> to vector<1x16xf32>
          tpu.vector_store %arg10[%swap3A_657, %swap3A_658], %swap3A_661 {strides = array<i32>} : memref<96x128xf32, #tpu.memory_space<vmem>>, vector<1x16xf32>,
          %get3A_662 = arith.index_cast %add3A_611 : i32 to index
          %get3A_663 = arith.constant 80 : index
          %get3A_664 = tpu.vector_load %arg10[%get3A_662, %get3A_663] {strides = array<i32>} : memref<96x128xf32, #tpu.memory_space<vmem>>, vector<1x16xf32>,
          %get3A_665 = vector.shape_cast %get3A_664 : vector<1x16xf32> to vector<16xf32>
          %mul3A_666 = arith.mulf %get3A_665, %gather3A_607 : vector<16xf32>
          %swap3A_667 = arith.index_cast %add3A_611 : i32 to index
          %swap3A_668 = arith.constant 80 : index
          %swap3A_669 = tpu.vector_load %arg10[%swap3A_667, %swap3A_668] {strides = array<i32>} : memref<96x128xf32, #tpu.memory_space<vmem>>, vector<1x16xf32>,
          %swap3A_670 = vector.shape_cast %swap3A_669 : vector<1x16xf32> to vector<16xf32>
          %swap3A_671 = vector.shape_cast %mul3A_666 : vector<16xf32> to vector<1x16xf32>
          tpu.vector_store %arg10[%swap3A_667, %swap3A_668], %swap3A_671 {strides = array<i32>} : memref<96x128xf32, #tpu.memory_space<vmem>>, vector<1x16xf32>,
          %get3A_672 = arith.index_cast %add3A_611 : i32 to index
          %get3A_673 = arith.constant 96 : index
          %get3A_674 = tpu.vector_load %arg10[%get3A_672, %get3A_673] {strides = array<i32>} : memref<96x128xf32, #tpu.memory_space<vmem>>, vector<1x16xf32>,
          %get3A_675 = vector.shape_cast %get3A_674 : vector<1x16xf32> to vector<16xf32>
          %mul3A_676 = arith.mulf %get3A_675, %gather3A_607 : vector<16xf32>
          %swap3A_677 = arith.index_cast %add3A_611 : i32 to index
          %swap3A_678 = arith.constant 96 : index
          %swap3A_679 = tpu.vector_load %arg10[%swap3A_677, %swap3A_678] {strides = array<i32>} : memref<96x128xf32, #tpu.memory_space<vmem>>, vector<1x16xf32>,
          %swap3A_680 = vector.shape_cast %swap3A_679 : vector<1x16xf32> to vector<16xf32>
          %swap3A_681 = vector.shape_cast %mul3A_676 : vector<16xf32> to vector<1x16xf32>
          tpu.vector_store %arg10[%swap3A_677, %swap3A_678], %swap3A_681 {strides = array<i32>} : memref<96x128xf32, #tpu.memory_space<vmem>>, vector<1x16xf32>,
          %get3A_682 = arith.index_cast %add3A_611 : i32 to index
          %get3A_683 = arith.constant 112 : index
          %get3A_684 = tpu.vector_load %arg10[%get3A_682, %get3A_683] {strides = array<i32>} : memref<96x128xf32, #tpu.memory_space<vmem>>, vector<1x16xf32>,
          %get3A_685 = vector.shape_cast %get3A_684 : vector<1x16xf32> to vector<16xf32>
          %mul3A_686 = arith.mulf %get3A_685, %gather3A_607 : vector<16xf32>
          %swap3A_687 = arith.index_cast %add3A_611 : i32 to index
          %swap3A_688 = arith.constant 112 : index
          %swap3A_689 = tpu.vector_load %arg10[%swap3A_687, %swap3A_688] {strides = array<i32>} : memref<96x128xf32, #tpu.memory_space<vmem>>, vector<1x16xf32>,
          %swap3A_690 = vector.shape_cast %swap3A_689 : vector<1x16xf32> to vector<16xf32>
          %swap3A_691 = vector.shape_cast %mul3A_686 : vector<16xf32> to vector<1x16xf32>
          tpu.vector_store %arg10[%swap3A_687, %swap3A_688], %swap3A_691 {strides = array<i32>} : memref<96x128xf32, #tpu.memory_space<vmem>>, vector<1x16xf32>,
          %broadcast_in_dim3A_692 = arith.constant 6 : i32
          %broadcast_in_dim3A_693 = vector.broadcast %broadcast_in_dim3A_692 : i32 to vector<16xi32>
          %reshape3A_694 = vector.shape_cast %broadcast_in_dim3A_693 : vector<16xi32> to vector<16x1xi32>
          %gather3A_695 = vector.shape_cast %reshape3A_694 : vector<16x1xi32> to vector<16xi32>
          %gather3A_696 = tpu.dynamic_gather %get3A_160[%gather3A_695] in [0] : vector<16xf32>, vector<16xi32> -> vector<16xf32>
          %mul3A_697 = arith.constant 16 : i32
          %mul3A_698 = arith.muli %add3A_154, %mul3A_697 : i32
          %add3A_699 = arith.constant 6 : i32
          %add3A_700 = arith.addi %mul3A_698, %add3A_699 : i32
          %get3A_701 = arith.index_cast %add3A_700 : i32 to index
          %get3A_702 = arith.constant 0 : index
          %get3A_703 = tpu.vector_load %arg10[%get3A_701, %get3A_702] {strides = array<i32>} : memref<96x128xf32, #tpu.memory_space<vmem>>, vector<1x16xf32>,
          %get3A_704 = vector.shape_cast %get3A_703 : vector<1x16xf32> to vector<16xf32>
          %mul3A_705 = arith.mulf %get3A_704, %gather3A_696 : vector<16xf32>
          %swap3A_706 = arith.index_cast %add3A_700 : i32 to index
          %swap3A_707 = arith.constant 0 : index
          %swap3A_708 = tpu.vector_load %arg10[%swap3A_706, %swap3A_707] {strides = array<i32>} : memref<96x128xf32, #tpu.memory_space<vmem>>, vector<1x16xf32>,
          %swap3A_709 = vector.shape_cast %swap3A_708 : vector<1x16xf32> to vector<16xf32>
          %swap3A_710 = vector.shape_cast %mul3A_705 : vector<16xf32> to vector<1x16xf32>
          tpu.vector_store %arg10[%swap3A_706, %swap3A_707], %swap3A_710 {strides = array<i32>} : memref<96x128xf32, #tpu.memory_space<vmem>>, vector<1x16xf32>,
          %get3A_711 = arith.index_cast %add3A_700 : i32 to index
          %get3A_712 = arith.constant 16 : index
          %get3A_713 = tpu.vector_load %arg10[%get3A_711, %get3A_712] {strides = array<i32>} : memref<96x128xf32, #tpu.memory_space<vmem>>, vector<1x16xf32>,
          %get3A_714 = vector.shape_cast %get3A_713 : vector<1x16xf32> to vector<16xf32>
          %mul3A_715 = arith.mulf %get3A_714, %gather3A_696 : vector<16xf32>
          %swap3A_716 = arith.index_cast %add3A_700 : i32 to index
          %swap3A_717 = arith.constant 16 : index
          %swap3A_718 = tpu.vector_load %arg10[%swap3A_716, %swap3A_717] {strides = array<i32>} : memref<96x128xf32, #tpu.memory_space<vmem>>, vector<1x16xf32>,
          %swap3A_719 = vector.shape_cast %swap3A_718 : vector<1x16xf32> to vector<16xf32>
          %swap3A_720 = vector.shape_cast %mul3A_715 : vector<16xf32> to vector<1x16xf32>
          tpu.vector_store %arg10[%swap3A_716, %swap3A_717], %swap3A_720 {strides = array<i32>} : memref<96x128xf32, #tpu.memory_space<vmem>>, vector<1x16xf32>,
          %get3A_721 = arith.index_cast %add3A_700 : i32 to index
          %get3A_722 = arith.constant 32 : index
          %get3A_723 = tpu.vector_load %arg10[%get3A_721, %get3A_722] {strides = array<i32>} : memref<96x128xf32, #tpu.memory_space<vmem>>, vector<1x16xf32>,
          %get3A_724 = vector.shape_cast %get3A_723 : vector<1x16xf32> to vector<16xf32>
          %mul3A_725 = arith.mulf %get3A_724, %gather3A_696 : vector<16xf32>
          %swap3A_726 = arith.index_cast %add3A_700 : i32 to index
          %swap3A_727 = arith.constant 32 : index
          %swap3A_728 = tpu.vector_load %arg10[%swap3A_726, %swap3A_727] {strides = array<i32>} : memref<96x128xf32, #tpu.memory_space<vmem>>, vector<1x16xf32>,
          %swap3A_729 = vector.shape_cast %swap3A_728 : vector<1x16xf32> to vector<16xf32>
          %swap3A_730 = vector.shape_cast %mul3A_725 : vector<16xf32> to vector<1x16xf32>
          tpu.vector_store %arg10[%swap3A_726, %swap3A_727], %swap3A_730 {strides = array<i32>} : memref<96x128xf32, #tpu.memory_space<vmem>>, vector<1x16xf32>,
          %get3A_731 = arith.index_cast %add3A_700 : i32 to index
          %get3A_732 = arith.constant 48 : index
          %get3A_733 = tpu.vector_load %arg10[%get3A_731, %get3A_732] {strides = array<i32>} : memref<96x128xf32, #tpu.memory_space<vmem>>, vector<1x16xf32>,
          %get3A_734 = vector.shape_cast %get3A_733 : vector<1x16xf32> to vector<16xf32>
          %mul3A_735 = arith.mulf %get3A_734, %gather3A_696 : vector<16xf32>
          %swap3A_736 = arith.index_cast %add3A_700 : i32 to index
          %swap3A_737 = arith.constant 48 : index
          %swap3A_738 = tpu.vector_load %arg10[%swap3A_736, %swap3A_737] {strides = array<i32>} : memref<96x128xf32, #tpu.memory_space<vmem>>, vector<1x16xf32>,
          %swap3A_739 = vector.shape_cast %swap3A_738 : vector<1x16xf32> to vector<16xf32>
          %swap3A_740 = vector.shape_cast %mul3A_735 : vector<16xf32> to vector<1x16xf32>
          tpu.vector_store %arg10[%swap3A_736, %swap3A_737], %swap3A_740 {strides = array<i32>} : memref<96x128xf32, #tpu.memory_space<vmem>>, vector<1x16xf32>,
          %get3A_741 = arith.index_cast %add3A_700 : i32 to index
          %get3A_742 = arith.constant 64 : index
          %get3A_743 = tpu.vector_load %arg10[%get3A_741, %get3A_742] {strides = array<i32>} : memref<96x128xf32, #tpu.memory_space<vmem>>, vector<1x16xf32>,
          %get3A_744 = vector.shape_cast %get3A_743 : vector<1x16xf32> to vector<16xf32>
          %mul3A_745 = arith.mulf %get3A_744, %gather3A_696 : vector<16xf32>
          %swap3A_746 = arith.index_cast %add3A_700 : i32 to index
          %swap3A_747 = arith.constant 64 : index
          %swap3A_748 = tpu.vector_load %arg10[%swap3A_746, %swap3A_747] {strides = array<i32>} : memref<96x128xf32, #tpu.memory_space<vmem>>, vector<1x16xf32>,
          %swap3A_749 = vector.shape_cast %swap3A_748 : vector<1x16xf32> to vector<16xf32>
          %swap3A_750 = vector.shape_cast %mul3A_745 : vector<16xf32> to vector<1x16xf32>
          tpu.vector_store %arg10[%swap3A_746, %swap3A_747], %swap3A_750 {strides = array<i32>} : memref<96x128xf32, #tpu.memory_space<vmem>>, vector<1x16xf32>,
          %get3A_751 = arith.index_cast %add3A_700 : i32 to index
          %get3A_752 = arith.constant 80 : index
          %get3A_753 = tpu.vector_load %arg10[%get3A_751, %get3A_752] {strides = array<i32>} : memref<96x128xf32, #tpu.memory_space<vmem>>, vector<1x16xf32>,
          %get3A_754 = vector.shape_cast %get3A_753 : vector<1x16xf32> to vector<16xf32>
          %mul3A_755 = arith.mulf %get3A_754, %gather3A_696 : vector<16xf32>
          %swap3A_756 = arith.index_cast %add3A_700 : i32 to index
          %swap3A_757 = arith.constant 80 : index
          %swap3A_758 = tpu.vector_load %arg10[%swap3A_756, %swap3A_757] {strides = array<i32>} : memref<96x128xf32, #tpu.memory_space<vmem>>, vector<1x16xf32>,
          %swap3A_759 = vector.shape_cast %swap3A_758 : vector<1x16xf32> to vector<16xf32>
          %swap3A_760 = vector.shape_cast %mul3A_755 : vector<16xf32> to vector<1x16xf32>
          tpu.vector_store %arg10[%swap3A_756, %swap3A_757], %swap3A_760 {strides = array<i32>} : memref<96x128xf32, #tpu.memory_space<vmem>>, vector<1x16xf32>,
          %get3A_761 = arith.index_cast %add3A_700 : i32 to index
          %get3A_762 = arith.constant 96 : index
          %get3A_763 = tpu.vector_load %arg10[%get3A_761, %get3A_762] {strides = array<i32>} : memref<96x128xf32, #tpu.memory_space<vmem>>, vector<1x16xf32>,
          %get3A_764 = vector.shape_cast %get3A_763 : vector<1x16xf32> to vector<16xf32>
          %mul3A_765 = arith.mulf %get3A_764, %gather3A_696 : vector<16xf32>
          %swap3A_766 = arith.index_cast %add3A_700 : i32 to index
          %swap3A_767 = arith.constant 96 : index
          %swap3A_768 = tpu.vector_load %arg10[%swap3A_766, %swap3A_767] {strides = array<i32>} : memref<96x128xf32, #tpu.memory_space<vmem>>, vector<1x16xf32>,
          %swap3A_769 = vector.shape_cast %swap3A_768 : vector<1x16xf32> to vector<16xf32>
          %swap3A_770 = vector.shape_cast %mul3A_765 : vector<16xf32> to vector<1x16xf32>
          tpu.vector_store %arg10[%swap3A_766, %swap3A_767], %swap3A_770 {strides = array<i32>} : memref<96x128xf32, #tpu.memory_space<vmem>>, vector<1x16xf32>,
          %get3A_771 = arith.index_cast %add3A_700 : i32 to index
          %get3A_772 = arith.constant 112 : index
          %get3A_773 = tpu.vector_load %arg10[%get3A_771, %get3A_772] {strides = array<i32>} : memref<96x128xf32, #tpu.memory_space<vmem>>, vector<1x16xf32>,
          %get3A_774 = vector.shape_cast %get3A_773 : vector<1x16xf32> to vector<16xf32>
          %mul3A_775 = arith.mulf %get3A_774, %gather3A_696 : vector<16xf32>
          %swap3A_776 = arith.index_cast %add3A_700 : i32 to index
          %swap3A_777 = arith.constant 112 : index
          %swap3A_778 = tpu.vector_load %arg10[%swap3A_776, %swap3A_777] {strides = array<i32>} : memref<96x128xf32, #tpu.memory_space<vmem>>, vector<1x16xf32>,
          %swap3A_779 = vector.shape_cast %swap3A_778 : vector<1x16xf32> to vector<16xf32>
          %swap3A_780 = vector.shape_cast %mul3A_775 : vector<16xf32> to vector<1x16xf32>
          tpu.vector_store %arg10[%swap3A_776, %swap3A_777], %swap3A_780 {strides = array<i32>} : memref<96x128xf32, #tpu.memory_space<vmem>>, vector<1x16xf32>,
          %broadcast_in_dim3A_781 = arith.constant 7 : i32
          %broadcast_in_dim3A_782 = vector.broadcast %broadcast_in_dim3A_781 : i32 to vector<16xi32>
          %reshape3A_783 = vector.shape_cast %broadcast_in_dim3A_782 : vector<16xi32> to vector<16x1xi32>
          %gather3A_784 = vector.shape_cast %reshape3A_783 : vector<16x1xi32> to vector<16xi32>
          %gather3A_785 = tpu.dynamic_gather %get3A_160[%gather3A_784] in [0] : vector<16xf32>, vector<16xi32> -> vector<16xf32>
          %mul3A_786 = arith.constant 16 : i32
          %mul3A_787 = arith.muli %add3A_154, %mul3A_786 : i32
          %add3A_788 = arith.constant 7 : i32
          %add3A_789 = arith.addi %mul3A_787, %add3A_788 : i32
          %get3A_790 = arith.index_cast %add3A_789 : i32 to index
          %get3A_791 = arith.constant 0 : index
          %get3A_792 = tpu.vector_load %arg10[%get3A_790, %get3A_791] {strides = array<i32>} : memref<96x128xf32, #tpu.memory_space<vmem>>, vector<1x16xf32>,
          %get3A_793 = vector.shape_cast %get3A_792 : vector<1x16xf32> to vector<16xf32>
          %mul3A_794 = arith.mulf %get3A_793, %gather3A_785 : vector<16xf32>
          %swap3A_795 = arith.index_cast %add3A_789 : i32 to index
          %swap3A_796 = arith.constant 0 : index
          %swap3A_797 = tpu.vector_load %arg10[%swap3A_795, %swap3A_796] {strides = array<i32>} : memref<96x128xf32, #tpu.memory_space<vmem>>, vector<1x16xf32>,
          %swap3A_798 = vector.shape_cast %swap3A_797 : vector<1x16xf32> to vector<16xf32>
          %swap3A_799 = vector.shape_cast %mul3A_794 : vector<16xf32> to vector<1x16xf32>
          tpu.vector_store %arg10[%swap3A_795, %swap3A_796], %swap3A_799 {strides = array<i32>} : memref<96x128xf32, #tpu.memory_space<vmem>>, vector<1x16xf32>,
          %get3A_800 = arith.index_cast %add3A_789 : i32 to index
          %get3A_801 = arith.constant 16 : index
          %get3A_802 = tpu.vector_load %arg10[%get3A_800, %get3A_801] {strides = array<i32>} : memref<96x128xf32, #tpu.memory_space<vmem>>, vector<1x16xf32>,
          %get3A_803 = vector.shape_cast %get3A_802 : vector<1x16xf32> to vector<16xf32>
          %mul3A_804 = arith.mulf %get3A_803, %gather3A_785 : vector<16xf32>
          %swap3A_805 = arith.index_cast %add3A_789 : i32 to index
          %swap3A_806 = arith.constant 16 : index
          %swap3A_807 = tpu.vector_load %arg10[%swap3A_805, %swap3A_806] {strides = array<i32>} : memref<96x128xf32, #tpu.memory_space<vmem>>, vector<1x16xf32>,
          %swap3A_808 = vector.shape_cast %swap3A_807 : vector<1x16xf32> to vector<16xf32>
          %swap3A_809 = vector.shape_cast %mul3A_804 : vector<16xf32> to vector<1x16xf32>
          tpu.vector_store %arg10[%swap3A_805, %swap3A_806], %swap3A_809 {strides = array<i32>} : memref<96x128xf32, #tpu.memory_space<vmem>>, vector<1x16xf32>,
          %get3A_810 = arith.index_cast %add3A_789 : i32 to index
          %get3A_811 = arith.constant 32 : index
          %get3A_812 = tpu.vector_load %arg10[%get3A_810, %get3A_811] {strides = array<i32>} : memref<96x128xf32, #tpu.memory_space<vmem>>, vector<1x16xf32>,
          %get3A_813 = vector.shape_cast %get3A_812 : vector<1x16xf32> to vector<16xf32>
          %mul3A_814 = arith.mulf %get3A_813, %gather3A_785 : vector<16xf32>
          %swap3A_815 = arith.index_cast %add3A_789 : i32 to index
          %swap3A_816 = arith.constant 32 : index
          %swap3A_817 = tpu.vector_load %arg10[%swap3A_815, %swap3A_816] {strides = array<i32>} : memref<96x128xf32, #tpu.memory_space<vmem>>, vector<1x16xf32>,
          %swap3A_818 = vector.shape_cast %swap3A_817 : vector<1x16xf32> to vector<16xf32>
          %swap3A_819 = vector.shape_cast %mul3A_814 : vector<16xf32> to vector<1x16xf32>
          tpu.vector_store %arg10[%swap3A_815, %swap3A_816], %swap3A_819 {strides = array<i32>} : memref<96x128xf32, #tpu.memory_space<vmem>>, vector<1x16xf32>,
          %get3A_820 = arith.index_cast %add3A_789 : i32 to index
          %get3A_821 = arith.constant 48 : index
          %get3A_822 = tpu.vector_load %arg10[%get3A_820, %get3A_821] {strides = array<i32>} : memref<96x128xf32, #tpu.memory_space<vmem>>, vector<1x16xf32>,
          %get3A_823 = vector.shape_cast %get3A_822 : vector<1x16xf32> to vector<16xf32>
          %mul3A_824 = arith.mulf %get3A_823, %gather3A_785 : vector<16xf32>
          %swap3A_825 = arith.index_cast %add3A_789 : i32 to index
          %swap3A_826 = arith.constant 48 : index
          %swap3A_827 = tpu.vector_load %arg10[%swap3A_825, %swap3A_826] {strides = array<i32>} : memref<96x128xf32, #tpu.memory_space<vmem>>, vector<1x16xf32>,
          %swap3A_828 = vector.shape_cast %swap3A_827 : vector<1x16xf32> to vector<16xf32>
          %swap3A_829 = vector.shape_cast %mul3A_824 : vector<16xf32> to vector<1x16xf32>
          tpu.vector_store %arg10[%swap3A_825, %swap3A_826], %swap3A_829 {strides = array<i32>} : memref<96x128xf32, #tpu.memory_space<vmem>>, vector<1x16xf32>,
          %get3A_830 = arith.index_cast %add3A_789 : i32 to index
          %get3A_831 = arith.constant 64 : index
          %get3A_832 = tpu.vector_load %arg10[%get3A_830, %get3A_831] {strides = array<i32>} : memref<96x128xf32, #tpu.memory_space<vmem>>, vector<1x16xf32>,
          %get3A_833 = vector.shape_cast %get3A_832 : vector<1x16xf32> to vector<16xf32>
          %mul3A_834 = arith.mulf %get3A_833, %gather3A_785 : vector<16xf32>
          %swap3A_835 = arith.index_cast %add3A_789 : i32 to index
          %swap3A_836 = arith.constant 64 : index
          %swap3A_837 = tpu.vector_load %arg10[%swap3A_835, %swap3A_836] {strides = array<i32>} : memref<96x128xf32, #tpu.memory_space<vmem>>, vector<1x16xf32>,
          %swap3A_838 = vector.shape_cast %swap3A_837 : vector<1x16xf32> to vector<16xf32>
          %swap3A_839 = vector.shape_cast %mul3A_834 : vector<16xf32> to vector<1x16xf32>
          tpu.vector_store %arg10[%swap3A_835, %swap3A_836], %swap3A_839 {strides = array<i32>} : memref<96x128xf32, #tpu.memory_space<vmem>>, vector<1x16xf32>,
          %get3A_840 = arith.index_cast %add3A_789 : i32 to index
          %get3A_841 = arith.constant 80 : index
          %get3A_842 = tpu.vector_load %arg10[%get3A_840, %get3A_841] {strides = array<i32>} : memref<96x128xf32, #tpu.memory_space<vmem>>, vector<1x16xf32>,
          %get3A_843 = vector.shape_cast %get3A_842 : vector<1x16xf32> to vector<16xf32>
          %mul3A_844 = arith.mulf %get3A_843, %gather3A_785 : vector<16xf32>
          %swap3A_845 = arith.index_cast %add3A_789 : i32 to index
          %swap3A_846 = arith.constant 80 : index
          %swap3A_847 = tpu.vector_load %arg10[%swap3A_845, %swap3A_846] {strides = array<i32>} : memref<96x128xf32, #tpu.memory_space<vmem>>, vector<1x16xf32>,
          %swap3A_848 = vector.shape_cast %swap3A_847 : vector<1x16xf32> to vector<16xf32>
          %swap3A_849 = vector.shape_cast %mul3A_844 : vector<16xf32> to vector<1x16xf32>
          tpu.vector_store %arg10[%swap3A_845, %swap3A_846], %swap3A_849 {strides = array<i32>} : memref<96x128xf32, #tpu.memory_space<vmem>>, vector<1x16xf32>,
          %get3A_850 = arith.index_cast %add3A_789 : i32 to index
          %get3A_851 = arith.constant 96 : index
          %get3A_852 = tpu.vector_load %arg10[%get3A_850, %get3A_851] {strides = array<i32>} : memref<96x128xf32, #tpu.memory_space<vmem>>, vector<1x16xf32>,
          %get3A_853 = vector.shape_cast %get3A_852 : vector<1x16xf32> to vector<16xf32>
          %mul3A_854 = arith.mulf %get3A_853, %gather3A_785 : vector<16xf32>
          %swap3A_855 = arith.index_cast %add3A_789 : i32 to index
          %swap3A_856 = arith.constant 96 : index
          %swap3A_857 = tpu.vector_load %arg10[%swap3A_855, %swap3A_856] {strides = array<i32>} : memref<96x128xf32, #tpu.memory_space<vmem>>, vector<1x16xf32>,
          %swap3A_858 = vector.shape_cast %swap3A_857 : vector<1x16xf32> to vector<16xf32>
          %swap3A_859 = vector.shape_cast %mul3A_854 : vector<16xf32> to vector<1x16xf32>
          tpu.vector_store %arg10[%swap3A_855, %swap3A_856], %swap3A_859 {strides = array<i32>} : memref<96x128xf32, #tpu.memory_space<vmem>>, vector<1x16xf32>,
          %get3A_860 = arith.index_cast %add3A_789 : i32 to index
          %get3A_861 = arith.constant 112 : index
          %get3A_862 = tpu.vector_load %arg10[%get3A_860, %get3A_861] {strides = array<i32>} : memref<96x128xf32, #tpu.memory_space<vmem>>, vector<1x16xf32>,
          %get3A_863 = vector.shape_cast %get3A_862 : vector<1x16xf32> to vector<16xf32>
          %mul3A_864 = arith.mulf %get3A_863, %gather3A_785 : vector<16xf32>
          %swap3A_865 = arith.index_cast %add3A_789 : i32 to index
          %swap3A_866 = arith.constant 112 : index
          %swap3A_867 = tpu.vector_load %arg10[%swap3A_865, %swap3A_866] {strides = array<i32>} : memref<96x128xf32, #tpu.memory_space<vmem>>, vector<1x16xf32>,
          %swap3A_868 = vector.shape_cast %swap3A_867 : vector<1x16xf32> to vector<16xf32>
          %swap3A_869 = vector.shape_cast %mul3A_864 : vector<16xf32> to vector<1x16xf32>
          tpu.vector_store %arg10[%swap3A_865, %swap3A_866], %swap3A_869 {strides = array<i32>} : memref<96x128xf32, #tpu.memory_space<vmem>>, vector<1x16xf32>,
          %broadcast_in_dim3A_870 = arith.constant 8 : i32
          %broadcast_in_dim3A_871 = vector.broadcast %broadcast_in_dim3A_870 : i32 to vector<16xi32>
          %reshape3A_872 = vector.shape_cast %broadcast_in_dim3A_871 : vector<16xi32> to vector<16x1xi32>
          %gather3A_873 = vector.shape_cast %reshape3A_872 : vector<16x1xi32> to vector<16xi32>
          %gather3A_874 = tpu.dynamic_gather %get3A_160[%gather3A_873] in [0] : vector<16xf32>, vector<16xi32> -> vector<16xf32>
          %mul3A_875 = arith.constant 16 : i32
          %mul3A_876 = arith.muli %add3A_154, %mul3A_875 : i32
          %add3A_877 = arith.constant 8 : i32
          %add3A_878 = arith.addi %mul3A_876, %add3A_877 : i32
          %get3A_879 = arith.index_cast %add3A_878 : i32 to index
          %get3A_880 = arith.constant 0 : index
          %get3A_881 = tpu.vector_load %arg10[%get3A_879, %get3A_880] {strides = array<i32>} : memref<96x128xf32, #tpu.memory_space<vmem>>, vector<1x16xf32>,
          %get3A_882 = vector.shape_cast %get3A_881 : vector<1x16xf32> to vector<16xf32>
          %mul3A_883 = arith.mulf %get3A_882, %gather3A_874 : vector<16xf32>
          %swap3A_884 = arith.index_cast %add3A_878 : i32 to index
          %swap3A_885 = arith.constant 0 : index
          %swap3A_886 = tpu.vector_load %arg10[%swap3A_884, %swap3A_885] {strides = array<i32>} : memref<96x128xf32, #tpu.memory_space<vmem>>, vector<1x16xf32>,
          %swap3A_887 = vector.shape_cast %swap3A_886 : vector<1x16xf32> to vector<16xf32>
          %swap3A_888 = vector.shape_cast %mul3A_883 : vector<16xf32> to vector<1x16xf32>
          tpu.vector_store %arg10[%swap3A_884, %swap3A_885], %swap3A_888 {strides = array<i32>} : memref<96x128xf32, #tpu.memory_space<vmem>>, vector<1x16xf32>,
          %get3A_889 = arith.index_cast %add3A_878 : i32 to index
          %get3A_890 = arith.constant 16 : index
          %get3A_891 = tpu.vector_load %arg10[%get3A_889, %get3A_890] {strides = array<i32>} : memref<96x128xf32, #tpu.memory_space<vmem>>, vector<1x16xf32>,
          %get3A_892 = vector.shape_cast %get3A_891 : vector<1x16xf32> to vector<16xf32>
          %mul3A_893 = arith.mulf %get3A_892, %gather3A_874 : vector<16xf32>
          %swap3A_894 = arith.index_cast %add3A_878 : i32 to index
          %swap3A_895 = arith.constant 16 : index
          %swap3A_896 = tpu.vector_load %arg10[%swap3A_894, %swap3A_895] {strides = array<i32>} : memref<96x128xf32, #tpu.memory_space<vmem>>, vector<1x16xf32>,
          %swap3A_897 = vector.shape_cast %swap3A_896 : vector<1x16xf32> to vector<16xf32>
          %swap3A_898 = vector.shape_cast %mul3A_893 : vector<16xf32> to vector<1x16xf32>
          tpu.vector_store %arg10[%swap3A_894, %swap3A_895], %swap3A_898 {strides = array<i32>} : memref<96x128xf32, #tpu.memory_space<vmem>>, vector<1x16xf32>,
          %get3A_899 = arith.index_cast %add3A_878 : i32 to index
          %get3A_900 = arith.constant 32 : index
          %get3A_901 = tpu.vector_load %arg10[%get3A_899, %get3A_900] {strides = array<i32>} : memref<96x128xf32, #tpu.memory_space<vmem>>, vector<1x16xf32>,
          %get3A_902 = vector.shape_cast %get3A_901 : vector<1x16xf32> to vector<16xf32>
          %mul3A_903 = arith.mulf %get3A_902, %gather3A_874 : vector<16xf32>
          %swap3A_904 = arith.index_cast %add3A_878 : i32 to index
          %swap3A_905 = arith.constant 32 : index
          %swap3A_906 = tpu.vector_load %arg10[%swap3A_904, %swap3A_905] {strides = array<i32>} : memref<96x128xf32, #tpu.memory_space<vmem>>, vector<1x16xf32>,
          %swap3A_907 = vector.shape_cast %swap3A_906 : vector<1x16xf32> to vector<16xf32>
          %swap3A_908 = vector.shape_cast %mul3A_903 : vector<16xf32> to vector<1x16xf32>
          tpu.vector_store %arg10[%swap3A_904, %swap3A_905], %swap3A_908 {strides = array<i32>} : memref<96x128xf32, #tpu.memory_space<vmem>>, vector<1x16xf32>,
          %get3A_909 = arith.index_cast %add3A_878 : i32 to index
          %get3A_910 = arith.constant 48 : index
          %get3A_911 = tpu.vector_load %arg10[%get3A_909, %get3A_910] {strides = array<i32>} : memref<96x128xf32, #tpu.memory_space<vmem>>, vector<1x16xf32>,
          %get3A_912 = vector.shape_cast %get3A_911 : vector<1x16xf32> to vector<16xf32>
          %mul3A_913 = arith.mulf %get3A_912, %gather3A_874 : vector<16xf32>
          %swap3A_914 = arith.index_cast %add3A_878 : i32 to index
          %swap3A_915 = arith.constant 48 : index
          %swap3A_916 = tpu.vector_load %arg10[%swap3A_914, %swap3A_915] {strides = array<i32>} : memref<96x128xf32, #tpu.memory_space<vmem>>, vector<1x16xf32>,
          %swap3A_917 = vector.shape_cast %swap3A_916 : vector<1x16xf32> to vector<16xf32>
          %swap3A_918 = vector.shape_cast %mul3A_913 : vector<16xf32> to vector<1x16xf32>
          tpu.vector_store %arg10[%swap3A_914, %swap3A_915], %swap3A_918 {strides = array<i32>} : memref<96x128xf32, #tpu.memory_space<vmem>>, vector<1x16xf32>,
          %get3A_919 = arith.index_cast %add3A_878 : i32 to index
          %get3A_920 = arith.constant 64 : index
          %get3A_921 = tpu.vector_load %arg10[%get3A_919, %get3A_920] {strides = array<i32>} : memref<96x128xf32, #tpu.memory_space<vmem>>, vector<1x16xf32>,
          %get3A_922 = vector.shape_cast %get3A_921 : vector<1x16xf32> to vector<16xf32>
          %mul3A_923 = arith.mulf %get3A_922, %gather3A_874 : vector<16xf32>
          %swap3A_924 = arith.index_cast %add3A_878 : i32 to index
          %swap3A_925 = arith.constant 64 : index
          %swap3A_926 = tpu.vector_load %arg10[%swap3A_924, %swap3A_925] {strides = array<i32>} : memref<96x128xf32, #tpu.memory_space<vmem>>, vector<1x16xf32>,
          %swap3A_927 = vector.shape_cast %swap3A_926 : vector<1x16xf32> to vector<16xf32>
          %swap3A_928 = vector.shape_cast %mul3A_923 : vector<16xf32> to vector<1x16xf32>
          tpu.vector_store %arg10[%swap3A_924, %swap3A_925], %swap3A_928 {strides = array<i32>} : memref<96x128xf32, #tpu.memory_space<vmem>>, vector<1x16xf32>,
          %get3A_929 = arith.index_cast %add3A_878 : i32 to index
          %get3A_930 = arith.constant 80 : index
          %get3A_931 = tpu.vector_load %arg10[%get3A_929, %get3A_930] {strides = array<i32>} : memref<96x128xf32, #tpu.memory_space<vmem>>, vector<1x16xf32>,
          %get3A_932 = vector.shape_cast %get3A_931 : vector<1x16xf32> to vector<16xf32>
          %mul3A_933 = arith.mulf %get3A_932, %gather3A_874 : vector<16xf32>
          %swap3A_934 = arith.index_cast %add3A_878 : i32 to index
          %swap3A_935 = arith.constant 80 : index
          %swap3A_936 = tpu.vector_load %arg10[%swap3A_934, %swap3A_935] {strides = array<i32>} : memref<96x128xf32, #tpu.memory_space<vmem>>, vector<1x16xf32>,
          %swap3A_937 = vector.shape_cast %swap3A_936 : vector<1x16xf32> to vector<16xf32>
          %swap3A_938 = vector.shape_cast %mul3A_933 : vector<16xf32> to vector<1x16xf32>
          tpu.vector_store %arg10[%swap3A_934, %swap3A_935], %swap3A_938 {strides = array<i32>} : memref<96x128xf32, #tpu.memory_space<vmem>>, vector<1x16xf32>,
          %get3A_939 = arith.index_cast %add3A_878 : i32 to index
          %get3A_940 = arith.constant 96 : index
          %get3A_941 = tpu.vector_load %arg10[%get3A_939, %get3A_940] {strides = array<i32>} : memref<96x128xf32, #tpu.memory_space<vmem>>, vector<1x16xf32>,
          %get3A_942 = vector.shape_cast %get3A_941 : vector<1x16xf32> to vector<16xf32>
          %mul3A_943 = arith.mulf %get3A_942, %gather3A_874 : vector<16xf32>
          %swap3A_944 = arith.index_cast %add3A_878 : i32 to index
          %swap3A_945 = arith.constant 96 : index
          %swap3A_946 = tpu.vector_load %arg10[%swap3A_944, %swap3A_945] {strides = array<i32>} : memref<96x128xf32, #tpu.memory_space<vmem>>, vector<1x16xf32>,
          %swap3A_947 = vector.shape_cast %swap3A_946 : vector<1x16xf32> to vector<16xf32>
          %swap3A_948 = vector.shape_cast %mul3A_943 : vector<16xf32> to vector<1x16xf32>
          tpu.vector_store %arg10[%swap3A_944, %swap3A_945], %swap3A_948 {strides = array<i32>} : memref<96x128xf32, #tpu.memory_space<vmem>>, vector<1x16xf32>,
          %get3A_949 = arith.index_cast %add3A_878 : i32 to index
          %get3A_950 = arith.constant 112 : index
          %get3A_951 = tpu.vector_load %arg10[%get3A_949, %get3A_950] {strides = array<i32>} : memref<96x128xf32, #tpu.memory_space<vmem>>, vector<1x16xf32>,
          %get3A_952 = vector.shape_cast %get3A_951 : vector<1x16xf32> to vector<16xf32>
          %mul3A_953 = arith.mulf %get3A_952, %gather3A_874 : vector<16xf32>
          %swap3A_954 = arith.index_cast %add3A_878 : i32 to index
          %swap3A_955 = arith.constant 112 : index
          %swap3A_956 = tpu.vector_load %arg10[%swap3A_954, %swap3A_955] {strides = array<i32>} : memref<96x128xf32, #tpu.memory_space<vmem>>, vector<1x16xf32>,
          %swap3A_957 = vector.shape_cast %swap3A_956 : vector<1x16xf32> to vector<16xf32>
          %swap3A_958 = vector.shape_cast %mul3A_953 : vector<16xf32> to vector<1x16xf32>
          tpu.vector_store %arg10[%swap3A_954, %swap3A_955], %swap3A_958 {strides = array<i32>} : memref<96x128xf32, #tpu.memory_space<vmem>>, vector<1x16xf32>,
          %broadcast_in_dim3A_959 = arith.constant 9 : i32
          %broadcast_in_dim3A_960 = vector.broadcast %broadcast_in_dim3A_959 : i32 to vector<16xi32>
          %reshape3A_961 = vector.shape_cast %broadcast_in_dim3A_960 : vector<16xi32> to vector<16x1xi32>
          %gather3A_962 = vector.shape_cast %reshape3A_961 : vector<16x1xi32> to vector<16xi32>
          %gather3A_963 = tpu.dynamic_gather %get3A_160[%gather3A_962] in [0] : vector<16xf32>, vector<16xi32> -> vector<16xf32>
          %mul3A_964 = arith.constant 16 : i32
          %mul3A_965 = arith.muli %add3A_154, %mul3A_964 : i32
          %add3A_966 = arith.constant 9 : i32
          %add3A_967 = arith.addi %mul3A_965, %add3A_966 : i32
          %get3A_968 = arith.index_cast %add3A_967 : i32 to index
          %get3A_969 = arith.constant 0 : index
          %get3A_970 = tpu.vector_load %arg10[%get3A_968, %get3A_969] {strides = array<i32>} : memref<96x128xf32, #tpu.memory_space<vmem>>, vector<1x16xf32>,
          %get3A_971 = vector.shape_cast %get3A_970 : vector<1x16xf32> to vector<16xf32>
          %mul3A_972 = arith.mulf %get3A_971, %gather3A_963 : vector<16xf32>
          %swap3A_973 = arith.index_cast %add3A_967 : i32 to index
          %swap3A_974 = arith.constant 0 : index
          %swap3A_975 = tpu.vector_load %arg10[%swap3A_973, %swap3A_974] {strides = array<i32>} : memref<96x128xf32, #tpu.memory_space<vmem>>, vector<1x16xf32>,
          %swap3A_976 = vector.shape_cast %swap3A_975 : vector<1x16xf32> to vector<16xf32>
          %swap3A_977 = vector.shape_cast %mul3A_972 : vector<16xf32> to vector<1x16xf32>
          tpu.vector_store %arg10[%swap3A_973, %swap3A_974], %swap3A_977 {strides = array<i32>} : memref<96x128xf32, #tpu.memory_space<vmem>>, vector<1x16xf32>,
          %get3A_978 = arith.index_cast %add3A_967 : i32 to index
          %get3A_979 = arith.constant 16 : index
          %get3A_980 = tpu.vector_load %arg10[%get3A_978, %get3A_979] {strides = array<i32>} : memref<96x128xf32, #tpu.memory_space<vmem>>, vector<1x16xf32>,
          %get3A_981 = vector.shape_cast %get3A_980 : vector<1x16xf32> to vector<16xf32>
          %mul3A_982 = arith.mulf %get3A_981, %gather3A_963 : vector<16xf32>
          %swap3A_983 = arith.index_cast %add3A_967 : i32 to index
          %swap3A_984 = arith.constant 16 : index
          %swap3A_985 = tpu.vector_load %arg10[%swap3A_983, %swap3A_984] {strides = array<i32>} : memref<96x128xf32, #tpu.memory_space<vmem>>, vector<1x16xf32>,
          %swap3A_986 = vector.shape_cast %swap3A_985 : vector<1x16xf32> to vector<16xf32>
          %swap3A_987 = vector.shape_cast %mul3A_982 : vector<16xf32> to vector<1x16xf32>
          tpu.vector_store %arg10[%swap3A_983, %swap3A_984], %swap3A_987 {strides = array<i32>} : memref<96x128xf32, #tpu.memory_space<vmem>>, vector<1x16xf32>,
          %get3A_988 = arith.index_cast %add3A_967 : i32 to index
          %get3A_989 = arith.constant 32 : index
          %get3A_990 = tpu.vector_load %arg10[%get3A_988, %get3A_989] {strides = array<i32>} : memref<96x128xf32, #tpu.memory_space<vmem>>, vector<1x16xf32>,
          %get3A_991 = vector.shape_cast %get3A_990 : vector<1x16xf32> to vector<16xf32>
          %mul3A_992 = arith.mulf %get3A_991, %gather3A_963 : vector<16xf32>
          %swap3A_993 = arith.index_cast %add3A_967 : i32 to index
          %swap3A_994 = arith.constant 32 : index
          %swap3A_995 = tpu.vector_load %arg10[%swap3A_993, %swap3A_994] {strides = array<i32>} : memref<96x128xf32, #tpu.memory_space<vmem>>, vector<1x16xf32>,
          %swap3A_996 = vector.shape_cast %swap3A_995 : vector<1x16xf32> to vector<16xf32>
          %swap3A_997 = vector.shape_cast %mul3A_992 : vector<16xf32> to vector<1x16xf32>
          tpu.vector_store %arg10[%swap3A_993, %swap3A_994], %swap3A_997 {strides = array<i32>} : memref<96x128xf32, #tpu.memory_space<vmem>>, vector<1x16xf32>,
          %get3A_998 = arith.index_cast %add3A_967 : i32 to index
          %get3A_999 = arith.constant 48 : index
          %get3A_1000 = tpu.vector_load %arg10[%get3A_998, %get3A_999] {strides = array<i32>} : memref<96x128xf32, #tpu.memory_space<vmem>>, vector<1x16xf32>,
          %get3A_1001 = vector.shape_cast %get3A_1000 : vector<1x16xf32> to vector<16xf32>
          %mul3A_1002 = arith.mulf %get3A_1001, %gather3A_963 : vector<16xf32>
          %swap3A_1003 = arith.index_cast %add3A_967 : i32 to index
          %swap3A_1004 = arith.constant 48 : index
          %swap3A_1005 = tpu.vector_load %arg10[%swap3A_1003, %swap3A_1004] {strides = array<i32>} : memref<96x128xf32, #tpu.memory_space<vmem>>, vector<1x16xf32>,
          %swap3A_1006 = vector.shape_cast %swap3A_1005 : vector<1x16xf32> to vector<16xf32>
          %swap3A_1007 = vector.shape_cast %mul3A_1002 : vector<16xf32> to vector<1x16xf32>
          tpu.vector_store %arg10[%swap3A_1003, %swap3A_1004], %swap3A_1007 {strides = array<i32>} : memref<96x128xf32, #tpu.memory_space<vmem>>, vector<1x16xf32>,
          %get3A_1008 = arith.index_cast %add3A_967 : i32 to index
          %get3A_1009 = arith.constant 64 : index
          %get3A_1010 = tpu.vector_load %arg10[%get3A_1008, %get3A_1009] {strides = array<i32>} : memref<96x128xf32, #tpu.memory_space<vmem>>, vector<1x16xf32>,
          %get3A_1011 = vector.shape_cast %get3A_1010 : vector<1x16xf32> to vector<16xf32>
          %mul3A_1012 = arith.mulf %get3A_1011, %gather3A_963 : vector<16xf32>
          %swap3A_1013 = arith.index_cast %add3A_967 : i32 to index
          %swap3A_1014 = arith.constant 64 : index
          %swap3A_1015 = tpu.vector_load %arg10[%swap3A_1013, %swap3A_1014] {strides = array<i32>} : memref<96x128xf32, #tpu.memory_space<vmem>>, vector<1x16xf32>,
          %swap3A_1016 = vector.shape_cast %swap3A_1015 : vector<1x16xf32> to vector<16xf32>
          %swap3A_1017 = vector.shape_cast %mul3A_1012 : vector<16xf32> to vector<1x16xf32>
          tpu.vector_store %arg10[%swap3A_1013, %swap3A_1014], %swap3A_1017 {strides = array<i32>} : memref<96x128xf32, #tpu.memory_space<vmem>>, vector<1x16xf32>,
          %get3A_1018 = arith.index_cast %add3A_967 : i32 to index
          %get3A_1019 = arith.constant 80 : index
          %get3A_1020 = tpu.vector_load %arg10[%get3A_1018, %get3A_1019] {strides = array<i32>} : memref<96x128xf32, #tpu.memory_space<vmem>>, vector<1x16xf32>,
          %get3A_1021 = vector.shape_cast %get3A_1020 : vector<1x16xf32> to vector<16xf32>
          %mul3A_1022 = arith.mulf %get3A_1021, %gather3A_963 : vector<16xf32>
          %swap3A_1023 = arith.index_cast %add3A_967 : i32 to index
          %swap3A_1024 = arith.constant 80 : index
          %swap3A_1025 = tpu.vector_load %arg10[%swap3A_1023, %swap3A_1024] {strides = array<i32>} : memref<96x128xf32, #tpu.memory_space<vmem>>, vector<1x16xf32>,
          %swap3A_1026 = vector.shape_cast %swap3A_1025 : vector<1x16xf32> to vector<16xf32>
          %swap3A_1027 = vector.shape_cast %mul3A_1022 : vector<16xf32> to vector<1x16xf32>
          tpu.vector_store %arg10[%swap3A_1023, %swap3A_1024], %swap3A_1027 {strides = array<i32>} : memref<96x128xf32, #tpu.memory_space<vmem>>, vector<1x16xf32>,
          %get3A_1028 = arith.index_cast %add3A_967 : i32 to index
          %get3A_1029 = arith.constant 96 : index
          %get3A_1030 = tpu.vector_load %arg10[%get3A_1028, %get3A_1029] {strides = array<i32>} : memref<96x128xf32, #tpu.memory_space<vmem>>, vector<1x16xf32>,
          %get3A_1031 = vector.shape_cast %get3A_1030 : vector<1x16xf32> to vector<16xf32>
          %mul3A_1032 = arith.mulf %get3A_1031, %gather3A_963 : vector<16xf32>
          %swap3A_1033 = arith.index_cast %add3A_967 : i32 to index
          %swap3A_1034 = arith.constant 96 : index
          %swap3A_1035 = tpu.vector_load %arg10[%swap3A_1033, %swap3A_1034] {strides = array<i32>} : memref<96x128xf32, #tpu.memory_space<vmem>>, vector<1x16xf32>,
          %swap3A_1036 = vector.shape_cast %swap3A_1035 : vector<1x16xf32> to vector<16xf32>
          %swap3A_1037 = vector.shape_cast %mul3A_1032 : vector<16xf32> to vector<1x16xf32>
          tpu.vector_store %arg10[%swap3A_1033, %swap3A_1034], %swap3A_1037 {strides = array<i32>} : memref<96x128xf32, #tpu.memory_space<vmem>>, vector<1x16xf32>,
          %get3A_1038 = arith.index_cast %add3A_967 : i32 to index
          %get3A_1039 = arith.constant 112 : index
          %get3A_1040 = tpu.vector_load %arg10[%get3A_1038, %get3A_1039] {strides = array<i32>} : memref<96x128xf32, #tpu.memory_space<vmem>>, vector<1x16xf32>,
          %get3A_1041 = vector.shape_cast %get3A_1040 : vector<1x16xf32> to vector<16xf32>
          %mul3A_1042 = arith.mulf %get3A_1041, %gather3A_963 : vector<16xf32>
          %swap3A_1043 = arith.index_cast %add3A_967 : i32 to index
          %swap3A_1044 = arith.constant 112 : index
          %swap3A_1045 = tpu.vector_load %arg10[%swap3A_1043, %swap3A_1044] {strides = array<i32>} : memref<96x128xf32, #tpu.memory_space<vmem>>, vector<1x16xf32>,
          %swap3A_1046 = vector.shape_cast %swap3A_1045 : vector<1x16xf32> to vector<16xf32>
          %swap3A_1047 = vector.shape_cast %mul3A_1042 : vector<16xf32> to vector<1x16xf32>
          tpu.vector_store %arg10[%swap3A_1043, %swap3A_1044], %swap3A_1047 {strides = array<i32>} : memref<96x128xf32, #tpu.memory_space<vmem>>, vector<1x16xf32>,
          %broadcast_in_dim3A_1048 = arith.constant 10 : i32
          %broadcast_in_dim3A_1049 = vector.broadcast %broadcast_in_dim3A_1048 : i32 to vector<16xi32>
          %reshape3A_1050 = vector.shape_cast %broadcast_in_dim3A_1049 : vector<16xi32> to vector<16x1xi32>
          %gather3A_1051 = vector.shape_cast %reshape3A_1050 : vector<16x1xi32> to vector<16xi32>
          %gather3A_1052 = tpu.dynamic_gather %get3A_160[%gather3A_1051] in [0] : vector<16xf32>, vector<16xi32> -> vector<16xf32>
          %mul3A_1053 = arith.constant 16 : i32
          %mul3A_1054 = arith.muli %add3A_154, %mul3A_1053 : i32
          %add3A_1055 = arith.constant 10 : i32
          %add3A_1056 = arith.addi %mul3A_1054, %add3A_1055 : i32
          %get3A_1057 = arith.index_cast %add3A_1056 : i32 to index
          %get3A_1058 = arith.constant 0 : index
          %get3A_1059 = tpu.vector_load %arg10[%get3A_1057, %get3A_1058] {strides = array<i32>} : memref<96x128xf32, #tpu.memory_space<vmem>>, vector<1x16xf32>,
          %get3A_1060 = vector.shape_cast %get3A_1059 : vector<1x16xf32> to vector<16xf32>
          %mul3A_1061 = arith.mulf %get3A_1060, %gather3A_1052 : vector<16xf32>
          %swap3A_1062 = arith.index_cast %add3A_1056 : i32 to index
          %swap3A_1063 = arith.constant 0 : index
          %swap3A_1064 = tpu.vector_load %arg10[%swap3A_1062, %swap3A_1063] {strides = array<i32>} : memref<96x128xf32, #tpu.memory_space<vmem>>, vector<1x16xf32>,
          %swap3A_1065 = vector.shape_cast %swap3A_1064 : vector<1x16xf32> to vector<16xf32>
          %swap3A_1066 = vector.shape_cast %mul3A_1061 : vector<16xf32> to vector<1x16xf32>
          tpu.vector_store %arg10[%swap3A_1062, %swap3A_1063], %swap3A_1066 {strides = array<i32>} : memref<96x128xf32, #tpu.memory_space<vmem>>, vector<1x16xf32>,
          %get3A_1067 = arith.index_cast %add3A_1056 : i32 to index
          %get3A_1068 = arith.constant 16 : index
          %get3A_1069 = tpu.vector_load %arg10[%get3A_1067, %get3A_1068] {strides = array<i32>} : memref<96x128xf32, #tpu.memory_space<vmem>>, vector<1x16xf32>,
          %get3A_1070 = vector.shape_cast %get3A_1069 : vector<1x16xf32> to vector<16xf32>
          %mul3A_1071 = arith.mulf %get3A_1070, %gather3A_1052 : vector<16xf32>
          %swap3A_1072 = arith.index_cast %add3A_1056 : i32 to index
          %swap3A_1073 = arith.constant 16 : index
          %swap3A_1074 = tpu.vector_load %arg10[%swap3A_1072, %swap3A_1073] {strides = array<i32>} : memref<96x128xf32, #tpu.memory_space<vmem>>, vector<1x16xf32>,
          %swap3A_1075 = vector.shape_cast %swap3A_1074 : vector<1x16xf32> to vector<16xf32>
          %swap3A_1076 = vector.shape_cast %mul3A_1071 : vector<16xf32> to vector<1x16xf32>
          tpu.vector_store %arg10[%swap3A_1072, %swap3A_1073], %swap3A_1076 {strides = array<i32>} : memref<96x128xf32, #tpu.memory_space<vmem>>, vector<1x16xf32>,
          %get3A_1077 = arith.index_cast %add3A_1056 : i32 to index
          %get3A_1078 = arith.constant 32 : index
          %get3A_1079 = tpu.vector_load %arg10[%get3A_1077, %get3A_1078] {strides = array<i32>} : memref<96x128xf32, #tpu.memory_space<vmem>>, vector<1x16xf32>,
          %get3A_1080 = vector.shape_cast %get3A_1079 : vector<1x16xf32> to vector<16xf32>
          %mul3A_1081 = arith.mulf %get3A_1080, %gather3A_1052 : vector<16xf32>
          %swap3A_1082 = arith.index_cast %add3A_1056 : i32 to index
          %swap3A_1083 = arith.constant 32 : index
          %swap3A_1084 = tpu.vector_load %arg10[%swap3A_1082, %swap3A_1083] {strides = array<i32>} : memref<96x128xf32, #tpu.memory_space<vmem>>, vector<1x16xf32>,
          %swap3A_1085 = vector.shape_cast %swap3A_1084 : vector<1x16xf32> to vector<16xf32>
          %swap3A_1086 = vector.shape_cast %mul3A_1081 : vector<16xf32> to vector<1x16xf32>
          tpu.vector_store %arg10[%swap3A_1082, %swap3A_1083], %swap3A_1086 {strides = array<i32>} : memref<96x128xf32, #tpu.memory_space<vmem>>, vector<1x16xf32>,
          %get3A_1087 = arith.index_cast %add3A_1056 : i32 to index
          %get3A_1088 = arith.constant 48 : index
          %get3A_1089 = tpu.vector_load %arg10[%get3A_1087, %get3A_1088] {strides = array<i32>} : memref<96x128xf32, #tpu.memory_space<vmem>>, vector<1x16xf32>,
          %get3A_1090 = vector.shape_cast %get3A_1089 : vector<1x16xf32> to vector<16xf32>
          %mul3A_1091 = arith.mulf %get3A_1090, %gather3A_1052 : vector<16xf32>
          %swap3A_1092 = arith.index_cast %add3A_1056 : i32 to index
          %swap3A_1093 = arith.constant 48 : index
          %swap3A_1094 = tpu.vector_load %arg10[%swap3A_1092, %swap3A_1093] {strides = array<i32>} : memref<96x128xf32, #tpu.memory_space<vmem>>, vector<1x16xf32>,
          %swap3A_1095 = vector.shape_cast %swap3A_1094 : vector<1x16xf32> to vector<16xf32>
          %swap3A_1096 = vector.shape_cast %mul3A_1091 : vector<16xf32> to vector<1x16xf32>
          tpu.vector_store %arg10[%swap3A_1092, %swap3A_1093], %swap3A_1096 {strides = array<i32>} : memref<96x128xf32, #tpu.memory_space<vmem>>, vector<1x16xf32>,
          %get3A_1097 = arith.index_cast %add3A_1056 : i32 to index
          %get3A_1098 = arith.constant 64 : index
          %get3A_1099 = tpu.vector_load %arg10[%get3A_1097, %get3A_1098] {strides = array<i32>} : memref<96x128xf32, #tpu.memory_space<vmem>>, vector<1x16xf32>,
          %get3A_1100 = vector.shape_cast %get3A_1099 : vector<1x16xf32> to vector<16xf32>
          %mul3A_1101 = arith.mulf %get3A_1100, %gather3A_1052 : vector<16xf32>
          %swap3A_1102 = arith.index_cast %add3A_1056 : i32 to index
          %swap3A_1103 = arith.constant 64 : index
          %swap3A_1104 = tpu.vector_load %arg10[%swap3A_1102, %swap3A_1103] {strides = array<i32>} : memref<96x128xf32, #tpu.memory_space<vmem>>, vector<1x16xf32>,
          %swap3A_1105 = vector.shape_cast %swap3A_1104 : vector<1x16xf32> to vector<16xf32>
          %swap3A_1106 = vector.shape_cast %mul3A_1101 : vector<16xf32> to vector<1x16xf32>
          tpu.vector_store %arg10[%swap3A_1102, %swap3A_1103], %swap3A_1106 {strides = array<i32>} : memref<96x128xf32, #tpu.memory_space<vmem>>, vector<1x16xf32>,
          %get3A_1107 = arith.index_cast %add3A_1056 : i32 to index
          %get3A_1108 = arith.constant 80 : index
          %get3A_1109 = tpu.vector_load %arg10[%get3A_1107, %get3A_1108] {strides = array<i32>} : memref<96x128xf32, #tpu.memory_space<vmem>>, vector<1x16xf32>,
          %get3A_1110 = vector.shape_cast %get3A_1109 : vector<1x16xf32> to vector<16xf32>
          %mul3A_1111 = arith.mulf %get3A_1110, %gather3A_1052 : vector<16xf32>
          %swap3A_1112 = arith.index_cast %add3A_1056 : i32 to index
          %swap3A_1113 = arith.constant 80 : index
          %swap3A_1114 = tpu.vector_load %arg10[%swap3A_1112, %swap3A_1113] {strides = array<i32>} : memref<96x128xf32, #tpu.memory_space<vmem>>, vector<1x16xf32>,
          %swap3A_1115 = vector.shape_cast %swap3A_1114 : vector<1x16xf32> to vector<16xf32>
          %swap3A_1116 = vector.shape_cast %mul3A_1111 : vector<16xf32> to vector<1x16xf32>
          tpu.vector_store %arg10[%swap3A_1112, %swap3A_1113], %swap3A_1116 {strides = array<i32>} : memref<96x128xf32, #tpu.memory_space<vmem>>, vector<1x16xf32>,
          %get3A_1117 = arith.index_cast %add3A_1056 : i32 to index
          %get3A_1118 = arith.constant 96 : index
          %get3A_1119 = tpu.vector_load %arg10[%get3A_1117, %get3A_1118] {strides = array<i32>} : memref<96x128xf32, #tpu.memory_space<vmem>>, vector<1x16xf32>,
          %get3A_1120 = vector.shape_cast %get3A_1119 : vector<1x16xf32> to vector<16xf32>
          %mul3A_1121 = arith.mulf %get3A_1120, %gather3A_1052 : vector<16xf32>
          %swap3A_1122 = arith.index_cast %add3A_1056 : i32 to index
          %swap3A_1123 = arith.constant 96 : index
          %swap3A_1124 = tpu.vector_load %arg10[%swap3A_1122, %swap3A_1123] {strides = array<i32>} : memref<96x128xf32, #tpu.memory_space<vmem>>, vector<1x16xf32>,
          %swap3A_1125 = vector.shape_cast %swap3A_1124 : vector<1x16xf32> to vector<16xf32>
          %swap3A_1126 = vector.shape_cast %mul3A_1121 : vector<16xf32> to vector<1x16xf32>
          tpu.vector_store %arg10[%swap3A_1122, %swap3A_1123], %swap3A_1126 {strides = array<i32>} : memref<96x128xf32, #tpu.memory_space<vmem>>, vector<1x16xf32>,
          %get3A_1127 = arith.index_cast %add3A_1056 : i32 to index
          %get3A_1128 = arith.constant 112 : index
          %get3A_1129 = tpu.vector_load %arg10[%get3A_1127, %get3A_1128] {strides = array<i32>} : memref<96x128xf32, #tpu.memory_space<vmem>>, vector<1x16xf32>,
          %get3A_1130 = vector.shape_cast %get3A_1129 : vector<1x16xf32> to vector<16xf32>
          %mul3A_1131 = arith.mulf %get3A_1130, %gather3A_1052 : vector<16xf32>
          %swap3A_1132 = arith.index_cast %add3A_1056 : i32 to index
          %swap3A_1133 = arith.constant 112 : index
          %swap3A_1134 = tpu.vector_load %arg10[%swap3A_1132, %swap3A_1133] {strides = array<i32>} : memref<96x128xf32, #tpu.memory_space<vmem>>, vector<1x16xf32>,
          %swap3A_1135 = vector.shape_cast %swap3A_1134 : vector<1x16xf32> to vector<16xf32>
          %swap3A_1136 = vector.shape_cast %mul3A_1131 : vector<16xf32> to vector<1x16xf32>
          tpu.vector_store %arg10[%swap3A_1132, %swap3A_1133], %swap3A_1136 {strides = array<i32>} : memref<96x128xf32, #tpu.memory_space<vmem>>, vector<1x16xf32>,
          %broadcast_in_dim3A_1137 = arith.constant 11 : i32
          %broadcast_in_dim3A_1138 = vector.broadcast %broadcast_in_dim3A_1137 : i32 to vector<16xi32>
          %reshape3A_1139 = vector.shape_cast %broadcast_in_dim3A_1138 : vector<16xi32> to vector<16x1xi32>
          %gather3A_1140 = vector.shape_cast %reshape3A_1139 : vector<16x1xi32> to vector<16xi32>
          %gather3A_1141 = tpu.dynamic_gather %get3A_160[%gather3A_1140] in [0] : vector<16xf32>, vector<16xi32> -> vector<16xf32>
          %mul3A_1142 = arith.constant 16 : i32
          %mul3A_1143 = arith.muli %add3A_154, %mul3A_1142 : i32
          %add3A_1144 = arith.constant 11 : i32
          %add3A_1145 = arith.addi %mul3A_1143, %add3A_1144 : i32
          %get3A_1146 = arith.index_cast %add3A_1145 : i32 to index
          %get3A_1147 = arith.constant 0 : index
          %get3A_1148 = tpu.vector_load %arg10[%get3A_1146, %get3A_1147] {strides = array<i32>} : memref<96x128xf32, #tpu.memory_space<vmem>>, vector<1x16xf32>,
          %get3A_1149 = vector.shape_cast %get3A_1148 : vector<1x16xf32> to vector<16xf32>
          %mul3A_1150 = arith.mulf %get3A_1149, %gather3A_1141 : vector<16xf32>
          %swap3A_1151 = arith.index_cast %add3A_1145 : i32 to index
          %swap3A_1152 = arith.constant 0 : index
          %swap3A_1153 = tpu.vector_load %arg10[%swap3A_1151, %swap3A_1152] {strides = array<i32>} : memref<96x128xf32, #tpu.memory_space<vmem>>, vector<1x16xf32>,
          %swap3A_1154 = vector.shape_cast %swap3A_1153 : vector<1x16xf32> to vector<16xf32>
          %swap3A_1155 = vector.shape_cast %mul3A_1150 : vector<16xf32> to vector<1x16xf32>
          tpu.vector_store %arg10[%swap3A_1151, %swap3A_1152], %swap3A_1155 {strides = array<i32>} : memref<96x128xf32, #tpu.memory_space<vmem>>, vector<1x16xf32>,
          %get3A_1156 = arith.index_cast %add3A_1145 : i32 to index
          %get3A_1157 = arith.constant 16 : index
          %get3A_1158 = tpu.vector_load %arg10[%get3A_1156, %get3A_1157] {strides = array<i32>} : memref<96x128xf32, #tpu.memory_space<vmem>>, vector<1x16xf32>,
          %get3A_1159 = vector.shape_cast %get3A_1158 : vector<1x16xf32> to vector<16xf32>
          %mul3A_1160 = arith.mulf %get3A_1159, %gather3A_1141 : vector<16xf32>
          %swap3A_1161 = arith.index_cast %add3A_1145 : i32 to index
          %swap3A_1162 = arith.constant 16 : index
          %swap3A_1163 = tpu.vector_load %arg10[%swap3A_1161, %swap3A_1162] {strides = array<i32>} : memref<96x128xf32, #tpu.memory_space<vmem>>, vector<1x16xf32>,
          %swap3A_1164 = vector.shape_cast %swap3A_1163 : vector<1x16xf32> to vector<16xf32>
          %swap3A_1165 = vector.shape_cast %mul3A_1160 : vector<16xf32> to vector<1x16xf32>
          tpu.vector_store %arg10[%swap3A_1161, %swap3A_1162], %swap3A_1165 {strides = array<i32>} : memref<96x128xf32, #tpu.memory_space<vmem>>, vector<1x16xf32>,
          %get3A_1166 = arith.index_cast %add3A_1145 : i32 to index
          %get3A_1167 = arith.constant 32 : index
          %get3A_1168 = tpu.vector_load %arg10[%get3A_1166, %get3A_1167] {strides = array<i32>} : memref<96x128xf32, #tpu.memory_space<vmem>>, vector<1x16xf32>,
          %get3A_1169 = vector.shape_cast %get3A_1168 : vector<1x16xf32> to vector<16xf32>
          %mul3A_1170 = arith.mulf %get3A_1169, %gather3A_1141 : vector<16xf32>
          %swap3A_1171 = arith.index_cast %add3A_1145 : i32 to index
          %swap3A_1172 = arith.constant 32 : index
          %swap3A_1173 = tpu.vector_load %arg10[%swap3A_1171, %swap3A_1172] {strides = array<i32>} : memref<96x128xf32, #tpu.memory_space<vmem>>, vector<1x16xf32>,
          %swap3A_1174 = vector.shape_cast %swap3A_1173 : vector<1x16xf32> to vector<16xf32>
          %swap3A_1175 = vector.shape_cast %mul3A_1170 : vector<16xf32> to vector<1x16xf32>
          tpu.vector_store %arg10[%swap3A_1171, %swap3A_1172], %swap3A_1175 {strides = array<i32>} : memref<96x128xf32, #tpu.memory_space<vmem>>, vector<1x16xf32>,
          %get3A_1176 = arith.index_cast %add3A_1145 : i32 to index
          %get3A_1177 = arith.constant 48 : index
          %get3A_1178 = tpu.vector_load %arg10[%get3A_1176, %get3A_1177] {strides = array<i32>} : memref<96x128xf32, #tpu.memory_space<vmem>>, vector<1x16xf32>,
          %get3A_1179 = vector.shape_cast %get3A_1178 : vector<1x16xf32> to vector<16xf32>
          %mul3A_1180 = arith.mulf %get3A_1179, %gather3A_1141 : vector<16xf32>
          %swap3A_1181 = arith.index_cast %add3A_1145 : i32 to index
          %swap3A_1182 = arith.constant 48 : index
          %swap3A_1183 = tpu.vector_load %arg10[%swap3A_1181, %swap3A_1182] {strides = array<i32>} : memref<96x128xf32, #tpu.memory_space<vmem>>, vector<1x16xf32>,
          %swap3A_1184 = vector.shape_cast %swap3A_1183 : vector<1x16xf32> to vector<16xf32>
          %swap3A_1185 = vector.shape_cast %mul3A_1180 : vector<16xf32> to vector<1x16xf32>
          tpu.vector_store %arg10[%swap3A_1181, %swap3A_1182], %swap3A_1185 {strides = array<i32>} : memref<96x128xf32, #tpu.memory_space<vmem>>, vector<1x16xf32>,
          %get3A_1186 = arith.index_cast %add3A_1145 : i32 to index
          %get3A_1187 = arith.constant 64 : index
          %get3A_1188 = tpu.vector_load %arg10[%get3A_1186, %get3A_1187] {strides = array<i32>} : memref<96x128xf32, #tpu.memory_space<vmem>>, vector<1x16xf32>,
          %get3A_1189 = vector.shape_cast %get3A_1188 : vector<1x16xf32> to vector<16xf32>
          %mul3A_1190 = arith.mulf %get3A_1189, %gather3A_1141 : vector<16xf32>
          %swap3A_1191 = arith.index_cast %add3A_1145 : i32 to index
          %swap3A_1192 = arith.constant 64 : index
          %swap3A_1193 = tpu.vector_load %arg10[%swap3A_1191, %swap3A_1192] {strides = array<i32>} : memref<96x128xf32, #tpu.memory_space<vmem>>, vector<1x16xf32>,
          %swap3A_1194 = vector.shape_cast %swap3A_1193 : vector<1x16xf32> to vector<16xf32>
          %swap3A_1195 = vector.shape_cast %mul3A_1190 : vector<16xf32> to vector<1x16xf32>
          tpu.vector_store %arg10[%swap3A_1191, %swap3A_1192], %swap3A_1195 {strides = array<i32>} : memref<96x128xf32, #tpu.memory_space<vmem>>, vector<1x16xf32>,
          %get3A_1196 = arith.index_cast %add3A_1145 : i32 to index
          %get3A_1197 = arith.constant 80 : index
          %get3A_1198 = tpu.vector_load %arg10[%get3A_1196, %get3A_1197] {strides = array<i32>} : memref<96x128xf32, #tpu.memory_space<vmem>>, vector<1x16xf32>,
          %get3A_1199 = vector.shape_cast %get3A_1198 : vector<1x16xf32> to vector<16xf32>
          %mul3A_1200 = arith.mulf %get3A_1199, %gather3A_1141 : vector<16xf32>
          %swap3A_1201 = arith.index_cast %add3A_1145 : i32 to index
          %swap3A_1202 = arith.constant 80 : index
          %swap3A_1203 = tpu.vector_load %arg10[%swap3A_1201, %swap3A_1202] {strides = array<i32>} : memref<96x128xf32, #tpu.memory_space<vmem>>, vector<1x16xf32>,
          %swap3A_1204 = vector.shape_cast %swap3A_1203 : vector<1x16xf32> to vector<16xf32>
          %swap3A_1205 = vector.shape_cast %mul3A_1200 : vector<16xf32> to vector<1x16xf32>
          tpu.vector_store %arg10[%swap3A_1201, %swap3A_1202], %swap3A_1205 {strides = array<i32>} : memref<96x128xf32, #tpu.memory_space<vmem>>, vector<1x16xf32>,
          %get3A_1206 = arith.index_cast %add3A_1145 : i32 to index
          %get3A_1207 = arith.constant 96 : index
          %get3A_1208 = tpu.vector_load %arg10[%get3A_1206, %get3A_1207] {strides = array<i32>} : memref<96x128xf32, #tpu.memory_space<vmem>>, vector<1x16xf32>,
          %get3A_1209 = vector.shape_cast %get3A_1208 : vector<1x16xf32> to vector<16xf32>
          %mul3A_1210 = arith.mulf %get3A_1209, %gather3A_1141 : vector<16xf32>
          %swap3A_1211 = arith.index_cast %add3A_1145 : i32 to index
          %swap3A_1212 = arith.constant 96 : index
          %swap3A_1213 = tpu.vector_load %arg10[%swap3A_1211, %swap3A_1212] {strides = array<i32>} : memref<96x128xf32, #tpu.memory_space<vmem>>, vector<1x16xf32>,
          %swap3A_1214 = vector.shape_cast %swap3A_1213 : vector<1x16xf32> to vector<16xf32>
          %swap3A_1215 = vector.shape_cast %mul3A_1210 : vector<16xf32> to vector<1x16xf32>
          tpu.vector_store %arg10[%swap3A_1211, %swap3A_1212], %swap3A_1215 {strides = array<i32>} : memref<96x128xf32, #tpu.memory_space<vmem>>, vector<1x16xf32>,
          %get3A_1216 = arith.index_cast %add3A_1145 : i32 to index
          %get3A_1217 = arith.constant 112 : index
          %get3A_1218 = tpu.vector_load %arg10[%get3A_1216, %get3A_1217] {strides = array<i32>} : memref<96x128xf32, #tpu.memory_space<vmem>>, vector<1x16xf32>,
          %get3A_1219 = vector.shape_cast %get3A_1218 : vector<1x16xf32> to vector<16xf32>
          %mul3A_1220 = arith.mulf %get3A_1219, %gather3A_1141 : vector<16xf32>
          %swap3A_1221 = arith.index_cast %add3A_1145 : i32 to index
          %swap3A_1222 = arith.constant 112 : index
          %swap3A_1223 = tpu.vector_load %arg10[%swap3A_1221, %swap3A_1222] {strides = array<i32>} : memref<96x128xf32, #tpu.memory_space<vmem>>, vector<1x16xf32>,
          %swap3A_1224 = vector.shape_cast %swap3A_1223 : vector<1x16xf32> to vector<16xf32>
          %swap3A_1225 = vector.shape_cast %mul3A_1220 : vector<16xf32> to vector<1x16xf32>
          tpu.vector_store %arg10[%swap3A_1221, %swap3A_1222], %swap3A_1225 {strides = array<i32>} : memref<96x128xf32, #tpu.memory_space<vmem>>, vector<1x16xf32>,
          %broadcast_in_dim3A_1226 = arith.constant 12 : i32
          %broadcast_in_dim3A_1227 = vector.broadcast %broadcast_in_dim3A_1226 : i32 to vector<16xi32>
          %reshape3A_1228 = vector.shape_cast %broadcast_in_dim3A_1227 : vector<16xi32> to vector<16x1xi32>
          %gather3A_1229 = vector.shape_cast %reshape3A_1228 : vector<16x1xi32> to vector<16xi32>
          %gather3A_1230 = tpu.dynamic_gather %get3A_160[%gather3A_1229] in [0] : vector<16xf32>, vector<16xi32> -> vector<16xf32>
          %mul3A_1231 = arith.constant 16 : i32
          %mul3A_1232 = arith.muli %add3A_154, %mul3A_1231 : i32
          %add3A_1233 = arith.constant 12 : i32
          %add3A_1234 = arith.addi %mul3A_1232, %add3A_1233 : i32
          %get3A_1235 = arith.index_cast %add3A_1234 : i32 to index
          %get3A_1236 = arith.constant 0 : index
          %get3A_1237 = tpu.vector_load %arg10[%get3A_1235, %get3A_1236] {strides = array<i32>} : memref<96x128xf32, #tpu.memory_space<vmem>>, vector<1x16xf32>,
          %get3A_1238 = vector.shape_cast %get3A_1237 : vector<1x16xf32> to vector<16xf32>
          %mul3A_1239 = arith.mulf %get3A_1238, %gather3A_1230 : vector<16xf32>
          %swap3A_1240 = arith.index_cast %add3A_1234 : i32 to index
          %swap3A_1241 = arith.constant 0 : index
          %swap3A_1242 = tpu.vector_load %arg10[%swap3A_1240, %swap3A_1241] {strides = array<i32>} : memref<96x128xf32, #tpu.memory_space<vmem>>, vector<1x16xf32>,
          %swap3A_1243 = vector.shape_cast %swap3A_1242 : vector<1x16xf32> to vector<16xf32>
          %swap3A_1244 = vector.shape_cast %mul3A_1239 : vector<16xf32> to vector<1x16xf32>
          tpu.vector_store %arg10[%swap3A_1240, %swap3A_1241], %swap3A_1244 {strides = array<i32>} : memref<96x128xf32, #tpu.memory_space<vmem>>, vector<1x16xf32>,
          %get3A_1245 = arith.index_cast %add3A_1234 : i32 to index
          %get3A_1246 = arith.constant 16 : index
          %get3A_1247 = tpu.vector_load %arg10[%get3A_1245, %get3A_1246] {strides = array<i32>} : memref<96x128xf32, #tpu.memory_space<vmem>>, vector<1x16xf32>,
          %get3A_1248 = vector.shape_cast %get3A_1247 : vector<1x16xf32> to vector<16xf32>
          %mul3A_1249 = arith.mulf %get3A_1248, %gather3A_1230 : vector<16xf32>
          %swap3A_1250 = arith.index_cast %add3A_1234 : i32 to index
          %swap3A_1251 = arith.constant 16 : index
          %swap3A_1252 = tpu.vector_load %arg10[%swap3A_1250, %swap3A_1251] {strides = array<i32>} : memref<96x128xf32, #tpu.memory_space<vmem>>, vector<1x16xf32>,
          %swap3A_1253 = vector.shape_cast %swap3A_1252 : vector<1x16xf32> to vector<16xf32>
          %swap3A_1254 = vector.shape_cast %mul3A_1249 : vector<16xf32> to vector<1x16xf32>
          tpu.vector_store %arg10[%swap3A_1250, %swap3A_1251], %swap3A_1254 {strides = array<i32>} : memref<96x128xf32, #tpu.memory_space<vmem>>, vector<1x16xf32>,
          %get3A_1255 = arith.index_cast %add3A_1234 : i32 to index
          %get3A_1256 = arith.constant 32 : index
          %get3A_1257 = tpu.vector_load %arg10[%get3A_1255, %get3A_1256] {strides = array<i32>} : memref<96x128xf32, #tpu.memory_space<vmem>>, vector<1x16xf32>,
          %get3A_1258 = vector.shape_cast %get3A_1257 : vector<1x16xf32> to vector<16xf32>
          %mul3A_1259 = arith.mulf %get3A_1258, %gather3A_1230 : vector<16xf32>
          %swap3A_1260 = arith.index_cast %add3A_1234 : i32 to index
          %swap3A_1261 = arith.constant 32 : index
          %swap3A_1262 = tpu.vector_load %arg10[%swap3A_1260, %swap3A_1261] {strides = array<i32>} : memref<96x128xf32, #tpu.memory_space<vmem>>, vector<1x16xf32>,
          %swap3A_1263 = vector.shape_cast %swap3A_1262 : vector<1x16xf32> to vector<16xf32>
          %swap3A_1264 = vector.shape_cast %mul3A_1259 : vector<16xf32> to vector<1x16xf32>
          tpu.vector_store %arg10[%swap3A_1260, %swap3A_1261], %swap3A_1264 {strides = array<i32>} : memref<96x128xf32, #tpu.memory_space<vmem>>, vector<1x16xf32>,
          %get3A_1265 = arith.index_cast %add3A_1234 : i32 to index
          %get3A_1266 = arith.constant 48 : index
          %get3A_1267 = tpu.vector_load %arg10[%get3A_1265, %get3A_1266] {strides = array<i32>} : memref<96x128xf32, #tpu.memory_space<vmem>>, vector<1x16xf32>,
          %get3A_1268 = vector.shape_cast %get3A_1267 : vector<1x16xf32> to vector<16xf32>
          %mul3A_1269 = arith.mulf %get3A_1268, %gather3A_1230 : vector<16xf32>
          %swap3A_1270 = arith.index_cast %add3A_1234 : i32 to index
          %swap3A_1271 = arith.constant 48 : index
          %swap3A_1272 = tpu.vector_load %arg10[%swap3A_1270, %swap3A_1271] {strides = array<i32>} : memref<96x128xf32, #tpu.memory_space<vmem>>, vector<1x16xf32>,
          %swap3A_1273 = vector.shape_cast %swap3A_1272 : vector<1x16xf32> to vector<16xf32>
          %swap3A_1274 = vector.shape_cast %mul3A_1269 : vector<16xf32> to vector<1x16xf32>
          tpu.vector_store %arg10[%swap3A_1270, %swap3A_1271], %swap3A_1274 {strides = array<i32>} : memref<96x128xf32, #tpu.memory_space<vmem>>, vector<1x16xf32>,
          %get3A_1275 = arith.index_cast %add3A_1234 : i32 to index
          %get3A_1276 = arith.constant 64 : index
          %get3A_1277 = tpu.vector_load %arg10[%get3A_1275, %get3A_1276] {strides = array<i32>} : memref<96x128xf32, #tpu.memory_space<vmem>>, vector<1x16xf32>,
          %get3A_1278 = vector.shape_cast %get3A_1277 : vector<1x16xf32> to vector<16xf32>
          %mul3A_1279 = arith.mulf %get3A_1278, %gather3A_1230 : vector<16xf32>
          %swap3A_1280 = arith.index_cast %add3A_1234 : i32 to index
          %swap3A_1281 = arith.constant 64 : index
          %swap3A_1282 = tpu.vector_load %arg10[%swap3A_1280, %swap3A_1281] {strides = array<i32>} : memref<96x128xf32, #tpu.memory_space<vmem>>, vector<1x16xf32>,
          %swap3A_1283 = vector.shape_cast %swap3A_1282 : vector<1x16xf32> to vector<16xf32>
          %swap3A_1284 = vector.shape_cast %mul3A_1279 : vector<16xf32> to vector<1x16xf32>
          tpu.vector_store %arg10[%swap3A_1280, %swap3A_1281], %swap3A_1284 {strides = array<i32>} : memref<96x128xf32, #tpu.memory_space<vmem>>, vector<1x16xf32>,
          %get3A_1285 = arith.index_cast %add3A_1234 : i32 to index
          %get3A_1286 = arith.constant 80 : index
          %get3A_1287 = tpu.vector_load %arg10[%get3A_1285, %get3A_1286] {strides = array<i32>} : memref<96x128xf32, #tpu.memory_space<vmem>>, vector<1x16xf32>,
          %get3A_1288 = vector.shape_cast %get3A_1287 : vector<1x16xf32> to vector<16xf32>
          %mul3A_1289 = arith.mulf %get3A_1288, %gather3A_1230 : vector<16xf32>
          %swap3A_1290 = arith.index_cast %add3A_1234 : i32 to index
          %swap3A_1291 = arith.constant 80 : index
          %swap3A_1292 = tpu.vector_load %arg10[%swap3A_1290, %swap3A_1291] {strides = array<i32>} : memref<96x128xf32, #tpu.memory_space<vmem>>, vector<1x16xf32>,
          %swap3A_1293 = vector.shape_cast %swap3A_1292 : vector<1x16xf32> to vector<16xf32>
          %swap3A_1294 = vector.shape_cast %mul3A_1289 : vector<16xf32> to vector<1x16xf32>
          tpu.vector_store %arg10[%swap3A_1290, %swap3A_1291], %swap3A_1294 {strides = array<i32>} : memref<96x128xf32, #tpu.memory_space<vmem>>, vector<1x16xf32>,
          %get3A_1295 = arith.index_cast %add3A_1234 : i32 to index
          %get3A_1296 = arith.constant 96 : index
          %get3A_1297 = tpu.vector_load %arg10[%get3A_1295, %get3A_1296] {strides = array<i32>} : memref<96x128xf32, #tpu.memory_space<vmem>>, vector<1x16xf32>,
          %get3A_1298 = vector.shape_cast %get3A_1297 : vector<1x16xf32> to vector<16xf32>
          %mul3A_1299 = arith.mulf %get3A_1298, %gather3A_1230 : vector<16xf32>
          %swap3A_1300 = arith.index_cast %add3A_1234 : i32 to index
          %swap3A_1301 = arith.constant 96 : index
          %swap3A_1302 = tpu.vector_load %arg10[%swap3A_1300, %swap3A_1301] {strides = array<i32>} : memref<96x128xf32, #tpu.memory_space<vmem>>, vector<1x16xf32>,
          %swap3A_1303 = vector.shape_cast %swap3A_1302 : vector<1x16xf32> to vector<16xf32>
          %swap3A_1304 = vector.shape_cast %mul3A_1299 : vector<16xf32> to vector<1x16xf32>
          tpu.vector_store %arg10[%swap3A_1300, %swap3A_1301], %swap3A_1304 {strides = array<i32>} : memref<96x128xf32, #tpu.memory_space<vmem>>, vector<1x16xf32>,
          %get3A_1305 = arith.index_cast %add3A_1234 : i32 to index
          %get3A_1306 = arith.constant 112 : index
          %get3A_1307 = tpu.vector_load %arg10[%get3A_1305, %get3A_1306] {strides = array<i32>} : memref<96x128xf32, #tpu.memory_space<vmem>>, vector<1x16xf32>,
          %get3A_1308 = vector.shape_cast %get3A_1307 : vector<1x16xf32> to vector<16xf32>
          %mul3A_1309 = arith.mulf %get3A_1308, %gather3A_1230 : vector<16xf32>
          %swap3A_1310 = arith.index_cast %add3A_1234 : i32 to index
          %swap3A_1311 = arith.constant 112 : index
          %swap3A_1312 = tpu.vector_load %arg10[%swap3A_1310, %swap3A_1311] {strides = array<i32>} : memref<96x128xf32, #tpu.memory_space<vmem>>, vector<1x16xf32>,
          %swap3A_1313 = vector.shape_cast %swap3A_1312 : vector<1x16xf32> to vector<16xf32>
          %swap3A_1314 = vector.shape_cast %mul3A_1309 : vector<16xf32> to vector<1x16xf32>
          tpu.vector_store %arg10[%swap3A_1310, %swap3A_1311], %swap3A_1314 {strides = array<i32>} : memref<96x128xf32, #tpu.memory_space<vmem>>, vector<1x16xf32>,
          %broadcast_in_dim3A_1315 = arith.constant 13 : i32
          %broadcast_in_dim3A_1316 = vector.broadcast %broadcast_in_dim3A_1315 : i32 to vector<16xi32>
          %reshape3A_1317 = vector.shape_cast %broadcast_in_dim3A_1316 : vector<16xi32> to vector<16x1xi32>
          %gather3A_1318 = vector.shape_cast %reshape3A_1317 : vector<16x1xi32> to vector<16xi32>
          %gather3A_1319 = tpu.dynamic_gather %get3A_160[%gather3A_1318] in [0] : vector<16xf32>, vector<16xi32> -> vector<16xf32>
          %mul3A_1320 = arith.constant 16 : i32
          %mul3A_1321 = arith.muli %add3A_154, %mul3A_1320 : i32
          %add3A_1322 = arith.constant 13 : i32
          %add3A_1323 = arith.addi %mul3A_1321, %add3A_1322 : i32
          %get3A_1324 = arith.index_cast %add3A_1323 : i32 to index
          %get3A_1325 = arith.constant 0 : index
          %get3A_1326 = tpu.vector_load %arg10[%get3A_1324, %get3A_1325] {strides = array<i32>} : memref<96x128xf32, #tpu.memory_space<vmem>>, vector<1x16xf32>,
          %get3A_1327 = vector.shape_cast %get3A_1326 : vector<1x16xf32> to vector<16xf32>
          %mul3A_1328 = arith.mulf %get3A_1327, %gather3A_1319 : vector<16xf32>
          %swap3A_1329 = arith.index_cast %add3A_1323 : i32 to index
          %swap3A_1330 = arith.constant 0 : index
          %swap3A_1331 = tpu.vector_load %arg10[%swap3A_1329, %swap3A_1330] {strides = array<i32>} : memref<96x128xf32, #tpu.memory_space<vmem>>, vector<1x16xf32>,
          %swap3A_1332 = vector.shape_cast %swap3A_1331 : vector<1x16xf32> to vector<16xf32>
          %swap3A_1333 = vector.shape_cast %mul3A_1328 : vector<16xf32> to vector<1x16xf32>
          tpu.vector_store %arg10[%swap3A_1329, %swap3A_1330], %swap3A_1333 {strides = array<i32>} : memref<96x128xf32, #tpu.memory_space<vmem>>, vector<1x16xf32>,
          %get3A_1334 = arith.index_cast %add3A_1323 : i32 to index
          %get3A_1335 = arith.constant 16 : index
          %get3A_1336 = tpu.vector_load %arg10[%get3A_1334, %get3A_1335] {strides = array<i32>} : memref<96x128xf32, #tpu.memory_space<vmem>>, vector<1x16xf32>,
          %get3A_1337 = vector.shape_cast %get3A_1336 : vector<1x16xf32> to vector<16xf32>
          %mul3A_1338 = arith.mulf %get3A_1337, %gather3A_1319 : vector<16xf32>
          %swap3A_1339 = arith.index_cast %add3A_1323 : i32 to index
          %swap3A_1340 = arith.constant 16 : index
          %swap3A_1341 = tpu.vector_load %arg10[%swap3A_1339, %swap3A_1340] {strides = array<i32>} : memref<96x128xf32, #tpu.memory_space<vmem>>, vector<1x16xf32>,
          %swap3A_1342 = vector.shape_cast %swap3A_1341 : vector<1x16xf32> to vector<16xf32>
          %swap3A_1343 = vector.shape_cast %mul3A_1338 : vector<16xf32> to vector<1x16xf32>
          tpu.vector_store %arg10[%swap3A_1339, %swap3A_1340], %swap3A_1343 {strides = array<i32>} : memref<96x128xf32, #tpu.memory_space<vmem>>, vector<1x16xf32>,
          %get3A_1344 = arith.index_cast %add3A_1323 : i32 to index
          %get3A_1345 = arith.constant 32 : index
          %get3A_1346 = tpu.vector_load %arg10[%get3A_1344, %get3A_1345] {strides = array<i32>} : memref<96x128xf32, #tpu.memory_space<vmem>>, vector<1x16xf32>,
          %get3A_1347 = vector.shape_cast %get3A_1346 : vector<1x16xf32> to vector<16xf32>
          %mul3A_1348 = arith.mulf %get3A_1347, %gather3A_1319 : vector<16xf32>
          %swap3A_1349 = arith.index_cast %add3A_1323 : i32 to index
          %swap3A_1350 = arith.constant 32 : index
          %swap3A_1351 = tpu.vector_load %arg10[%swap3A_1349, %swap3A_1350] {strides = array<i32>} : memref<96x128xf32, #tpu.memory_space<vmem>>, vector<1x16xf32>,
          %swap3A_1352 = vector.shape_cast %swap3A_1351 : vector<1x16xf32> to vector<16xf32>
          %swap3A_1353 = vector.shape_cast %mul3A_1348 : vector<16xf32> to vector<1x16xf32>
          tpu.vector_store %arg10[%swap3A_1349, %swap3A_1350], %swap3A_1353 {strides = array<i32>} : memref<96x128xf32, #tpu.memory_space<vmem>>, vector<1x16xf32>,
          %get3A_1354 = arith.index_cast %add3A_1323 : i32 to index
          %get3A_1355 = arith.constant 48 : index
          %get3A_1356 = tpu.vector_load %arg10[%get3A_1354, %get3A_1355] {strides = array<i32>} : memref<96x128xf32, #tpu.memory_space<vmem>>, vector<1x16xf32>,
          %get3A_1357 = vector.shape_cast %get3A_1356 : vector<1x16xf32> to vector<16xf32>
          %mul3A_1358 = arith.mulf %get3A_1357, %gather3A_1319 : vector<16xf32>
          %swap3A_1359 = arith.index_cast %add3A_1323 : i32 to index
          %swap3A_1360 = arith.constant 48 : index
          %swap3A_1361 = tpu.vector_load %arg10[%swap3A_1359, %swap3A_1360] {strides = array<i32>} : memref<96x128xf32, #tpu.memory_space<vmem>>, vector<1x16xf32>,
          %swap3A_1362 = vector.shape_cast %swap3A_1361 : vector<1x16xf32> to vector<16xf32>
          %swap3A_1363 = vector.shape_cast %mul3A_1358 : vector<16xf32> to vector<1x16xf32>
          tpu.vector_store %arg10[%swap3A_1359, %swap3A_1360], %swap3A_1363 {strides = array<i32>} : memref<96x128xf32, #tpu.memory_space<vmem>>, vector<1x16xf32>,
          %get3A_1364 = arith.index_cast %add3A_1323 : i32 to index
          %get3A_1365 = arith.constant 64 : index
          %get3A_1366 = tpu.vector_load %arg10[%get3A_1364, %get3A_1365] {strides = array<i32>} : memref<96x128xf32, #tpu.memory_space<vmem>>, vector<1x16xf32>,
          %get3A_1367 = vector.shape_cast %get3A_1366 : vector<1x16xf32> to vector<16xf32>
          %mul3A_1368 = arith.mulf %get3A_1367, %gather3A_1319 : vector<16xf32>
          %swap3A_1369 = arith.index_cast %add3A_1323 : i32 to index
          %swap3A_1370 = arith.constant 64 : index
          %swap3A_1371 = tpu.vector_load %arg10[%swap3A_1369, %swap3A_1370] {strides = array<i32>} : memref<96x128xf32, #tpu.memory_space<vmem>>, vector<1x16xf32>,
          %swap3A_1372 = vector.shape_cast %swap3A_1371 : vector<1x16xf32> to vector<16xf32>
          %swap3A_1373 = vector.shape_cast %mul3A_1368 : vector<16xf32> to vector<1x16xf32>
          tpu.vector_store %arg10[%swap3A_1369, %swap3A_1370], %swap3A_1373 {strides = array<i32>} : memref<96x128xf32, #tpu.memory_space<vmem>>, vector<1x16xf32>,
          %get3A_1374 = arith.index_cast %add3A_1323 : i32 to index
          %get3A_1375 = arith.constant 80 : index
          %get3A_1376 = tpu.vector_load %arg10[%get3A_1374, %get3A_1375] {strides = array<i32>} : memref<96x128xf32, #tpu.memory_space<vmem>>, vector<1x16xf32>,
          %get3A_1377 = vector.shape_cast %get3A_1376 : vector<1x16xf32> to vector<16xf32>
          %mul3A_1378 = arith.mulf %get3A_1377, %gather3A_1319 : vector<16xf32>
          %swap3A_1379 = arith.index_cast %add3A_1323 : i32 to index
          %swap3A_1380 = arith.constant 80 : index
          %swap3A_1381 = tpu.vector_load %arg10[%swap3A_1379, %swap3A_1380] {strides = array<i32>} : memref<96x128xf32, #tpu.memory_space<vmem>>, vector<1x16xf32>,
          %swap3A_1382 = vector.shape_cast %swap3A_1381 : vector<1x16xf32> to vector<16xf32>
          %swap3A_1383 = vector.shape_cast %mul3A_1378 : vector<16xf32> to vector<1x16xf32>
          tpu.vector_store %arg10[%swap3A_1379, %swap3A_1380], %swap3A_1383 {strides = array<i32>} : memref<96x128xf32, #tpu.memory_space<vmem>>, vector<1x16xf32>,
          %get3A_1384 = arith.index_cast %add3A_1323 : i32 to index
          %get3A_1385 = arith.constant 96 : index
          %get3A_1386 = tpu.vector_load %arg10[%get3A_1384, %get3A_1385] {strides = array<i32>} : memref<96x128xf32, #tpu.memory_space<vmem>>, vector<1x16xf32>,
          %get3A_1387 = vector.shape_cast %get3A_1386 : vector<1x16xf32> to vector<16xf32>
          %mul3A_1388 = arith.mulf %get3A_1387, %gather3A_1319 : vector<16xf32>
          %swap3A_1389 = arith.index_cast %add3A_1323 : i32 to index
          %swap3A_1390 = arith.constant 96 : index
          %swap3A_1391 = tpu.vector_load %arg10[%swap3A_1389, %swap3A_1390] {strides = array<i32>} : memref<96x128xf32, #tpu.memory_space<vmem>>, vector<1x16xf32>,
          %swap3A_1392 = vector.shape_cast %swap3A_1391 : vector<1x16xf32> to vector<16xf32>
          %swap3A_1393 = vector.shape_cast %mul3A_1388 : vector<16xf32> to vector<1x16xf32>
          tpu.vector_store %arg10[%swap3A_1389, %swap3A_1390], %swap3A_1393 {strides = array<i32>} : memref<96x128xf32, #tpu.memory_space<vmem>>, vector<1x16xf32>,
          %get3A_1394 = arith.index_cast %add3A_1323 : i32 to index
          %get3A_1395 = arith.constant 112 : index
          %get3A_1396 = tpu.vector_load %arg10[%get3A_1394, %get3A_1395] {strides = array<i32>} : memref<96x128xf32, #tpu.memory_space<vmem>>, vector<1x16xf32>,
          %get3A_1397 = vector.shape_cast %get3A_1396 : vector<1x16xf32> to vector<16xf32>
          %mul3A_1398 = arith.mulf %get3A_1397, %gather3A_1319 : vector<16xf32>
          %swap3A_1399 = arith.index_cast %add3A_1323 : i32 to index
          %swap3A_1400 = arith.constant 112 : index
          %swap3A_1401 = tpu.vector_load %arg10[%swap3A_1399, %swap3A_1400] {strides = array<i32>} : memref<96x128xf32, #tpu.memory_space<vmem>>, vector<1x16xf32>,
          %swap3A_1402 = vector.shape_cast %swap3A_1401 : vector<1x16xf32> to vector<16xf32>
          %swap3A_1403 = vector.shape_cast %mul3A_1398 : vector<16xf32> to vector<1x16xf32>
          tpu.vector_store %arg10[%swap3A_1399, %swap3A_1400], %swap3A_1403 {strides = array<i32>} : memref<96x128xf32, #tpu.memory_space<vmem>>, vector<1x16xf32>,
          %broadcast_in_dim3A_1404 = arith.constant 14 : i32
          %broadcast_in_dim3A_1405 = vector.broadcast %broadcast_in_dim3A_1404 : i32 to vector<16xi32>
          %reshape3A_1406 = vector.shape_cast %broadcast_in_dim3A_1405 : vector<16xi32> to vector<16x1xi32>
          %gather3A_1407 = vector.shape_cast %reshape3A_1406 : vector<16x1xi32> to vector<16xi32>
          %gather3A_1408 = tpu.dynamic_gather %get3A_160[%gather3A_1407] in [0] : vector<16xf32>, vector<16xi32> -> vector<16xf32>
          %mul3A_1409 = arith.constant 16 : i32
          %mul3A_1410 = arith.muli %add3A_154, %mul3A_1409 : i32
          %add3A_1411 = arith.constant 14 : i32
          %add3A_1412 = arith.addi %mul3A_1410, %add3A_1411 : i32
          %get3A_1413 = arith.index_cast %add3A_1412 : i32 to index
          %get3A_1414 = arith.constant 0 : index
          %get3A_1415 = tpu.vector_load %arg10[%get3A_1413, %get3A_1414] {strides = array<i32>} : memref<96x128xf32, #tpu.memory_space<vmem>>, vector<1x16xf32>,
          %get3A_1416 = vector.shape_cast %get3A_1415 : vector<1x16xf32> to vector<16xf32>
          %mul3A_1417 = arith.mulf %get3A_1416, %gather3A_1408 : vector<16xf32>
          %swap3A_1418 = arith.index_cast %add3A_1412 : i32 to index
          %swap3A_1419 = arith.constant 0 : index
          %swap3A_1420 = tpu.vector_load %arg10[%swap3A_1418, %swap3A_1419] {strides = array<i32>} : memref<96x128xf32, #tpu.memory_space<vmem>>, vector<1x16xf32>,
          %swap3A_1421 = vector.shape_cast %swap3A_1420 : vector<1x16xf32> to vector<16xf32>
          %swap3A_1422 = vector.shape_cast %mul3A_1417 : vector<16xf32> to vector<1x16xf32>
          tpu.vector_store %arg10[%swap3A_1418, %swap3A_1419], %swap3A_1422 {strides = array<i32>} : memref<96x128xf32, #tpu.memory_space<vmem>>, vector<1x16xf32>,
          %get3A_1423 = arith.index_cast %add3A_1412 : i32 to index
          %get3A_1424 = arith.constant 16 : index
          %get3A_1425 = tpu.vector_load %arg10[%get3A_1423, %get3A_1424] {strides = array<i32>} : memref<96x128xf32, #tpu.memory_space<vmem>>, vector<1x16xf32>,
          %get3A_1426 = vector.shape_cast %get3A_1425 : vector<1x16xf32> to vector<16xf32>
          %mul3A_1427 = arith.mulf %get3A_1426, %gather3A_1408 : vector<16xf32>
          %swap3A_1428 = arith.index_cast %add3A_1412 : i32 to index
          %swap3A_1429 = arith.constant 16 : index
          %swap3A_1430 = tpu.vector_load %arg10[%swap3A_1428, %swap3A_1429] {strides = array<i32>} : memref<96x128xf32, #tpu.memory_space<vmem>>, vector<1x16xf32>,
          %swap3A_1431 = vector.shape_cast %swap3A_1430 : vector<1x16xf32> to vector<16xf32>
          %swap3A_1432 = vector.shape_cast %mul3A_1427 : vector<16xf32> to vector<1x16xf32>
          tpu.vector_store %arg10[%swap3A_1428, %swap3A_1429], %swap3A_1432 {strides = array<i32>} : memref<96x128xf32, #tpu.memory_space<vmem>>, vector<1x16xf32>,
          %get3A_1433 = arith.index_cast %add3A_1412 : i32 to index
          %get3A_1434 = arith.constant 32 : index
          %get3A_1435 = tpu.vector_load %arg10[%get3A_1433, %get3A_1434] {strides = array<i32>} : memref<96x128xf32, #tpu.memory_space<vmem>>, vector<1x16xf32>,
          %get3A_1436 = vector.shape_cast %get3A_1435 : vector<1x16xf32> to vector<16xf32>
          %mul3A_1437 = arith.mulf %get3A_1436, %gather3A_1408 : vector<16xf32>
          %swap3A_1438 = arith.index_cast %add3A_1412 : i32 to index
          %swap3A_1439 = arith.constant 32 : index
          %swap3A_1440 = tpu.vector_load %arg10[%swap3A_1438, %swap3A_1439] {strides = array<i32>} : memref<96x128xf32, #tpu.memory_space<vmem>>, vector<1x16xf32>,
          %swap3A_1441 = vector.shape_cast %swap3A_1440 : vector<1x16xf32> to vector<16xf32>
          %swap3A_1442 = vector.shape_cast %mul3A_1437 : vector<16xf32> to vector<1x16xf32>
          tpu.vector_store %arg10[%swap3A_1438, %swap3A_1439], %swap3A_1442 {strides = array<i32>} : memref<96x128xf32, #tpu.memory_space<vmem>>, vector<1x16xf32>,
          %get3A_1443 = arith.index_cast %add3A_1412 : i32 to index
          %get3A_1444 = arith.constant 48 : index
          %get3A_1445 = tpu.vector_load %arg10[%get3A_1443, %get3A_1444] {strides = array<i32>} : memref<96x128xf32, #tpu.memory_space<vmem>>, vector<1x16xf32>,
          %get3A_1446 = vector.shape_cast %get3A_1445 : vector<1x16xf32> to vector<16xf32>
          %mul3A_1447 = arith.mulf %get3A_1446, %gather3A_1408 : vector<16xf32>
          %swap3A_1448 = arith.index_cast %add3A_1412 : i32 to index
          %swap3A_1449 = arith.constant 48 : index
          %swap3A_1450 = tpu.vector_load %arg10[%swap3A_1448, %swap3A_1449] {strides = array<i32>} : memref<96x128xf32, #tpu.memory_space<vmem>>, vector<1x16xf32>,
          %swap3A_1451 = vector.shape_cast %swap3A_1450 : vector<1x16xf32> to vector<16xf32>
          %swap3A_1452 = vector.shape_cast %mul3A_1447 : vector<16xf32> to vector<1x16xf32>
          tpu.vector_store %arg10[%swap3A_1448, %swap3A_1449], %swap3A_1452 {strides = array<i32>} : memref<96x128xf32, #tpu.memory_space<vmem>>, vector<1x16xf32>,
          %get3A_1453 = arith.index_cast %add3A_1412 : i32 to index
          %get3A_1454 = arith.constant 64 : index
          %get3A_1455 = tpu.vector_load %arg10[%get3A_1453, %get3A_1454] {strides = array<i32>} : memref<96x128xf32, #tpu.memory_space<vmem>>, vector<1x16xf32>,
          %get3A_1456 = vector.shape_cast %get3A_1455 : vector<1x16xf32> to vector<16xf32>
          %mul3A_1457 = arith.mulf %get3A_1456, %gather3A_1408 : vector<16xf32>
          %swap3A_1458 = arith.index_cast %add3A_1412 : i32 to index
          %swap3A_1459 = arith.constant 64 : index
          %swap3A_1460 = tpu.vector_load %arg10[%swap3A_1458, %swap3A_1459] {strides = array<i32>} : memref<96x128xf32, #tpu.memory_space<vmem>>, vector<1x16xf32>,
          %swap3A_1461 = vector.shape_cast %swap3A_1460 : vector<1x16xf32> to vector<16xf32>
          %swap3A_1462 = vector.shape_cast %mul3A_1457 : vector<16xf32> to vector<1x16xf32>
          tpu.vector_store %arg10[%swap3A_1458, %swap3A_1459], %swap3A_1462 {strides = array<i32>} : memref<96x128xf32, #tpu.memory_space<vmem>>, vector<1x16xf32>,
          %get3A_1463 = arith.index_cast %add3A_1412 : i32 to index
          %get3A_1464 = arith.constant 80 : index
          %get3A_1465 = tpu.vector_load %arg10[%get3A_1463, %get3A_1464] {strides = array<i32>} : memref<96x128xf32, #tpu.memory_space<vmem>>, vector<1x16xf32>,
          %get3A_1466 = vector.shape_cast %get3A_1465 : vector<1x16xf32> to vector<16xf32>
          %mul3A_1467 = arith.mulf %get3A_1466, %gather3A_1408 : vector<16xf32>
          %swap3A_1468 = arith.index_cast %add3A_1412 : i32 to index
          %swap3A_1469 = arith.constant 80 : index
          %swap3A_1470 = tpu.vector_load %arg10[%swap3A_1468, %swap3A_1469] {strides = array<i32>} : memref<96x128xf32, #tpu.memory_space<vmem>>, vector<1x16xf32>,
          %swap3A_1471 = vector.shape_cast %swap3A_1470 : vector<1x16xf32> to vector<16xf32>
          %swap3A_1472 = vector.shape_cast %mul3A_1467 : vector<16xf32> to vector<1x16xf32>
          tpu.vector_store %arg10[%swap3A_1468, %swap3A_1469], %swap3A_1472 {strides = array<i32>} : memref<96x128xf32, #tpu.memory_space<vmem>>, vector<1x16xf32>,
          %get3A_1473 = arith.index_cast %add3A_1412 : i32 to index
          %get3A_1474 = arith.constant 96 : index
          %get3A_1475 = tpu.vector_load %arg10[%get3A_1473, %get3A_1474] {strides = array<i32>} : memref<96x128xf32, #tpu.memory_space<vmem>>, vector<1x16xf32>,
          %get3A_1476 = vector.shape_cast %get3A_1475 : vector<1x16xf32> to vector<16xf32>
          %mul3A_1477 = arith.mulf %get3A_1476, %gather3A_1408 : vector<16xf32>
          %swap3A_1478 = arith.index_cast %add3A_1412 : i32 to index
          %swap3A_1479 = arith.constant 96 : index
          %swap3A_1480 = tpu.vector_load %arg10[%swap3A_1478, %swap3A_1479] {strides = array<i32>} : memref<96x128xf32, #tpu.memory_space<vmem>>, vector<1x16xf32>,
          %swap3A_1481 = vector.shape_cast %swap3A_1480 : vector<1x16xf32> to vector<16xf32>
          %swap3A_1482 = vector.shape_cast %mul3A_1477 : vector<16xf32> to vector<1x16xf32>
          tpu.vector_store %arg10[%swap3A_1478, %swap3A_1479], %swap3A_1482 {strides = array<i32>} : memref<96x128xf32, #tpu.memory_space<vmem>>, vector<1x16xf32>,
          %get3A_1483 = arith.index_cast %add3A_1412 : i32 to index
          %get3A_1484 = arith.constant 112 : index
          %get3A_1485 = tpu.vector_load %arg10[%get3A_1483, %get3A_1484] {strides = array<i32>} : memref<96x128xf32, #tpu.memory_space<vmem>>, vector<1x16xf32>,
          %get3A_1486 = vector.shape_cast %get3A_1485 : vector<1x16xf32> to vector<16xf32>
          %mul3A_1487 = arith.mulf %get3A_1486, %gather3A_1408 : vector<16xf32>
          %swap3A_1488 = arith.index_cast %add3A_1412 : i32 to index
          %swap3A_1489 = arith.constant 112 : index
          %swap3A_1490 = tpu.vector_load %arg10[%swap3A_1488, %swap3A_1489] {strides = array<i32>} : memref<96x128xf32, #tpu.memory_space<vmem>>, vector<1x16xf32>,
          %swap3A_1491 = vector.shape_cast %swap3A_1490 : vector<1x16xf32> to vector<16xf32>
          %swap3A_1492 = vector.shape_cast %mul3A_1487 : vector<16xf32> to vector<1x16xf32>
          tpu.vector_store %arg10[%swap3A_1488, %swap3A_1489], %swap3A_1492 {strides = array<i32>} : memref<96x128xf32, #tpu.memory_space<vmem>>, vector<1x16xf32>,
          %broadcast_in_dim3A_1493 = arith.constant 15 : i32
          %broadcast_in_dim3A_1494 = vector.broadcast %broadcast_in_dim3A_1493 : i32 to vector<16xi32>
          %reshape3A_1495 = vector.shape_cast %broadcast_in_dim3A_1494 : vector<16xi32> to vector<16x1xi32>
          %gather3A_1496 = vector.shape_cast %reshape3A_1495 : vector<16x1xi32> to vector<16xi32>
          %gather3A_1497 = tpu.dynamic_gather %get3A_160[%gather3A_1496] in [0] : vector<16xf32>, vector<16xi32> -> vector<16xf32>
          %mul3A_1498 = arith.constant 16 : i32
          %mul3A_1499 = arith.muli %add3A_154, %mul3A_1498 : i32
          %add3A_1500 = arith.constant 15 : i32
          %add3A_1501 = arith.addi %mul3A_1499, %add3A_1500 : i32
          %get3A_1502 = arith.index_cast %add3A_1501 : i32 to index
          %get3A_1503 = arith.constant 0 : index
          %get3A_1504 = tpu.vector_load %arg10[%get3A_1502, %get3A_1503] {strides = array<i32>} : memref<96x128xf32, #tpu.memory_space<vmem>>, vector<1x16xf32>,
          %get3A_1505 = vector.shape_cast %get3A_1504 : vector<1x16xf32> to vector<16xf32>
          %mul3A_1506 = arith.mulf %get3A_1505, %gather3A_1497 : vector<16xf32>
          %swap3A_1507 = arith.index_cast %add3A_1501 : i32 to index
          %swap3A_1508 = arith.constant 0 : index
          %swap3A_1509 = tpu.vector_load %arg10[%swap3A_1507, %swap3A_1508] {strides = array<i32>} : memref<96x128xf32, #tpu.memory_space<vmem>>, vector<1x16xf32>,
          %swap3A_1510 = vector.shape_cast %swap3A_1509 : vector<1x16xf32> to vector<16xf32>
          %swap3A_1511 = vector.shape_cast %mul3A_1506 : vector<16xf32> to vector<1x16xf32>
          tpu.vector_store %arg10[%swap3A_1507, %swap3A_1508], %swap3A_1511 {strides = array<i32>} : memref<96x128xf32, #tpu.memory_space<vmem>>, vector<1x16xf32>,
          %get3A_1512 = arith.index_cast %add3A_1501 : i32 to index
          %get3A_1513 = arith.constant 16 : index
          %get3A_1514 = tpu.vector_load %arg10[%get3A_1512, %get3A_1513] {strides = array<i32>} : memref<96x128xf32, #tpu.memory_space<vmem>>, vector<1x16xf32>,
          %get3A_1515 = vector.shape_cast %get3A_1514 : vector<1x16xf32> to vector<16xf32>
          %mul3A_1516 = arith.mulf %get3A_1515, %gather3A_1497 : vector<16xf32>
          %swap3A_1517 = arith.index_cast %add3A_1501 : i32 to index
          %swap3A_1518 = arith.constant 16 : index
          %swap3A_1519 = tpu.vector_load %arg10[%swap3A_1517, %swap3A_1518] {strides = array<i32>} : memref<96x128xf32, #tpu.memory_space<vmem>>, vector<1x16xf32>,
          %swap3A_1520 = vector.shape_cast %swap3A_1519 : vector<1x16xf32> to vector<16xf32>
          %swap3A_1521 = vector.shape_cast %mul3A_1516 : vector<16xf32> to vector<1x16xf32>
          tpu.vector_store %arg10[%swap3A_1517, %swap3A_1518], %swap3A_1521 {strides = array<i32>} : memref<96x128xf32, #tpu.memory_space<vmem>>, vector<1x16xf32>,
          %get3A_1522 = arith.index_cast %add3A_1501 : i32 to index
          %get3A_1523 = arith.constant 32 : index
          %get3A_1524 = tpu.vector_load %arg10[%get3A_1522, %get3A_1523] {strides = array<i32>} : memref<96x128xf32, #tpu.memory_space<vmem>>, vector<1x16xf32>,
          %get3A_1525 = vector.shape_cast %get3A_1524 : vector<1x16xf32> to vector<16xf32>
          %mul3A_1526 = arith.mulf %get3A_1525, %gather3A_1497 : vector<16xf32>
          %swap3A_1527 = arith.index_cast %add3A_1501 : i32 to index
          %swap3A_1528 = arith.constant 32 : index
          %swap3A_1529 = tpu.vector_load %arg10[%swap3A_1527, %swap3A_1528] {strides = array<i32>} : memref<96x128xf32, #tpu.memory_space<vmem>>, vector<1x16xf32>,
          %swap3A_1530 = vector.shape_cast %swap3A_1529 : vector<1x16xf32> to vector<16xf32>
          %swap3A_1531 = vector.shape_cast %mul3A_1526 : vector<16xf32> to vector<1x16xf32>
          tpu.vector_store %arg10[%swap3A_1527, %swap3A_1528], %swap3A_1531 {strides = array<i32>} : memref<96x128xf32, #tpu.memory_space<vmem>>, vector<1x16xf32>,
          %get3A_1532 = arith.index_cast %add3A_1501 : i32 to index
          %get3A_1533 = arith.constant 48 : index
          %get3A_1534 = tpu.vector_load %arg10[%get3A_1532, %get3A_1533] {strides = array<i32>} : memref<96x128xf32, #tpu.memory_space<vmem>>, vector<1x16xf32>,
          %get3A_1535 = vector.shape_cast %get3A_1534 : vector<1x16xf32> to vector<16xf32>
          %mul3A_1536 = arith.mulf %get3A_1535, %gather3A_1497 : vector<16xf32>
          %swap3A_1537 = arith.index_cast %add3A_1501 : i32 to index
          %swap3A_1538 = arith.constant 48 : index
          %swap3A_1539 = tpu.vector_load %arg10[%swap3A_1537, %swap3A_1538] {strides = array<i32>} : memref<96x128xf32, #tpu.memory_space<vmem>>, vector<1x16xf32>,
          %swap3A_1540 = vector.shape_cast %swap3A_1539 : vector<1x16xf32> to vector<16xf32>
          %swap3A_1541 = vector.shape_cast %mul3A_1536 : vector<16xf32> to vector<1x16xf32>
          tpu.vector_store %arg10[%swap3A_1537, %swap3A_1538], %swap3A_1541 {strides = array<i32>} : memref<96x128xf32, #tpu.memory_space<vmem>>, vector<1x16xf32>,
          %get3A_1542 = arith.index_cast %add3A_1501 : i32 to index
          %get3A_1543 = arith.constant 64 : index
          %get3A_1544 = tpu.vector_load %arg10[%get3A_1542, %get3A_1543] {strides = array<i32>} : memref<96x128xf32, #tpu.memory_space<vmem>>, vector<1x16xf32>,
          %get3A_1545 = vector.shape_cast %get3A_1544 : vector<1x16xf32> to vector<16xf32>
          %mul3A_1546 = arith.mulf %get3A_1545, %gather3A_1497 : vector<16xf32>
          %swap3A_1547 = arith.index_cast %add3A_1501 : i32 to index
          %swap3A_1548 = arith.constant 64 : index
          %swap3A_1549 = tpu.vector_load %arg10[%swap3A_1547, %swap3A_1548] {strides = array<i32>} : memref<96x128xf32, #tpu.memory_space<vmem>>, vector<1x16xf32>,
          %swap3A_1550 = vector.shape_cast %swap3A_1549 : vector<1x16xf32> to vector<16xf32>
          %swap3A_1551 = vector.shape_cast %mul3A_1546 : vector<16xf32> to vector<1x16xf32>
          tpu.vector_store %arg10[%swap3A_1547, %swap3A_1548], %swap3A_1551 {strides = array<i32>} : memref<96x128xf32, #tpu.memory_space<vmem>>, vector<1x16xf32>,
          %get3A_1552 = arith.index_cast %add3A_1501 : i32 to index
          %get3A_1553 = arith.constant 80 : index
          %get3A_1554 = tpu.vector_load %arg10[%get3A_1552, %get3A_1553] {strides = array<i32>} : memref<96x128xf32, #tpu.memory_space<vmem>>, vector<1x16xf32>,
          %get3A_1555 = vector.shape_cast %get3A_1554 : vector<1x16xf32> to vector<16xf32>
          %mul3A_1556 = arith.mulf %get3A_1555, %gather3A_1497 : vector<16xf32>
          %swap3A_1557 = arith.index_cast %add3A_1501 : i32 to index
          %swap3A_1558 = arith.constant 80 : index
          %swap3A_1559 = tpu.vector_load %arg10[%swap3A_1557, %swap3A_1558] {strides = array<i32>} : memref<96x128xf32, #tpu.memory_space<vmem>>, vector<1x16xf32>,
          %swap3A_1560 = vector.shape_cast %swap3A_1559 : vector<1x16xf32> to vector<16xf32>
          %swap3A_1561 = vector.shape_cast %mul3A_1556 : vector<16xf32> to vector<1x16xf32>
          tpu.vector_store %arg10[%swap3A_1557, %swap3A_1558], %swap3A_1561 {strides = array<i32>} : memref<96x128xf32, #tpu.memory_space<vmem>>, vector<1x16xf32>,
          %get3A_1562 = arith.index_cast %add3A_1501 : i32 to index
          %get3A_1563 = arith.constant 96 : index
          %get3A_1564 = tpu.vector_load %arg10[%get3A_1562, %get3A_1563] {strides = array<i32>} : memref<96x128xf32, #tpu.memory_space<vmem>>, vector<1x16xf32>,
          %get3A_1565 = vector.shape_cast %get3A_1564 : vector<1x16xf32> to vector<16xf32>
          %mul3A_1566 = arith.mulf %get3A_1565, %gather3A_1497 : vector<16xf32>
          %swap3A_1567 = arith.index_cast %add3A_1501 : i32 to index
          %swap3A_1568 = arith.constant 96 : index
          %swap3A_1569 = tpu.vector_load %arg10[%swap3A_1567, %swap3A_1568] {strides = array<i32>} : memref<96x128xf32, #tpu.memory_space<vmem>>, vector<1x16xf32>,
          %swap3A_1570 = vector.shape_cast %swap3A_1569 : vector<1x16xf32> to vector<16xf32>
          %swap3A_1571 = vector.shape_cast %mul3A_1566 : vector<16xf32> to vector<1x16xf32>
          tpu.vector_store %arg10[%swap3A_1567, %swap3A_1568], %swap3A_1571 {strides = array<i32>} : memref<96x128xf32, #tpu.memory_space<vmem>>, vector<1x16xf32>,
          %get3A_1572 = arith.index_cast %add3A_1501 : i32 to index
          %get3A_1573 = arith.constant 112 : index
          %get3A_1574 = tpu.vector_load %arg10[%get3A_1572, %get3A_1573] {strides = array<i32>} : memref<96x128xf32, #tpu.memory_space<vmem>>, vector<1x16xf32>,
          %get3A_1575 = vector.shape_cast %get3A_1574 : vector<1x16xf32> to vector<16xf32>
          %mul3A_1576 = arith.mulf %get3A_1575, %gather3A_1497 : vector<16xf32>
          %swap3A_1577 = arith.index_cast %add3A_1501 : i32 to index
          %swap3A_1578 = arith.constant 112 : index
          %swap3A_1579 = tpu.vector_load %arg10[%swap3A_1577, %swap3A_1578] {strides = array<i32>} : memref<96x128xf32, #tpu.memory_space<vmem>>, vector<1x16xf32>,
          %swap3A_1580 = vector.shape_cast %swap3A_1579 : vector<1x16xf32> to vector<16xf32>
          %swap3A_1581 = vector.shape_cast %mul3A_1576 : vector<16xf32> to vector<1x16xf32>
          tpu.vector_store %arg10[%swap3A_1577, %swap3A_1578], %swap3A_1581 {strides = array<i32>} : memref<96x128xf32, #tpu.memory_space<vmem>>, vector<1x16xf32>,
        }
        %scan3A_149 = arith.constant 6 : i32
        "tpu.region"() ({
          %run_scoped3A = tpu.sem_alloc : memref<!tpu.dma_semaphore, #tpu.memory_space<semaphore_mem>>
          %dma_start3A = arith.constant 0 : i32
          %dma_start3A_150 = arith.constant 0 : i32
          %dma_start3A_151 = tpu.memref_slice %arg9[%dma_start3A, %dma_start3A_150] : memref<10240x128xf32, #tpu.memory_space<vmem_shared>> -> memref<10240x128xf32, #tpu.memory_space<vmem_shared>>
          tpu.enqueue_indirect_dma source(%arg10 : memref<96x128xf32, #tpu.memory_space<vmem>>) target(%dma_start3A_151 : memref<10240x128xf32, #tpu.memory_space<vmem_shared>>) offsets(%arg15 : memref<96xi32, #tpu.memory_space<vmem>>) semaphore(%run_scoped3A : memref<!tpu.dma_semaphore, #tpu.memory_space<semaphore_mem>>) {add = true}
          %dma_wait3A = arith.constant 0 : i32
          %dma_wait3A_152 = arith.constant 0 : i32
          %dma_wait3A_153 = tpu.memref_slice %arg9[%dma_wait3A, %dma_wait3A_152] : memref<10240x128xf32, #tpu.memory_space<vmem_shared>> -> memref<10240x128xf32, #tpu.memory_space<vmem_shared>>
          tpu.wait_indirect_dma semaphore(%run_scoped3A : memref<!tpu.dma_semaphore, #tpu.memory_space<semaphore_mem>>) src(%arg10 : memref<96x128xf32, #tpu.memory_space<vmem>>) dst(%dma_wait3A_153 : memref<10240x128xf32, #tpu.memory_space<vmem_shared>>)
          tpu.yield
        }) : () -> ()
      }
      %scan3A_25 = arith.constant 106 : i32
      %barrier3A_26 = arith.constant 0 : index
      tpu.barrier barrier_id(%barrier3A_26)
      %scan3A_27 = arith.constant 0 : i32
      %scan3A_28 = arith.constant 5 : i32
      %scan3A_29 = arith.addi %scan3A_27, %scan3A_28 : i32
      %scan3A_30 = arith.constant 1 : i32
      scf.for %scan3A_32 = %scan3A_27 to %scan3A_29 step %scan3A_30  : i32 {
        %mul3A_33 = arith.constant 1 : i32
        %mul3A_34 = arith.muli %scan3A_32, %mul3A_33 : i32
        %add3A_35 = arith.constant 0 : i32
        %add3A_36 = arith.addi %add3A_35, %mul3A_34 : i32
        %mul3A_37 = arith.constant 640 : i32
        %mul3A_38 = arith.muli %arg1, %mul3A_37 : i32
        %mul3A_39 = arith.constant 128 : i32
        %mul3A_40 = arith.muli %add3A_36, %mul3A_39 : i32
        %add3A_41 = arith.addi %mul3A_38, %mul3A_40 : i32
        "tpu.region"() ({
          %run_scoped3A = tpu.sem_alloc : memref<!tpu.dma_semaphore, #tpu.memory_space<semaphore_mem>>
          %dma_start3A = arith.constant 0 : i32
          %dma_start3A_42 = tpu.memref_slice %arg8[%add3A_41, %dma_start3A] : memref<10240x128xf32, #tpu.memory_space<hbm>> -> memref<128x128xf32, #tpu.memory_space<hbm>>
          %dma_start3A_43 = arith.constant 0 : i32
          %dma_start3A_44 = tpu.memref_slice %arg9[%add3A_41, %dma_start3A_43] : memref<10240x128xf32, #tpu.memory_space<vmem_shared>> -> memref<128x128xf32, #tpu.memory_space<vmem_shared>>
          tpu.enqueue_dma source(%dma_start3A_44 : memref<128x128xf32, #tpu.memory_space<vmem_shared>>) target(%dma_start3A_42 : memref<128x128xf32, #tpu.memory_space<hbm>>) target_semaphore(%run_scoped3A : memref<!tpu.dma_semaphore, #tpu.memory_space<semaphore_mem>>)
          %dma_wait3A = arith.constant 0 : i32
          %dma_wait3A_45 = tpu.memref_slice %arg8[%add3A_41, %dma_wait3A] : memref<10240x128xf32, #tpu.memory_space<hbm>> -> memref<128x128xf32, #tpu.memory_space<hbm>>
          %dma_wait3A_46 = arith.constant 0 : i32
          %dma_wait3A_47 = tpu.memref_slice %arg9[%add3A_41, %dma_wait3A_46] : memref<10240x128xf32, #tpu.memory_space<vmem_shared>> -> memref<128x128xf32, #tpu.memory_space<vmem_shared>>
          tpu.wait_dma2 semaphore(%run_scoped3A : memref<!tpu.dma_semaphore, #tpu.memory_space<semaphore_mem>>) src(%dma_wait3A_47 : memref<128x128xf32, #tpu.memory_space<vmem_shared>>) dst(%dma_wait3A_45 : memref<128x128xf32, #tpu.memory_space<hbm>>)
          tpu.yield
        }) : () -> ()
      }
      %scan3A_31 = arith.constant 5 : i32
    } else {
    }
    return
  }
}

module attributes {stable_mosaic.version = 14 : i64} {
  func.func @_tc_linear_body(%arg0: i32, %arg1: memref<1024x256xf32, #tpu.memory_space<vmem>>, %arg2: memref<256x256xf32, #tpu.memory_space<vmem>>, %arg3: memref<1x256xf32, #tpu.memory_space<vmem>>, %arg4: memref<2x1024x128xf32, #tpu.memory_space<vmem>>, %arg5: memref<1024x128xf32, #tpu.memory_space<vmem>>, %arg6: memref<1024x128xf32, #tpu.memory_space<vmem>>) attributes {dimension_semantics = [#tpu.dimension_semantics<arbitrary>], iteration_bounds = array<i64: 10>, scalar_prefetch = 0 : i64, scratch_operands = 0 : i64, tpu.core_type = #tpu.core_type<tc>, window_params = [{transform_indices = @transform_0, window_bounds = array<i64: 1024, 256>}, {pipeline_mode = #tpu.pipeline_mode<synchronous>, transform_indices = @transform_1, window_bounds = array<i64: 256, 256>}, {pipeline_mode = #tpu.pipeline_mode<synchronous>, transform_indices = @transform_2, window_bounds = array<i64: 1, 256>}, {transform_indices = @transform_3, window_bounds = array<i64: 2, 1024, 128>}, {transform_indices = @transform_4, window_bounds = array<i64: 1024, 128>}, {transform_indices = @transform_5, window_bounds = array<i64: 1024, 128>}]} {
    %get3A = arith.constant 0 : index
    %get3A_0 = arith.constant 0 : index
    %get3A_1 = vector.load %arg1[%get3A, %get3A_0] : memref<1024x256xf32, #tpu.memory_space<vmem>>, vector<1024x256xf32>
    %get3A_2 = arith.constant 0 : index
    %get3A_3 = arith.constant 0 : index
    %get3A_4 = vector.load %arg2[%get3A_2, %get3A_3] : memref<256x256xf32, #tpu.memory_space<vmem>>, vector<256x256xf32>
    %dot_general3A = arith.constant dense<0.000000e+00> : vector<1024x256xf32>
    %dot_general3A_5 = tpu.matmul %get3A_1, %get3A_4, %dot_general3A {dimension_numbers = #tpu.dot_dimension_numbers<[1], [0], [0], [1], [0, 0, 1, 1], [], []>, transpose_lhs_hint = false} : vector<1024x256xf32>, vector<256x256xf32>, vector<1024x256xf32> -> vector<1024x256xf32>
    %get3A_6 = arith.constant 0 : index
    %get3A_7 = arith.constant 0 : index
    %get3A_8 = vector.load %arg3[%get3A_6, %get3A_7] : memref<1x256xf32, #tpu.memory_space<vmem>>, vector<1x256xf32>
    %add3A = vector.broadcast %get3A_8 : vector<1x256xf32> to vector<1024x256xf32>
    %add3A_9 = arith.addf %dot_general3A_5, %add3A : vector<1024x256xf32>
    %get3A_10 = arith.constant 0 : index
    %get3A_11 = arith.constant 0 : index
    %get3A_12 = arith.constant 0 : index
    %get3A_13 = vector.load %arg4[%get3A_10, %get3A_11, %get3A_12] : memref<2x1024x128xf32, #tpu.memory_space<vmem>>, vector<2x1024x128xf32>
    %slice3A = vector.extract_strided_slice %get3A_13 {offsets = [0, 0, 0], sizes = [1, 1024, 1], strides = [1, 1, 1]} : vector<2x1024x128xf32> to vector<1x1024x1xf32>
    %squeeze3A = vector.shape_cast %slice3A : vector<1x1024x1xf32> to vector<1024xf32>
    %slice3A_14 = vector.extract_strided_slice %get3A_13 {offsets = [1, 0, 0], sizes = [1, 1024, 1], strides = [1, 1, 1]} : vector<2x1024x128xf32> to vector<1x1024x1xf32>
    %squeeze3A_15 = vector.shape_cast %slice3A_14 : vector<1x1024x1xf32> to vector<1024xf32>
    %add3A_16 = arith.addf %squeeze3A, %squeeze3A_15 : vector<1024xf32>
    %max3A = arith.constant 1.000000e+00 : f32
    %max3A_17 = vector.broadcast %max3A : f32 to vector<1024xf32>
    %max3A_18 = arith.maximumf %add3A_16, %max3A_17 : vector<1024xf32>
    %rsqrt3A = math.rsqrt %max3A_18 : vector<1024xf32>
    %broadcast_in_dim3A = vector.shape_cast %rsqrt3A : vector<1024xf32> to vector<1024x1xf32>
    %mul3A = vector.broadcast %broadcast_in_dim3A : vector<1024x1xf32> to vector<1024x256xf32>
    %mul3A_19 = arith.mulf %add3A_9, %mul3A : vector<1024x256xf32>
    %slice3A_20 = vector.extract_strided_slice %mul3A_19 {offsets = [0, 0], sizes = [1024, 128], strides = [1, 1]} : vector<1024x256xf32> to vector<1024x128xf32>
    %swap3A = arith.constant 0 : index
    %swap3A_21 = arith.constant 0 : index
    %swap3A_22 = vector.load %arg5[%swap3A, %swap3A_21] : memref<1024x128xf32, #tpu.memory_space<vmem>>, vector<1024x128xf32>
    tpu.vector_store %arg5[%swap3A, %swap3A_21], %slice3A_20 {strides = array<i32>} : memref<1024x128xf32, #tpu.memory_space<vmem>>, vector<1024x128xf32>,
    %slice3A_23 = vector.extract_strided_slice %mul3A_19 {offsets = [0, 128], sizes = [1024, 128], strides = [1, 1]} : vector<1024x256xf32> to vector<1024x128xf32>
    %swap3A_24 = arith.constant 0 : index
    %swap3A_25 = arith.constant 0 : index
    %swap3A_26 = vector.load %arg6[%swap3A_24, %swap3A_25] : memref<1024x128xf32, #tpu.memory_space<vmem>>, vector<1024x128xf32>
    tpu.vector_store %arg6[%swap3A_24, %swap3A_25], %slice3A_23 {strides = array<i32>} : memref<1024x128xf32, #tpu.memory_space<vmem>>, vector<1024x128xf32>,
    return
  }
  func.func @transform_0(%arg0: i32) -> (i32, i32) {
    %c0_i32 = arith.constant 0 : i32
    %c0_i32_0 = arith.constant 0 : i32
    return %arg0, %c0_i32 : i32, i32
  }
  func.func @transform_1(%arg0: i32) -> (i32, i32) {
    %c0_i32 = arith.constant 0 : i32
    %c0_i32_0 = arith.constant 0 : i32
    %c0_i32_1 = arith.constant 0 : i32
    return %c0_i32, %c0_i32_0 : i32, i32
  }
  func.func @transform_2(%arg0: i32) -> (i32, i32) {
    %c0_i32 = arith.constant 0 : i32
    %c0_i32_0 = arith.constant 0 : i32
    %c0_i32_1 = arith.constant 0 : i32
    return %c0_i32, %c0_i32_0 : i32, i32
  }
  func.func @transform_3(%arg0: i32) -> (i32, i32, i32) {
    %c0_i32 = arith.constant 0 : i32
    %c0_i32_0 = arith.constant 0 : i32
    %c0_i32_1 = arith.constant 0 : i32
    return %c0_i32, %arg0, %c0_i32_0 : i32, i32, i32
  }
  func.func @transform_4(%arg0: i32) -> (i32, i32) {
    %c0_i32 = arith.constant 0 : i32
    %c0_i32_0 = arith.constant 0 : i32
    return %arg0, %c0_i32 : i32, i32
  }
  func.func @transform_5(%arg0: i32) -> (i32, i32) {
    %c0_i32 = arith.constant 0 : i32
    %c0_i32_0 = arith.constant 0 : i32
    return %arg0, %c0_i32 : i32, i32
  }
}

module attributes {stable_mosaic.version = 14 : i64} {
  func.func @_tc_post_body(%arg0: i32, %arg1: memref<1024x128xf32, #tpu.memory_space<vmem>>, %arg2: memref<1024x128xf32, #tpu.memory_space<vmem>>, %arg3: memref<2x1024x128xf32, #tpu.memory_space<vmem>>, %arg4: memref<1024x256xf32, #tpu.memory_space<vmem>>) attributes {dimension_semantics = [#tpu.dimension_semantics<arbitrary>], iteration_bounds = array<i64: 10>, scalar_prefetch = 0 : i64, scratch_operands = 0 : i64, tpu.core_type = #tpu.core_type<tc>, window_params = [{transform_indices = @transform_0, window_bounds = array<i64: 1024, 128>}, {transform_indices = @transform_1, window_bounds = array<i64: 1024, 128>}, {transform_indices = @transform_2, window_bounds = array<i64: 2, 1024, 128>}, {transform_indices = @transform_3, window_bounds = array<i64: 1024, 256>}]} {
    %get3A = arith.constant 0 : index
    %get3A_0 = arith.constant 0 : index
    %get3A_1 = arith.constant 0 : index
    %get3A_2 = vector.load %arg3[%get3A, %get3A_0, %get3A_1] : memref<2x1024x128xf32, #tpu.memory_space<vmem>>, vector<2x1024x128xf32>
    %slice3A = vector.extract_strided_slice %get3A_2 {offsets = [0, 0, 0], sizes = [1, 1024, 1], strides = [1, 1, 1]} : vector<2x1024x128xf32> to vector<1x1024x1xf32>
    %squeeze3A = vector.shape_cast %slice3A : vector<1x1024x1xf32> to vector<1024xf32>
    %slice3A_3 = vector.extract_strided_slice %get3A_2 {offsets = [1, 0, 0], sizes = [1, 1024, 1], strides = [1, 1, 1]} : vector<2x1024x128xf32> to vector<1x1024x1xf32>
    %squeeze3A_4 = vector.shape_cast %slice3A_3 : vector<1x1024x1xf32> to vector<1024xf32>
    %add3A = arith.addf %squeeze3A, %squeeze3A_4 : vector<1024xf32>
    %max3A = arith.constant 1.000000e+00 : f32
    %max3A_5 = vector.broadcast %max3A : f32 to vector<1024xf32>
    %max3A_6 = arith.maximumf %add3A, %max3A_5 : vector<1024xf32>
    %rsqrt3A = math.rsqrt %max3A_6 : vector<1024xf32>
    %broadcast_in_dim3A = vector.shape_cast %rsqrt3A : vector<1024xf32> to vector<1024x1xf32>
    %get3A_7 = arith.constant 0 : index
    %get3A_8 = arith.constant 0 : index
    %get3A_9 = vector.load %arg1[%get3A_7, %get3A_8] : memref<1024x128xf32, #tpu.memory_space<vmem>>, vector<1024x128xf32>
    %mul3A = vector.broadcast %broadcast_in_dim3A : vector<1024x1xf32> to vector<1024x128xf32>
    %mul3A_10 = arith.mulf %get3A_9, %mul3A : vector<1024x128xf32>
    %get3A_11 = arith.constant 0 : index
    %get3A_12 = arith.constant 0 : index
    %get3A_13 = vector.load %arg2[%get3A_11, %get3A_12] : memref<1024x128xf32, #tpu.memory_space<vmem>>, vector<1024x128xf32>
    %mul3A_14 = vector.broadcast %broadcast_in_dim3A : vector<1024x1xf32> to vector<1024x128xf32>
    %mul3A_15 = arith.mulf %get3A_13, %mul3A_14 : vector<1024x128xf32>
    %concatenate3A = tpu.concatenate %mul3A_10, %mul3A_15 in 1 : vector<1024x128xf32>, vector<1024x128xf32> -> vector<1024x256xf32>
    %swap3A = arith.constant 0 : index
    %swap3A_16 = arith.constant 0 : index
    %swap3A_17 = vector.load %arg4[%swap3A, %swap3A_16] : memref<1024x256xf32, #tpu.memory_space<vmem>>, vector<1024x256xf32>
    tpu.vector_store %arg4[%swap3A, %swap3A_16], %concatenate3A {strides = array<i32>} : memref<1024x256xf32, #tpu.memory_space<vmem>>, vector<1024x256xf32>,
    return
  }
  func.func @transform_0(%arg0: i32) -> (i32, i32) {
    %c0_i32 = arith.constant 0 : i32
    %c0_i32_0 = arith.constant 0 : i32
    return %arg0, %c0_i32 : i32, i32
  }
  func.func @transform_1(%arg0: i32) -> (i32, i32) {
    %c0_i32 = arith.constant 0 : i32
    %c0_i32_0 = arith.constant 0 : i32
    return %arg0, %c0_i32 : i32, i32
  }
  func.func @transform_2(%arg0: i32) -> (i32, i32, i32) {
    %c0_i32 = arith.constant 0 : i32
    %c0_i32_0 = arith.constant 0 : i32
    %c0_i32_1 = arith.constant 0 : i32
    return %c0_i32, %arg0, %c0_i32_0 : i32, i32, i32
  }
  func.func @transform_3(%arg0: i32) -> (i32, i32) {
    %c0_i32 = arith.constant 0 : i32
    %c0_i32_0 = arith.constant 0 : i32
    return %arg0, %c0_i32 : i32, i32
  }
}

</mosaic_0001>

<sc_bundles>
// kernel: kernel.6.cloned.1.call-start
scs
__scs_entry_jumppad:
0x0: {  	(pc) =	sbr.rel $0x88, $3  }
0x1: {  	(tag) =	ssettag $0x0;
	lr =	simm.s32 $0x1  }
0x2: {  	[smem:$0x3F9C] =	sst lr;
	_ =	strace $0xD0000000  }
0x3: {  	_ = 	snop  }
0x4: {  	_ = 	snop  }
0x5: {  	_ = 	snop  }
0x6: {  	_ = 	snop  }
0x7: {  	_ = 	snop  }
__scs_overlays_trampoline_lowered:
0x8: {  	[smem:$0x3FAB] =	sst s0  }
0x9: {  	[smem:$0x3FAC] =	sst s1  }
0xa: {  	[smem:$0x3FAD] =	sst s2  }
0xb: {  	[smem:$0x3FAE] =	sst s3  }
0xc: {  	[smem:$0x3FAF] =	sst s4  }
0xd: {  	[smem:$0x3FB0] =	sst s5  }
0xe: {  	[smem:$0x3FB1] =	sst s6  }
0xf: {  	[smem:$0x3FB2] =	sst s7  }
0x10: {  	[smem:$0x3FB3] =	sst s8  }
0x11: {  	[smem:$0x3FB4] =	sst s9;
	s0 =	simm.s32 @!p0 $0x0  }
0x12: {  	s1 =	sld [smem:$0x3F9A];
	s0 =	simm.s32 @p0 $0x1  }
0x13: {  	[smem:$0x3FB5] =	sst s0;
	s0 =	simm.s32 @!p1 $0x0  }
0x14: {  	s2 =	sld [smem:$0x3F99];
	s0 =	simm.s32 @p1 $0x1  }
0x15: {  	[smem:$0x3FB6] =	sst s0;
	s0 =	simm.s32 @!p2 $0x0  }
0x16: {  	s3 =	sld [smem:$0x3FDB];
	s0 =	simm.s32 @p2 $0x1  }
0x17: {  	s4 =	simm.s32 $0x1BF5;
	[smem:$0x3FB8] =	sst s0  }
0x18: {  	s0 =	sld [smem:$0x3F9B];
	_ =	swait.ge [sflag:s4], $0x0  }
0x19: {  	s7 =	sld [smem:$0x3F9C]  }
0x1a: {  	s8 =	sadd.s32 $0xFFFFE003, lr  }
0x1b: {  	s9 =	sadd.s32 $0xFFFFFEF7, lr;
	s5 =	simm.s32 $0xFFFFFFFF;
	p2 =	slt.u32 s8, $0xFFFFF086  }
0x1c: {  	p1 =	slt.u32 s9, $0xF7A;
	s5 =	simm.s32 @!p2 $0x0  }
0x1d: {  	s5 =	simm.s32 @p1 $0x1;
	p0 =	seq.s32 s7, s2  }
0x1e: {  	s7 =	smul.u32 @!p0 $0xF7A, s2;
	p2 =	seq.s32 @!p0 s5, $0x0  }
0x1f: {  	s9 =	smul.u32 $0xF7A, s1;
	s8 =	simm.s32 @!p0 $0x1BF5;
	p2 =	por !p2, p0  }
0x20: {  	[sflag:s8] =	ssyncset.s32 @!p0 $0xFFFFF086;
	s6 =	sadd.s32 @!p0 s3, s7;
	s7 =	simm.s32 @!p0 $0x108  }
0x21: {  	s3 =	sadd.s32 s3, s9;
	s6 =	sadd.s32 @!p0 $0x88, s6;
	s7 =	simm.s32 @p2 $0x1082  }
0x22: {  	[simem:s7], [sflag:s8] =	dma.local @!p0 [hbm:s6], $0xF7A  }
0x23: {  	s9 =	sor.u32 $0xD0000000, s2;
	s6 =	simm.s32 $0x108;
	_ =	swait.ge @!p0 [sflag:s8], $0x0  }
0x24: {  	s3 =	sadd.s32 $0x88, s3;
	s6 =	simm.s32 @!p1 $0x1082;
	[sflag:s4] =	ssyncset.s32 $0xFFFFF086  }
0x25: {  	[simem:s6], [sflag:s4] =	dma.local [hbm:s3], $0xF7A  }
0x26: {  	[smem:$0x3F9C] =	sst s1;
	(tag) =	ssettag s2;
	_ =	strace s9  }
0x27: {  	s1 =	sld [smem:$0x3FAC]  }
0x28: {  	s2 =	sld [smem:$0x3FAD]  }
0x29: {  	s4 =	sld [smem:$0x3FAF]  }
0x2a: {  	p0 =	seq.s32 s5, $0x0;
	s5 =	sld [smem:$0x3FB0]  }
0x2b: {  	s6 =	sld [smem:$0x3FB1]  }
0x2c: {  	s7 =	sld [smem:$0x3FB2]  }
0x2d: {  	s3 =	simm.s32 $0x108;
	s8 =	sld [smem:$0x3FB3]  }
0x2e: {  	s3 =	simm.s32 @!p0 $0x1082;
	s9 =	sld [smem:$0x3FB4]  }
0x2f: {  	lr =	sadd.s32 s0, s3;
	s0 =	sld [smem:$0x3FAB]  }
0x30: {  	s3 =	sld [smem:$0x3FAE]  }
0x31: {  	[smem:$0x3FB7] =	sst s10  }
0x32: {  	s10 =	sld [smem:$0x3FB5];
	_ =	sdelay $0x3  }
0x33: {  	p0 =	seq.s32 s10, $0x1;
	s10 =	sld [smem:$0x3FB7];
	_ =	sdelay $0x3  }
0x34: {  	[smem:$0x3FB7] =	sst s10  }
0x35: {  	s10 =	sld [smem:$0x3FB6];
	_ =	sdelay $0x3  }
0x36: {  	p1 =	seq.s32 s10, $0x1;
	s10 =	sld [smem:$0x3FB7];
	_ =	sdelay $0x3  }
0x37: {  	[smem:$0x3FB7] =	sst s10  }
0x38: {  	s10 =	sld [smem:$0x3FB8]  }
0x39: {  	_ = 	snop;
	(pc) =	sbr.ind lr, $3  }
0x3a: {  	_ = 	snop  }
0x3b: {  	_ = 	snop  }
0x3c: {  	p2 =	seq.s32 s10, $0x1;
	s10 =	sld [smem:$0x3FB7]  }
0x3d: {  	_ =	shalt  }
0x3e: {  	_ =	shalt  }
0x3f: {  	_ =	shalt  }
0x40: {  	_ =	shalt  }
0x41: {  	_ =	shalt  }
0x42: {  	_ =	shalt  }
0x43: {  	_ =	shalt  }
0x44: {  	_ =	shalt  }
0x45: {  	_ =	shalt  }
0x46: {  	_ =	shalt  }
0x47: {  	_ =	shalt  }
0x48: {  	_ =	shalt  }
0x49: {  	_ =	shalt  }
0x4a: {  	_ =	shalt  }
0x4b: {  	_ =	shalt  }
0x4c: {  	_ =	shalt  }
0x4d: {  	_ =	shalt  }
0x4e: {  	_ =	shalt  }
0x4f: {  	_ =	shalt  }
0x50: {  	_ =	shalt  }
0x51: {  	_ =	shalt  }
0x52: {  	_ =	shalt  }
0x53: {  	_ =	shalt  }
0x54: {  	_ =	shalt  }
0x55: {  	_ =	shalt  }
0x56: {  	_ =	shalt  }
0x57: {  	_ =	shalt  }
0x58: {  	_ =	shalt  }
0x59: {  	_ =	shalt  }
0x5a: {  	_ =	shalt  }
0x5b: {  	_ =	shalt  }
0x5c: {  	_ =	shalt  }
0x5d: {  	_ =	shalt  }
0x5e: {  	_ =	shalt  }
0x5f: {  	_ =	shalt  }
0x60: {  	_ =	shalt  }
0x61: {  	_ =	shalt  }
0x62: {  	_ =	shalt  }
0x63: {  	_ =	shalt  }
0x64: {  	_ =	shalt  }
0x65: {  	_ =	shalt  }
0x66: {  	_ =	shalt  }
0x67: {  	_ =	shalt  }
0x68: {  	_ =	shalt  }
0x69: {  	_ =	shalt  }
0x6a: {  	_ =	shalt  }
0x6b: {  	_ =	shalt  }
0x6c: {  	_ =	shalt  }
0x6d: {  	_ =	shalt  }
0x6e: {  	_ =	shalt  }
0x6f: {  	_ =	shalt  }
0x70: {  	_ =	shalt  }
0x71: {  	_ =	shalt  }
0x72: {  	_ =	shalt  }
0x73: {  	_ =	shalt  }
0x74: {  	_ =	shalt  }
0x75: {  	_ =	shalt  }
0x76: {  	_ =	shalt  }
0x77: {  	_ =	shalt  }
0x78: {  	_ =	shalt  }
0x79: {  	_ =	shalt  }
0x7a: {  	_ =	shalt  }
0x7b: {  	_ =	shalt  }
0x7c: {  	_ =	shalt  }
0x7d: {  	_ =	shalt  }
0x7e: {  	_ =	shalt  }
0x7f: {  	_ =	shalt  }
0x80: {  	_ =	shalt  }
0x81: {  	_ =	shalt  }
0x82: {  	_ =	shalt  }
0x83: {  	_ =	shalt  }
0x84: {  	_ =	shalt  }
0x85: {  	_ =	shalt  }
0x86: {  	_ =	shalt  }
0x87: {  	_ =	shalt  }
.Lfunc_end0:
.L_simem_size_0:
called_computation_lowered:
.L_overlay_start_0:
0x88: {  	s2 =	sld [smem:$0x3FD9]  }
0x89: {  	s3 =	sld [smem:$0x3FFE];
	_ =	sdelay $0x1  }
0x8a: {  	s1 =	srdreg.scid  }
0x8b: {  	s0 =	sand.u32 $0x1, s1  }
0x8c: {  	s17 =	sshll.u32 s0, $0xA;
	s2 =	sadd.s32 s3, s2  }
0x8d: {  	s2 =	sadd.s32 s2, s17  }
0x8e: {  	[smem:$0x3FC3] =	sst s2  }
0x8f: {  	_ = 	snop  }
0x90: {  	s2 =	sld [smem:$0x3FD0];
	(tm) =	ssettm $0x1  }
0x91: {  	s18 =	sld [smem:$0x3FFB];
	_ =	sdelay $0x3  }
0x92: {  	_ =	strace s18  }
0x93: {  	s3 =	sld [smem:$0x3FFC];
	_ =	sdelay $0x3  }
0x94: {  	_ =	strace s3  }
0x95: {  	s3 =	sld [smem:$0x3FFD];
	_ =	sdelay $0x3  }
0x96: {  	_ =	strace s3  }
0x97: {  	_ =	strace $0x8FFFFFFF  }
0x98: {  	s19 =	sld [smem:$0x3FDB];
	_ =	sdelay $0x1  }
0x99: {  	s4 =	simm.s32 $_scs_section_size  }
0x9a: {  	s5 =	simm.s32 $_size__tile_overlayer_lowered;
	s6 =	simm.s32 $_tile_overlayer_lowered  }
0x9b: {  	s22 =	simm.s32 $0x1BFF;
	s21 =	sshll.u32 s6, $0x1;
	s3 =	sadd.s32 s4, s19  }
0x9c: {  	s7 =	simm.s32 $0x0;
	s20 =	sshll.u32 s5, $0x1;
	s5 =	sadd.s32 s21, s3  }
0x9d: {  	[timem:s7], [sflag:s22] =	dma.local [hbm:s5], s20  }
0x9e: {  	_ =	swait.ge [sflag:s22], s20  }
0x9f: {  	s4 =	ssub.s32 $0x0, s20;
	[sflag:s22] =	ssyncset.done $0x0  }
0xa0: {  	[sflag:s22] =	ssyncadd.s32 s4;
	_ =	sdelay $0x1  }
0xa1: {  	s23 =	simm.s32 $0x1B8B  }
0xa2: {  	_ =	swait.ge [sflag:s23], $0x1  }
0xa3: {  	[sflag:s23] =	ssyncset.done $0x0  }
0xa4: {  	s25 =	simm.s32 $0x1B8E;
	s24 =	sld [smem:$0x3FFE];
	[sflag:s23] =	ssyncadd.s32 $0xFFFFFFFF  }
0xa5: {  	s26 =	simm.s32 $execute0_lowered;
	[smem:$0x3FD2] =	sst s25  }
0xa6: {  	s5 =	sshll.u32 s26, $0x1;
	_ =	strace $0x80000046;
	[dreg:$0x1] =	wrdreg $0xFFFFFFFF  }
0xa7: {  	s28 =	simm.s32 $_size_execute0_lowered;
	s3 =	sadd.s32 s3, s5;
	[dreg:$0x0] =	wrdreg $0x0  }
0xa8: {  	s5 =	sshll.u32 s28, $0x1;
	[dreg:$0x2] =	wrdreg s3  }
0xa9: {  	[dreg:$0x3] =	wrdreg s5  }
0xaa: {  	[dreg:$0x4] =	wrdreg $0xC0  }
0xab: {  	_ =	task [dreg:s7], $0x5FFFF  }
0xac: {  	[dreg:$0x1] =	wrdreg $0xFFFFFFFF  }
0xad: {  	[dreg:$0x0] =	wrdreg $0x60  }
0xae: {  	[dreg:$0x2] =	wrdreg s2  }
0xaf: {  	[dreg:$0x3] =	wrdreg s24  }
0xb0: {  	[dreg:$0x4] =	wrdreg $0x0  }
0xb1: {  	[dreg:$0x5] =	wrdreg $0x9  }
0xb2: {  	_ =	task.clear_ibuf [dreg:s7], $0x6FFFF;
	_ =	strace $0x90000046  }
0xb3: {  	s29 =	simm.s32 $0x9;
	_ =	strace $0x80000048  }
0xb4: {  	_ =	swait.ge [sflag:s29], $0x1  }
0xb5: {  	[sflag:s29] =	ssyncadd.s32 $0xFFFFFFFF  }
0xb6: {  	_ =	strace $0x90000048  }
0xb7: {  	_ =	sfence  }
0xb8: {  	s30 =	sld [smem:$0x0];
	_ =	sdelay $0x2  }
0xb9: {  	s31 =	sshll.u32 s1, $0xD;
	s1 =	sshrl.u32 s1, $0x2  }
0xba: {  	s3 =	sand.u32 $0x4000, s31;
	s1 =	sadd.s32 s1, s30  }
0xbb: {  	s0 =	sor.u32 s3, s0;
	s1 =	sshll.u32 s1, $0x11  }
0xbc: {  	s0 =	sor.u32 s1, s0  }
0xbd: {  	s0 =	sadd.s32 $0x8F2B, s0  }
0xbe: {  	[sflag:s0] =	ssyncadd.remote.s32 $0x1  }
0xbf: {  	_ =	sfence.sel $0xFFFF  }
0xc0: {  	[dreg:$0x0] =	wrdreg $0xFFFFFFFF;
	(pc) =	sbr.abs _section_cstart, $3  }
0xc1: {  	[dreg:$0x1] =	wrdreg $0xFFFFFFFF  }
0xc2: {  	_ =	task.clear_ibuf [dreg:s7], $0x2FFFF;
	_ =	strace $0x9FFFFFFF  }
0xc3: {  	(tm) =	ssettm $0x7FFFFFFF  }
tec
execute0_lowered:
.L_overlay_start_1:
0x0: {  	(tag) =	ssettag $0x1  }
0x1: {  	s9 =	rddreg [dreg:$0x0]  }
0x2: {  	s4 =	rddreg [dreg:$0x1];
	s0 =	srdreg.scid  }
0x3: {  	s2 =	rddreg [dreg:$0x2];
	s1 =	stileid.u32;
	s3 =	simm.s32 $0x0  }
0x4: {  	s13 =	simm.s32 $0x1;
	s14 =	simm.s32 $0x1C000;
	s15 =	simm.s32 $0x80  }
0x5: {  	s16 =	simm.s32 $0x18000;
	s19 =	simm.s32 $0x0;
	s6 =	smul.u32 $0x2800, s1  }
0x6: {  	s7 =	sand.u32 $0x1, s0;
	s0 =	rddreg [dreg:$0x3];
	s8 =	smul.u32 $0x50000, s1  }
0x7: {  	[smem:$0x7FF] =	sst s3;
	s10 =	smul.u32 $0x500, s1;
	s17 =	sshll.u32 s1, $0x6  }
0x8: {  	s5 =	smul.u32 $0x28000, s7;
	_ =	strace $0x80000047;
	s30 =	ssub.s32 $0x2, s7  }
0x9: {  	s11 =	smul.u32 $0x280, s7;
	s17 =	sor.u32 $0x1C01, s17;
	s31 =	sshrl.u32 s30, $0x1  }
0xa: {  	s8 =	sshrl.u32 s8, $0x2;
	s12 =	sadd.s32 s10, s9;
	s5 =	sadd.s32 s6, s5  }
0xb: {  	s6 =	ssub.s32 s30, s31;
	s11 =	sadd.s32 s11, s12;
	s12 =	simm.s32 $0x14000  }
0xc: {  	s5 =	sadd.s32 s5, s4;
	s4 =	sadd.s32 s8, s2;
	s6 =	smax.u32 s6, $0x1  }
0xd: {  	v0 =	vimm.f32 $0.0e+00;
	vm0 =	vcmask $0x300;
	s5 =	sadd.s32 $0x2000, s5;
	s7 =	sadd.s32 $0x4000, s4;
	s8 =	sadd.s32 $0x8000, s4  }
0xe: {  	v1 =	vsel vm0, $0x3F800000, v0;
	s9 =	sadd.s32 $0xC000, s4;
	s10 =	sadd.s32 $0x10000, s4;
	s18 =	sshrl.u32 s4, $0x3  }
.LBB2_1:
0xf: {  	s20 =	simm.s32 $0x0;
	s21 =	simm.s32 $0x200  }
.LBB2_2:
0x10: {  	p0 =	sne.s32 s21, $0xFE00;
	[tilespmem:s20+$0x18070] =	vst v0  }
0x11: {  	[tilespmem:s20+$0x14000] =	vst v0  }
0x12: {  	[tilespmem:s20+$0x18000] =	vst v1  }
0x13: {  	[tilespmem:s20+$0x14010] =	vst v0  }
0x14: {  	[tilespmem:s20+$0x18010] =	vst v0  }
0x15: {  	[tilespmem:s20+$0x14020] =	vst v0  }
0x16: {  	[tilespmem:s20+$0x18020] =	vst v0  }
0x17: {  	[tilespmem:s20+$0x14030] =	vst v0  }
0x18: {  	[tilespmem:s20+$0x18030] =	vst v0  }
0x19: {  	[tilespmem:s20+$0x14040] =	vst v0  }
0x1a: {  	[tilespmem:s20+$0x18040] =	vst v0  }
.Ltmp0:
0x1b: {  	[tilespmem:s20+$0x14050] =	vst v0;
	(pc) =	sbr.rel @p0 .LBB2_2-.Ltmp0, $4  }
0x1c: {  	[tilespmem:s20+$0x18050] =	vst v0  }
0x1d: {  	[tilespmem:s20+$0x14060] =	vst v0  }
0x1e: {  	[tilespmem:s20+$0x18060] =	vst v0  }
0x1f: {  	[tilespmem:s20+$0x14070] =	vst v0;
	s20 =	sshra.s32 s21, $0x2;
	s21 =	sadd.s32 $0x200, s21  }
0x20: {  	[tilespmem:s20+$0x18070] =	vst v0  }
0x21: {  	[tilespmem:s20+$0x14000] =	vst v0  }
0x22: {  	[tilespmem:s20+$0x18000] =	vst v1  }
0x23: {  	[tilespmem:s20+$0x14010] =	vst v0  }
0x24: {  	[tilespmem:s20+$0x18010] =	vst v0  }
0x25: {  	[tilespmem:s20+$0x14020] =	vst v0  }
0x26: {  	[tilespmem:s20+$0x18020] =	vst v0  }
0x27: {  	[tilespmem:s20+$0x14030] =	vst v0  }
0x28: {  	[tilespmem:s20+$0x18030] =	vst v0  }
0x29: {  	[tilespmem:s20+$0x14040] =	vst v0  }
0x2a: {  	[tilespmem:s20+$0x18040] =	vst v0  }
0x2b: {  	[tilespmem:s20+$0x14050] =	vst v0  }
0x2c: {  	[tilespmem:s20+$0x18050] =	vst v0  }
0x2d: {  	[tilespmem:s20+$0x14060] =	vst v0  }
0x2e: {  	[tilespmem:s20+$0x18060] =	vst v0  }
0x2f: {  	[tilespmem:s20+$0x14070] =	vst v0  }
0x30: {  	[spmem:s4] =	stream.linear.scatter [tilespmem:s12], [sflag:$0x1], $0x4000, $0x38;
	[tilespmem:$0x1C080] =	vst v63  }
0x31: {  	_ =	swait.ge [sflag:s13], $0x4000  }
0x32: {  	[sflag:s13] =	ssyncset.done $0x0  }
0x33: {  	[sflag:s13] =	ssyncadd.s32 $0xFFFFC000  }
0x34: {  	[spmem:s7] =	stream.linear.scatter [tilespmem:s12], [sflag:$0x1], $0x4000, $0x38;
	[tilespmem:$0x1C080] =	vst v63  }
0x35: {  	_ =	swait.ge [sflag:s13], $0x4000  }
0x36: {  	[sflag:s13] =	ssyncset.done $0x0  }
0x37: {  	[sflag:s13] =	ssyncadd.s32 $0xFFFFC000  }
0x38: {  	[spmem:s8] =	stream.linear.scatter [tilespmem:s12], [sflag:$0x1], $0x4000, $0x38;
	[tilespmem:$0x1C080] =	vst v63  }
0x39: {  	_ =	swait.ge [sflag:s13], $0x4000  }
0x3a: {  	[sflag:s13] =	ssyncset.done $0x0  }
0x3b: {  	[sflag:s13] =	ssyncadd.s32 $0xFFFFC000  }
0x3c: {  	[spmem:s9] =	stream.linear.scatter [tilespmem:s12], [sflag:$0x1], $0x4000, $0x38;
	[tilespmem:$0x1C080] =	vst v63  }
0x3d: {  	_ =	swait.ge [sflag:s13], $0x4000  }
0x3e: {  	[sflag:s13] =	ssyncset.done $0x0  }
0x3f: {  	[sflag:s13] =	ssyncadd.s32 $0xFFFFC000  }
0x40: {  	[spmem:s10] =	stream.linear.scatter [tilespmem:s12], [sflag:$0x1], $0x4000, $0x38;
	[tilespmem:$0x1C080] =	vst v63  }
0x41: {  	_ =	swait.ge [sflag:s13], $0x4000  }
0x42: {  	[sflag:s13] =	ssyncset.done $0x0  }
0x43: {  	[sflag:s13] =	ssyncadd.s32 $0xFFFFC000  }
0x44: {  	s31 =	sadd.s32 $0x0, s11;
	[bflag:$0x0] =	sbarrier.arrive $0xFFFF  }
0x45: {  	[tilespmem:s14], [sflag:$0x1] =	stream.linear.gather [hbm4b:s31+s3], $0x80, $0x38;
	[tilespmem:$0x1C080] =	vst v63  }
0x46: {  	_ =	swait.ge [sflag:s13], $0x80  }
0x47: {  	[sflag:s13] =	ssyncset.done $0x0  }
0x48: {  	[sflag:s13] =	ssyncadd.s32 $0xFFFFFF80  }
0x49: {  	[spmem:s2] =	stream.indirect.scatter.add.f32 [tilespmem:s16], [sflag:$0x1], $0x80, s14, s15, $0xb8;
	[tilespmem:$0x1C080] =	vst v63  }
0x4a: {  	_ =	swait.ge [sflag:s13], $0x4000  }
0x4b: {  	s20 =	simm.s32 $0x10;
	s21 =	simm.s32 $0x20;
	[sflag:s13] =	ssyncset.done $0x0  }
.LBB2_4:
0x4c: {  	s22 =	sadd.s32 s20, s11  }
0x4d: {  	[sflag:s13] =	ssyncadd.s32 $0xFFFFC000;
	s20 =	smov.u32 s21;
	s23 =	sadd.s32 $0x10, s21  }
0x4e: {  	[tilespmem:s14], [sflag:$0x1] =	stream.linear.gather [hbm4b:s22+s3], $0x80, $0x38;
	[tilespmem:$0x1C080] =	vst v63  }
0x4f: {  	p0 =	sne.s32 s21, $0x270;
	_ =	swait.ge [sflag:s13], $0x80  }
.Ltmp1:
0x50: {  	[sflag:s13] =	ssyncset.done $0x0;
	(pc) =	sbr.rel @p0 .LBB2_4-.Ltmp1, $4  }
0x51: {  	[sflag:s13] =	ssyncadd.s32 $0xFFFFFF80  }
0x52: {  	[spmem:s2] =	stream.indirect.scatter.add.f32 [tilespmem:s16], [sflag:$0x1], $0x80, s14, s15, $0xb8;
	[tilespmem:$0x1C080] =	vst v63  }
0x53: {  	_ =	swait.ge [sflag:s13], $0x4000  }
0x54: {  	s21 =	smov.u32 s23;
	[sflag:s13] =	ssyncset.done $0x0  }
0x55: {  	s20 =	sadd.s32 s20, s11;
	[sflag:s13] =	ssyncadd.s32 $0xFFFFC000  }
0x56: {  	[tilespmem:s14], [sflag:$0x1] =	stream.linear.gather [hbm4b:s20+s3], $0x80, $0x38;
	[tilespmem:$0x1C080] =	vst v63  }
0x57: {  	_ =	swait.ge [sflag:s13], $0x80  }
0x58: {  	[sflag:s13] =	ssyncset.done $0x0  }
0x59: {  	[sflag:s13] =	ssyncadd.s32 $0xFFFFFF80  }
0x5a: {  	[spmem:s2] =	stream.indirect.scatter.add.f32 [tilespmem:s16], [sflag:$0x1], $0x80, s14, s15, $0xb8;
	[tilespmem:$0x1C080] =	vst v63  }
0x5b: {  	_ =	swait.ge [sflag:s13], $0x4000  }
0x5c: {  	s19 =	sadd.s32 $0x1, s19;
	[sflag:s13] =	ssyncset.done $0x0  }
0x5d: {  	p0 =	sne.s32 s19, s6;
	[sflag:s13] =	ssyncadd.s32 $0xFFFFC000  }
.Ltmp2:
0x5e: {  	[bflag:$0x0] =	sbarrier.arrive $0xFFFF;
	(pc) =	sbr.rel @p0 .LBB2_1-.Ltmp2, $4  }
0x5f: {  	[hbm:s5], [sflag:s17] =	dma.local [spmem:s18], $0x2800  }
0x60: {  	_ =	swait.ge [sflag:s13], $0x2800  }
0x61: {  	[sflag:s13] =	ssyncset.done $0x0  }
0x62: {  	[sflag:s13] =	ssyncadd.s32 $0xFFFFD800  }
0x63: {  	_ =	sfence.sel $0x180000  }
0x64: {  	[bflag:$0x0] =	sbarrier.arrive $0xFFFF  }
0x65: {  	p0 =	sne.s32 s1, $0x0;
	_ =	strace $0x90000047  }
0x66: {  	s0 =	sadd.s32 @!p0 $0x100000, s0;
	[bflag:$0x2] =	sbarrier.arrive $0xFFFF  }
0x67: {  	[sflag:s0] =	ssyncadd.tile.s32 @!p0 $0x1;
	_ =	shalt  }
.Lfunc_end2:
_tile_overlayer_lowered:
.L_overlay_start_2:
0x68: {  	(tag) =	ssettag $0x2  }
0x69: {  	s0 =	rddreg [dreg:$0x0];
	s2 =	stileid.u32  }
0x6a: {  	s1 =	rddreg [dreg:$0x1];
	p0 =	sne.s32 s2, $0x0  }
0x6b: {  	s3 =	rddreg [dreg:$0x2];
	[bflag:$0x3] =	sbarrier.arrive $0xFFFF;
	s2 =	simm.s32 @!p0 $0x1C01  }
0x6c: {  	[timem:s3], [sflag:s2] =	dma.local @!p0 [hbm:s0], s1  }
0x6d: {  	s0 =	simm.s32 @!p0 $0x1  }
0x6e: {  	_ =	swait.ge @!p0 [sflag:s0], s1  }
0x6f: {  	s1 =	ssub.s32 @!p0 $0x0, s1;
	[sflag:s0] =	ssyncset.done @!p0 $0x0  }
0x70: {  	[sflag:s0] =	ssyncadd.s32 @!p0 s1  }
0x71: {  	[bflag:$0x3] =	sbarrier.arrive $0xFFFF  }
0x72: {  	_ =	shalt  }

// kernel: kernel.9.cloned.1.call-start
scs
__scs_entry_jumppad:
0x0: {  	(pc) =	sbr.rel $0x88, $3  }
0x1: {  	(tag) =	ssettag $0x0;
	lr =	simm.s32 $0x1  }
0x2: {  	[smem:$0x3F9C] =	sst lr;
	_ =	strace $0xD0000000  }
0x3: {  	_ = 	snop  }
0x4: {  	_ = 	snop  }
0x5: {  	_ = 	snop  }
0x6: {  	_ = 	snop  }
0x7: {  	_ = 	snop  }
__scs_overlays_trampoline_lowered:
0x8: {  	[smem:$0x3FAB] =	sst s0  }
0x9: {  	[smem:$0x3FAC] =	sst s1  }
0xa: {  	[smem:$0x3FAD] =	sst s2  }
0xb: {  	[smem:$0x3FAE] =	sst s3  }
0xc: {  	[smem:$0x3FAF] =	sst s4  }
0xd: {  	[smem:$0x3FB0] =	sst s5  }
0xe: {  	[smem:$0x3FB1] =	sst s6  }
0xf: {  	[smem:$0x3FB2] =	sst s7  }
0x10: {  	[smem:$0x3FB3] =	sst s8  }
0x11: {  	[smem:$0x3FB4] =	sst s9;
	s0 =	simm.s32 @!p0 $0x0  }
0x12: {  	s1 =	sld [smem:$0x3F9A];
	s0 =	simm.s32 @p0 $0x1  }
0x13: {  	[smem:$0x3FB5] =	sst s0;
	s0 =	simm.s32 @!p1 $0x0  }
0x14: {  	s2 =	sld [smem:$0x3F99];
	s0 =	simm.s32 @p1 $0x1  }
0x15: {  	[smem:$0x3FB6] =	sst s0;
	s0 =	simm.s32 @!p2 $0x0  }
0x16: {  	s3 =	sld [smem:$0x3FDB];
	s0 =	simm.s32 @p2 $0x1  }
0x17: {  	s4 =	simm.s32 $0x1BF5;
	[smem:$0x3FB8] =	sst s0  }
0x18: {  	s0 =	sld [smem:$0x3F9B];
	_ =	swait.ge [sflag:s4], $0x0  }
0x19: {  	s7 =	sld [smem:$0x3F9C]  }
0x1a: {  	s8 =	sadd.s32 $0xFFFFE003, lr  }
0x1b: {  	s9 =	sadd.s32 $0xFFFFFEF7, lr;
	s5 =	simm.s32 $0xFFFFFFFF;
	p2 =	slt.u32 s8, $0xFFFFF086  }
0x1c: {  	p1 =	slt.u32 s9, $0xF7A;
	s5 =	simm.s32 @!p2 $0x0  }
0x1d: {  	s5 =	simm.s32 @p1 $0x1;
	p0 =	seq.s32 s7, s2  }
0x1e: {  	s7 =	smul.u32 @!p0 $0xF7A, s2;
	p2 =	seq.s32 @!p0 s5, $0x0  }
0x1f: {  	s9 =	smul.u32 $0xF7A, s1;
	s8 =	simm.s32 @!p0 $0x1BF5;
	p2 =	por !p2, p0  }
0x20: {  	[sflag:s8] =	ssyncset.s32 @!p0 $0xFFFFF086;
	s6 =	sadd.s32 @!p0 s3, s7;
	s7 =	simm.s32 @!p0 $0x108  }
0x21: {  	s3 =	sadd.s32 s3, s9;
	s6 =	sadd.s32 @!p0 $0x88, s6;
	s7 =	simm.s32 @p2 $0x1082  }
0x22: {  	[simem:s7], [sflag:s8] =	dma.local @!p0 [hbm:s6], $0xF7A  }
0x23: {  	s9 =	sor.u32 $0xD0000000, s2;
	s6 =	simm.s32 $0x108;
	_ =	swait.ge @!p0 [sflag:s8], $0x0  }
0x24: {  	s3 =	sadd.s32 $0x88, s3;
	s6 =	simm.s32 @!p1 $0x1082;
	[sflag:s4] =	ssyncset.s32 $0xFFFFF086  }
0x25: {  	[simem:s6], [sflag:s4] =	dma.local [hbm:s3], $0xF7A  }
0x26: {  	[smem:$0x3F9C] =	sst s1;
	(tag) =	ssettag s2;
	_ =	strace s9  }
0x27: {  	s1 =	sld [smem:$0x3FAC]  }
0x28: {  	s2 =	sld [smem:$0x3FAD]  }
0x29: {  	s4 =	sld [smem:$0x3FAF]  }
0x2a: {  	p0 =	seq.s32 s5, $0x0;
	s5 =	sld [smem:$0x3FB0]  }
0x2b: {  	s6 =	sld [smem:$0x3FB1]  }
0x2c: {  	s7 =	sld [smem:$0x3FB2]  }
0x2d: {  	s3 =	simm.s32 $0x108;
	s8 =	sld [smem:$0x3FB3]  }
0x2e: {  	s3 =	simm.s32 @!p0 $0x1082;
	s9 =	sld [smem:$0x3FB4]  }
0x2f: {  	lr =	sadd.s32 s0, s3;
	s0 =	sld [smem:$0x3FAB]  }
0x30: {  	s3 =	sld [smem:$0x3FAE]  }
0x31: {  	[smem:$0x3FB7] =	sst s10  }
0x32: {  	s10 =	sld [smem:$0x3FB5];
	_ =	sdelay $0x3  }
0x33: {  	p0 =	seq.s32 s10, $0x1;
	s10 =	sld [smem:$0x3FB7];
	_ =	sdelay $0x3  }
0x34: {  	[smem:$0x3FB7] =	sst s10  }
0x35: {  	s10 =	sld [smem:$0x3FB6];
	_ =	sdelay $0x3  }
0x36: {  	p1 =	seq.s32 s10, $0x1;
	s10 =	sld [smem:$0x3FB7];
	_ =	sdelay $0x3  }
0x37: {  	[smem:$0x3FB7] =	sst s10  }
0x38: {  	s10 =	sld [smem:$0x3FB8]  }
0x39: {  	_ = 	snop;
	(pc) =	sbr.ind lr, $3  }
0x3a: {  	_ = 	snop  }
0x3b: {  	_ = 	snop  }
0x3c: {  	p2 =	seq.s32 s10, $0x1;
	s10 =	sld [smem:$0x3FB7]  }
0x3d: {  	_ =	shalt  }
0x3e: {  	_ =	shalt  }
0x3f: {  	_ =	shalt  }
0x40: {  	_ =	shalt  }
0x41: {  	_ =	shalt  }
0x42: {  	_ =	shalt  }
0x43: {  	_ =	shalt  }
0x44: {  	_ =	shalt  }
0x45: {  	_ =	shalt  }
0x46: {  	_ =	shalt  }
0x47: {  	_ =	shalt  }
0x48: {  	_ =	shalt  }
0x49: {  	_ =	shalt  }
0x4a: {  	_ =	shalt  }
0x4b: {  	_ =	shalt  }
0x4c: {  	_ =	shalt  }
0x4d: {  	_ =	shalt  }
0x4e: {  	_ =	shalt  }
0x4f: {  	_ =	shalt  }
0x50: {  	_ =	shalt  }
0x51: {  	_ =	shalt  }
0x52: {  	_ =	shalt  }
0x53: {  	_ =	shalt  }
0x54: {  	_ =	shalt  }
0x55: {  	_ =	shalt  }
0x56: {  	_ =	shalt  }
0x57: {  	_ =	shalt  }
0x58: {  	_ =	shalt  }
0x59: {  	_ =	shalt  }
0x5a: {  	_ =	shalt  }
0x5b: {  	_ =	shalt  }
0x5c: {  	_ =	shalt  }
0x5d: {  	_ =	shalt  }
0x5e: {  	_ =	shalt  }
0x5f: {  	_ =	shalt  }
0x60: {  	_ =	shalt  }
0x61: {  	_ =	shalt  }
0x62: {  	_ =	shalt  }
0x63: {  	_ =	shalt  }
0x64: {  	_ =	shalt  }
0x65: {  	_ =	shalt  }
0x66: {  	_ =	shalt  }
0x67: {  	_ =	shalt  }
0x68: {  	_ =	shalt  }
0x69: {  	_ =	shalt  }
0x6a: {  	_ =	shalt  }
0x6b: {  	_ =	shalt  }
0x6c: {  	_ =	shalt  }
0x6d: {  	_ =	shalt  }
0x6e: {  	_ =	shalt  }
0x6f: {  	_ =	shalt  }
0x70: {  	_ =	shalt  }
0x71: {  	_ =	shalt  }
0x72: {  	_ =	shalt  }
0x73: {  	_ =	shalt  }
0x74: {  	_ =	shalt  }
0x75: {  	_ =	shalt  }
0x76: {  	_ =	shalt  }
0x77: {  	_ =	shalt  }
0x78: {  	_ =	shalt  }
0x79: {  	_ =	shalt  }
0x7a: {  	_ =	shalt  }
0x7b: {  	_ =	shalt  }
0x7c: {  	_ =	shalt  }
0x7d: {  	_ =	shalt  }
0x7e: {  	_ =	shalt  }
0x7f: {  	_ =	shalt  }
0x80: {  	_ =	shalt  }
0x81: {  	_ =	shalt  }
0x82: {  	_ =	shalt  }
0x83: {  	_ =	shalt  }
0x84: {  	_ =	shalt  }
0x85: {  	_ =	shalt  }
0x86: {  	_ =	shalt  }
0x87: {  	_ =	shalt  }
.Lfunc_end0:
.L_simem_size_0:
called_computation.1_lowered:
.L_overlay_start_0:
0x88: {  	s2 =	sld [smem:$0x3FD9]  }
0x89: {  	s3 =	sld [smem:$0x3FFE];
	_ =	sdelay $0x1  }
0x8a: {  	s1 =	srdreg.scid  }
0x8b: {  	s0 =	sand.u32 $0x1, s1  }
0x8c: {  	s17 =	sshll.u32 s0, $0xA;
	s2 =	sadd.s32 s3, s2  }
0x8d: {  	s2 =	sadd.s32 s2, s17  }
0x8e: {  	[smem:$0x3FC3] =	sst s2  }
0x8f: {  	_ = 	snop  }
0x90: {  	s2 =	sld [smem:$0x3FD0];
	(tm) =	ssettm $0x1  }
0x91: {  	s18 =	sld [smem:$0x3FFB];
	_ =	sdelay $0x3  }
0x92: {  	_ =	strace s18  }
0x93: {  	s3 =	sld [smem:$0x3FFC];
	_ =	sdelay $0x3  }
0x94: {  	_ =	strace s3  }
0x95: {  	s3 =	sld [smem:$0x3FFD];
	_ =	sdelay $0x3  }
0x96: {  	_ =	strace s3  }
0x97: {  	_ =	strace $0x8FFFFFFF  }
0x98: {  	s19 =	sld [smem:$0x3FDB];
	_ =	sdelay $0x1  }
0x99: {  	s4 =	simm.s32 $_scs_section_size  }
0x9a: {  	s5 =	simm.s32 $_size__tile_overlayer_lowered;
	s6 =	simm.s32 $_tile_overlayer_lowered  }
0x9b: {  	s22 =	simm.s32 $0x1BFF;
	s21 =	sshll.u32 s6, $0x1;
	s3 =	sadd.s32 s4, s19  }
0x9c: {  	s7 =	simm.s32 $0x0;
	s20 =	sshll.u32 s5, $0x1;
	s5 =	sadd.s32 s21, s3  }
0x9d: {  	[timem:s7], [sflag:s22] =	dma.local [hbm:s5], s20  }
0x9e: {  	_ =	swait.ge [sflag:s22], s20  }
0x9f: {  	s4 =	ssub.s32 $0x0, s20;
	[sflag:s22] =	ssyncset.done $0x0  }
0xa0: {  	[sflag:s22] =	ssyncadd.s32 s4;
	_ =	sdelay $0x1  }
0xa1: {  	s23 =	simm.s32 $0x1B8B  }
0xa2: {  	_ =	swait.ge [sflag:s23], $0x1  }
0xa3: {  	[sflag:s23] =	ssyncset.done $0x0  }
0xa4: {  	s25 =	simm.s32 $0x1B8E;
	s24 =	sld [smem:$0x3FFE];
	[sflag:s23] =	ssyncadd.s32 $0xFFFFFFFF  }
0xa5: {  	s26 =	simm.s32 $execute0_lowered;
	[smem:$0x3FD2] =	sst s25  }
0xa6: {  	s5 =	sshll.u32 s26, $0x1;
	_ =	strace $0x80000049;
	[dreg:$0x1] =	wrdreg $0xFFFFFFFF  }
0xa7: {  	s28 =	simm.s32 $_size_execute0_lowered;
	s3 =	sadd.s32 s3, s5;
	[dreg:$0x0] =	wrdreg $0x0  }
0xa8: {  	s5 =	sshll.u32 s28, $0x1;
	[dreg:$0x2] =	wrdreg s3  }
0xa9: {  	[dreg:$0x3] =	wrdreg s5  }
0xaa: {  	[dreg:$0x4] =	wrdreg $0xC0  }
0xab: {  	_ =	task [dreg:s7], $0x5FFFF  }
0xac: {  	[dreg:$0x1] =	wrdreg $0xFFFFFFFF  }
0xad: {  	[dreg:$0x0] =	wrdreg $0x60  }
0xae: {  	[dreg:$0x2] =	wrdreg s2  }
0xaf: {  	[dreg:$0x3] =	wrdreg s24  }
0xb0: {  	[dreg:$0x4] =	wrdreg $0x0  }
0xb1: {  	[dreg:$0x5] =	wrdreg $0x9  }
0xb2: {  	_ =	task.clear_ibuf [dreg:s7], $0x6FFFF;
	_ =	strace $0x90000049  }
0xb3: {  	s29 =	simm.s32 $0x9;
	_ =	strace $0x8000004B  }
0xb4: {  	_ =	swait.ge [sflag:s29], $0x1  }
0xb5: {  	[sflag:s29] =	ssyncadd.s32 $0xFFFFFFFF  }
0xb6: {  	_ =	strace $0x9000004B  }
0xb7: {  	_ =	sfence  }
0xb8: {  	s30 =	sld [smem:$0x0];
	_ =	sdelay $0x2  }
0xb9: {  	s31 =	sshll.u32 s1, $0xD;
	s1 =	sshrl.u32 s1, $0x2  }
0xba: {  	s3 =	sand.u32 $0x4000, s31;
	s1 =	sadd.s32 s1, s30  }
0xbb: {  	s0 =	sor.u32 s3, s0;
	s1 =	sshll.u32 s1, $0x11  }
0xbc: {  	s0 =	sor.u32 s1, s0  }
0xbd: {  	s0 =	sadd.s32 $0x8F2B, s0  }
0xbe: {  	[sflag:s0] =	ssyncadd.remote.s32 $0x1  }
0xbf: {  	_ =	sfence.sel $0xFFFF  }
0xc0: {  	[dreg:$0x0] =	wrdreg $0xFFFFFFFF;
	(pc) =	sbr.abs _section_cstart, $3  }
0xc1: {  	[dreg:$0x1] =	wrdreg $0xFFFFFFFF  }
0xc2: {  	_ =	task.clear_ibuf [dreg:s7], $0x2FFFF;
	_ =	strace $0x9FFFFFFF  }
0xc3: {  	(tm) =	ssettm $0x7FFFFFFF  }
tec
execute0_lowered:
.L_overlay_start_1:
0x0: {  	(tag) =	ssettag $0x1  }
0x1: {  	s1 =	rddreg [dreg:$0x0]  }
0x2: {  	s0 =	rddreg [dreg:$0x1]  }
0x3: {  	s3 =	rddreg [dreg:$0x2];
	s4 =	simm.s32 $0x0;
	s19 =	stileid.u32  }
0x4: {  	s2 =	srdreg.scid;
	s29 =	simm.s32 $0x1;
	s28 =	simm.s32 $0x60  }
0x5: {  	s30 =	simm.s32 $0x1E980;
	s31 =	simm.s32 $0x0;
	[smem:$0x7FF] =	sst s4  }
0x6: {  	s6 =	smul.u32 $0x504, s19;
	s2 =	sand.u32 $0x1, s2;
	s5 =	sadd.s32 $0x61600, s0  }
0x7: {  	s9 =	smul.u32 $0x50000, s19;
	s10 =	sadd.s32 $0x89600, s0;
	_ =	strace $0x8000004A  }
0x8: {  	s7 =	ssub.s32 $0x2, s2;
	[dreg:$0x4] =	wrdreg s10;
	p0 =	seq.s32 s2, $0x1  }
0x9: {  	s6 =	sadd.s32 s6, s0;
	s8 =	sshrl.u32 s7, $0x1;
	s0 =	sadd.s32 $0xB1600, s0  }
0xa: {  	s23 =	sshrl.u32 s9, $0x2;
	[dreg:$0x5] =	wrdreg s0;
	s21 =	ssub.s32 s7, s8  }
0xb: {  	s22 =	sadd.s32 $0x57200, s6;
	s7 =	smul.u32 $0x280, s19;
	s24 =	sadd.s32 $0x52000, s6  }
0xc: {  	s10 =	sadd.s32 $0x5C400, s6;
	s11 =	sadd.s32 s23, s3;
	s19 =	smul.u32 $0x2800, s19  }
0xd: {  	s0 =	simm.s32 $0x14000;
	s6 =	simm.s32 $0x1EA00;
	[dreg:$0x6] =	wrdreg s22  }
0xe: {  	v0 =	vimm.f32 $0.0e+00;
	v1 =	vimm.s32 $0x0;
	[dreg:$0x7] =	wrdreg s24;
	s12 =	sadd.s32 $0x12000, s11;
	s13 =	smax.u32 s21, $0x1  }
.Ltmp0:
0xf: {  	v2 =	vimm.s32 $0x1;
	v3 =	vimm.s32 $0x2;
	v4 =	vimm.s32 $0x3;
	s14 =	sadd.s32 $0x3000, s11;
	s15 =	sadd.s32 $0x6000, s11;
	(pc) =	sbr.rel .LBB2_1-.Ltmp0, $4  }
0x10: {  	v5 =	vimm.s32 $0x4;
	v6 =	vimm.s32 $0x5;
	v7 =	vimm.s32 $0x6;
	s16 =	sadd.s32 $0x9000, s11;
	s18 =	sadd.s32 $0xF000, s11;
	s25 =	sadd.s32 $0x180, s7  }
0x11: {  	v8 =	vimm.s32 $0x7;
	v9 =	vimm.s32 $0x8;
	v10 =	vimm.s32 $0x9;
	s20 =	sadd.s32 $0x80, s7;
	s22 =	sadd.s32 $0x100, s7;
	s23 =	sadd.s32 $0x200, s7  }
0x12: {  	v11 =	vimm.s32 $0xA;
	v12 =	vimm.s32 $0xB;
	v13 =	vimm.s32 $0xC;
	s26 =	sshll.u32 s25, $0x7;
	s21 =	sshll.u32 s20, $0x4;
	s24 =	sshll.u32 s22, $0x4  }
0x13: {  	v14 =	vimm.s32 $0xD;
	v15 =	vimm.s32 $0xE;
	v16 =	vimm.s32 $0xF;
	s25 =	sshll.u32 s25, $0x4;
	s17 =	sadd.s32 s26, s3;
	s26 =	sshll.u32 s23, $0x4  }
.LBB2_12:
0x14: {  	s8 =	stileid.u32  }
0x15: {  	s7 =	sadd.s32 s2, s19;
	s8 =	sshll.u32 s8, $0x6  }
0x16: {  	[bflag:$0x0] =	sbarrier.arrive $0xFFFF;
	s9 =	sshrl.u32 s11, $0x3;
	s8 =	sor.u32 $0x1C01, s8  }
0x17: {  	[hbm:s7], [sflag:s8] =	dma.local [spmem:s9], $0x800  }
0x18: {  	s9 =	sshll.u32 s20, $0x7;
	_ =	swait.ge [sflag:s29], $0x800  }
0x19: {  	s7 =	sadd.s32 s9, s3;
	[sflag:s29] =	ssyncset.done $0x0  }
0x1a: {  	s9 =	sadd.s32 s2, s21;
	s7 =	sshrl.u32 s7, $0x3;
	[sflag:s29] =	ssyncadd.s32 $0xFFFFF800  }
0x1b: {  	[hbm:s9], [sflag:s8] =	dma.local [spmem:s7], $0x800  }
0x1c: {  	s9 =	sshll.u32 s22, $0x7;
	_ =	swait.ge [sflag:s29], $0x800  }
0x1d: {  	s7 =	sadd.s32 s9, s3;
	[sflag:s29] =	ssyncset.done $0x0  }
0x1e: {  	s9 =	sadd.s32 s2, s24;
	s7 =	sshrl.u32 s7, $0x3;
	[sflag:s29] =	ssyncadd.s32 $0xFFFFF800  }
0x1f: {  	[hbm:s9], [sflag:s8] =	dma.local [spmem:s7], $0x800  }
0x20: {  	_ =	swait.ge [sflag:s29], $0x800  }
0x21: {  	s31 =	sadd.s32 $0x1, s31;
	[sflag:s29] =	ssyncset.done $0x0  }
0x22: {  	s7 =	sadd.s32 s2, s25;
	s9 =	sshrl.u32 s17, $0x3;
	[sflag:s29] =	ssyncadd.s32 $0xFFFFF800  }
0x23: {  	[hbm:s7], [sflag:s8] =	dma.local [spmem:s9], $0x800  }
0x24: {  	p1 =	sne.s32 s31, s13;
	s9 =	sshll.u32 s23, $0x7;
	_ =	swait.ge [sflag:s29], $0x800  }
0x25: {  	s7 =	sadd.s32 s9, s3;
	s9 =	sadd.s32 s2, s26;
	[sflag:s29] =	ssyncset.done $0x0  }
.Ltmp1:
0x26: {  	s7 =	sshrl.u32 s7, $0x3;
	[sflag:s29] =	ssyncadd.s32 $0xFFFFF800;
	(pc) =	sbr.rel @!p1 .LBB2_13-.Ltmp1, $4  }
0x27: {  	[hbm:s9], [sflag:s8] =	dma.local [spmem:s7], $0x800  }
0x28: {  	_ =	swait.ge [sflag:s29], $0x800  }
0x29: {  	[sflag:s29] =	ssyncset.done $0x0  }
0x2a: {  	[sflag:s29] =	ssyncadd.s32 $0xFFFFF800  }
.LBB2_1:
0x2b: {  	s2 =	rddreg [dreg:$0x6];
	s7 =	simm.s32 $0x17000  }
0x2c: {  	[tilespmem:s7], [sflag:$0x1] =	stream.linear.gather [hbm4b:s2+s4], $0x2820, $0x38;
	[tilespmem:$0x1EA80] =	vst v63  }
0x2d: {  	_ =	swait.ge [sflag:s29], $0x2820  }
0x2e: {  	[sflag:s29] =	ssyncset.done $0x0  }
0x2f: {  	s8 =	simm.s32 $0x19880;
	s7 =	rddreg [dreg:$0x7];
	[sflag:s29] =	ssyncadd.s32 $0xFFFFD7E0  }
0x30: {  	[tilespmem:s8], [sflag:$0x1] =	stream.linear.gather [hbm4b:s7+s4], $0x2820, $0x38;
	[tilespmem:$0x1EA80] =	vst v63  }
0x31: {  	_ =	swait.ge [sflag:s29], $0x2820  }
0x32: {  	[sflag:s29] =	ssyncset.done $0x0  }
0x33: {  	s9 =	simm.s32 $0x1C100;
	[sflag:s29] =	ssyncadd.s32 $0xFFFFD7E0  }
0x34: {  	[tilespmem:s9], [sflag:$0x1] =	stream.linear.gather [hbm4b:s10+s4], $0x2820, $0x38;
	[tilespmem:$0x1EA80] =	vst v63  }
0x35: {  	_ =	swait.ge [sflag:s29], $0x2820  }
0x36: {  	[sflag:s29] =	ssyncset.done $0x0  }
0x37: {  	s2 =	simm.s32 $0x0;
	s7 =	simm.s32 $0x200;
	[sflag:s29] =	ssyncadd.s32 $0xFFFFD7E0  }
.LBB2_2:
0x38: {  	p1 =	sne.s32 s7, $0xBE00;
	[tilespmem:s2+$0x14070] =	vst v0  }
0x39: {  	[tilespmem:s2+$0x14000] =	vst v0  }
0x3a: {  	[tilespmem:s2+$0x14010] =	vst v0  }
.Ltmp2:
0x3b: {  	[tilespmem:s2+$0x14020] =	vst v0;
	(pc) =	sbr.rel @p1 .LBB2_2-.Ltmp2, $4  }
0x3c: {  	[tilespmem:s2+$0x14030] =	vst v0  }
0x3d: {  	[tilespmem:s2+$0x14040] =	vst v0  }
0x3e: {  	[tilespmem:s2+$0x14050] =	vst v0  }
0x3f: {  	[tilespmem:s2+$0x14060] =	vst v0;
	s2 =	sshra.s32 s7, $0x2;
	s7 =	sadd.s32 $0x200, s7  }
0x40: {  	[tilespmem:s2+$0x14070] =	vst v0  }
0x41: {  	[tilespmem:s2+$0x14000] =	vst v0  }
0x42: {  	[tilespmem:s2+$0x14010] =	vst v0  }
0x43: {  	[tilespmem:s2+$0x14020] =	vst v0  }
0x44: {  	[tilespmem:s2+$0x14030] =	vst v0  }
0x45: {  	[tilespmem:s2+$0x14040] =	vst v0  }
0x46: {  	[tilespmem:s2+$0x14050] =	vst v0  }
0x47: {  	[tilespmem:s2+$0x14060] =	vst v0  }
0x48: {  	[spmem:s11] =	stream.linear.scatter [tilespmem:s0], [sflag:$0x1], $0x3000, $0x38;
	[tilespmem:$0x1EA80] =	vst v63  }
0x49: {  	_ =	swait.ge [sflag:s29], $0x3000  }
0x4a: {  	[sflag:s29] =	ssyncset.done $0x0  }
0x4b: {  	[sflag:s29] =	ssyncadd.s32 $0xFFFFD000  }
0x4c: {  	[spmem:s14] =	stream.linear.scatter [tilespmem:s0], [sflag:$0x1], $0x3000, $0x38;
	[tilespmem:$0x1EA80] =	vst v63  }
0x4d: {  	_ =	swait.ge [sflag:s29], $0x3000  }
0x4e: {  	[sflag:s29] =	ssyncset.done $0x0  }
0x4f: {  	[sflag:s29] =	ssyncadd.s32 $0xFFFFD000  }
0x50: {  	[spmem:s15] =	stream.linear.scatter [tilespmem:s0], [sflag:$0x1], $0x3000, $0x38;
	[tilespmem:$0x1EA80] =	vst v63  }
0x51: {  	_ =	swait.ge [sflag:s29], $0x3000  }
0x52: {  	[sflag:s29] =	ssyncset.done $0x0  }
0x53: {  	[sflag:s29] =	ssyncadd.s32 $0xFFFFD000  }
0x54: {  	[spmem:s16] =	stream.linear.scatter [tilespmem:s0], [sflag:$0x1], $0x3000, $0x38;
	[tilespmem:$0x1EA80] =	vst v63  }
0x55: {  	_ =	swait.ge [sflag:s29], $0x3000  }
0x56: {  	[sflag:s29] =	ssyncset.done $0x0  }
0x57: {  	[sflag:s29] =	ssyncadd.s32 $0xFFFFD000  }
0x58: {  	[spmem:s17] =	stream.linear.scatter [tilespmem:s0], [sflag:$0x1], $0x3000, $0x38;
	[tilespmem:$0x1EA80] =	vst v63  }
0x59: {  	_ =	swait.ge [sflag:s29], $0x3000  }
0x5a: {  	[sflag:s29] =	ssyncset.done $0x0  }
0x5b: {  	[sflag:s29] =	ssyncadd.s32 $0xFFFFD000  }
0x5c: {  	[spmem:s18] =	stream.linear.scatter [tilespmem:s0], [sflag:$0x1], $0x3000, $0x38;
	[tilespmem:$0x1EA80] =	vst v63  }
0x5d: {  	_ =	swait.ge [sflag:s29], $0x3000  }
0x5e: {  	[sflag:s29] =	ssyncset.done $0x0  }
0x5f: {  	[sflag:s29] =	ssyncadd.s32 $0xFFFFD000  }
0x60: {  	[spmem:s12] =	stream.linear.scatter [tilespmem:s0], [sflag:$0x1], $0x2000, $0x38;
	[tilespmem:$0x1EA80] =	vst v63  }
.Ltmp3:
0x61: {  	_ =	swait.ge [sflag:s29], $0x2000;
	(pc) =	sbr.rel @!p0 .LBB2_4-.Ltmp3, $4  }
0x62: {  	[sflag:s29] =	ssyncset.done $0x0  }
0x63: {  	[sflag:s29] =	ssyncadd.s32 $0xFFFFE000  }
0x64: {  	[bflag:$0x0] =	sbarrier.arrive $0xFFFF  }
0x65: {  	s7 =	simm.s32 $0x0  }
.LBB2_8:
0x66: {  	s2 =	smul.u32 $0x60, s7;
	_ =	sdelay $0x1  }
0x67: {  	v17 =	vld [tilespmem:s2+$0x17000];
	_ =	sdelay $0x4  }
0x68: {  	[tilespmem:$0x1E980] =	vst v17  }
0x69: {  	v17 =	vld [tilespmem:s2+$0x19880];
	_ =	sdelay $0x4  }
0x6a: {  	[tilespmem:$0x1EA00] =	vst v17  }
0x6b: {  	v17 =	vld [tilespmem:s2+$0x17010];
	_ =	sdelay $0x4  }
0x6c: {  	[tilespmem:$0x1E990] =	vst v17  }
0x6d: {  	v17 =	vld [tilespmem:s2+$0x19890];
	_ =	sdelay $0x4  }
0x6e: {  	[tilespmem:$0x1EA10] =	vst v17  }
0x6f: {  	v17 =	vld [tilespmem:s2+$0x17020];
	_ =	sdelay $0x4  }
0x70: {  	[tilespmem:$0x1E9A0] =	vst v17  }
0x71: {  	v17 =	vld [tilespmem:s2+$0x198A0];
	_ =	sdelay $0x4  }
0x72: {  	[tilespmem:$0x1EA20] =	vst v17  }
0x73: {  	v17 =	vld [tilespmem:s2+$0x17030];
	_ =	sdelay $0x4  }
0x74: {  	[tilespmem:$0x1E9B0] =	vst v17  }
0x75: {  	v17 =	vld [tilespmem:s2+$0x198B0];
	_ =	sdelay $0x4  }
0x76: {  	[tilespmem:$0x1EA30] =	vst v17  }
0x77: {  	v17 =	vld [tilespmem:s2+$0x17040];
	_ =	sdelay $0x4  }
0x78: {  	[tilespmem:$0x1E9C0] =	vst v17  }
0x79: {  	v17 =	vld [tilespmem:s2+$0x198C0];
	_ =	sdelay $0x4  }
0x7a: {  	[tilespmem:$0x1EA40] =	vst v17  }
0x7b: {  	v17 =	vld [tilespmem:s2+$0x17050];
	_ =	sdelay $0x4  }
0x7c: {  	[tilespmem:$0x1E9D0] =	vst v17  }
0x7d: {  	v17 =	vld [tilespmem:s2+$0x198D0];
	_ =	sdelay $0x4  }
0x7e: {  	s2 =	sadd.s32 $0x1C100, s2;
	[tilespmem:$0x1EA50] =	vst v17  }
0x7f: {  	[tilespmem:s0], [sflag:$0x1] =	stream.indirect.gather [hbm4b:s5+s28], $0x80, s30, s28, $0xb8;
	[tilespmem:$0x1EA80] =	vst v63  }
0x80: {  	v17 =	vmov s2;
	_ =	swait.ge [sflag:s29], $0x3000  }
0x81: {  	[sflag:s29] =	ssyncset.done $0x0  }
0x82: {  	s2 =	simm.s32 $0x0;
	[sflag:s29] =	ssyncadd.s32 $0xFFFFD000  }
.LBB2_9:
0x83: {  	s8 =	sshll.u32 s2, $0x4  }
0x84: {  	s8 =	sand.u32 $0x3FFFFFF0, s8  }
0x85: {  	s9 =	sshll.u32 s2, $0xB;
	v18 =	vld.idx.msk [tilespmem:v17+s8+$0x0 ss:$0x1], $0xffff  }
0x86: {  	s8 =	sand.u32 $0x3FFFF800, s9  }
0x87: {  	v19 =	vld [tilespmem:s8+$0x14000]  }
0x88: {  	v20 =	vld [tilespmem:s8+$0x14010]  }
0x89: {  	v21 =	vld [tilespmem:s8+$0x14020]  }
0x8a: {  	v23 =	vld [tilespmem:s8+$0x14030];
	v22 =	vperm.xlane v18, v1  }
0x8b: {  	v24 =	vld [tilespmem:s8+$0x14040]  }
0x8c: {  	v25 =	vld [tilespmem:s8+$0x14050];
	v19 =	vmul.f32 v19, v22  }
0x8d: {  	v26 =	vld [tilespmem:s8+$0x14060];
	v20 =	vmul.f32 v20, v22  }
0x8e: {  	v43 =	vld [tilespmem:s8+$0x14070];
	[tilespmem:s8+$0x14000] =	vst v19;
	v19 =	vmul.f32 v21, v22  }
0x8f: {  	v45 =	vld [tilespmem:s8+$0x14080];
	v44 =	vmul.f32 v23, v22;
	[tilespmem:s8+$0x14010] =	vst v20  }
0x90: {  	v46 =	vld [tilespmem:s8+$0x14090];
	[tilespmem:s8+$0x14020] =	vst v19;
	v19 =	vmul.f32 v24, v22  }
0x91: {  	v48 =	vld [tilespmem:s8+$0x140A0];
	v47 =	vmul.f32 v25, v22;
	[tilespmem:s8+$0x14030] =	vst v44  }
0x92: {  	v27 =	vld [tilespmem:s8+$0x140B0];
	v49 =	vperm.xlane v18, v2;
	[tilespmem:s8+$0x14040] =	vst v19;
	v19 =	vmul.f32 v26, v22  }
0x93: {  	v51 =	vld [tilespmem:s8+$0x140C0];
	v50 =	vmul.f32 v43, v22;
	[tilespmem:s8+$0x14050] =	vst v47  }
0x94: {  	v52 =	vld [tilespmem:s8+$0x140D0];
	[tilespmem:s8+$0x14060] =	vst v19;
	v19 =	vmul.f32 v45, v49  }
0x95: {  	v54 =	vld [tilespmem:s8+$0x140E0];
	v53 =	vmul.f32 v46, v49;
	[tilespmem:s8+$0x14070] =	vst v50  }
0x96: {  	v55 =	vld [tilespmem:s8+$0x140F0];
	[tilespmem:s8+$0x14080] =	vst v19;
	v19 =	vmul.f32 v48, v49  }
0x97: {  	v57 =	vld [tilespmem:s8+$0x14100];
	v56 =	vmul.f32 v27, v49;
	[tilespmem:s8+$0x14090] =	vst v53  }
0x98: {  	v58 =	vld [tilespmem:s8+$0x14110];
	[tilespmem:s8+$0x140A0] =	vst v19;
	v19 =	vmul.f32 v51, v49  }
0x99: {  	v60 =	vld [tilespmem:s8+$0x14120];
	v59 =	vmul.f32 v52, v49;
	[tilespmem:s8+$0x140B0] =	vst v56  }
0x9a: {  	v62 =	vld [tilespmem:s8+$0x14130];
	v61 =	vperm.xlane v18, v3;
	[tilespmem:s8+$0x140C0] =	vst v19;
	v19 =	vmul.f32 v54, v49  }
0x9b: {  	v28 =	vld [tilespmem:s8+$0x14140];
	v63 =	vmul.f32 v55, v49;
	[tilespmem:s8+$0x140D0] =	vst v59  }
0x9c: {  	v29 =	vld [tilespmem:s8+$0x14150];
	[tilespmem:s8+$0x140E0] =	vst v19;
	v19 =	vmul.f32 v57, v61  }
0x9d: {  	v31 =	vld [tilespmem:s8+$0x14160];
	v30 =	vmul.f32 v58, v61;
	[tilespmem:s8+$0x140F0] =	vst v63  }
0x9e: {  	v32 =	vld [tilespmem:s8+$0x14170];
	[tilespmem:s8+$0x14100] =	vst v19;
	v19 =	vmul.f32 v60, v61  }
0x9f: {  	v34 =	vld [tilespmem:s8+$0x14180];
	v33 =	vmul.f32 v62, v61;
	[tilespmem:s8+$0x14110] =	vst v30  }
0xa0: {  	v35 =	vld [tilespmem:s8+$0x14190];
	[tilespmem:s8+$0x14120] =	vst v19;
	v19 =	vmul.f32 v28, v61  }
0xa1: {  	v37 =	vld [tilespmem:s8+$0x141A0];
	v36 =	vmul.f32 v29, v61;
	[tilespmem:s8+$0x14130] =	vst v33  }
0xa2: {  	v39 =	vld [tilespmem:s8+$0x141B0];
	v38 =	vperm.xlane v18, v4;
	[tilespmem:s8+$0x14140] =	vst v19;
	v19 =	vmul.f32 v31, v61  }
0xa3: {  	v41 =	vld [tilespmem:s8+$0x141C0];
	v40 =	vmul.f32 v32, v61;
	[tilespmem:s8+$0x14150] =	vst v36  }
0xa4: {  	v45 =	vld [tilespmem:s8+$0x141F0];
	[tilespmem:s8+$0x14160] =	vst v19;
	v19 =	vmul.f32 v34, v38  }
0xa5: {  	v43 =	vmul.f32 v35, v38;
	[tilespmem:s8+$0x14170] =	vst v40;
	v44 =	vld [tilespmem:s8+$0x141E0]  }
0xa6: {  	v42 =	vld [tilespmem:s8+$0x141D0];
	[tilespmem:s8+$0x14180] =	vst v19;
	v19 =	vmul.f32 v37, v38  }
0xa7: {  	v46 =	vmul.f32 v39, v38;
	[tilespmem:s8+$0x14190] =	vst v43;
	v47 =	vld [tilespmem:s8+$0x14200]  }
0xa8: {  	v52 =	vld [tilespmem:s8+$0x14230];
	[tilespmem:s8+$0x141A0] =	vst v19;
	v19 =	vmul.f32 v41, v38  }
0xa9: {  	[tilespmem:s8+$0x141B0] =	vst v46;
	v50 =	vld [tilespmem:s8+$0x14220];
	v53 =	vmul.f32 v45, v38  }
0xaa: {  	v55 =	vld [tilespmem:s8+$0x14250];
	v51 =	vperm.xlane v18, v5;
	[tilespmem:s8+$0x141C0] =	vst v19;
	v19 =	vmul.f32 v44, v38  }
0xab: {  	v49 =	vmul.f32 v42, v38;
	v54 =	vld [tilespmem:s8+$0x14240];
	[tilespmem:s8+$0x141F0] =	vst v53  }
0xac: {  	v58 =	vld [tilespmem:s8+$0x14270];
	[tilespmem:s8+$0x141E0] =	vst v19;
	v19 =	vmul.f32 v47, v51  }
0xad: {  	v59 =	vmul.f32 v52, v51;
	[tilespmem:s8+$0x141D0] =	vst v49;
	v57 =	vld [tilespmem:s8+$0x14260]  }
0xae: {  	v48 =	vld [tilespmem:s8+$0x14210];
	[tilespmem:s8+$0x14200] =	vst v19;
	v19 =	vmul.f32 v50, v51  }
0xaf: {  	v62 =	vmul.f32 v55, v51;
	[tilespmem:s8+$0x14230] =	vst v59;
	v60 =	vld [tilespmem:s8+$0x14280]  }
0xb0: {  	v40 =	vld [tilespmem:s8+$0x14310];
	[tilespmem:s8+$0x14220] =	vst v19;
	v19 =	vmul.f32 v54, v51  }
0xb1: {  	v63 =	vld [tilespmem:s8+$0x142A0];
	v32 =	vmul.f32 v58, v51;
	[tilespmem:s8+$0x14250] =	vst v62  }
0xb2: {  	v30 =	vperm.xlane v18, v6;
	v61 =	vld [tilespmem:s8+$0x14290];
	[tilespmem:s8+$0x14240] =	vst v19;
	v19 =	vmul.f32 v57, v51  }
0xb3: {  	v33 =	vld [tilespmem:s8+$0x142C0];
	v43 =	vperm.xlane v18, v7;
	v56 =	vmul.f32 v48, v51;
	[tilespmem:s8+$0x14270] =	vst v32  }
0xb4: {  	v53 =	vld [tilespmem:s8+$0x14390];
	[tilespmem:s8+$0x14260] =	vst v19;
	v19 =	vmul.f32 v60, v30  }
0xb5: {  	v36 =	vld [tilespmem:s8+$0x142E0];
	v48 =	vmul.f32 v40, v43;
	[tilespmem:s8+$0x14210] =	vst v56  }
0xb6: {  	v31 =	vld [tilespmem:s8+$0x142B0];
	[tilespmem:s8+$0x14280] =	vst v19;
	v19 =	vmul.f32 v63, v30  }
0xb7: {  	v39 =	vld [tilespmem:s8+$0x14300];
	[tilespmem:s8+$0x14310] =	vst v48;
	v56 =	vperm.xlane v18, v8;
	v35 =	vmul.f32 v61, v30  }
0xb8: {  	v34 =	vld [tilespmem:s8+$0x142D0];
	[tilespmem:s8+$0x142A0] =	vst v19;
	v19 =	vmul.f32 v33, v30  }
0xb9: {  	v42 =	vld [tilespmem:s8+$0x14320];
	v61 =	vmul.f32 v53, v56;
	[tilespmem:s8+$0x14290] =	vst v35  }
0xba: {  	v37 =	vld [tilespmem:s8+$0x142F0];
	[tilespmem:s8+$0x142C0] =	vst v19;
	v19 =	vmul.f32 v36, v30  }
0xbb: {  	v46 =	vld [tilespmem:s8+$0x14340];
	[tilespmem:s8+$0x14390] =	vst v61;
	v38 =	vmul.f32 v31, v30  }
0xbc: {  	v47 =	vld [tilespmem:s8+$0x14350];
	[tilespmem:s8+$0x142E0] =	vst v19;
	v19 =	vmul.f32 v39, v43  }
0xbd: {  	v49 =	vld [tilespmem:s8+$0x14360];
	v41 =	vmul.f32 v34, v30;
	[tilespmem:s8+$0x142B0] =	vst v38  }
0xbe: {  	v38 =	vld [tilespmem:s8+$0x14450];
	[tilespmem:s8+$0x14300] =	vst v19;
	v19 =	vmul.f32 v42, v43  }
0xbf: {  	v52 =	vld [tilespmem:s8+$0x14380];
	[tilespmem:s8+$0x142D0] =	vst v41;
	v45 =	vmul.f32 v37, v30  }
0xc0: {  	v44 =	vld [tilespmem:s8+$0x14330];
	[tilespmem:s8+$0x14320] =	vst v19;
	v19 =	vmul.f32 v46, v43  }
0xc1: {  	v55 =	vld [tilespmem:s8+$0x143A0];
	v34 =	vperm.xlane v18, v9;
	[tilespmem:s8+$0x142F0] =	vst v45;
	v54 =	vmul.f32 v47, v43  }
0xc2: {  	v50 =	vld [tilespmem:s8+$0x14370];
	[tilespmem:s8+$0x14340] =	vst v19;
	v19 =	vmul.f32 v49, v43  }
0xc3: {  	v59 =	vld [tilespmem:s8+$0x143C0];
	v45 =	vmul.f32 v38, v34;
	[tilespmem:s8+$0x14350] =	vst v54  }
0xc4: {  	v57 =	vld [tilespmem:s8+$0x143B0];
	[tilespmem:s8+$0x14360] =	vst v19;
	v19 =	vmul.f32 v52, v56  }
0xc5: {  	v62 =	vld [tilespmem:s8+$0x143E0];
	v51 =	vmul.f32 v44, v43;
	[tilespmem:s8+$0x14450] =	vst v45  }
0xc6: {  	v60 =	vld [tilespmem:s8+$0x143D0];
	[tilespmem:s8+$0x14380] =	vst v19;
	v19 =	vmul.f32 v55, v56  }
0xc7: {  	v58 =	vmul.f32 v50, v43;
	[tilespmem:s8+$0x14330] =	vst v51;
	v30 =	vld [tilespmem:s8+$0x14400]  }
0xc8: {  	v51 =	vld [tilespmem:s8+$0x144D0];
	[tilespmem:s8+$0x143A0] =	vst v19;
	v19 =	vmul.f32 v59, v56  }
0xc9: {  	[tilespmem:s8+$0x14370] =	vst v58;
	v29 =	vmul.f32 v57, v56;
	v33 =	vld [tilespmem:s8+$0x14420]  }
0xca: {  	v63 =	vld [tilespmem:s8+$0x143F0];
	[tilespmem:s8+$0x143C0] =	vst v19;
	v19 =	vmul.f32 v62, v56  }
0xcb: {  	v37 =	vld [tilespmem:s8+$0x14440];
	v47 =	vperm.xlane v18, v10;
	[tilespmem:s8+$0x143B0] =	vst v29;
	v32 =	vmul.f32 v60, v56  }
0xcc: {  	v61 =	vld [tilespmem:s8+$0x14530];
	[tilespmem:s8+$0x143E0] =	vst v19;
	v19 =	vmul.f32 v30, v34  }
0xcd: {  	v40 =	vld [tilespmem:s8+$0x14460];
	v58 =	vmul.f32 v51, v47;
	[tilespmem:s8+$0x143D0] =	vst v32  }
0xce: {  	v31 =	vld [tilespmem:s8+$0x14410];
	[tilespmem:s8+$0x14400] =	vst v19;
	v19 =	vmul.f32 v33, v34  }
0xcf: {  	v60 =	vperm.xlane v18, v11;
	v36 =	vmul.f32 v63, v56;
	[tilespmem:s8+$0x144D0] =	vst v58;
	v43 =	vld [tilespmem:s8+$0x14480]  }
0xd0: {  	v57 =	vld [tilespmem:s8+$0x14510];
	[tilespmem:s8+$0x14420] =	vst v19;
	v19 =	vmul.f32 v37, v34  }
0xd1: {  	v32 =	vmul.f32 v61, v60;
	[tilespmem:s8+$0x143F0] =	vst v36;
	v46 =	vld [tilespmem:s8+$0x144A0]  }
0xd2: {  	v35 =	vld [tilespmem:s8+$0x14430];
	[tilespmem:s8+$0x14440] =	vst v19;
	v19 =	vmul.f32 v40, v34  }
0xd3: {  	v50 =	vld [tilespmem:s8+$0x144C0];
	v39 =	vmul.f32 v31, v34;
	[tilespmem:s8+$0x14530] =	vst v32  }
0xd4: {  	v28 =	vld [tilespmem:s8+$0x14550];
	[tilespmem:s8+$0x14460] =	vst v19;
	v19 =	vmul.f32 v43, v47  }
0xd5: {  	v53 =	vld [tilespmem:s8+$0x144E0];
	v29 =	vmul.f32 v57, v60;
	[tilespmem:s8+$0x14410] =	vst v39  }
0xd6: {  	v31 =	vld [tilespmem:s8+$0x14570];
	[tilespmem:s8+$0x14480] =	vst v19;
	v19 =	vmul.f32 v46, v47  }
0xd7: {  	v42 =	vmul.f32 v35, v34;
	[tilespmem:s8+$0x14510] =	vst v29;
	v56 =	vld [tilespmem:s8+$0x14500]  }
0xd8: {  	v41 =	vld [tilespmem:s8+$0x14470];
	[tilespmem:s8+$0x144A0] =	vst v19;
	v19 =	vmul.f32 v50, v47  }
0xd9: {  	v35 =	vmul.f32 v28, v60;
	[tilespmem:s8+$0x14430] =	vst v42;
	v59 =	vld [tilespmem:s8+$0x14520]  }
0xda: {  	v44 =	vld [tilespmem:s8+$0x14490];
	[tilespmem:s8+$0x144C0] =	vst v19;
	v19 =	vmul.f32 v53, v47  }
0xdb: {  	v63 =	vld [tilespmem:s8+$0x14540];
	[tilespmem:s8+$0x14550] =	vst v35;
	v39 =	vmul.f32 v31, v60  }
0xdc: {  	v48 =	vld [tilespmem:s8+$0x144B0];
	[tilespmem:s8+$0x144E0] =	vst v19;
	v19 =	vmul.f32 v56, v60  }
0xdd: {  	v49 =	vmul.f32 v41, v34;
	[tilespmem:s8+$0x14570] =	vst v39;
	v30 =	vld [tilespmem:s8+$0x14560]  }
0xde: {  	v54 =	vld [tilespmem:s8+$0x144F0];
	[tilespmem:s8+$0x14500] =	vst v19;
	v19 =	vmul.f32 v59, v60  }
0xdf: {  	[tilespmem:s8+$0x14470] =	vst v49;
	v52 =	vmul.f32 v44, v47;
	v33 =	vld [tilespmem:s8+$0x14580]  }
0xe0: {  	v38 =	vld [tilespmem:s8+$0x145B0];
	[tilespmem:s8+$0x14520] =	vst v19;
	v19 =	vmul.f32 v63, v60  }
0xe1: {  	v36 =	vld [tilespmem:s8+$0x145A0];
	[tilespmem:s8+$0x14490] =	vst v52;
	v55 =	vmul.f32 v48, v47  }
0xe2: {  	v41 =	vld [tilespmem:s8+$0x145D0];
	v37 =	vperm.xlane v18, v12;
	[tilespmem:s8+$0x14540] =	vst v19;
	v19 =	vmul.f32 v30, v60  }
0xe3: {  	[tilespmem:s8+$0x144B0] =	vst v55;
	v62 =	vmul.f32 v54, v47;
	v40 =	vld [tilespmem:s8+$0x145C0]  }
0xe4: {  	v44 =	vld [tilespmem:s8+$0x145F0];
	[tilespmem:s8+$0x14560] =	vst v19;
	v19 =	vmul.f32 v33, v37  }
0xe5: {  	[tilespmem:s8+$0x144F0] =	vst v62;
	v45 =	vmul.f32 v38, v37;
	v43 =	vld [tilespmem:s8+$0x145E0]  }
0xe6: {  	v34 =	vld [tilespmem:s8+$0x14590];
	[tilespmem:s8+$0x14580] =	vst v19;
	v19 =	vmul.f32 v36, v37  }
0xe7: {  	v48 =	vmul.f32 v41, v37;
	[tilespmem:s8+$0x145B0] =	vst v45;
	v46 =	vld [tilespmem:s8+$0x14600]  }
0xe8: {  	v51 =	vld [tilespmem:s8+$0x14630];
	[tilespmem:s8+$0x145A0] =	vst v19;
	v19 =	vmul.f32 v40, v37  }
0xe9: {  	v49 =	vld [tilespmem:s8+$0x14620];
	v52 =	vmul.f32 v44, v37;
	[tilespmem:s8+$0x145D0] =	vst v48  }
0xea: {  	v54 =	vld [tilespmem:s8+$0x14650];
	v50 =	vperm.xlane v18, v13;
	[tilespmem:s8+$0x145C0] =	vst v19;
	v19 =	vmul.f32 v43, v37  }
0xeb: {  	[tilespmem:s8+$0x145F0] =	vst v52;
	v42 =	vmul.f32 v34, v37;
	v53 =	vld [tilespmem:s8+$0x14640]  }
0xec: {  	v57 =	vld [tilespmem:s8+$0x14670];
	[tilespmem:s8+$0x145E0] =	vst v19;
	v19 =	vmul.f32 v46, v50  }
0xed: {  	[tilespmem:s8+$0x14590] =	vst v42;
	v58 =	vmul.f32 v51, v50;
	v56 =	vld [tilespmem:s8+$0x14660]  }
0xee: {  	v47 =	vld [tilespmem:s8+$0x14610];
	[tilespmem:s8+$0x14600] =	vst v19;
	v19 =	vmul.f32 v49, v50  }
0xef: {  	v61 =	vmul.f32 v54, v50;
	[tilespmem:s8+$0x14630] =	vst v58;
	v59 =	vld [tilespmem:s8+$0x14680]  }
0xf0: {  	v39 =	vld [tilespmem:s8+$0x14710];
	[tilespmem:s8+$0x14620] =	vst v19;
	v19 =	vmul.f32 v53, v50  }
0xf1: {  	v62 =	vld [tilespmem:s8+$0x146A0];
	v31 =	vmul.f32 v57, v50;
	[tilespmem:s8+$0x14650] =	vst v61  }
0xf2: {  	v63 =	vperm.xlane v18, v14;
	v60 =	vld [tilespmem:s8+$0x14690];
	[tilespmem:s8+$0x14640] =	vst v19;
	v19 =	vmul.f32 v56, v50  }
0xf3: {  	v32 =	vld [tilespmem:s8+$0x146C0];
	v42 =	vperm.xlane v18, v15;
	[tilespmem:s8+$0x14670] =	vst v31;
	v55 =	vmul.f32 v47, v50  }
0xf4: {  	v33 =	vld [tilespmem:s8+$0x146D0];
	[tilespmem:s8+$0x14660] =	vst v19;
	v19 =	vmul.f32 v59, v63  }
0xf5: {  	v35 =	vld [tilespmem:s8+$0x146E0];
	v47 =	vmul.f32 v39, v42;
	[tilespmem:s8+$0x14610] =	vst v55  }
0xf6: {  	v30 =	vld [tilespmem:s8+$0x146B0];
	[tilespmem:s8+$0x14680] =	vst v19;
	v19 =	vmul.f32 v62, v63  }
0xf7: {  	v38 =	vld [tilespmem:s8+$0x14700];
	[tilespmem:s8+$0x14710] =	vst v47;
	v34 =	vmul.f32 v60, v63  }
0xf8: {  	v36 =	vld [tilespmem:s8+$0x146F0];
	[tilespmem:s8+$0x146A0] =	vst v19;
	v19 =	vmul.f32 v32, v63  }
0xf9: {  	v41 =	vld [tilespmem:s8+$0x14720];
	[tilespmem:s8+$0x14690] =	vst v34;
	v40 =	vmul.f32 v33, v63  }
0xfa: {  	v46 =	vld [tilespmem:s8+$0x14750];
	[tilespmem:s8+$0x146C0] =	vst v19;
	v19 =	vmul.f32 v35, v63  }
0xfb: {  	v45 =	vld [tilespmem:s8+$0x14740];
	v37 =	vmul.f32 v30, v63;
	[tilespmem:s8+$0x146D0] =	vst v40  }
0xfc: {  	v43 =	vld [tilespmem:s8+$0x14730];
	[tilespmem:s8+$0x146E0] =	vst v19;
	v19 =	vmul.f32 v38, v42  }
0xfd: {  	v48 =	vld [tilespmem:s8+$0x14760];
	v44 =	vmul.f32 v36, v63;
	[tilespmem:s8+$0x146B0] =	vst v37  }
0xfe: {  	v49 =	vld [tilespmem:s8+$0x14770];
	[tilespmem:s8+$0x14700] =	vst v19;
	v19 =	vmul.f32 v41, v42  }
0xff: {  	v51 =	vld [tilespmem:s8+$0x14780];
	[tilespmem:s8+$0x146F0] =	vst v44;
	v53 =	vmul.f32 v46, v42  }
0x100: {  	v52 =	vld [tilespmem:s8+$0x14790];
	[tilespmem:s8+$0x14720] =	vst v19;
	v19 =	vmul.f32 v45, v42  }
0x101: {  	v54 =	vld [tilespmem:s8+$0x147A0];
	v50 =	vmul.f32 v43, v42;
	[tilespmem:s8+$0x14750] =	vst v53  }
0x102: {  	v18 =	vperm.xlane v18, v16;
	v55 =	vld [tilespmem:s8+$0x147B0];
	[tilespmem:s8+$0x14740] =	vst v19;
	v19 =	vmul.f32 v48, v42  }
0x103: {  	v57 =	vld [tilespmem:s8+$0x147C0];
	v56 =	vmul.f32 v49, v42;
	[tilespmem:s8+$0x14730] =	vst v50  }
0x104: {  	v58 =	vld [tilespmem:s8+$0x147D0];
	[tilespmem:s8+$0x14760] =	vst v19;
	v19 =	vmul.f32 v51, v18  }
0x105: {  	v60 =	vld [tilespmem:s8+$0x147E0];
	v59 =	vmul.f32 v52, v18;
	[tilespmem:s8+$0x14770] =	vst v56  }
0x106: {  	v61 =	vld [tilespmem:s8+$0x147F0];
	[tilespmem:s8+$0x14780] =	vst v19;
	v19 =	vmul.f32 v54, v18  }
0x107: {  	[tilespmem:s8+$0x14790] =	vst v59;
	v62 =	vmul.f32 v55, v18  }
0x108: {  	p1 =	sne.s32 s2, $0x5;
	[tilespmem:s8+$0x147A0] =	vst v19;
	v19 =	vmul.f32 v57, v18  }
.Ltmp4:
0x109: {  	[tilespmem:s8+$0x147B0] =	vst v62;
	v63 =	vmul.f32 v58, v18;
	(pc) =	sbr.rel @p1 .LBB2_9-.Ltmp4, $4  }
0x10a: {  	[tilespmem:s8+$0x147C0] =	vst v19;
	v19 =	vmul.f32 v60, v18  }
0x10b: {  	[tilespmem:s8+$0x147D0] =	vst v63;
	v18 =	vmul.f32 v61, v18  }
0x10c: {  	[tilespmem:s8+$0x147E0] =	vst v19  }
0x10d: {  	s2 =	sadd.s32 $0x1, s2;
	[tilespmem:s8+$0x147F0] =	vst v18  }
0x10e: {  	s7 =	sadd.s32 $0x1, s7  }
0x10f: {  	p1 =	sne.s32 s7, $0x6A  }
.Ltmp5:
0x110: {  	_ = 	snop;
	(pc) =	sbr.rel @p1 .LBB2_8-.Ltmp5, $4  }
0x111: {  	[spmem:s3] =	stream.indirect.scatter.add.f32 [tilespmem:s0], [sflag:$0x1], $0x80, s6, s28, $0xb8;
	[tilespmem:$0x1EA80] =	vst v63  }
0x112: {  	_ =	swait.ge [sflag:s29], $0x3000  }
0x113: {  	[sflag:s29] =	ssyncset.done $0x0  }
0x114: {  	[sflag:s29] =	ssyncadd.s32 $0xFFFFD000  }
.Ltmp6:
0x115: {  	(pc) =	sbr.rel .LBB2_12-.Ltmp6, $2  }
0x116: {  	_ =	sdelay $0x2  }
0x117: {  	s2 =	rddreg [dreg:$0x5]  }
.LBB2_4:
0x118: {  	s2 =	smul.u32 $0x60, s7;
	_ =	sdelay $0x1  }
0x119: {  	v17 =	vld [tilespmem:s2+$0x17000];
	_ =	sdelay $0x4  }
0x11a: {  	[tilespmem:$0x1E980] =	vst v17  }
0x11b: {  	v17 =	vld [tilespmem:s2+$0x19880];
	_ =	sdelay $0x4  }
0x11c: {  	[tilespmem:$0x1EA00] =	vst v17  }
0x11d: {  	v17 =	vld [tilespmem:s2+$0x17010];
	_ =	sdelay $0x4  }
0x11e: {  	[tilespmem:$0x1E990] =	vst v17  }
0x11f: {  	v17 =	vld [tilespmem:s2+$0x19890];
	_ =	sdelay $0x4  }
0x120: {  	[tilespmem:$0x1EA10] =	vst v17  }
0x121: {  	v17 =	vld [tilespmem:s2+$0x17020];
	_ =	sdelay $0x4  }
0x122: {  	[tilespmem:$0x1E9A0] =	vst v17  }
0x123: {  	v17 =	vld [tilespmem:s2+$0x198A0];
	_ =	sdelay $0x4  }
0x124: {  	[tilespmem:$0x1EA20] =	vst v17  }
0x125: {  	v17 =	vld [tilespmem:s2+$0x17030];
	_ =	sdelay $0x4  }
0x126: {  	[tilespmem:$0x1E9B0] =	vst v17  }
0x127: {  	v17 =	vld [tilespmem:s2+$0x198B0];
	_ =	sdelay $0x4  }
0x128: {  	[tilespmem:$0x1EA30] =	vst v17  }
0x129: {  	v17 =	vld [tilespmem:s2+$0x17040];
	_ =	sdelay $0x4  }
0x12a: {  	[tilespmem:$0x1E9C0] =	vst v17  }
0x12b: {  	v17 =	vld [tilespmem:s2+$0x198C0];
	_ =	sdelay $0x4  }
0x12c: {  	[tilespmem:$0x1EA40] =	vst v17  }
0x12d: {  	v17 =	vld [tilespmem:s2+$0x17050];
	_ =	sdelay $0x4  }
0x12e: {  	[tilespmem:$0x1E9D0] =	vst v17  }
0x12f: {  	v17 =	vld [tilespmem:s2+$0x198D0];
	_ =	sdelay $0x4  }
0x130: {  	s2 =	sadd.s32 $0x1C100, s2;
	[tilespmem:$0x1EA50] =	vst v17  }
0x131: {  	[tilespmem:s0], [sflag:$0x1] =	stream.indirect.gather [hbm4b:s1+s28], $0x80, s30, s28, $0xb8;
	[tilespmem:$0x1EA80] =	vst v63  }
0x132: {  	v17 =	vmov s2;
	_ =	swait.ge [sflag:s29], $0x3000  }
0x133: {  	[sflag:s29] =	ssyncset.done $0x0  }
0x134: {  	s2 =	simm.s32 $0x0;
	[sflag:s29] =	ssyncadd.s32 $0xFFFFD000  }
.LBB2_5:
0x135: {  	s8 =	sshll.u32 s2, $0x4  }
0x136: {  	s8 =	sand.u32 $0x3FFFFFF0, s8  }
0x137: {  	s9 =	sshll.u32 s2, $0xB;
	v18 =	vld.idx.msk [tilespmem:v17+s8+$0x0 ss:$0x1], $0xffff  }
0x138: {  	s8 =	sand.u32 $0x3FFFF800, s9  }
0x139: {  	v19 =	vld [tilespmem:s8+$0x14000]  }
0x13a: {  	v20 =	vld [tilespmem:s8+$0x14010]  }
0x13b: {  	v21 =	vld [tilespmem:s8+$0x14020]  }
0x13c: {  	v23 =	vld [tilespmem:s8+$0x14030];
	v22 =	vperm.xlane v18, v1  }
0x13d: {  	v24 =	vld [tilespmem:s8+$0x14040]  }
0x13e: {  	v25 =	vld [tilespmem:s8+$0x14050];
	v19 =	vmul.f32 v19, v22  }
0x13f: {  	v26 =	vld [tilespmem:s8+$0x14060];
	v20 =	vmul.f32 v20, v22  }
0x140: {  	v43 =	vld [tilespmem:s8+$0x14070];
	[tilespmem:s8+$0x14000] =	vst v19;
	v19 =	vmul.f32 v21, v22  }
0x141: {  	v45 =	vld [tilespmem:s8+$0x14080];
	v44 =	vmul.f32 v23, v22;
	[tilespmem:s8+$0x14010] =	vst v20  }
0x142: {  	v46 =	vld [tilespmem:s8+$0x14090];
	[tilespmem:s8+$0x14020] =	vst v19;
	v19 =	vmul.f32 v24, v22  }
0x143: {  	v48 =	vld [tilespmem:s8+$0x140A0];
	v47 =	vmul.f32 v25, v22;
	[tilespmem:s8+$0x14030] =	vst v44  }
0x144: {  	v27 =	vld [tilespmem:s8+$0x140B0];
	v49 =	vperm.xlane v18, v2;
	[tilespmem:s8+$0x14040] =	vst v19;
	v19 =	vmul.f32 v26, v22  }
0x145: {  	v51 =	vld [tilespmem:s8+$0x140C0];
	v50 =	vmul.f32 v43, v22;
	[tilespmem:s8+$0x14050] =	vst v47  }
0x146: {  	v52 =	vld [tilespmem:s8+$0x140D0];
	[tilespmem:s8+$0x14060] =	vst v19;
	v19 =	vmul.f32 v45, v49  }
0x147: {  	v54 =	vld [tilespmem:s8+$0x140E0];
	v53 =	vmul.f32 v46, v49;
	[tilespmem:s8+$0x14070] =	vst v50  }
0x148: {  	v55 =	vld [tilespmem:s8+$0x140F0];
	[tilespmem:s8+$0x14080] =	vst v19;
	v19 =	vmul.f32 v48, v49  }
0x149: {  	v57 =	vld [tilespmem:s8+$0x14100];
	v56 =	vmul.f32 v27, v49;
	[tilespmem:s8+$0x14090] =	vst v53  }
0x14a: {  	v58 =	vld [tilespmem:s8+$0x14110];
	[tilespmem:s8+$0x140A0] =	vst v19;
	v19 =	vmul.f32 v51, v49  }
0x14b: {  	v60 =	vld [tilespmem:s8+$0x14120];
	v59 =	vmul.f32 v52, v49;
	[tilespmem:s8+$0x140B0] =	vst v56  }
0x14c: {  	v62 =	vld [tilespmem:s8+$0x14130];
	v61 =	vperm.xlane v18, v3;
	[tilespmem:s8+$0x140C0] =	vst v19;
	v19 =	vmul.f32 v54, v49  }
0x14d: {  	v28 =	vld [tilespmem:s8+$0x14140];
	v63 =	vmul.f32 v55, v49;
	[tilespmem:s8+$0x140D0] =	vst v59  }
0x14e: {  	v29 =	vld [tilespmem:s8+$0x14150];
	[tilespmem:s8+$0x140E0] =	vst v19;
	v19 =	vmul.f32 v57, v61  }
0x14f: {  	v31 =	vld [tilespmem:s8+$0x14160];
	v30 =	vmul.f32 v58, v61;
	[tilespmem:s8+$0x140F0] =	vst v63  }
0x150: {  	v32 =	vld [tilespmem:s8+$0x14170];
	[tilespmem:s8+$0x14100] =	vst v19;
	v19 =	vmul.f32 v60, v61  }
0x151: {  	v34 =	vld [tilespmem:s8+$0x14180];
	v33 =	vmul.f32 v62, v61;
	[tilespmem:s8+$0x14110] =	vst v30  }
0x152: {  	v35 =	vld [tilespmem:s8+$0x14190];
	[tilespmem:s8+$0x14120] =	vst v19;
	v19 =	vmul.f32 v28, v61  }
0x153: {  	v37 =	vld [tilespmem:s8+$0x141A0];
	v36 =	vmul.f32 v29, v61;
	[tilespmem:s8+$0x14130] =	vst v33  }
0x154: {  	v39 =	vld [tilespmem:s8+$0x141B0];
	v38 =	vperm.xlane v18, v4;
	[tilespmem:s8+$0x14140] =	vst v19;
	v19 =	vmul.f32 v31, v61  }
0x155: {  	v41 =	vld [tilespmem:s8+$0x141C0];
	v40 =	vmul.f32 v32, v61;
	[tilespmem:s8+$0x14150] =	vst v36  }
0x156: {  	v45 =	vld [tilespmem:s8+$0x141F0];
	[tilespmem:s8+$0x14160] =	vst v19;
	v19 =	vmul.f32 v34, v38  }
0x157: {  	v43 =	vmul.f32 v35, v38;
	[tilespmem:s8+$0x14170] =	vst v40;
	v44 =	vld [tilespmem:s8+$0x141E0]  }
0x158: {  	v42 =	vld [tilespmem:s8+$0x141D0];
	[tilespmem:s8+$0x14180] =	vst v19;
	v19 =	vmul.f32 v37, v38  }
0x159: {  	v46 =	vmul.f32 v39, v38;
	[tilespmem:s8+$0x14190] =	vst v43;
	v47 =	vld [tilespmem:s8+$0x14200]  }
0x15a: {  	v52 =	vld [tilespmem:s8+$0x14230];
	[tilespmem:s8+$0x141A0] =	vst v19;
	v19 =	vmul.f32 v41, v38  }
0x15b: {  	[tilespmem:s8+$0x141B0] =	vst v46;
	v50 =	vld [tilespmem:s8+$0x14220];
	v53 =	vmul.f32 v45, v38  }
0x15c: {  	v55 =	vld [tilespmem:s8+$0x14250];
	v51 =	vperm.xlane v18, v5;
	[tilespmem:s8+$0x141C0] =	vst v19;
	v19 =	vmul.f32 v44, v38  }
0x15d: {  	v49 =	vmul.f32 v42, v38;
	v54 =	vld [tilespmem:s8+$0x14240];
	[tilespmem:s8+$0x141F0] =	vst v53  }
0x15e: {  	v58 =	vld [tilespmem:s8+$0x14270];
	[tilespmem:s8+$0x141E0] =	vst v19;
	v19 =	vmul.f32 v47, v51  }
0x15f: {  	v59 =	vmul.f32 v52, v51;
	[tilespmem:s8+$0x141D0] =	vst v49;
	v57 =	vld [tilespmem:s8+$0x14260]  }
0x160: {  	v48 =	vld [tilespmem:s8+$0x14210];
	[tilespmem:s8+$0x14200] =	vst v19;
	v19 =	vmul.f32 v50, v51  }
0x161: {  	v62 =	vmul.f32 v55, v51;
	[tilespmem:s8+$0x14230] =	vst v59;
	v60 =	vld [tilespmem:s8+$0x14280]  }
0x162: {  	v40 =	vld [tilespmem:s8+$0x14310];
	[tilespmem:s8+$0x14220] =	vst v19;
	v19 =	vmul.f32 v54, v51  }
0x163: {  	v63 =	vld [tilespmem:s8+$0x142A0];
	v32 =	vmul.f32 v58, v51;
	[tilespmem:s8+$0x14250] =	vst v62  }
0x164: {  	v30 =	vperm.xlane v18, v6;
	v61 =	vld [tilespmem:s8+$0x14290];
	[tilespmem:s8+$0x14240] =	vst v19;
	v19 =	vmul.f32 v57, v51  }
0x165: {  	v33 =	vld [tilespmem:s8+$0x142C0];
	v43 =	vperm.xlane v18, v7;
	v56 =	vmul.f32 v48, v51;
	[tilespmem:s8+$0x14270] =	vst v32  }
0x166: {  	v53 =	vld [tilespmem:s8+$0x14390];
	[tilespmem:s8+$0x14260] =	vst v19;
	v19 =	vmul.f32 v60, v30  }
0x167: {  	v36 =	vld [tilespmem:s8+$0x142E0];
	v48 =	vmul.f32 v40, v43;
	[tilespmem:s8+$0x14210] =	vst v56  }
0x168: {  	v31 =	vld [tilespmem:s8+$0x142B0];
	[tilespmem:s8+$0x14280] =	vst v19;
	v19 =	vmul.f32 v63, v30  }
0x169: {  	v39 =	vld [tilespmem:s8+$0x14300];
	[tilespmem:s8+$0x14310] =	vst v48;
	v56 =	vperm.xlane v18, v8;
	v35 =	vmul.f32 v61, v30  }
0x16a: {  	v34 =	vld [tilespmem:s8+$0x142D0];
	[tilespmem:s8+$0x142A0] =	vst v19;
	v19 =	vmul.f32 v33, v30  }
0x16b: {  	v42 =	vld [tilespmem:s8+$0x14320];
	v61 =	vmul.f32 v53, v56;
	[tilespmem:s8+$0x14290] =	vst v35  }
0x16c: {  	v37 =	vld [tilespmem:s8+$0x142F0];
	[tilespmem:s8+$0x142C0] =	vst v19;
	v19 =	vmul.f32 v36, v30  }
0x16d: {  	v46 =	vld [tilespmem:s8+$0x14340];
	[tilespmem:s8+$0x14390] =	vst v61;
	v38 =	vmul.f32 v31, v30  }
0x16e: {  	v47 =	vld [tilespmem:s8+$0x14350];
	[tilespmem:s8+$0x142E0] =	vst v19;
	v19 =	vmul.f32 v39, v43  }
0x16f: {  	v49 =	vld [tilespmem:s8+$0x14360];
	v41 =	vmul.f32 v34, v30;
	[tilespmem:s8+$0x142B0] =	vst v38  }
0x170: {  	v38 =	vld [tilespmem:s8+$0x14450];
	[tilespmem:s8+$0x14300] =	vst v19;
	v19 =	vmul.f32 v42, v43  }
0x171: {  	v52 =	vld [tilespmem:s8+$0x14380];
	[tilespmem:s8+$0x142D0] =	vst v41;
	v45 =	vmul.f32 v37, v30  }
0x172: {  	v44 =	vld [tilespmem:s8+$0x14330];
	[tilespmem:s8+$0x14320] =	vst v19;
	v19 =	vmul.f32 v46, v43  }
0x173: {  	v55 =	vld [tilespmem:s8+$0x143A0];
	v34 =	vperm.xlane v18, v9;
	[tilespmem:s8+$0x142F0] =	vst v45;
	v54 =	vmul.f32 v47, v43  }
0x174: {  	v50 =	vld [tilespmem:s8+$0x14370];
	[tilespmem:s8+$0x14340] =	vst v19;
	v19 =	vmul.f32 v49, v43  }
0x175: {  	v59 =	vld [tilespmem:s8+$0x143C0];
	v45 =	vmul.f32 v38, v34;
	[tilespmem:s8+$0x14350] =	vst v54  }
0x176: {  	v57 =	vld [tilespmem:s8+$0x143B0];
	[tilespmem:s8+$0x14360] =	vst v19;
	v19 =	vmul.f32 v52, v56  }
0x177: {  	v62 =	vld [tilespmem:s8+$0x143E0];
	v51 =	vmul.f32 v44, v43;
	[tilespmem:s8+$0x14450] =	vst v45  }
0x178: {  	v60 =	vld [tilespmem:s8+$0x143D0];
	[tilespmem:s8+$0x14380] =	vst v19;
	v19 =	vmul.f32 v55, v56  }
0x179: {  	v58 =	vmul.f32 v50, v43;
	[tilespmem:s8+$0x14330] =	vst v51;
	v30 =	vld [tilespmem:s8+$0x14400]  }
0x17a: {  	v51 =	vld [tilespmem:s8+$0x144D0];
	[tilespmem:s8+$0x143A0] =	vst v19;
	v19 =	vmul.f32 v59, v56  }
0x17b: {  	[tilespmem:s8+$0x14370] =	vst v58;
	v29 =	vmul.f32 v57, v56;
	v33 =	vld [tilespmem:s8+$0x14420]  }
0x17c: {  	v63 =	vld [tilespmem:s8+$0x143F0];
	[tilespmem:s8+$0x143C0] =	vst v19;
	v19 =	vmul.f32 v62, v56  }
0x17d: {  	v37 =	vld [tilespmem:s8+$0x14440];
	v47 =	vperm.xlane v18, v10;
	[tilespmem:s8+$0x143B0] =	vst v29;
	v32 =	vmul.f32 v60, v56  }
0x17e: {  	v61 =	vld [tilespmem:s8+$0x14530];
	[tilespmem:s8+$0x143E0] =	vst v19;
	v19 =	vmul.f32 v30, v34  }
0x17f: {  	v40 =	vld [tilespmem:s8+$0x14460];
	v58 =	vmul.f32 v51, v47;
	[tilespmem:s8+$0x143D0] =	vst v32  }
0x180: {  	v31 =	vld [tilespmem:s8+$0x14410];
	[tilespmem:s8+$0x14400] =	vst v19;
	v19 =	vmul.f32 v33, v34  }
0x181: {  	v60 =	vperm.xlane v18, v11;
	v36 =	vmul.f32 v63, v56;
	[tilespmem:s8+$0x144D0] =	vst v58;
	v43 =	vld [tilespmem:s8+$0x14480]  }
0x182: {  	v57 =	vld [tilespmem:s8+$0x14510];
	[tilespmem:s8+$0x14420] =	vst v19;
	v19 =	vmul.f32 v37, v34  }
0x183: {  	v32 =	vmul.f32 v61, v60;
	[tilespmem:s8+$0x143F0] =	vst v36;
	v46 =	vld [tilespmem:s8+$0x144A0]  }
0x184: {  	v35 =	vld [tilespmem:s8+$0x14430];
	[tilespmem:s8+$0x14440] =	vst v19;
	v19 =	vmul.f32 v40, v34  }
0x185: {  	v50 =	vld [tilespmem:s8+$0x144C0];
	v39 =	vmul.f32 v31, v34;
	[tilespmem:s8+$0x14530] =	vst v32  }
0x186: {  	v28 =	vld [tilespmem:s8+$0x14550];
	[tilespmem:s8+$0x14460] =	vst v19;
	v19 =	vmul.f32 v43, v47  }
0x187: {  	v53 =	vld [tilespmem:s8+$0x144E0];
	v29 =	vmul.f32 v57, v60;
	[tilespmem:s8+$0x14410] =	vst v39  }
0x188: {  	v31 =	vld [tilespmem:s8+$0x14570];
	[tilespmem:s8+$0x14480] =	vst v19;
	v19 =	vmul.f32 v46, v47  }
0x189: {  	v42 =	vmul.f32 v35, v34;
	[tilespmem:s8+$0x14510] =	vst v29;
	v56 =	vld [tilespmem:s8+$0x14500]  }
0x18a: {  	v41 =	vld [tilespmem:s8+$0x14470];
	[tilespmem:s8+$0x144A0] =	vst v19;
	v19 =	vmul.f32 v50, v47  }
0x18b: {  	v35 =	vmul.f32 v28, v60;
	[tilespmem:s8+$0x14430] =	vst v42;
	v59 =	vld [tilespmem:s8+$0x14520]  }
0x18c: {  	v44 =	vld [tilespmem:s8+$0x14490];
	[tilespmem:s8+$0x144C0] =	vst v19;
	v19 =	vmul.f32 v53, v47  }
0x18d: {  	v63 =	vld [tilespmem:s8+$0x14540];
	[tilespmem:s8+$0x14550] =	vst v35;
	v39 =	vmul.f32 v31, v60  }
0x18e: {  	v48 =	vld [tilespmem:s8+$0x144B0];
	[tilespmem:s8+$0x144E0] =	vst v19;
	v19 =	vmul.f32 v56, v60  }
0x18f: {  	v49 =	vmul.f32 v41, v34;
	[tilespmem:s8+$0x14570] =	vst v39;
	v30 =	vld [tilespmem:s8+$0x14560]  }
0x190: {  	v54 =	vld [tilespmem:s8+$0x144F0];
	[tilespmem:s8+$0x14500] =	vst v19;
	v19 =	vmul.f32 v59, v60  }
0x191: {  	[tilespmem:s8+$0x14470] =	vst v49;
	v52 =	vmul.f32 v44, v47;
	v33 =	vld [tilespmem:s8+$0x14580]  }
0x192: {  	v38 =	vld [tilespmem:s8+$0x145B0];
	[tilespmem:s8+$0x14520] =	vst v19;
	v19 =	vmul.f32 v63, v60  }
0x193: {  	v36 =	vld [tilespmem:s8+$0x145A0];
	[tilespmem:s8+$0x14490] =	vst v52;
	v55 =	vmul.f32 v48, v47  }
0x194: {  	v41 =	vld [tilespmem:s8+$0x145D0];
	v37 =	vperm.xlane v18, v12;
	[tilespmem:s8+$0x14540] =	vst v19;
	v19 =	vmul.f32 v30, v60  }
0x195: {  	[tilespmem:s8+$0x144B0] =	vst v55;
	v62 =	vmul.f32 v54, v47;
	v40 =	vld [tilespmem:s8+$0x145C0]  }
0x196: {  	v44 =	vld [tilespmem:s8+$0x145F0];
	[tilespmem:s8+$0x14560] =	vst v19;
	v19 =	vmul.f32 v33, v37  }
0x197: {  	[tilespmem:s8+$0x144F0] =	vst v62;
	v45 =	vmul.f32 v38, v37;
	v43 =	vld [tilespmem:s8+$0x145E0]  }
0x198: {  	v34 =	vld [tilespmem:s8+$0x14590];
	[tilespmem:s8+$0x14580] =	vst v19;
	v19 =	vmul.f32 v36, v37  }
0x199: {  	v48 =	vmul.f32 v41, v37;
	[tilespmem:s8+$0x145B0] =	vst v45;
	v46 =	vld [tilespmem:s8+$0x14600]  }
0x19a: {  	v51 =	vld [tilespmem:s8+$0x14630];
	[tilespmem:s8+$0x145A0] =	vst v19;
	v19 =	vmul.f32 v40, v37  }
0x19b: {  	v49 =	vld [tilespmem:s8+$0x14620];
	v52 =	vmul.f32 v44, v37;
	[tilespmem:s8+$0x145D0] =	vst v48  }
0x19c: {  	v54 =	vld [tilespmem:s8+$0x14650];
	v50 =	vperm.xlane v18, v13;
	[tilespmem:s8+$0x145C0] =	vst v19;
	v19 =	vmul.f32 v43, v37  }
0x19d: {  	[tilespmem:s8+$0x145F0] =	vst v52;
	v42 =	vmul.f32 v34, v37;
	v53 =	vld [tilespmem:s8+$0x14640]  }
0x19e: {  	v57 =	vld [tilespmem:s8+$0x14670];
	[tilespmem:s8+$0x145E0] =	vst v19;
	v19 =	vmul.f32 v46, v50  }
0x19f: {  	[tilespmem:s8+$0x14590] =	vst v42;
	v58 =	vmul.f32 v51, v50;
	v56 =	vld [tilespmem:s8+$0x14660]  }
0x1a0: {  	v47 =	vld [tilespmem:s8+$0x14610];
	[tilespmem:s8+$0x14600] =	vst v19;
	v19 =	vmul.f32 v49, v50  }
0x1a1: {  	v61 =	vmul.f32 v54, v50;
	[tilespmem:s8+$0x14630] =	vst v58;
	v59 =	vld [tilespmem:s8+$0x14680]  }
0x1a2: {  	v39 =	vld [tilespmem:s8+$0x14710];
	[tilespmem:s8+$0x14620] =	vst v19;
	v19 =	vmul.f32 v53, v50  }
0x1a3: {  	v62 =	vld [tilespmem:s8+$0x146A0];
	v31 =	vmul.f32 v57, v50;
	[tilespmem:s8+$0x14650] =	vst v61  }
0x1a4: {  	v63 =	vperm.xlane v18, v14;
	v60 =	vld [tilespmem:s8+$0x14690];
	[tilespmem:s8+$0x14640] =	vst v19;
	v19 =	vmul.f32 v56, v50  }
0x1a5: {  	v32 =	vld [tilespmem:s8+$0x146C0];
	v42 =	vperm.xlane v18, v15;
	[tilespmem:s8+$0x14670] =	vst v31;
	v55 =	vmul.f32 v47, v50  }
0x1a6: {  	v33 =	vld [tilespmem:s8+$0x146D0];
	[tilespmem:s8+$0x14660] =	vst v19;
	v19 =	vmul.f32 v59, v63  }
0x1a7: {  	v35 =	vld [tilespmem:s8+$0x146E0];
	v47 =	vmul.f32 v39, v42;
	[tilespmem:s8+$0x14610] =	vst v55  }
0x1a8: {  	v30 =	vld [tilespmem:s8+$0x146B0];
	[tilespmem:s8+$0x14680] =	vst v19;
	v19 =	vmul.f32 v62, v63  }
0x1a9: {  	v38 =	vld [tilespmem:s8+$0x14700];
	[tilespmem:s8+$0x14710] =	vst v47;
	v34 =	vmul.f32 v60, v63  }
0x1aa: {  	v36 =	vld [tilespmem:s8+$0x146F0];
	[tilespmem:s8+$0x146A0] =	vst v19;
	v19 =	vmul.f32 v32, v63  }
0x1ab: {  	v41 =	vld [tilespmem:s8+$0x14720];
	[tilespmem:s8+$0x14690] =	vst v34;
	v40 =	vmul.f32 v33, v63  }
0x1ac: {  	v46 =	vld [tilespmem:s8+$0x14750];
	[tilespmem:s8+$0x146C0] =	vst v19;
	v19 =	vmul.f32 v35, v63  }
0x1ad: {  	v45 =	vld [tilespmem:s8+$0x14740];
	v37 =	vmul.f32 v30, v63;
	[tilespmem:s8+$0x146D0] =	vst v40  }
0x1ae: {  	v43 =	vld [tilespmem:s8+$0x14730];
	[tilespmem:s8+$0x146E0] =	vst v19;
	v19 =	vmul.f32 v38, v42  }
0x1af: {  	v48 =	vld [tilespmem:s8+$0x14760];
	v44 =	vmul.f32 v36, v63;
	[tilespmem:s8+$0x146B0] =	vst v37  }
0x1b0: {  	v49 =	vld [tilespmem:s8+$0x14770];
	[tilespmem:s8+$0x14700] =	vst v19;
	v19 =	vmul.f32 v41, v42  }
0x1b1: {  	v51 =	vld [tilespmem:s8+$0x14780];
	[tilespmem:s8+$0x146F0] =	vst v44;
	v53 =	vmul.f32 v46, v42  }
0x1b2: {  	v52 =	vld [tilespmem:s8+$0x14790];
	[tilespmem:s8+$0x14720] =	vst v19;
	v19 =	vmul.f32 v45, v42  }
0x1b3: {  	v54 =	vld [tilespmem:s8+$0x147A0];
	v50 =	vmul.f32 v43, v42;
	[tilespmem:s8+$0x14750] =	vst v53  }
0x1b4: {  	v18 =	vperm.xlane v18, v16;
	v55 =	vld [tilespmem:s8+$0x147B0];
	[tilespmem:s8+$0x14740] =	vst v19;
	v19 =	vmul.f32 v48, v42  }
0x1b5: {  	v57 =	vld [tilespmem:s8+$0x147C0];
	v56 =	vmul.f32 v49, v42;
	[tilespmem:s8+$0x14730] =	vst v50  }
0x1b6: {  	v58 =	vld [tilespmem:s8+$0x147D0];
	[tilespmem:s8+$0x14760] =	vst v19;
	v19 =	vmul.f32 v51, v18  }
0x1b7: {  	v60 =	vld [tilespmem:s8+$0x147E0];
	v59 =	vmul.f32 v52, v18;
	[tilespmem:s8+$0x14770] =	vst v56  }
0x1b8: {  	v61 =	vld [tilespmem:s8+$0x147F0];
	[tilespmem:s8+$0x14780] =	vst v19;
	v19 =	vmul.f32 v54, v18  }
0x1b9: {  	[tilespmem:s8+$0x14790] =	vst v59;
	v62 =	vmul.f32 v55, v18  }
0x1ba: {  	p1 =	sne.s32 s2, $0x5;
	[tilespmem:s8+$0x147A0] =	vst v19;
	v19 =	vmul.f32 v57, v18  }
.Ltmp7:
0x1bb: {  	[tilespmem:s8+$0x147B0] =	vst v62;
	v63 =	vmul.f32 v58, v18;
	(pc) =	sbr.rel @p1 .LBB2_5-.Ltmp7, $4  }
0x1bc: {  	[tilespmem:s8+$0x147C0] =	vst v19;
	v19 =	vmul.f32 v60, v18  }
0x1bd: {  	[tilespmem:s8+$0x147D0] =	vst v63;
	v18 =	vmul.f32 v61, v18  }
0x1be: {  	[tilespmem:s8+$0x147E0] =	vst v19  }
0x1bf: {  	s2 =	sadd.s32 $0x1, s2;
	[tilespmem:s8+$0x147F0] =	vst v18  }
0x1c0: {  	s7 =	sadd.s32 $0x1, s7  }
0x1c1: {  	p1 =	seq.s32 s7, $0x6A  }
.Ltmp8:
0x1c2: {  	_ = 	snop;
	(pc) =	sbr.rel @!p1 .LBB2_4-.Ltmp8, $4  }
0x1c3: {  	[spmem:s3] =	stream.indirect.scatter.add.f32 [tilespmem:s0], [sflag:$0x1], $0x80, s6, s28, $0xb8;
	[tilespmem:$0x1EA80] =	vst v63  }
0x1c4: {  	_ =	swait.ge [sflag:s29], $0x3000  }
0x1c5: {  	[sflag:s29] =	ssyncset.done $0x0  }
0x1c6: {  	[sflag:s29] =	ssyncadd.s32 $0xFFFFD000  }
.Ltmp9:
0x1c7: {  	(pc) =	sbr.rel .LBB2_12-.Ltmp9, $2  }
0x1c8: {  	_ =	sdelay $0x2  }
0x1c9: {  	s2 =	rddreg [dreg:$0x4]  }
.LBB2_13:
0x1ca: {  	_ =	sfence.sel $0x180000  }
0x1cb: {  	[bflag:$0x0] =	sbarrier.arrive $0xFFFF  }
0x1cc: {  	_ =	strace $0x9000004A  }
0x1cd: {  	s0 =	stileid.u32;
	[bflag:$0x2] =	sbarrier.arrive $0xFFFF  }
0x1ce: {  	p0 =	sne.s32 s0, $0x0;
	s0 =	rddreg [dreg:$0x3]  }
0x1cf: {  	s0 =	sadd.s32 @!p0 $0x100000, s0  }
0x1d0: {  	[sflag:s0] =	ssyncadd.tile.s32 @!p0 $0x1;
	_ =	shalt  }
.Lfunc_end2:
_tile_overlayer_lowered:
.L_overlay_start_2:
0x1d1: {  	(tag) =	ssettag $0x2  }
0x1d2: {  	s0 =	rddreg [dreg:$0x0];
	s2 =	stileid.u32  }
0x1d3: {  	s1 =	rddreg [dreg:$0x1];
	p0 =	sne.s32 s2, $0x0  }
0x1d4: {  	s3 =	rddreg [dreg:$0x2];
	[bflag:$0x3] =	sbarrier.arrive $0xFFFF;
	s2 =	simm.s32 @!p0 $0x1C01  }
0x1d5: {  	[timem:s3], [sflag:s2] =	dma.local @!p0 [hbm:s0], s1  }
0x1d6: {  	s0 =	simm.s32 @!p0 $0x1  }
0x1d7: {  	_ =	swait.ge @!p0 [sflag:s0], s1  }
0x1d8: {  	s1 =	ssub.s32 @!p0 $0x0, s1;
	[sflag:s0] =	ssyncset.done @!p0 $0x0  }
0x1d9: {  	[sflag:s0] =	ssyncadd.s32 @!p0 s1  }
0x1da: {  	[bflag:$0x3] =	sbarrier.arrive $0xFFFF  }
0x1db: {  	_ =	shalt  }

</sc_bundles>
